<compile_context>
chip_gen: v7x
topology: tpu7x:2x2x1
jax: 0.10.2.dev20260603
libtpu: 0.0.44.dev20260713+nightly
codegen_flags: <defaults>
</compile_context>

<pallas_src>
import functools
import jax
import jax.numpy as jnp
from jax import lax
from jax.experimental import pallas as pl
from jax.experimental.pallas import tpu as pltpu
from jax.experimental.pallas import tpu_sc as plsc

_H = 128
_K = 16
_L = 4


def _gn(x, gamma, beta, eps=1e-5):
    mu = jnp.mean(x, axis=-1, keepdims=True)
    xc = x - mu
    var = jnp.mean(xc * xc, axis=-1, keepdims=True)
    return xc * (lax.rsqrt(var + eps) * gamma) + beta


def _body_a(x_ref, fr_ref, frt_ref, Win_ref, bin_ref, Win2_ref, gin_ref,
            bin2_ref, h_ref, d2_ref):
    f32 = jnp.float32
    x = x_ref[0]
    h = jnp.dot(x, Win_ref[...], preferred_element_type=f32) + bin_ref[...]
    h = jnp.maximum(h, 0.0)
    h = jnp.dot(h, Win2_ref[...], preferred_element_type=f32)
    h = _gn(h, gin_ref[...], bin2_ref[...])
    h_ref[0] = jnp.maximum(h, 0.0)

    fr = fr_ref[0]
    frt = frt_ref[0]
    d2 = None
    for c in range(3):
        d = fr[:, c:c + 1] - frt[c:c + 1, :]
        d2 = d * d if d2 is None else d2 + d * d
    d2_ref[...] = d2


def _sc_topk_thresh(d2_2d, row0, n_rows, n_cand):
    NC, NS = 2, 16
    NW = NC * NS
    rows_per_w = n_rows // NW
    BLK = 16
    n_blk = rows_per_w // BLK
    ILV = 8
    mesh = plsc.VectorSubcoreMesh(core_axis_name="c", subcore_axis_name="s",
                                  num_cores=NC, num_subcores=NS)

    @functools.partial(
        pl.kernel, mesh=mesh,
        compiler_params=pltpu.CompilerParams(needs_layout_passes=False),
        out_type=jax.ShapeDtypeStruct((n_rows,), jnp.float32),
        scratch_types=[
            pltpu.VMEM((BLK, n_cand), jnp.float32),
            pltpu.VMEM((BLK, n_cand), jnp.float32),
            pltpu.VMEM((rows_per_w,), jnp.float32),
            pltpu.SemaphoreType.DMA,
            pltpu.SemaphoreType.DMA,
        ],
    )
    def k(d2_hbm, out_hbm, rows_a, rows_b, thr_v, sem_a, sem_b):
        wid = lax.axis_index("s") * NC + lax.axis_index("c")
        base_out = wid * rows_per_w
        base_row = row0 + base_out
        big = jnp.float32(3.4e38)
        lane = lax.iota(jnp.int32, 16)
        bufs = (rows_a, rows_b)
        sems = (sem_a, sem_b)

        def start(blk, side):
            pltpu.make_async_copy(
                d2_hbm.at[pl.ds(base_row + blk * BLK, BLK)],
                bufs[side], sems[side]).start()

        def wait(blk, side):
            pltpu.make_async_copy(
                d2_hbm.at[pl.ds(base_row + blk * BLK, BLK)],
                bufs[side], sems[side]).wait()

        def process(blk, side):
            rows_v = bufs[side]
            thr_vec = jnp.zeros((16,), jnp.float32)
            for rg in range(0, BLK, ILV):
                def chunk(j, bests):
                    new = []
                    for q in range(ILV):
                        ck = rows_v[rg + q, pl.ds(j * 16, 16)]
                        ck = lax.sort(ck)
                        lo = jnp.minimum(bests[q], lax.rev(ck, (0,)))
                        new.append(lax.sort(lo))
                    return tuple(new)

                init = tuple(jnp.full((16,), big, jnp.float32)
                             for _ in range(ILV))
                bests = lax.fori_loop(0, n_cand // 16, chunk, init)
                for q in range(ILV):
                    thr_vec = jnp.where(lane == rg + q, jnp.max(bests[q]),
                                        thr_vec)
            thr_v[pl.ds(blk * BLK, 16)] = thr_vec

        start(0, 0)
        start(1, 1)

        def pair_body(p, carry):
            blk0 = p * 2
            wait(blk0, 0)
            process(blk0, 0)

            @pl.when(blk0 + 2 < n_blk)
            def _():
                start(blk0 + 2, 0)

            wait(blk0 + 1, 1)
            process(blk0 + 1, 1)

            @pl.when(blk0 + 3 < n_blk)
            def _():
                start(blk0 + 3, 1)
            return carry

        lax.fori_loop(0, n_blk // 2, pair_body, jnp.int32(0))
        pltpu.sync_copy(thr_v, out_hbm.at[pl.ds(base_out, rows_per_w)])

    return k(d2_2d)


def _body_b(h_ref, d2_ref, thr_ref, Wf_ref, We_ref, ng_ref, nb_ref,
            cW_ref, cg_ref, cb_ref, out_ref):
    f32 = jnp.float32
    h = h_ref[0]
    res = h
    d2 = d2_ref[...]
    thr = thr_ref[0]
    adj = (d2 <= thr).astype(f32)
    for i in range(_L):
        x_node = jnp.dot(h, Wf_ref[i], preferred_element_type=f32)
        x_edge = jnp.dot(h, We_ref[i], preferred_element_type=f32)
        tmp = jnp.dot(adj, x_edge, preferred_element_type=f32)
        h = _gn(x_node + tmp, ng_ref[i:i + 1], nb_ref[i:i + 1])
        h = jnp.maximum(h, 0.0)
        h = _gn(jnp.dot(h, cW_ref[i], preferred_element_type=f32),
                cg_ref[i:i + 1], cb_ref[i:i + 1])
        h = jnp.maximum(h + res, 0.0)
        res = h
    out_ref[0] = h


def kernel(x, frames, W_in, b_in, W_in2, g_in, b_in2, W_fuse, W_edge,
           norm_g, norm_b, ctr2_W, ctr2_g, ctr2_b):
    B, S, _ = x.shape
    frames_t = jnp.transpose(frames, (0, 2, 1))

    def full(a):
        return pl.BlockSpec(a.shape, lambda b: (0,) * a.ndim)

    b_in2d = b_in.reshape(1, _H)
    g_in2d = g_in.reshape(1, _H)
    b_in22d = b_in2.reshape(1, _H)

    G = 2
    gB = B // G

    h0, d2 = pl.pallas_call(
        _body_a,
        grid=(B,),
        in_specs=[
            pl.BlockSpec((1, S, 20), lambda b: (b, 0, 0)),
            pl.BlockSpec((1, S, 3), lambda b: (b, 0, 0)),
            pl.BlockSpec((1, 3, S), lambda b: (b, 0, 0)),
            full(W_in), full(b_in2d), full(W_in2), full(g_in2d),
            full(b_in22d),
        ],
        out_specs=[
            pl.BlockSpec((1, S, _H), lambda b: (b, 0, 0)),
            pl.BlockSpec((S, S), lambda b: (b, 0)),
        ],
        out_shape=[
            jax.ShapeDtypeStruct((B, S, _H), jnp.float32),
            jax.ShapeDtypeStruct((B * S, S), jnp.float32),
        ],
        compiler_params=pltpu.CompilerParams(
            dimension_semantics=("parallel",)),
    )(x, frames, frames_t, W_in, b_in2d, W_in2, g_in2d, b_in22d)

    def call_b(g, thr3g):
        return pl.pallas_call(
            _body_b,
            grid=(gB,),
            in_specs=[
                pl.BlockSpec((1, S, _H), lambda b: (g * gB + b, 0, 0)),
                pl.BlockSpec((S, S), lambda b: (g * gB + b, 0)),
                pl.BlockSpec((1, S, 1), lambda b: (b, 0, 0)),
                full(W_fuse), full(W_edge), full(norm_g), full(norm_b),
                full(ctr2_W), full(ctr2_g), full(ctr2_b),
            ],
            out_specs=pl.BlockSpec((1, S, _H), lambda b: (b, 0, 0)),
            out_shape=jax.ShapeDtypeStruct((gB, S, _H), jnp.float32),
            compiler_params=pltpu.CompilerParams(
                dimension_semantics=("parallel",)),
        )(h0, d2, thr3g, W_fuse, W_edge, norm_g, norm_b, ctr2_W,
          ctr2_g, ctr2_b)

    thrs = [_sc_topk_thresh(d2, g * gB * S, gB * S, S) for g in range(G)]
    outs = [call_b(g, thrs[g].reshape(gB, S, 1)) for g in range(G)]
    return jnp.concatenate(outs, axis=0)

# --- scband reference (transcript-rebuilt; emitter-appended) ---
"""Pipeline reference for scband-map-net-58471684768022 (READ-ONLY COPY).

The authoritative reference and input builder live on the scoring server;
editing this copy changes nothing except your own understanding.
"""

import jax, jax.numpy as jnp
import numpy as np

H = 128
B = 16
S = 1024
K = 16
L = 4


def _gn(x, gamma, beta, eps=1e-5):
    # GroupNorm with num_groups=1 over channel dim of [N, C]
    mu = jnp.mean(x, axis=-1, keepdims=True)
    var = jnp.var(x, axis=-1, keepdims=True)
    return (x - mu) / jnp.sqrt(var + eps) * gamma + beta


def setup_inputs(seed: int = 0) -> dict:
    key = jax.random.key(seed)
    ks = jax.random.split(key, 8)
    s = 0.02
    return {
        "x": jax.random.normal(ks[0], (B, S, 20), dtype=jnp.float32),
        "frames": jax.random.normal(ks[1], (B, S, 3), dtype=jnp.float32) * 10.0,
        "W_in": jax.random.normal(ks[2], (20, H), dtype=jnp.float32) * s,
        "b_in": jnp.zeros((H,), dtype=jnp.float32),
        "W_in2": jax.random.normal(ks[3], (H, H), dtype=jnp.float32) * s,
        "g_in": jnp.ones((H,), dtype=jnp.float32),
        "b_in2": jnp.zeros((H,), dtype=jnp.float32),
        "W_fuse": jax.random.normal(ks[4], (L, H, H), dtype=jnp.float32) * s,
        "W_edge": jax.random.normal(ks[5], (L, H, H), dtype=jnp.float32) * s,
        "norm_g": jnp.ones((L, H), dtype=jnp.float32),
        "norm_b": jnp.zeros((L, H), dtype=jnp.float32),
        "ctr2_W": jax.random.normal(ks[6], (L, H, H), dtype=jnp.float32) * s,
        "ctr2_g": jnp.ones((L, H), dtype=jnp.float32),
        "ctr2_b": jnp.zeros((L, H), dtype=jnp.float32),
    }


def reference(x, frames, W_in, b_in, W_in2, g_in, b_in2, W_fuse, W_edge,
              norm_g, norm_b, ctr2_W, ctr2_g, ctr2_b):
    bs, seq, _ = x.shape
    # self.input: Linear(20,H) + ReLU + Linear(H,H,bias=False) + GroupNorm(1,H)
    h = x.reshape(bs * seq, -1)
    h = jax.nn.relu(h @ W_in + b_in)
    h = _gn(h @ W_in2, g_in, b_in2)
    h = jax.nn.relu(h)
    res = h
    # LocalNeighborhood: Kmax=16 nearest neighbors by euclidian distance between
    # frame centers, self_neighborhood=True (self distance 0 -> always included).
    # The neighborhood depends only on `frames`, so it is identical across the
    # 4 layers; compute the kNN indices once.
    d2 = jnp.sum((frames[:, :, None, :] - frames[:, None, :, :]) ** 2, axis=-1)
    _, idx = jax.lax.top_k(-d2, K)  # [B, S, K]
    neighbor_coordinates = jnp.sqrt(jnp.take_along_axis(d2, idx, axis=2) + 1e-12)[..., None]
    gather = jax.vmap(lambda a, i: a[i])  # per-batch gather: [S,H],[S,K]->[S,K,H]
    for i in range(L):
        x_node = h @ W_fuse[i]
        x_edge = (h @ W_edge[i]).reshape(bs, seq, -1)
        neigh = gather(x_edge, idx)                 # [B, S, K, H]
        tmp = jnp.sum(neigh, axis=-2)               # sum over neighbor dim
        tmp = tmp.reshape(bs * seq, -1)
        h = _gn(x_node + tmp, norm_g[i], norm_b[i])
        h = jax.nn.relu(h)
        h = _gn(h @ ctr2_W[i], ctr2_g[i], ctr2_b[i])
        h = h + res
        h = jax.nn.relu(h)
        res = h
    return h.reshape(bs, seq, -1)

if __name__ == "__main__":
    import jax
    _d = setup_inputs()
    print(jax.jit(kernel)(*tuple(_d.values())))

</pallas_src>

<mosaic_0001>
#map = affine_map<(d0, d1) -> (0, 0)>
#map1 = affine_map<(d0, d1) -> (0)>
module attributes {stable_mosaic.version = 14 : i64} {
  func.func @k(%arg0: i32, %arg1: i32, %arg2: memref<16384x1024xf32, #tpu.memory_space<hbm>>, %arg3: memref<8192xf32, #tpu.memory_space<hbm>>, %arg4: memref<16x1024xf32, #tpu.memory_space<vmem>>, %arg5: memref<16x1024xf32, #tpu.memory_space<vmem>>, %arg6: memref<256xf32, #tpu.memory_space<vmem>>, %arg7: memref<!tpu.dma_semaphore, #tpu.memory_space<semaphore_mem>>, %arg8: memref<!tpu.dma_semaphore, #tpu.memory_space<semaphore_mem>>) attributes {dimension_semantics = [#tpu.dimension_semantics<core_parallel>, #tpu.dimension_semantics<subcore_parallel>], iteration_bounds = array<i64: 2, 16>, scalar_prefetch = 0 : i64, scratch_operands = 5 : i64, tpu.core_type = #tpu.core_type<sc_vector_subcore>, window_params = [{transform_indices = #map}, {transform_indices = #map1}]} {
    %mul3A = arith.constant 2 : i32
    %mul3A_0 = arith.muli %arg1, %mul3A : i32
    %add3A = arith.addi %mul3A_0, %arg0 : i32
    %mul3A_1 = arith.constant 256 : i32
    %mul3A_2 = arith.muli %add3A, %mul3A_1 : i32
    %add3A_3 = arith.constant 0 : i32
    %add3A_4 = arith.addi %add3A_3, %mul3A_2 : i32
    %iota3A = tpu.iota {dimensions = array<i32: 0>} : vector<16xi32>
    %add3A_5 = arith.constant 0 : i32
    %add3A_6 = arith.addi %add3A_4, %add3A_5 : i32
    %dma_start3A = arith.constant 0 : i32
    %dma_start3A_7 = tpu.memref_slice %arg2[%add3A_6, %dma_start3A] : memref<16384x1024xf32, #tpu.memory_space<hbm>> -> memref<16x1024xf32, #tpu.memory_space<hbm>>
    %dma_start3A_8 = arith.constant 0 : i32
    %dma_start3A_9 = tpu.memref_slice %arg2[%add3A_6, %dma_start3A_8] : memref<16384x1024xf32, #tpu.memory_space<hbm>> -> memref<16x1024xf32, #tpu.memory_space<hbm>>
    tpu.enqueue_dma source(%dma_start3A_9 : memref<16x1024xf32, #tpu.memory_space<hbm>>) target(%arg4 : memref<16x1024xf32, #tpu.memory_space<vmem>>) target_semaphore(%arg7 : memref<!tpu.dma_semaphore, #tpu.memory_space<semaphore_mem>>)
    %add3A_10 = arith.constant 16 : i32
    %add3A_11 = arith.addi %add3A_4, %add3A_10 : i32
    %dma_start3A_12 = arith.constant 0 : i32
    %dma_start3A_13 = tpu.memref_slice %arg2[%add3A_11, %dma_start3A_12] : memref<16384x1024xf32, #tpu.memory_space<hbm>> -> memref<16x1024xf32, #tpu.memory_space<hbm>>
    %dma_start3A_14 = arith.constant 0 : i32
    %dma_start3A_15 = tpu.memref_slice %arg2[%add3A_11, %dma_start3A_14] : memref<16384x1024xf32, #tpu.memory_space<hbm>> -> memref<16x1024xf32, #tpu.memory_space<hbm>>
    tpu.enqueue_dma source(%dma_start3A_15 : memref<16x1024xf32, #tpu.memory_space<hbm>>) target(%arg5 : memref<16x1024xf32, #tpu.memory_space<vmem>>) target_semaphore(%arg8 : memref<!tpu.dma_semaphore, #tpu.memory_space<semaphore_mem>>)
    %scan3A = arith.constant 0 : i32
    %scan3A_16 = arith.constant 3.400000e+38 : f32
    %scan3A_17 = arith.constant 0 : i32
    %scan3A_18 = arith.constant 8 : i32
    %scan3A_19 = arith.addi %scan3A_17, %scan3A_18 : i32
    %scan3A_20 = arith.constant 1 : i32
    scf.for %scan3A_22 = %scan3A_17 to %scan3A_19 step %scan3A_20  : i32 {
      %mul3A_23 = arith.constant 2 : i32
      %mul3A_24 = arith.muli %scan3A_22, %mul3A_23 : i32
      %mul3A_25 = arith.constant 16 : i32
      %mul3A_26 = arith.muli %mul3A_24, %mul3A_25 : i32
      %add3A_27 = arith.addi %add3A_4, %mul3A_26 : i32
      %dma_wait3A = arith.constant 0 : i32
      %dma_wait3A_28 = tpu.memref_slice %arg2[%add3A_27, %dma_wait3A] : memref<16384x1024xf32, #tpu.memory_space<hbm>> -> memref<16x1024xf32, #tpu.memory_space<hbm>>
      %dma_wait3A_29 = arith.constant 0 : i32
      %dma_wait3A_30 = tpu.memref_slice %arg2[%add3A_27, %dma_wait3A_29] : memref<16384x1024xf32, #tpu.memory_space<hbm>> -> memref<16x1024xf32, #tpu.memory_space<hbm>>
      tpu.wait_dma2 semaphore(%arg7 : memref<!tpu.dma_semaphore, #tpu.memory_space<semaphore_mem>>) src(%dma_wait3A_30 : memref<16x1024xf32, #tpu.memory_space<hbm>>) dst(%arg4 : memref<16x1024xf32, #tpu.memory_space<vmem>>)
      %broadcast_in_dim3A = arith.constant 0.000000e+00 : f32
      %broadcast_in_dim3A_31 = vector.broadcast %broadcast_in_dim3A : f32 to vector<16xf32>
      %broadcast_in_dim3A_32 = vector.broadcast %scan3A_16 : f32 to vector<16xf32>
      %broadcast_in_dim3A_33 = vector.broadcast %scan3A_16 : f32 to vector<16xf32>
      %broadcast_in_dim3A_34 = vector.broadcast %scan3A_16 : f32 to vector<16xf32>
      %broadcast_in_dim3A_35 = vector.broadcast %scan3A_16 : f32 to vector<16xf32>
      %broadcast_in_dim3A_36 = vector.broadcast %scan3A_16 : f32 to vector<16xf32>
      %broadcast_in_dim3A_37 = vector.broadcast %scan3A_16 : f32 to vector<16xf32>
      %broadcast_in_dim3A_38 = vector.broadcast %scan3A_16 : f32 to vector<16xf32>
      %broadcast_in_dim3A_39 = vector.broadcast %scan3A_16 : f32 to vector<16xf32>
      %scan3A_40 = arith.constant 0 : i32
      %scan3A_41 = arith.constant 64 : i32
      %scan3A_42 = arith.addi %scan3A_40, %scan3A_41 : i32
      %scan3A_43 = arith.constant 1 : i32
      %scan3A_44:8 = scf.for %scan3A_404 = %scan3A_40 to %scan3A_42 step %scan3A_43 iter_args(%scan3A_405 = %broadcast_in_dim3A_32, %scan3A_406 = %broadcast_in_dim3A_33, %scan3A_407 = %broadcast_in_dim3A_34, %scan3A_408 = %broadcast_in_dim3A_35, %scan3A_409 = %broadcast_in_dim3A_36, %scan3A_410 = %broadcast_in_dim3A_37, %scan3A_411 = %broadcast_in_dim3A_38, %scan3A_412 = %broadcast_in_dim3A_39) -> (vector<16xf32>, vector<16xf32>, vector<16xf32>, vector<16xf32>, vector<16xf32>, vector<16xf32>, vector<16xf32>, vector<16xf32>)  : i32 {
        %mul3A_413 = arith.constant 16 : i32
        %mul3A_414 = arith.muli %scan3A_404, %mul3A_413 : i32
        %get3A = arith.constant 0 : i32
        %get3A_415 = arith.index_cast %get3A : i32 to index
        %get3A_416 = arith.index_cast %mul3A_414 : i32 to index
        %get3A_417 = tpu.vector_load %arg4[%get3A_415, %get3A_416] {strides = array<i32>} : memref<16x1024xf32, #tpu.memory_space<vmem>>, vector<16xf32>,
        %sort3A = arith.constant dense<true> : vector<16xi1>
        %sort3A_418, %sort3A_419, %sort3A_420 = tpu.sort %get3A_417, %get3A_417 masked %sort3A : (vector<16xf32>, vector<16xf32>, vector<16xi1>) -> (vector<16xi1>, vector<16xf32>, vector<16xf32>)
        %rev3A = arith.constant 15 : i32
        %rev3A_421 = vector.broadcast %rev3A : i32 to vector<16xi32>
        %rev3A_422 = tpu.iota {dimensions = array<i32: 0>} : vector<16xi32>
        %rev3A_423 = arith.subi %rev3A_421, %rev3A_422 : vector<16xi32>
        %rev3A_424 = tpu.dynamic_gather %sort3A_419[%rev3A_423] in [0] : vector<16xf32>, vector<16xi32> -> vector<16xf32>
        %min3A = arith.minimumf %scan3A_405, %rev3A_424 : vector<16xf32>
        %sort3A_425 = arith.constant dense<true> : vector<16xi1>
        %sort3A_426, %sort3A_427, %sort3A_428 = tpu.sort %min3A, %min3A masked %sort3A_425 : (vector<16xf32>, vector<16xf32>, vector<16xi1>) -> (vector<16xi1>, vector<16xf32>, vector<16xf32>)
        %mul3A_429 = arith.constant 16 : i32
        %mul3A_430 = arith.muli %scan3A_404, %mul3A_429 : i32
        %get3A_431 = arith.constant 1 : i32
        %get3A_432 = arith.index_cast %get3A_431 : i32 to index
        %get3A_433 = arith.index_cast %mul3A_430 : i32 to index
        %get3A_434 = tpu.vector_load %arg4[%get3A_432, %get3A_433] {strides = array<i32>} : memref<16x1024xf32, #tpu.memory_space<vmem>>, vector<16xf32>,
        %sort3A_435 = arith.constant dense<true> : vector<16xi1>
        %sort3A_436, %sort3A_437, %sort3A_438 = tpu.sort %get3A_434, %get3A_434 masked %sort3A_435 : (vector<16xf32>, vector<16xf32>, vector<16xi1>) -> (vector<16xi1>, vector<16xf32>, vector<16xf32>)
        %rev3A_439 = arith.constant 15 : i32
        %rev3A_440 = vector.broadcast %rev3A_439 : i32 to vector<16xi32>
        %rev3A_441 = tpu.iota {dimensions = array<i32: 0>} : vector<16xi32>
        %rev3A_442 = arith.subi %rev3A_440, %rev3A_441 : vector<16xi32>
        %rev3A_443 = tpu.dynamic_gather %sort3A_437[%rev3A_442] in [0] : vector<16xf32>, vector<16xi32> -> vector<16xf32>
        %min3A_444 = arith.minimumf %scan3A_406, %rev3A_443 : vector<16xf32>
        %sort3A_445 = arith.constant dense<true> : vector<16xi1>
        %sort3A_446, %sort3A_447, %sort3A_448 = tpu.sort %min3A_444, %min3A_444 masked %sort3A_445 : (vector<16xf32>, vector<16xf32>, vector<16xi1>) -> (vector<16xi1>, vector<16xf32>, vector<16xf32>)
        %mul3A_449 = arith.constant 16 : i32
        %mul3A_450 = arith.muli %scan3A_404, %mul3A_449 : i32
        %get3A_451 = arith.constant 2 : i32
        %get3A_452 = arith.index_cast %get3A_451 : i32 to index
        %get3A_453 = arith.index_cast %mul3A_450 : i32 to index
        %get3A_454 = tpu.vector_load %arg4[%get3A_452, %get3A_453] {strides = array<i32>} : memref<16x1024xf32, #tpu.memory_space<vmem>>, vector<16xf32>,
        %sort3A_455 = arith.constant dense<true> : vector<16xi1>
        %sort3A_456, %sort3A_457, %sort3A_458 = tpu.sort %get3A_454, %get3A_454 masked %sort3A_455 : (vector<16xf32>, vector<16xf32>, vector<16xi1>) -> (vector<16xi1>, vector<16xf32>, vector<16xf32>)
        %rev3A_459 = arith.constant 15 : i32
        %rev3A_460 = vector.broadcast %rev3A_459 : i32 to vector<16xi32>
        %rev3A_461 = tpu.iota {dimensions = array<i32: 0>} : vector<16xi32>
        %rev3A_462 = arith.subi %rev3A_460, %rev3A_461 : vector<16xi32>
        %rev3A_463 = tpu.dynamic_gather %sort3A_457[%rev3A_462] in [0] : vector<16xf32>, vector<16xi32> -> vector<16xf32>
        %min3A_464 = arith.minimumf %scan3A_407, %rev3A_463 : vector<16xf32>
        %sort3A_465 = arith.constant dense<true> : vector<16xi1>
        %sort3A_466, %sort3A_467, %sort3A_468 = tpu.sort %min3A_464, %min3A_464 masked %sort3A_465 : (vector<16xf32>, vector<16xf32>, vector<16xi1>) -> (vector<16xi1>, vector<16xf32>, vector<16xf32>)
        %mul3A_469 = arith.constant 16 : i32
        %mul3A_470 = arith.muli %scan3A_404, %mul3A_469 : i32
        %get3A_471 = arith.constant 3 : i32
        %get3A_472 = arith.index_cast %get3A_471 : i32 to index
        %get3A_473 = arith.index_cast %mul3A_470 : i32 to index
        %get3A_474 = tpu.vector_load %arg4[%get3A_472, %get3A_473] {strides = array<i32>} : memref<16x1024xf32, #tpu.memory_space<vmem>>, vector<16xf32>,
        %sort3A_475 = arith.constant dense<true> : vector<16xi1>
        %sort3A_476, %sort3A_477, %sort3A_478 = tpu.sort %get3A_474, %get3A_474 masked %sort3A_475 : (vector<16xf32>, vector<16xf32>, vector<16xi1>) -> (vector<16xi1>, vector<16xf32>, vector<16xf32>)
        %rev3A_479 = arith.constant 15 : i32
        %rev3A_480 = vector.broadcast %rev3A_479 : i32 to vector<16xi32>
        %rev3A_481 = tpu.iota {dimensions = array<i32: 0>} : vector<16xi32>
        %rev3A_482 = arith.subi %rev3A_480, %rev3A_481 : vector<16xi32>
        %rev3A_483 = tpu.dynamic_gather %sort3A_477[%rev3A_482] in [0] : vector<16xf32>, vector<16xi32> -> vector<16xf32>
        %min3A_484 = arith.minimumf %scan3A_408, %rev3A_483 : vector<16xf32>
        %sort3A_485 = arith.constant dense<true> : vector<16xi1>
        %sort3A_486, %sort3A_487, %sort3A_488 = tpu.sort %min3A_484, %min3A_484 masked %sort3A_485 : (vector<16xf32>, vector<16xf32>, vector<16xi1>) -> (vector<16xi1>, vector<16xf32>, vector<16xf32>)
        %mul3A_489 = arith.constant 16 : i32
        %mul3A_490 = arith.muli %scan3A_404, %mul3A_489 : i32
        %get3A_491 = arith.constant 4 : i32
        %get3A_492 = arith.index_cast %get3A_491 : i32 to index
        %get3A_493 = arith.index_cast %mul3A_490 : i32 to index
        %get3A_494 = tpu.vector_load %arg4[%get3A_492, %get3A_493] {strides = array<i32>} : memref<16x1024xf32, #tpu.memory_space<vmem>>, vector<16xf32>,
        %sort3A_495 = arith.constant dense<true> : vector<16xi1>
        %sort3A_496, %sort3A_497, %sort3A_498 = tpu.sort %get3A_494, %get3A_494 masked %sort3A_495 : (vector<16xf32>, vector<16xf32>, vector<16xi1>) -> (vector<16xi1>, vector<16xf32>, vector<16xf32>)
        %rev3A_499 = arith.constant 15 : i32
        %rev3A_500 = vector.broadcast %rev3A_499 : i32 to vector<16xi32>
        %rev3A_501 = tpu.iota {dimensions = array<i32: 0>} : vector<16xi32>
        %rev3A_502 = arith.subi %rev3A_500, %rev3A_501 : vector<16xi32>
        %rev3A_503 = tpu.dynamic_gather %sort3A_497[%rev3A_502] in [0] : vector<16xf32>, vector<16xi32> -> vector<16xf32>
        %min3A_504 = arith.minimumf %scan3A_409, %rev3A_503 : vector<16xf32>
        %sort3A_505 = arith.constant dense<true> : vector<16xi1>
        %sort3A_506, %sort3A_507, %sort3A_508 = tpu.sort %min3A_504, %min3A_504 masked %sort3A_505 : (vector<16xf32>, vector<16xf32>, vector<16xi1>) -> (vector<16xi1>, vector<16xf32>, vector<16xf32>)
        %mul3A_509 = arith.constant 16 : i32
        %mul3A_510 = arith.muli %scan3A_404, %mul3A_509 : i32
        %get3A_511 = arith.constant 5 : i32
        %get3A_512 = arith.index_cast %get3A_511 : i32 to index
        %get3A_513 = arith.index_cast %mul3A_510 : i32 to index
        %get3A_514 = tpu.vector_load %arg4[%get3A_512, %get3A_513] {strides = array<i32>} : memref<16x1024xf32, #tpu.memory_space<vmem>>, vector<16xf32>,
        %sort3A_515 = arith.constant dense<true> : vector<16xi1>
        %sort3A_516, %sort3A_517, %sort3A_518 = tpu.sort %get3A_514, %get3A_514 masked %sort3A_515 : (vector<16xf32>, vector<16xf32>, vector<16xi1>) -> (vector<16xi1>, vector<16xf32>, vector<16xf32>)
        %rev3A_519 = arith.constant 15 : i32
        %rev3A_520 = vector.broadcast %rev3A_519 : i32 to vector<16xi32>
        %rev3A_521 = tpu.iota {dimensions = array<i32: 0>} : vector<16xi32>
        %rev3A_522 = arith.subi %rev3A_520, %rev3A_521 : vector<16xi32>
        %rev3A_523 = tpu.dynamic_gather %sort3A_517[%rev3A_522] in [0] : vector<16xf32>, vector<16xi32> -> vector<16xf32>
        %min3A_524 = arith.minimumf %scan3A_410, %rev3A_523 : vector<16xf32>
        %sort3A_525 = arith.constant dense<true> : vector<16xi1>
        %sort3A_526, %sort3A_527, %sort3A_528 = tpu.sort %min3A_524, %min3A_524 masked %sort3A_525 : (vector<16xf32>, vector<16xf32>, vector<16xi1>) -> (vector<16xi1>, vector<16xf32>, vector<16xf32>)
        %mul3A_529 = arith.constant 16 : i32
        %mul3A_530 = arith.muli %scan3A_404, %mul3A_529 : i32
        %get3A_531 = arith.constant 6 : i32
        %get3A_532 = arith.index_cast %get3A_531 : i32 to index
        %get3A_533 = arith.index_cast %mul3A_530 : i32 to index
        %get3A_534 = tpu.vector_load %arg4[%get3A_532, %get3A_533] {strides = array<i32>} : memref<16x1024xf32, #tpu.memory_space<vmem>>, vector<16xf32>,
        %sort3A_535 = arith.constant dense<true> : vector<16xi1>
        %sort3A_536, %sort3A_537, %sort3A_538 = tpu.sort %get3A_534, %get3A_534 masked %sort3A_535 : (vector<16xf32>, vector<16xf32>, vector<16xi1>) -> (vector<16xi1>, vector<16xf32>, vector<16xf32>)
        %rev3A_539 = arith.constant 15 : i32
        %rev3A_540 = vector.broadcast %rev3A_539 : i32 to vector<16xi32>
        %rev3A_541 = tpu.iota {dimensions = array<i32: 0>} : vector<16xi32>
        %rev3A_542 = arith.subi %rev3A_540, %rev3A_541 : vector<16xi32>
        %rev3A_543 = tpu.dynamic_gather %sort3A_537[%rev3A_542] in [0] : vector<16xf32>, vector<16xi32> -> vector<16xf32>
        %min3A_544 = arith.minimumf %scan3A_411, %rev3A_543 : vector<16xf32>
        %sort3A_545 = arith.constant dense<true> : vector<16xi1>
        %sort3A_546, %sort3A_547, %sort3A_548 = tpu.sort %min3A_544, %min3A_544 masked %sort3A_545 : (vector<16xf32>, vector<16xf32>, vector<16xi1>) -> (vector<16xi1>, vector<16xf32>, vector<16xf32>)
        %mul3A_549 = arith.constant 16 : i32
        %mul3A_550 = arith.muli %scan3A_404, %mul3A_549 : i32
        %get3A_551 = arith.constant 7 : i32
        %get3A_552 = arith.index_cast %get3A_551 : i32 to index
        %get3A_553 = arith.index_cast %mul3A_550 : i32 to index
        %get3A_554 = tpu.vector_load %arg4[%get3A_552, %get3A_553] {strides = array<i32>} : memref<16x1024xf32, #tpu.memory_space<vmem>>, vector<16xf32>,
        %sort3A_555 = arith.constant dense<true> : vector<16xi1>
        %sort3A_556, %sort3A_557, %sort3A_558 = tpu.sort %get3A_554, %get3A_554 masked %sort3A_555 : (vector<16xf32>, vector<16xf32>, vector<16xi1>) -> (vector<16xi1>, vector<16xf32>, vector<16xf32>)
        %rev3A_559 = arith.constant 15 : i32
        %rev3A_560 = vector.broadcast %rev3A_559 : i32 to vector<16xi32>
        %rev3A_561 = tpu.iota {dimensions = array<i32: 0>} : vector<16xi32>
        %rev3A_562 = arith.subi %rev3A_560, %rev3A_561 : vector<16xi32>
        %rev3A_563 = tpu.dynamic_gather %sort3A_557[%rev3A_562] in [0] : vector<16xf32>, vector<16xi32> -> vector<16xf32>
        %min3A_564 = arith.minimumf %scan3A_412, %rev3A_563 : vector<16xf32>
        %sort3A_565 = arith.constant dense<true> : vector<16xi1>
        %sort3A_566, %sort3A_567, %sort3A_568 = tpu.sort %min3A_564, %min3A_564 masked %sort3A_565 : (vector<16xf32>, vector<16xf32>, vector<16xi1>) -> (vector<16xi1>, vector<16xf32>, vector<16xf32>)
        scf.yield %sort3A_427, %sort3A_447, %sort3A_467, %sort3A_487, %sort3A_507, %sort3A_527, %sort3A_547, %sort3A_567 : vector<16xf32>, vector<16xf32>, vector<16xf32>, vector<16xf32>, vector<16xf32>, vector<16xf32>, vector<16xf32>, vector<16xf32>
      }
      %scan3A_45 = arith.constant 64 : i32
      %eq3A = arith.constant 0 : i32
      %eq3A_46 = vector.broadcast %eq3A : i32 to vector<16xi32>
      %eq3A_47 = arith.cmpi eq, %iota3A, %eq3A_46 : vector<16xi32>
      %reduce_max3A = arith.constant true
      %reduce_max3A_48 = vector.broadcast %reduce_max3A : i1 to vector<16xi1>
      %reduce_max3A_49 = tpu.scan <max>, %scan3A_44#0 masked %reduce_max3A_48 : vector<16xf32>, vector<16xi1> -> vector<16xf32>
      %reduce_max3A_50 = vector.extract %reduce_max3A_49[15] : f32 from vector<16xf32>
      %broadcast_in_dim3A_51 = vector.broadcast %reduce_max3A_50 : f32 to vector<16xf32>
      %select_n3A = arith.select %eq3A_47, %broadcast_in_dim3A_51, %broadcast_in_dim3A_31 : vector<16xi1>, vector<16xf32>
      %eq3A_52 = arith.constant 1 : i32
      %eq3A_53 = vector.broadcast %eq3A_52 : i32 to vector<16xi32>
      %eq3A_54 = arith.cmpi eq, %iota3A, %eq3A_53 : vector<16xi32>
      %reduce_max3A_55 = arith.constant true
      %reduce_max3A_56 = vector.broadcast %reduce_max3A_55 : i1 to vector<16xi1>
      %reduce_max3A_57 = tpu.scan <max>, %scan3A_44#1 masked %reduce_max3A_56 : vector<16xf32>, vector<16xi1> -> vector<16xf32>
      %reduce_max3A_58 = vector.extract %reduce_max3A_57[15] : f32 from vector<16xf32>
      %broadcast_in_dim3A_59 = vector.broadcast %reduce_max3A_58 : f32 to vector<16xf32>
      %select_n3A_60 = arith.select %eq3A_54, %broadcast_in_dim3A_59, %select_n3A : vector<16xi1>, vector<16xf32>
      %eq3A_61 = arith.constant 2 : i32
      %eq3A_62 = vector.broadcast %eq3A_61 : i32 to vector<16xi32>
      %eq3A_63 = arith.cmpi eq, %iota3A, %eq3A_62 : vector<16xi32>
      %reduce_max3A_64 = arith.constant true
      %reduce_max3A_65 = vector.broadcast %reduce_max3A_64 : i1 to vector<16xi1>
      %reduce_max3A_66 = tpu.scan <max>, %scan3A_44#2 masked %reduce_max3A_65 : vector<16xf32>, vector<16xi1> -> vector<16xf32>
      %reduce_max3A_67 = vector.extract %reduce_max3A_66[15] : f32 from vector<16xf32>
      %broadcast_in_dim3A_68 = vector.broadcast %reduce_max3A_67 : f32 to vector<16xf32>
      %select_n3A_69 = arith.select %eq3A_63, %broadcast_in_dim3A_68, %select_n3A_60 : vector<16xi1>, vector<16xf32>
      %eq3A_70 = arith.constant 3 : i32
      %eq3A_71 = vector.broadcast %eq3A_70 : i32 to vector<16xi32>
      %eq3A_72 = arith.cmpi eq, %iota3A, %eq3A_71 : vector<16xi32>
      %reduce_max3A_73 = arith.constant true
      %reduce_max3A_74 = vector.broadcast %reduce_max3A_73 : i1 to vector<16xi1>
      %reduce_max3A_75 = tpu.scan <max>, %scan3A_44#3 masked %reduce_max3A_74 : vector<16xf32>, vector<16xi1> -> vector<16xf32>
      %reduce_max3A_76 = vector.extract %reduce_max3A_75[15] : f32 from vector<16xf32>
      %broadcast_in_dim3A_77 = vector.broadcast %reduce_max3A_76 : f32 to vector<16xf32>
      %select_n3A_78 = arith.select %eq3A_72, %broadcast_in_dim3A_77, %select_n3A_69 : vector<16xi1>, vector<16xf32>
      %eq3A_79 = arith.constant 4 : i32
      %eq3A_80 = vector.broadcast %eq3A_79 : i32 to vector<16xi32>
      %eq3A_81 = arith.cmpi eq, %iota3A, %eq3A_80 : vector<16xi32>
      %reduce_max3A_82 = arith.constant true
      %reduce_max3A_83 = vector.broadcast %reduce_max3A_82 : i1 to vector<16xi1>
      %reduce_max3A_84 = tpu.scan <max>, %scan3A_44#4 masked %reduce_max3A_83 : vector<16xf32>, vector<16xi1> -> vector<16xf32>
      %reduce_max3A_85 = vector.extract %reduce_max3A_84[15] : f32 from vector<16xf32>
      %broadcast_in_dim3A_86 = vector.broadcast %reduce_max3A_85 : f32 to vector<16xf32>
      %select_n3A_87 = arith.select %eq3A_81, %broadcast_in_dim3A_86, %select_n3A_78 : vector<16xi1>, vector<16xf32>
      %eq3A_88 = arith.constant 5 : i32
      %eq3A_89 = vector.broadcast %eq3A_88 : i32 to vector<16xi32>
      %eq3A_90 = arith.cmpi eq, %iota3A, %eq3A_89 : vector<16xi32>
      %reduce_max3A_91 = arith.constant true
      %reduce_max3A_92 = vector.broadcast %reduce_max3A_91 : i1 to vector<16xi1>
      %reduce_max3A_93 = tpu.scan <max>, %scan3A_44#5 masked %reduce_max3A_92 : vector<16xf32>, vector<16xi1> -> vector<16xf32>
      %reduce_max3A_94 = vector.extract %reduce_max3A_93[15] : f32 from vector<16xf32>
      %broadcast_in_dim3A_95 = vector.broadcast %reduce_max3A_94 : f32 to vector<16xf32>
      %select_n3A_96 = arith.select %eq3A_90, %broadcast_in_dim3A_95, %select_n3A_87 : vector<16xi1>, vector<16xf32>
      %eq3A_97 = arith.constant 6 : i32
      %eq3A_98 = vector.broadcast %eq3A_97 : i32 to vector<16xi32>
      %eq3A_99 = arith.cmpi eq, %iota3A, %eq3A_98 : vector<16xi32>
      %reduce_max3A_100 = arith.constant true
      %reduce_max3A_101 = vector.broadcast %reduce_max3A_100 : i1 to vector<16xi1>
      %reduce_max3A_102 = tpu.scan <max>, %scan3A_44#6 masked %reduce_max3A_101 : vector<16xf32>, vector<16xi1> -> vector<16xf32>
      %reduce_max3A_103 = vector.extract %reduce_max3A_102[15] : f32 from vector<16xf32>
      %broadcast_in_dim3A_104 = vector.broadcast %reduce_max3A_103 : f32 to vector<16xf32>
      %select_n3A_105 = arith.select %eq3A_99, %broadcast_in_dim3A_104, %select_n3A_96 : vector<16xi1>, vector<16xf32>
      %eq3A_106 = arith.constant 7 : i32
      %eq3A_107 = vector.broadcast %eq3A_106 : i32 to vector<16xi32>
      %eq3A_108 = arith.cmpi eq, %iota3A, %eq3A_107 : vector<16xi32>
      %reduce_max3A_109 = arith.constant true
      %reduce_max3A_110 = vector.broadcast %reduce_max3A_109 : i1 to vector<16xi1>
      %reduce_max3A_111 = tpu.scan <max>, %scan3A_44#7 masked %reduce_max3A_110 : vector<16xf32>, vector<16xi1> -> vector<16xf32>
      %reduce_max3A_112 = vector.extract %reduce_max3A_111[15] : f32 from vector<16xf32>
      %broadcast_in_dim3A_113 = vector.broadcast %reduce_max3A_112 : f32 to vector<16xf32>
      %select_n3A_114 = arith.select %eq3A_108, %broadcast_in_dim3A_113, %select_n3A_105 : vector<16xi1>, vector<16xf32>
      %broadcast_in_dim3A_115 = vector.broadcast %scan3A_16 : f32 to vector<16xf32>
      %broadcast_in_dim3A_116 = vector.broadcast %scan3A_16 : f32 to vector<16xf32>
      %broadcast_in_dim3A_117 = vector.broadcast %scan3A_16 : f32 to vector<16xf32>
      %broadcast_in_dim3A_118 = vector.broadcast %scan3A_16 : f32 to vector<16xf32>
      %broadcast_in_dim3A_119 = vector.broadcast %scan3A_16 : f32 to vector<16xf32>
      %broadcast_in_dim3A_120 = vector.broadcast %scan3A_16 : f32 to vector<16xf32>
      %broadcast_in_dim3A_121 = vector.broadcast %scan3A_16 : f32 to vector<16xf32>
      %broadcast_in_dim3A_122 = vector.broadcast %scan3A_16 : f32 to vector<16xf32>
      %scan3A_123 = arith.constant 0 : i32
      %scan3A_124 = arith.constant 64 : i32
      %scan3A_125 = arith.addi %scan3A_123, %scan3A_124 : i32
      %scan3A_126 = arith.constant 1 : i32
      %scan3A_127:8 = scf.for %scan3A_404 = %scan3A_123 to %scan3A_125 step %scan3A_126 iter_args(%scan3A_405 = %broadcast_in_dim3A_115, %scan3A_406 = %broadcast_in_dim3A_116, %scan3A_407 = %broadcast_in_dim3A_117, %scan3A_408 = %broadcast_in_dim3A_118, %scan3A_409 = %broadcast_in_dim3A_119, %scan3A_410 = %broadcast_in_dim3A_120, %scan3A_411 = %broadcast_in_dim3A_121, %scan3A_412 = %broadcast_in_dim3A_122) -> (vector<16xf32>, vector<16xf32>, vector<16xf32>, vector<16xf32>, vector<16xf32>, vector<16xf32>, vector<16xf32>, vector<16xf32>)  : i32 {
        %mul3A_413 = arith.constant 16 : i32
        %mul3A_414 = arith.muli %scan3A_404, %mul3A_413 : i32
        %get3A = arith.constant 8 : i32
        %get3A_415 = arith.index_cast %get3A : i32 to index
        %get3A_416 = arith.index_cast %mul3A_414 : i32 to index
        %get3A_417 = tpu.vector_load %arg4[%get3A_415, %get3A_416] {strides = array<i32>} : memref<16x1024xf32, #tpu.memory_space<vmem>>, vector<16xf32>,
        %sort3A = arith.constant dense<true> : vector<16xi1>
        %sort3A_418, %sort3A_419, %sort3A_420 = tpu.sort %get3A_417, %get3A_417 masked %sort3A : (vector<16xf32>, vector<16xf32>, vector<16xi1>) -> (vector<16xi1>, vector<16xf32>, vector<16xf32>)
        %rev3A = arith.constant 15 : i32
        %rev3A_421 = vector.broadcast %rev3A : i32 to vector<16xi32>
        %rev3A_422 = tpu.iota {dimensions = array<i32: 0>} : vector<16xi32>
        %rev3A_423 = arith.subi %rev3A_421, %rev3A_422 : vector<16xi32>
        %rev3A_424 = tpu.dynamic_gather %sort3A_419[%rev3A_423] in [0] : vector<16xf32>, vector<16xi32> -> vector<16xf32>
        %min3A = arith.minimumf %scan3A_405, %rev3A_424 : vector<16xf32>
        %sort3A_425 = arith.constant dense<true> : vector<16xi1>
        %sort3A_426, %sort3A_427, %sort3A_428 = tpu.sort %min3A, %min3A masked %sort3A_425 : (vector<16xf32>, vector<16xf32>, vector<16xi1>) -> (vector<16xi1>, vector<16xf32>, vector<16xf32>)
        %mul3A_429 = arith.constant 16 : i32
        %mul3A_430 = arith.muli %scan3A_404, %mul3A_429 : i32
        %get3A_431 = arith.constant 9 : i32
        %get3A_432 = arith.index_cast %get3A_431 : i32 to index
        %get3A_433 = arith.index_cast %mul3A_430 : i32 to index
        %get3A_434 = tpu.vector_load %arg4[%get3A_432, %get3A_433] {strides = array<i32>} : memref<16x1024xf32, #tpu.memory_space<vmem>>, vector<16xf32>,
        %sort3A_435 = arith.constant dense<true> : vector<16xi1>
        %sort3A_436, %sort3A_437, %sort3A_438 = tpu.sort %get3A_434, %get3A_434 masked %sort3A_435 : (vector<16xf32>, vector<16xf32>, vector<16xi1>) -> (vector<16xi1>, vector<16xf32>, vector<16xf32>)
        %rev3A_439 = arith.constant 15 : i32
        %rev3A_440 = vector.broadcast %rev3A_439 : i32 to vector<16xi32>
        %rev3A_441 = tpu.iota {dimensions = array<i32: 0>} : vector<16xi32>
        %rev3A_442 = arith.subi %rev3A_440, %rev3A_441 : vector<16xi32>
        %rev3A_443 = tpu.dynamic_gather %sort3A_437[%rev3A_442] in [0] : vector<16xf32>, vector<16xi32> -> vector<16xf32>
        %min3A_444 = arith.minimumf %scan3A_406, %rev3A_443 : vector<16xf32>
        %sort3A_445 = arith.constant dense<true> : vector<16xi1>
        %sort3A_446, %sort3A_447, %sort3A_448 = tpu.sort %min3A_444, %min3A_444 masked %sort3A_445 : (vector<16xf32>, vector<16xf32>, vector<16xi1>) -> (vector<16xi1>, vector<16xf32>, vector<16xf32>)
        %mul3A_449 = arith.constant 16 : i32
        %mul3A_450 = arith.muli %scan3A_404, %mul3A_449 : i32
        %get3A_451 = arith.constant 10 : i32
        %get3A_452 = arith.index_cast %get3A_451 : i32 to index
        %get3A_453 = arith.index_cast %mul3A_450 : i32 to index
        %get3A_454 = tpu.vector_load %arg4[%get3A_452, %get3A_453] {strides = array<i32>} : memref<16x1024xf32, #tpu.memory_space<vmem>>, vector<16xf32>,
        %sort3A_455 = arith.constant dense<true> : vector<16xi1>
        %sort3A_456, %sort3A_457, %sort3A_458 = tpu.sort %get3A_454, %get3A_454 masked %sort3A_455 : (vector<16xf32>, vector<16xf32>, vector<16xi1>) -> (vector<16xi1>, vector<16xf32>, vector<16xf32>)
        %rev3A_459 = arith.constant 15 : i32
        %rev3A_460 = vector.broadcast %rev3A_459 : i32 to vector<16xi32>
        %rev3A_461 = tpu.iota {dimensions = array<i32: 0>} : vector<16xi32>
        %rev3A_462 = arith.subi %rev3A_460, %rev3A_461 : vector<16xi32>
        %rev3A_463 = tpu.dynamic_gather %sort3A_457[%rev3A_462] in [0] : vector<16xf32>, vector<16xi32> -> vector<16xf32>
        %min3A_464 = arith.minimumf %scan3A_407, %rev3A_463 : vector<16xf32>
        %sort3A_465 = arith.constant dense<true> : vector<16xi1>
        %sort3A_466, %sort3A_467, %sort3A_468 = tpu.sort %min3A_464, %min3A_464 masked %sort3A_465 : (vector<16xf32>, vector<16xf32>, vector<16xi1>) -> (vector<16xi1>, vector<16xf32>, vector<16xf32>)
        %mul3A_469 = arith.constant 16 : i32
        %mul3A_470 = arith.muli %scan3A_404, %mul3A_469 : i32
        %get3A_471 = arith.constant 11 : i32
        %get3A_472 = arith.index_cast %get3A_471 : i32 to index
        %get3A_473 = arith.index_cast %mul3A_470 : i32 to index
        %get3A_474 = tpu.vector_load %arg4[%get3A_472, %get3A_473] {strides = array<i32>} : memref<16x1024xf32, #tpu.memory_space<vmem>>, vector<16xf32>,
        %sort3A_475 = arith.constant dense<true> : vector<16xi1>
        %sort3A_476, %sort3A_477, %sort3A_478 = tpu.sort %get3A_474, %get3A_474 masked %sort3A_475 : (vector<16xf32>, vector<16xf32>, vector<16xi1>) -> (vector<16xi1>, vector<16xf32>, vector<16xf32>)
        %rev3A_479 = arith.constant 15 : i32
        %rev3A_480 = vector.broadcast %rev3A_479 : i32 to vector<16xi32>
        %rev3A_481 = tpu.iota {dimensions = array<i32: 0>} : vector<16xi32>
        %rev3A_482 = arith.subi %rev3A_480, %rev3A_481 : vector<16xi32>
        %rev3A_483 = tpu.dynamic_gather %sort3A_477[%rev3A_482] in [0] : vector<16xf32>, vector<16xi32> -> vector<16xf32>
        %min3A_484 = arith.minimumf %scan3A_408, %rev3A_483 : vector<16xf32>
        %sort3A_485 = arith.constant dense<true> : vector<16xi1>
        %sort3A_486, %sort3A_487, %sort3A_488 = tpu.sort %min3A_484, %min3A_484 masked %sort3A_485 : (vector<16xf32>, vector<16xf32>, vector<16xi1>) -> (vector<16xi1>, vector<16xf32>, vector<16xf32>)
        %mul3A_489 = arith.constant 16 : i32
        %mul3A_490 = arith.muli %scan3A_404, %mul3A_489 : i32
        %get3A_491 = arith.constant 12 : i32
        %get3A_492 = arith.index_cast %get3A_491 : i32 to index
        %get3A_493 = arith.index_cast %mul3A_490 : i32 to index
        %get3A_494 = tpu.vector_load %arg4[%get3A_492, %get3A_493] {strides = array<i32>} : memref<16x1024xf32, #tpu.memory_space<vmem>>, vector<16xf32>,
        %sort3A_495 = arith.constant dense<true> : vector<16xi1>
        %sort3A_496, %sort3A_497, %sort3A_498 = tpu.sort %get3A_494, %get3A_494 masked %sort3A_495 : (vector<16xf32>, vector<16xf32>, vector<16xi1>) -> (vector<16xi1>, vector<16xf32>, vector<16xf32>)
        %rev3A_499 = arith.constant 15 : i32
        %rev3A_500 = vector.broadcast %rev3A_499 : i32 to vector<16xi32>
        %rev3A_501 = tpu.iota {dimensions = array<i32: 0>} : vector<16xi32>
        %rev3A_502 = arith.subi %rev3A_500, %rev3A_501 : vector<16xi32>
        %rev3A_503 = tpu.dynamic_gather %sort3A_497[%rev3A_502] in [0] : vector<16xf32>, vector<16xi32> -> vector<16xf32>
        %min3A_504 = arith.minimumf %scan3A_409, %rev3A_503 : vector<16xf32>
        %sort3A_505 = arith.constant dense<true> : vector<16xi1>
        %sort3A_506, %sort3A_507, %sort3A_508 = tpu.sort %min3A_504, %min3A_504 masked %sort3A_505 : (vector<16xf32>, vector<16xf32>, vector<16xi1>) -> (vector<16xi1>, vector<16xf32>, vector<16xf32>)
        %mul3A_509 = arith.constant 16 : i32
        %mul3A_510 = arith.muli %scan3A_404, %mul3A_509 : i32
        %get3A_511 = arith.constant 13 : i32
        %get3A_512 = arith.index_cast %get3A_511 : i32 to index
        %get3A_513 = arith.index_cast %mul3A_510 : i32 to index
        %get3A_514 = tpu.vector_load %arg4[%get3A_512, %get3A_513] {strides = array<i32>} : memref<16x1024xf32, #tpu.memory_space<vmem>>, vector<16xf32>,
        %sort3A_515 = arith.constant dense<true> : vector<16xi1>
        %sort3A_516, %sort3A_517, %sort3A_518 = tpu.sort %get3A_514, %get3A_514 masked %sort3A_515 : (vector<16xf32>, vector<16xf32>, vector<16xi1>) -> (vector<16xi1>, vector<16xf32>, vector<16xf32>)
        %rev3A_519 = arith.constant 15 : i32
        %rev3A_520 = vector.broadcast %rev3A_519 : i32 to vector<16xi32>
        %rev3A_521 = tpu.iota {dimensions = array<i32: 0>} : vector<16xi32>
        %rev3A_522 = arith.subi %rev3A_520, %rev3A_521 : vector<16xi32>
        %rev3A_523 = tpu.dynamic_gather %sort3A_517[%rev3A_522] in [0] : vector<16xf32>, vector<16xi32> -> vector<16xf32>
        %min3A_524 = arith.minimumf %scan3A_410, %rev3A_523 : vector<16xf32>
        %sort3A_525 = arith.constant dense<true> : vector<16xi1>
        %sort3A_526, %sort3A_527, %sort3A_528 = tpu.sort %min3A_524, %min3A_524 masked %sort3A_525 : (vector<16xf32>, vector<16xf32>, vector<16xi1>) -> (vector<16xi1>, vector<16xf32>, vector<16xf32>)
        %mul3A_529 = arith.constant 16 : i32
        %mul3A_530 = arith.muli %scan3A_404, %mul3A_529 : i32
        %get3A_531 = arith.constant 14 : i32
        %get3A_532 = arith.index_cast %get3A_531 : i32 to index
        %get3A_533 = arith.index_cast %mul3A_530 : i32 to index
        %get3A_534 = tpu.vector_load %arg4[%get3A_532, %get3A_533] {strides = array<i32>} : memref<16x1024xf32, #tpu.memory_space<vmem>>, vector<16xf32>,
        %sort3A_535 = arith.constant dense<true> : vector<16xi1>
        %sort3A_536, %sort3A_537, %sort3A_538 = tpu.sort %get3A_534, %get3A_534 masked %sort3A_535 : (vector<16xf32>, vector<16xf32>, vector<16xi1>) -> (vector<16xi1>, vector<16xf32>, vector<16xf32>)
        %rev3A_539 = arith.constant 15 : i32
        %rev3A_540 = vector.broadcast %rev3A_539 : i32 to vector<16xi32>
        %rev3A_541 = tpu.iota {dimensions = array<i32: 0>} : vector<16xi32>
        %rev3A_542 = arith.subi %rev3A_540, %rev3A_541 : vector<16xi32>
        %rev3A_543 = tpu.dynamic_gather %sort3A_537[%rev3A_542] in [0] : vector<16xf32>, vector<16xi32> -> vector<16xf32>
        %min3A_544 = arith.minimumf %scan3A_411, %rev3A_543 : vector<16xf32>
        %sort3A_545 = arith.constant dense<true> : vector<16xi1>
        %sort3A_546, %sort3A_547, %sort3A_548 = tpu.sort %min3A_544, %min3A_544 masked %sort3A_545 : (vector<16xf32>, vector<16xf32>, vector<16xi1>) -> (vector<16xi1>, vector<16xf32>, vector<16xf32>)
        %mul3A_549 = arith.constant 16 : i32
        %mul3A_550 = arith.muli %scan3A_404, %mul3A_549 : i32
        %get3A_551 = arith.constant 15 : i32
        %get3A_552 = arith.index_cast %get3A_551 : i32 to index
        %get3A_553 = arith.index_cast %mul3A_550 : i32 to index
        %get3A_554 = tpu.vector_load %arg4[%get3A_552, %get3A_553] {strides = array<i32>} : memref<16x1024xf32, #tpu.memory_space<vmem>>, vector<16xf32>,
        %sort3A_555 = arith.constant dense<true> : vector<16xi1>
        %sort3A_556, %sort3A_557, %sort3A_558 = tpu.sort %get3A_554, %get3A_554 masked %sort3A_555 : (vector<16xf32>, vector<16xf32>, vector<16xi1>) -> (vector<16xi1>, vector<16xf32>, vector<16xf32>)
        %rev3A_559 = arith.constant 15 : i32
        %rev3A_560 = vector.broadcast %rev3A_559 : i32 to vector<16xi32>
        %rev3A_561 = tpu.iota {dimensions = array<i32: 0>} : vector<16xi32>
        %rev3A_562 = arith.subi %rev3A_560, %rev3A_561 : vector<16xi32>
        %rev3A_563 = tpu.dynamic_gather %sort3A_557[%rev3A_562] in [0] : vector<16xf32>, vector<16xi32> -> vector<16xf32>
        %min3A_564 = arith.minimumf %scan3A_412, %rev3A_563 : vector<16xf32>
        %sort3A_565 = arith.constant dense<true> : vector<16xi1>
        %sort3A_566, %sort3A_567, %sort3A_568 = tpu.sort %min3A_564, %min3A_564 masked %sort3A_565 : (vector<16xf32>, vector<16xf32>, vector<16xi1>) -> (vector<16xi1>, vector<16xf32>, vector<16xf32>)
        scf.yield %sort3A_427, %sort3A_447, %sort3A_467, %sort3A_487, %sort3A_507, %sort3A_527, %sort3A_547, %sort3A_567 : vector<16xf32>, vector<16xf32>, vector<16xf32>, vector<16xf32>, vector<16xf32>, vector<16xf32>, vector<16xf32>, vector<16xf32>
      }
      %scan3A_128 = arith.constant 64 : i32
      %eq3A_129 = arith.constant 8 : i32
      %eq3A_130 = vector.broadcast %eq3A_129 : i32 to vector<16xi32>
      %eq3A_131 = arith.cmpi eq, %iota3A, %eq3A_130 : vector<16xi32>
      %reduce_max3A_132 = arith.constant true
      %reduce_max3A_133 = vector.broadcast %reduce_max3A_132 : i1 to vector<16xi1>
      %reduce_max3A_134 = tpu.scan <max>, %scan3A_127#0 masked %reduce_max3A_133 : vector<16xf32>, vector<16xi1> -> vector<16xf32>
      %reduce_max3A_135 = vector.extract %reduce_max3A_134[15] : f32 from vector<16xf32>
      %broadcast_in_dim3A_136 = vector.broadcast %reduce_max3A_135 : f32 to vector<16xf32>
      %select_n3A_137 = arith.select %eq3A_131, %broadcast_in_dim3A_136, %select_n3A_114 : vector<16xi1>, vector<16xf32>
      %eq3A_138 = arith.constant 9 : i32
      %eq3A_139 = vector.broadcast %eq3A_138 : i32 to vector<16xi32>
      %eq3A_140 = arith.cmpi eq, %iota3A, %eq3A_139 : vector<16xi32>
      %reduce_max3A_141 = arith.constant true
      %reduce_max3A_142 = vector.broadcast %reduce_max3A_141 : i1 to vector<16xi1>
      %reduce_max3A_143 = tpu.scan <max>, %scan3A_127#1 masked %reduce_max3A_142 : vector<16xf32>, vector<16xi1> -> vector<16xf32>
      %reduce_max3A_144 = vector.extract %reduce_max3A_143[15] : f32 from vector<16xf32>
      %broadcast_in_dim3A_145 = vector.broadcast %reduce_max3A_144 : f32 to vector<16xf32>
      %select_n3A_146 = arith.select %eq3A_140, %broadcast_in_dim3A_145, %select_n3A_137 : vector<16xi1>, vector<16xf32>
      %eq3A_147 = arith.constant 10 : i32
      %eq3A_148 = vector.broadcast %eq3A_147 : i32 to vector<16xi32>
      %eq3A_149 = arith.cmpi eq, %iota3A, %eq3A_148 : vector<16xi32>
      %reduce_max3A_150 = arith.constant true
      %reduce_max3A_151 = vector.broadcast %reduce_max3A_150 : i1 to vector<16xi1>
      %reduce_max3A_152 = tpu.scan <max>, %scan3A_127#2 masked %reduce_max3A_151 : vector<16xf32>, vector<16xi1> -> vector<16xf32>
      %reduce_max3A_153 = vector.extract %reduce_max3A_152[15] : f32 from vector<16xf32>
      %broadcast_in_dim3A_154 = vector.broadcast %reduce_max3A_153 : f32 to vector<16xf32>
      %select_n3A_155 = arith.select %eq3A_149, %broadcast_in_dim3A_154, %select_n3A_146 : vector<16xi1>, vector<16xf32>
      %eq3A_156 = arith.constant 11 : i32
      %eq3A_157 = vector.broadcast %eq3A_156 : i32 to vector<16xi32>
      %eq3A_158 = arith.cmpi eq, %iota3A, %eq3A_157 : vector<16xi32>
      %reduce_max3A_159 = arith.constant true
      %reduce_max3A_160 = vector.broadcast %reduce_max3A_159 : i1 to vector<16xi1>
      %reduce_max3A_161 = tpu.scan <max>, %scan3A_127#3 masked %reduce_max3A_160 : vector<16xf32>, vector<16xi1> -> vector<16xf32>
      %reduce_max3A_162 = vector.extract %reduce_max3A_161[15] : f32 from vector<16xf32>
      %broadcast_in_dim3A_163 = vector.broadcast %reduce_max3A_162 : f32 to vector<16xf32>
      %select_n3A_164 = arith.select %eq3A_158, %broadcast_in_dim3A_163, %select_n3A_155 : vector<16xi1>, vector<16xf32>
      %eq3A_165 = arith.constant 12 : i32
      %eq3A_166 = vector.broadcast %eq3A_165 : i32 to vector<16xi32>
      %eq3A_167 = arith.cmpi eq, %iota3A, %eq3A_166 : vector<16xi32>
      %reduce_max3A_168 = arith.constant true
      %reduce_max3A_169 = vector.broadcast %reduce_max3A_168 : i1 to vector<16xi1>
      %reduce_max3A_170 = tpu.scan <max>, %scan3A_127#4 masked %reduce_max3A_169 : vector<16xf32>, vector<16xi1> -> vector<16xf32>
      %reduce_max3A_171 = vector.extract %reduce_max3A_170[15] : f32 from vector<16xf32>
      %broadcast_in_dim3A_172 = vector.broadcast %reduce_max3A_171 : f32 to vector<16xf32>
      %select_n3A_173 = arith.select %eq3A_167, %broadcast_in_dim3A_172, %select_n3A_164 : vector<16xi1>, vector<16xf32>
      %eq3A_174 = arith.constant 13 : i32
      %eq3A_175 = vector.broadcast %eq3A_174 : i32 to vector<16xi32>
      %eq3A_176 = arith.cmpi eq, %iota3A, %eq3A_175 : vector<16xi32>
      %reduce_max3A_177 = arith.constant true
      %reduce_max3A_178 = vector.broadcast %reduce_max3A_177 : i1 to vector<16xi1>
      %reduce_max3A_179 = tpu.scan <max>, %scan3A_127#5 masked %reduce_max3A_178 : vector<16xf32>, vector<16xi1> -> vector<16xf32>
      %reduce_max3A_180 = vector.extract %reduce_max3A_179[15] : f32 from vector<16xf32>
      %broadcast_in_dim3A_181 = vector.broadcast %reduce_max3A_180 : f32 to vector<16xf32>
      %select_n3A_182 = arith.select %eq3A_176, %broadcast_in_dim3A_181, %select_n3A_173 : vector<16xi1>, vector<16xf32>
      %eq3A_183 = arith.constant 14 : i32
      %eq3A_184 = vector.broadcast %eq3A_183 : i32 to vector<16xi32>
      %eq3A_185 = arith.cmpi eq, %iota3A, %eq3A_184 : vector<16xi32>
      %reduce_max3A_186 = arith.constant true
      %reduce_max3A_187 = vector.broadcast %reduce_max3A_186 : i1 to vector<16xi1>
      %reduce_max3A_188 = tpu.scan <max>, %scan3A_127#6 masked %reduce_max3A_187 : vector<16xf32>, vector<16xi1> -> vector<16xf32>
      %reduce_max3A_189 = vector.extract %reduce_max3A_188[15] : f32 from vector<16xf32>
      %broadcast_in_dim3A_190 = vector.broadcast %reduce_max3A_189 : f32 to vector<16xf32>
      %select_n3A_191 = arith.select %eq3A_185, %broadcast_in_dim3A_190, %select_n3A_182 : vector<16xi1>, vector<16xf32>
      %eq3A_192 = arith.constant 15 : i32
      %eq3A_193 = vector.broadcast %eq3A_192 : i32 to vector<16xi32>
      %eq3A_194 = arith.cmpi eq, %iota3A, %eq3A_193 : vector<16xi32>
      %reduce_max3A_195 = arith.constant true
      %reduce_max3A_196 = vector.broadcast %reduce_max3A_195 : i1 to vector<16xi1>
      %reduce_max3A_197 = tpu.scan <max>, %scan3A_127#7 masked %reduce_max3A_196 : vector<16xf32>, vector<16xi1> -> vector<16xf32>
      %reduce_max3A_198 = vector.extract %reduce_max3A_197[15] : f32 from vector<16xf32>
      %broadcast_in_dim3A_199 = vector.broadcast %reduce_max3A_198 : f32 to vector<16xf32>
      %select_n3A_200 = arith.select %eq3A_194, %broadcast_in_dim3A_199, %select_n3A_191 : vector<16xi1>, vector<16xf32>
      %mul3A_201 = arith.constant 16 : i32
      %mul3A_202 = arith.muli %mul3A_24, %mul3A_201 : i32
      %swap3A = arith.index_cast %mul3A_202 : i32 to index
      %swap3A_203 = tpu.vector_load %arg6[%swap3A] {strides = array<i32>} : memref<256xf32, #tpu.memory_space<vmem>>, vector<16xf32>,
      tpu.vector_store %arg6[%swap3A], %select_n3A_200 {strides = array<i32>} : memref<256xf32, #tpu.memory_space<vmem>>, vector<16xf32>,
      %add3A_204 = arith.constant 2 : i32
      %add3A_205 = arith.addi %mul3A_24, %add3A_204 : i32
      %lt3A = arith.constant 16 : i32
      %lt3A_206 = arith.cmpi slt, %add3A_205, %lt3A : i32
      %convert_element_type3A = arith.extui %lt3A_206 : i1 to i32
      %cond3A = arith.constant 0 : i32
      %cond3A_207 = arith.cmpi ne, %convert_element_type3A, %cond3A : i32
      scf.if %cond3A_207 {
        %add3A_404 = arith.constant 2 : i32
        %add3A_405 = arith.addi %mul3A_24, %add3A_404 : i32
        %mul3A_406 = arith.constant 16 : i32
        %mul3A_407 = arith.muli %add3A_405, %mul3A_406 : i32
        %add3A_408 = arith.addi %add3A_4, %mul3A_407 : i32
        %dma_start3A_409 = arith.constant 0 : i32
        %dma_start3A_410 = tpu.memref_slice %arg2[%add3A_408, %dma_start3A_409] : memref<16384x1024xf32, #tpu.memory_space<hbm>> -> memref<16x1024xf32, #tpu.memory_space<hbm>>
        %dma_start3A_411 = arith.constant 0 : i32
        %dma_start3A_412 = tpu.memref_slice %arg2[%add3A_408, %dma_start3A_411] : memref<16384x1024xf32, #tpu.memory_space<hbm>> -> memref<16x1024xf32, #tpu.memory_space<hbm>>
        tpu.enqueue_dma source(%dma_start3A_412 : memref<16x1024xf32, #tpu.memory_space<hbm>>) target(%arg4 : memref<16x1024xf32, #tpu.memory_space<vmem>>) target_semaphore(%arg7 : memref<!tpu.dma_semaphore, #tpu.memory_space<semaphore_mem>>)
      } else {
      }
      %add3A_208 = arith.constant 1 : i32
      %add3A_209 = arith.addi %mul3A_24, %add3A_208 : i32
      %mul3A_210 = arith.constant 16 : i32
      %mul3A_211 = arith.muli %add3A_209, %mul3A_210 : i32
      %add3A_212 = arith.addi %add3A_4, %mul3A_211 : i32
      %dma_wait3A_213 = arith.constant 0 : i32
      %dma_wait3A_214 = tpu.memref_slice %arg2[%add3A_212, %dma_wait3A_213] : memref<16384x1024xf32, #tpu.memory_space<hbm>> -> memref<16x1024xf32, #tpu.memory_space<hbm>>
      %dma_wait3A_215 = arith.constant 0 : i32
      %dma_wait3A_216 = tpu.memref_slice %arg2[%add3A_212, %dma_wait3A_215] : memref<16384x1024xf32, #tpu.memory_space<hbm>> -> memref<16x1024xf32, #tpu.memory_space<hbm>>
      tpu.wait_dma2 semaphore(%arg8 : memref<!tpu.dma_semaphore, #tpu.memory_space<semaphore_mem>>) src(%dma_wait3A_216 : memref<16x1024xf32, #tpu.memory_space<hbm>>) dst(%arg5 : memref<16x1024xf32, #tpu.memory_space<vmem>>)
      %add3A_217 = arith.constant 1 : i32
      %add3A_218 = arith.addi %mul3A_24, %add3A_217 : i32
      %broadcast_in_dim3A_219 = arith.constant 0.000000e+00 : f32
      %broadcast_in_dim3A_220 = vector.broadcast %broadcast_in_dim3A_219 : f32 to vector<16xf32>
      %broadcast_in_dim3A_221 = vector.broadcast %scan3A_16 : f32 to vector<16xf32>
      %broadcast_in_dim3A_222 = vector.broadcast %scan3A_16 : f32 to vector<16xf32>
      %broadcast_in_dim3A_223 = vector.broadcast %scan3A_16 : f32 to vector<16xf32>
      %broadcast_in_dim3A_224 = vector.broadcast %scan3A_16 : f32 to vector<16xf32>
      %broadcast_in_dim3A_225 = vector.broadcast %scan3A_16 : f32 to vector<16xf32>
      %broadcast_in_dim3A_226 = vector.broadcast %scan3A_16 : f32 to vector<16xf32>
      %broadcast_in_dim3A_227 = vector.broadcast %scan3A_16 : f32 to vector<16xf32>
      %broadcast_in_dim3A_228 = vector.broadcast %scan3A_16 : f32 to vector<16xf32>
      %scan3A_229 = arith.constant 0 : i32
      %scan3A_230 = arith.constant 64 : i32
      %scan3A_231 = arith.addi %scan3A_229, %scan3A_230 : i32
      %scan3A_232 = arith.constant 1 : i32
      %scan3A_233:8 = scf.for %scan3A_404 = %scan3A_229 to %scan3A_231 step %scan3A_232 iter_args(%scan3A_405 = %broadcast_in_dim3A_221, %scan3A_406 = %broadcast_in_dim3A_222, %scan3A_407 = %broadcast_in_dim3A_223, %scan3A_408 = %broadcast_in_dim3A_224, %scan3A_409 = %broadcast_in_dim3A_225, %scan3A_410 = %broadcast_in_dim3A_226, %scan3A_411 = %broadcast_in_dim3A_227, %scan3A_412 = %broadcast_in_dim3A_228) -> (vector<16xf32>, vector<16xf32>, vector<16xf32>, vector<16xf32>, vector<16xf32>, vector<16xf32>, vector<16xf32>, vector<16xf32>)  : i32 {
        %mul3A_413 = arith.constant 16 : i32
        %mul3A_414 = arith.muli %scan3A_404, %mul3A_413 : i32
        %get3A = arith.constant 0 : i32
        %get3A_415 = arith.index_cast %get3A : i32 to index
        %get3A_416 = arith.index_cast %mul3A_414 : i32 to index
        %get3A_417 = tpu.vector_load %arg5[%get3A_415, %get3A_416] {strides = array<i32>} : memref<16x1024xf32, #tpu.memory_space<vmem>>, vector<16xf32>,
        %sort3A = arith.constant dense<true> : vector<16xi1>
        %sort3A_418, %sort3A_419, %sort3A_420 = tpu.sort %get3A_417, %get3A_417 masked %sort3A : (vector<16xf32>, vector<16xf32>, vector<16xi1>) -> (vector<16xi1>, vector<16xf32>, vector<16xf32>)
        %rev3A = arith.constant 15 : i32
        %rev3A_421 = vector.broadcast %rev3A : i32 to vector<16xi32>
        %rev3A_422 = tpu.iota {dimensions = array<i32: 0>} : vector<16xi32>
        %rev3A_423 = arith.subi %rev3A_421, %rev3A_422 : vector<16xi32>
        %rev3A_424 = tpu.dynamic_gather %sort3A_419[%rev3A_423] in [0] : vector<16xf32>, vector<16xi32> -> vector<16xf32>
        %min3A = arith.minimumf %scan3A_405, %rev3A_424 : vector<16xf32>
        %sort3A_425 = arith.constant dense<true> : vector<16xi1>
        %sort3A_426, %sort3A_427, %sort3A_428 = tpu.sort %min3A, %min3A masked %sort3A_425 : (vector<16xf32>, vector<16xf32>, vector<16xi1>) -> (vector<16xi1>, vector<16xf32>, vector<16xf32>)
        %mul3A_429 = arith.constant 16 : i32
        %mul3A_430 = arith.muli %scan3A_404, %mul3A_429 : i32
        %get3A_431 = arith.constant 1 : i32
        %get3A_432 = arith.index_cast %get3A_431 : i32 to index
        %get3A_433 = arith.index_cast %mul3A_430 : i32 to index
        %get3A_434 = tpu.vector_load %arg5[%get3A_432, %get3A_433] {strides = array<i32>} : memref<16x1024xf32, #tpu.memory_space<vmem>>, vector<16xf32>,
        %sort3A_435 = arith.constant dense<true> : vector<16xi1>
        %sort3A_436, %sort3A_437, %sort3A_438 = tpu.sort %get3A_434, %get3A_434 masked %sort3A_435 : (vector<16xf32>, vector<16xf32>, vector<16xi1>) -> (vector<16xi1>, vector<16xf32>, vector<16xf32>)
        %rev3A_439 = arith.constant 15 : i32
        %rev3A_440 = vector.broadcast %rev3A_439 : i32 to vector<16xi32>
        %rev3A_441 = tpu.iota {dimensions = array<i32: 0>} : vector<16xi32>
        %rev3A_442 = arith.subi %rev3A_440, %rev3A_441 : vector<16xi32>
        %rev3A_443 = tpu.dynamic_gather %sort3A_437[%rev3A_442] in [0] : vector<16xf32>, vector<16xi32> -> vector<16xf32>
        %min3A_444 = arith.minimumf %scan3A_406, %rev3A_443 : vector<16xf32>
        %sort3A_445 = arith.constant dense<true> : vector<16xi1>
        %sort3A_446, %sort3A_447, %sort3A_448 = tpu.sort %min3A_444, %min3A_444 masked %sort3A_445 : (vector<16xf32>, vector<16xf32>, vector<16xi1>) -> (vector<16xi1>, vector<16xf32>, vector<16xf32>)
        %mul3A_449 = arith.constant 16 : i32
        %mul3A_450 = arith.muli %scan3A_404, %mul3A_449 : i32
        %get3A_451 = arith.constant 2 : i32
        %get3A_452 = arith.index_cast %get3A_451 : i32 to index
        %get3A_453 = arith.index_cast %mul3A_450 : i32 to index
        %get3A_454 = tpu.vector_load %arg5[%get3A_452, %get3A_453] {strides = array<i32>} : memref<16x1024xf32, #tpu.memory_space<vmem>>, vector<16xf32>,
        %sort3A_455 = arith.constant dense<true> : vector<16xi1>
        %sort3A_456, %sort3A_457, %sort3A_458 = tpu.sort %get3A_454, %get3A_454 masked %sort3A_455 : (vector<16xf32>, vector<16xf32>, vector<16xi1>) -> (vector<16xi1>, vector<16xf32>, vector<16xf32>)
        %rev3A_459 = arith.constant 15 : i32
        %rev3A_460 = vector.broadcast %rev3A_459 : i32 to vector<16xi32>
        %rev3A_461 = tpu.iota {dimensions = array<i32: 0>} : vector<16xi32>
        %rev3A_462 = arith.subi %rev3A_460, %rev3A_461 : vector<16xi32>
        %rev3A_463 = tpu.dynamic_gather %sort3A_457[%rev3A_462] in [0] : vector<16xf32>, vector<16xi32> -> vector<16xf32>
        %min3A_464 = arith.minimumf %scan3A_407, %rev3A_463 : vector<16xf32>
        %sort3A_465 = arith.constant dense<true> : vector<16xi1>
        %sort3A_466, %sort3A_467, %sort3A_468 = tpu.sort %min3A_464, %min3A_464 masked %sort3A_465 : (vector<16xf32>, vector<16xf32>, vector<16xi1>) -> (vector<16xi1>, vector<16xf32>, vector<16xf32>)
        %mul3A_469 = arith.constant 16 : i32
        %mul3A_470 = arith.muli %scan3A_404, %mul3A_469 : i32
        %get3A_471 = arith.constant 3 : i32
        %get3A_472 = arith.index_cast %get3A_471 : i32 to index
        %get3A_473 = arith.index_cast %mul3A_470 : i32 to index
        %get3A_474 = tpu.vector_load %arg5[%get3A_472, %get3A_473] {strides = array<i32>} : memref<16x1024xf32, #tpu.memory_space<vmem>>, vector<16xf32>,
        %sort3A_475 = arith.constant dense<true> : vector<16xi1>
        %sort3A_476, %sort3A_477, %sort3A_478 = tpu.sort %get3A_474, %get3A_474 masked %sort3A_475 : (vector<16xf32>, vector<16xf32>, vector<16xi1>) -> (vector<16xi1>, vector<16xf32>, vector<16xf32>)
        %rev3A_479 = arith.constant 15 : i32
        %rev3A_480 = vector.broadcast %rev3A_479 : i32 to vector<16xi32>
        %rev3A_481 = tpu.iota {dimensions = array<i32: 0>} : vector<16xi32>
        %rev3A_482 = arith.subi %rev3A_480, %rev3A_481 : vector<16xi32>
        %rev3A_483 = tpu.dynamic_gather %sort3A_477[%rev3A_482] in [0] : vector<16xf32>, vector<16xi32> -> vector<16xf32>
        %min3A_484 = arith.minimumf %scan3A_408, %rev3A_483 : vector<16xf32>
        %sort3A_485 = arith.constant dense<true> : vector<16xi1>
        %sort3A_486, %sort3A_487, %sort3A_488 = tpu.sort %min3A_484, %min3A_484 masked %sort3A_485 : (vector<16xf32>, vector<16xf32>, vector<16xi1>) -> (vector<16xi1>, vector<16xf32>, vector<16xf32>)
        %mul3A_489 = arith.constant 16 : i32
        %mul3A_490 = arith.muli %scan3A_404, %mul3A_489 : i32
        %get3A_491 = arith.constant 4 : i32
        %get3A_492 = arith.index_cast %get3A_491 : i32 to index
        %get3A_493 = arith.index_cast %mul3A_490 : i32 to index
        %get3A_494 = tpu.vector_load %arg5[%get3A_492, %get3A_493] {strides = array<i32>} : memref<16x1024xf32, #tpu.memory_space<vmem>>, vector<16xf32>,
        %sort3A_495 = arith.constant dense<true> : vector<16xi1>
        %sort3A_496, %sort3A_497, %sort3A_498 = tpu.sort %get3A_494, %get3A_494 masked %sort3A_495 : (vector<16xf32>, vector<16xf32>, vector<16xi1>) -> (vector<16xi1>, vector<16xf32>, vector<16xf32>)
        %rev3A_499 = arith.constant 15 : i32
        %rev3A_500 = vector.broadcast %rev3A_499 : i32 to vector<16xi32>
        %rev3A_501 = tpu.iota {dimensions = array<i32: 0>} : vector<16xi32>
        %rev3A_502 = arith.subi %rev3A_500, %rev3A_501 : vector<16xi32>
        %rev3A_503 = tpu.dynamic_gather %sort3A_497[%rev3A_502] in [0] : vector<16xf32>, vector<16xi32> -> vector<16xf32>
        %min3A_504 = arith.minimumf %scan3A_409, %rev3A_503 : vector<16xf32>
        %sort3A_505 = arith.constant dense<true> : vector<16xi1>
        %sort3A_506, %sort3A_507, %sort3A_508 = tpu.sort %min3A_504, %min3A_504 masked %sort3A_505 : (vector<16xf32>, vector<16xf32>, vector<16xi1>) -> (vector<16xi1>, vector<16xf32>, vector<16xf32>)
        %mul3A_509 = arith.constant 16 : i32
        %mul3A_510 = arith.muli %scan3A_404, %mul3A_509 : i32
        %get3A_511 = arith.constant 5 : i32
        %get3A_512 = arith.index_cast %get3A_511 : i32 to index
        %get3A_513 = arith.index_cast %mul3A_510 : i32 to index
        %get3A_514 = tpu.vector_load %arg5[%get3A_512, %get3A_513] {strides = array<i32>} : memref<16x1024xf32, #tpu.memory_space<vmem>>, vector<16xf32>,
        %sort3A_515 = arith.constant dense<true> : vector<16xi1>
        %sort3A_516, %sort3A_517, %sort3A_518 = tpu.sort %get3A_514, %get3A_514 masked %sort3A_515 : (vector<16xf32>, vector<16xf32>, vector<16xi1>) -> (vector<16xi1>, vector<16xf32>, vector<16xf32>)
        %rev3A_519 = arith.constant 15 : i32
        %rev3A_520 = vector.broadcast %rev3A_519 : i32 to vector<16xi32>
        %rev3A_521 = tpu.iota {dimensions = array<i32: 0>} : vector<16xi32>
        %rev3A_522 = arith.subi %rev3A_520, %rev3A_521 : vector<16xi32>
        %rev3A_523 = tpu.dynamic_gather %sort3A_517[%rev3A_522] in [0] : vector<16xf32>, vector<16xi32> -> vector<16xf32>
        %min3A_524 = arith.minimumf %scan3A_410, %rev3A_523 : vector<16xf32>
        %sort3A_525 = arith.constant dense<true> : vector<16xi1>
        %sort3A_526, %sort3A_527, %sort3A_528 = tpu.sort %min3A_524, %min3A_524 masked %sort3A_525 : (vector<16xf32>, vector<16xf32>, vector<16xi1>) -> (vector<16xi1>, vector<16xf32>, vector<16xf32>)
        %mul3A_529 = arith.constant 16 : i32
        %mul3A_530 = arith.muli %scan3A_404, %mul3A_529 : i32
        %get3A_531 = arith.constant 6 : i32
        %get3A_532 = arith.index_cast %get3A_531 : i32 to index
        %get3A_533 = arith.index_cast %mul3A_530 : i32 to index
        %get3A_534 = tpu.vector_load %arg5[%get3A_532, %get3A_533] {strides = array<i32>} : memref<16x1024xf32, #tpu.memory_space<vmem>>, vector<16xf32>,
        %sort3A_535 = arith.constant dense<true> : vector<16xi1>
        %sort3A_536, %sort3A_537, %sort3A_538 = tpu.sort %get3A_534, %get3A_534 masked %sort3A_535 : (vector<16xf32>, vector<16xf32>, vector<16xi1>) -> (vector<16xi1>, vector<16xf32>, vector<16xf32>)
        %rev3A_539 = arith.constant 15 : i32
        %rev3A_540 = vector.broadcast %rev3A_539 : i32 to vector<16xi32>
        %rev3A_541 = tpu.iota {dimensions = array<i32: 0>} : vector<16xi32>
        %rev3A_542 = arith.subi %rev3A_540, %rev3A_541 : vector<16xi32>
        %rev3A_543 = tpu.dynamic_gather %sort3A_537[%rev3A_542] in [0] : vector<16xf32>, vector<16xi32> -> vector<16xf32>
        %min3A_544 = arith.minimumf %scan3A_411, %rev3A_543 : vector<16xf32>
        %sort3A_545 = arith.constant dense<true> : vector<16xi1>
        %sort3A_546, %sort3A_547, %sort3A_548 = tpu.sort %min3A_544, %min3A_544 masked %sort3A_545 : (vector<16xf32>, vector<16xf32>, vector<16xi1>) -> (vector<16xi1>, vector<16xf32>, vector<16xf32>)
        %mul3A_549 = arith.constant 16 : i32
        %mul3A_550 = arith.muli %scan3A_404, %mul3A_549 : i32
        %get3A_551 = arith.constant 7 : i32
        %get3A_552 = arith.index_cast %get3A_551 : i32 to index
        %get3A_553 = arith.index_cast %mul3A_550 : i32 to index
        %get3A_554 = tpu.vector_load %arg5[%get3A_552, %get3A_553] {strides = array<i32>} : memref<16x1024xf32, #tpu.memory_space<vmem>>, vector<16xf32>,
        %sort3A_555 = arith.constant dense<true> : vector<16xi1>
        %sort3A_556, %sort3A_557, %sort3A_558 = tpu.sort %get3A_554, %get3A_554 masked %sort3A_555 : (vector<16xf32>, vector<16xf32>, vector<16xi1>) -> (vector<16xi1>, vector<16xf32>, vector<16xf32>)
        %rev3A_559 = arith.constant 15 : i32
        %rev3A_560 = vector.broadcast %rev3A_559 : i32 to vector<16xi32>
        %rev3A_561 = tpu.iota {dimensions = array<i32: 0>} : vector<16xi32>
        %rev3A_562 = arith.subi %rev3A_560, %rev3A_561 : vector<16xi32>
        %rev3A_563 = tpu.dynamic_gather %sort3A_557[%rev3A_562] in [0] : vector<16xf32>, vector<16xi32> -> vector<16xf32>
        %min3A_564 = arith.minimumf %scan3A_412, %rev3A_563 : vector<16xf32>
        %sort3A_565 = arith.constant dense<true> : vector<16xi1>
        %sort3A_566, %sort3A_567, %sort3A_568 = tpu.sort %min3A_564, %min3A_564 masked %sort3A_565 : (vector<16xf32>, vector<16xf32>, vector<16xi1>) -> (vector<16xi1>, vector<16xf32>, vector<16xf32>)
        scf.yield %sort3A_427, %sort3A_447, %sort3A_467, %sort3A_487, %sort3A_507, %sort3A_527, %sort3A_547, %sort3A_567 : vector<16xf32>, vector<16xf32>, vector<16xf32>, vector<16xf32>, vector<16xf32>, vector<16xf32>, vector<16xf32>, vector<16xf32>
      }
      %scan3A_234 = arith.constant 64 : i32
      %eq3A_235 = arith.constant 0 : i32
      %eq3A_236 = vector.broadcast %eq3A_235 : i32 to vector<16xi32>
      %eq3A_237 = arith.cmpi eq, %iota3A, %eq3A_236 : vector<16xi32>
      %reduce_max3A_238 = arith.constant true
      %reduce_max3A_239 = vector.broadcast %reduce_max3A_238 : i1 to vector<16xi1>
      %reduce_max3A_240 = tpu.scan <max>, %scan3A_233#0 masked %reduce_max3A_239 : vector<16xf32>, vector<16xi1> -> vector<16xf32>
      %reduce_max3A_241 = vector.extract %reduce_max3A_240[15] : f32 from vector<16xf32>
      %broadcast_in_dim3A_242 = vector.broadcast %reduce_max3A_241 : f32 to vector<16xf32>
      %select_n3A_243 = arith.select %eq3A_237, %broadcast_in_dim3A_242, %broadcast_in_dim3A_220 : vector<16xi1>, vector<16xf32>
      %eq3A_244 = arith.constant 1 : i32
      %eq3A_245 = vector.broadcast %eq3A_244 : i32 to vector<16xi32>
      %eq3A_246 = arith.cmpi eq, %iota3A, %eq3A_245 : vector<16xi32>
      %reduce_max3A_247 = arith.constant true
      %reduce_max3A_248 = vector.broadcast %reduce_max3A_247 : i1 to vector<16xi1>
      %reduce_max3A_249 = tpu.scan <max>, %scan3A_233#1 masked %reduce_max3A_248 : vector<16xf32>, vector<16xi1> -> vector<16xf32>
      %reduce_max3A_250 = vector.extract %reduce_max3A_249[15] : f32 from vector<16xf32>
      %broadcast_in_dim3A_251 = vector.broadcast %reduce_max3A_250 : f32 to vector<16xf32>
      %select_n3A_252 = arith.select %eq3A_246, %broadcast_in_dim3A_251, %select_n3A_243 : vector<16xi1>, vector<16xf32>
      %eq3A_253 = arith.constant 2 : i32
      %eq3A_254 = vector.broadcast %eq3A_253 : i32 to vector<16xi32>
      %eq3A_255 = arith.cmpi eq, %iota3A, %eq3A_254 : vector<16xi32>
      %reduce_max3A_256 = arith.constant true
      %reduce_max3A_257 = vector.broadcast %reduce_max3A_256 : i1 to vector<16xi1>
      %reduce_max3A_258 = tpu.scan <max>, %scan3A_233#2 masked %reduce_max3A_257 : vector<16xf32>, vector<16xi1> -> vector<16xf32>
      %reduce_max3A_259 = vector.extract %reduce_max3A_258[15] : f32 from vector<16xf32>
      %broadcast_in_dim3A_260 = vector.broadcast %reduce_max3A_259 : f32 to vector<16xf32>
      %select_n3A_261 = arith.select %eq3A_255, %broadcast_in_dim3A_260, %select_n3A_252 : vector<16xi1>, vector<16xf32>
      %eq3A_262 = arith.constant 3 : i32
      %eq3A_263 = vector.broadcast %eq3A_262 : i32 to vector<16xi32>
      %eq3A_264 = arith.cmpi eq, %iota3A, %eq3A_263 : vector<16xi32>
      %reduce_max3A_265 = arith.constant true
      %reduce_max3A_266 = vector.broadcast %reduce_max3A_265 : i1 to vector<16xi1>
      %reduce_max3A_267 = tpu.scan <max>, %scan3A_233#3 masked %reduce_max3A_266 : vector<16xf32>, vector<16xi1> -> vector<16xf32>
      %reduce_max3A_268 = vector.extract %reduce_max3A_267[15] : f32 from vector<16xf32>
      %broadcast_in_dim3A_269 = vector.broadcast %reduce_max3A_268 : f32 to vector<16xf32>
      %select_n3A_270 = arith.select %eq3A_264, %broadcast_in_dim3A_269, %select_n3A_261 : vector<16xi1>, vector<16xf32>
      %eq3A_271 = arith.constant 4 : i32
      %eq3A_272 = vector.broadcast %eq3A_271 : i32 to vector<16xi32>
      %eq3A_273 = arith.cmpi eq, %iota3A, %eq3A_272 : vector<16xi32>
      %reduce_max3A_274 = arith.constant true
      %reduce_max3A_275 = vector.broadcast %reduce_max3A_274 : i1 to vector<16xi1>
      %reduce_max3A_276 = tpu.scan <max>, %scan3A_233#4 masked %reduce_max3A_275 : vector<16xf32>, vector<16xi1> -> vector<16xf32>
      %reduce_max3A_277 = vector.extract %reduce_max3A_276[15] : f32 from vector<16xf32>
      %broadcast_in_dim3A_278 = vector.broadcast %reduce_max3A_277 : f32 to vector<16xf32>
      %select_n3A_279 = arith.select %eq3A_273, %broadcast_in_dim3A_278, %select_n3A_270 : vector<16xi1>, vector<16xf32>
      %eq3A_280 = arith.constant 5 : i32
      %eq3A_281 = vector.broadcast %eq3A_280 : i32 to vector<16xi32>
      %eq3A_282 = arith.cmpi eq, %iota3A, %eq3A_281 : vector<16xi32>
      %reduce_max3A_283 = arith.constant true
      %reduce_max3A_284 = vector.broadcast %reduce_max3A_283 : i1 to vector<16xi1>
      %reduce_max3A_285 = tpu.scan <max>, %scan3A_233#5 masked %reduce_max3A_284 : vector<16xf32>, vector<16xi1> -> vector<16xf32>
      %reduce_max3A_286 = vector.extract %reduce_max3A_285[15] : f32 from vector<16xf32>
      %broadcast_in_dim3A_287 = vector.broadcast %reduce_max3A_286 : f32 to vector<16xf32>
      %select_n3A_288 = arith.select %eq3A_282, %broadcast_in_dim3A_287, %select_n3A_279 : vector<16xi1>, vector<16xf32>
      %eq3A_289 = arith.constant 6 : i32
      %eq3A_290 = vector.broadcast %eq3A_289 : i32 to vector<16xi32>
      %eq3A_291 = arith.cmpi eq, %iota3A, %eq3A_290 : vector<16xi32>
      %reduce_max3A_292 = arith.constant true
      %reduce_max3A_293 = vector.broadcast %reduce_max3A_292 : i1 to vector<16xi1>
      %reduce_max3A_294 = tpu.scan <max>, %scan3A_233#6 masked %reduce_max3A_293 : vector<16xf32>, vector<16xi1> -> vector<16xf32>
      %reduce_max3A_295 = vector.extract %reduce_max3A_294[15] : f32 from vector<16xf32>
      %broadcast_in_dim3A_296 = vector.broadcast %reduce_max3A_295 : f32 to vector<16xf32>
      %select_n3A_297 = arith.select %eq3A_291, %broadcast_in_dim3A_296, %select_n3A_288 : vector<16xi1>, vector<16xf32>
      %eq3A_298 = arith.constant 7 : i32
      %eq3A_299 = vector.broadcast %eq3A_298 : i32 to vector<16xi32>
      %eq3A_300 = arith.cmpi eq, %iota3A, %eq3A_299 : vector<16xi32>
      %reduce_max3A_301 = arith.constant true
      %reduce_max3A_302 = vector.broadcast %reduce_max3A_301 : i1 to vector<16xi1>
      %reduce_max3A_303 = tpu.scan <max>, %scan3A_233#7 masked %reduce_max3A_302 : vector<16xf32>, vector<16xi1> -> vector<16xf32>
      %reduce_max3A_304 = vector.extract %reduce_max3A_303[15] : f32 from vector<16xf32>
      %broadcast_in_dim3A_305 = vector.broadcast %reduce_max3A_304 : f32 to vector<16xf32>
      %select_n3A_306 = arith.select %eq3A_300, %broadcast_in_dim3A_305, %select_n3A_297 : vector<16xi1>, vector<16xf32>
      %broadcast_in_dim3A_307 = vector.broadcast %scan3A_16 : f32 to vector<16xf32>
      %broadcast_in_dim3A_308 = vector.broadcast %scan3A_16 : f32 to vector<16xf32>
      %broadcast_in_dim3A_309 = vector.broadcast %scan3A_16 : f32 to vector<16xf32>
      %broadcast_in_dim3A_310 = vector.broadcast %scan3A_16 : f32 to vector<16xf32>
      %broadcast_in_dim3A_311 = vector.broadcast %scan3A_16 : f32 to vector<16xf32>
      %broadcast_in_dim3A_312 = vector.broadcast %scan3A_16 : f32 to vector<16xf32>
      %broadcast_in_dim3A_313 = vector.broadcast %scan3A_16 : f32 to vector<16xf32>
      %broadcast_in_dim3A_314 = vector.broadcast %scan3A_16 : f32 to vector<16xf32>
      %scan3A_315 = arith.constant 0 : i32
      %scan3A_316 = arith.constant 64 : i32
      %scan3A_317 = arith.addi %scan3A_315, %scan3A_316 : i32
      %scan3A_318 = arith.constant 1 : i32
      %scan3A_319:8 = scf.for %scan3A_404 = %scan3A_315 to %scan3A_317 step %scan3A_318 iter_args(%scan3A_405 = %broadcast_in_dim3A_307, %scan3A_406 = %broadcast_in_dim3A_308, %scan3A_407 = %broadcast_in_dim3A_309, %scan3A_408 = %broadcast_in_dim3A_310, %scan3A_409 = %broadcast_in_dim3A_311, %scan3A_410 = %broadcast_in_dim3A_312, %scan3A_411 = %broadcast_in_dim3A_313, %scan3A_412 = %broadcast_in_dim3A_314) -> (vector<16xf32>, vector<16xf32>, vector<16xf32>, vector<16xf32>, vector<16xf32>, vector<16xf32>, vector<16xf32>, vector<16xf32>)  : i32 {
        %mul3A_413 = arith.constant 16 : i32
        %mul3A_414 = arith.muli %scan3A_404, %mul3A_413 : i32
        %get3A = arith.constant 8 : i32
        %get3A_415 = arith.index_cast %get3A : i32 to index
        %get3A_416 = arith.index_cast %mul3A_414 : i32 to index
        %get3A_417 = tpu.vector_load %arg5[%get3A_415, %get3A_416] {strides = array<i32>} : memref<16x1024xf32, #tpu.memory_space<vmem>>, vector<16xf32>,
        %sort3A = arith.constant dense<true> : vector<16xi1>
        %sort3A_418, %sort3A_419, %sort3A_420 = tpu.sort %get3A_417, %get3A_417 masked %sort3A : (vector<16xf32>, vector<16xf32>, vector<16xi1>) -> (vector<16xi1>, vector<16xf32>, vector<16xf32>)
        %rev3A = arith.constant 15 : i32
        %rev3A_421 = vector.broadcast %rev3A : i32 to vector<16xi32>
        %rev3A_422 = tpu.iota {dimensions = array<i32: 0>} : vector<16xi32>
        %rev3A_423 = arith.subi %rev3A_421, %rev3A_422 : vector<16xi32>
        %rev3A_424 = tpu.dynamic_gather %sort3A_419[%rev3A_423] in [0] : vector<16xf32>, vector<16xi32> -> vector<16xf32>
        %min3A = arith.minimumf %scan3A_405, %rev3A_424 : vector<16xf32>
        %sort3A_425 = arith.constant dense<true> : vector<16xi1>
        %sort3A_426, %sort3A_427, %sort3A_428 = tpu.sort %min3A, %min3A masked %sort3A_425 : (vector<16xf32>, vector<16xf32>, vector<16xi1>) -> (vector<16xi1>, vector<16xf32>, vector<16xf32>)
        %mul3A_429 = arith.constant 16 : i32
        %mul3A_430 = arith.muli %scan3A_404, %mul3A_429 : i32
        %get3A_431 = arith.constant 9 : i32
        %get3A_432 = arith.index_cast %get3A_431 : i32 to index
        %get3A_433 = arith.index_cast %mul3A_430 : i32 to index
        %get3A_434 = tpu.vector_load %arg5[%get3A_432, %get3A_433] {strides = array<i32>} : memref<16x1024xf32, #tpu.memory_space<vmem>>, vector<16xf32>,
        %sort3A_435 = arith.constant dense<true> : vector<16xi1>
        %sort3A_436, %sort3A_437, %sort3A_438 = tpu.sort %get3A_434, %get3A_434 masked %sort3A_435 : (vector<16xf32>, vector<16xf32>, vector<16xi1>) -> (vector<16xi1>, vector<16xf32>, vector<16xf32>)
        %rev3A_439 = arith.constant 15 : i32
        %rev3A_440 = vector.broadcast %rev3A_439 : i32 to vector<16xi32>
        %rev3A_441 = tpu.iota {dimensions = array<i32: 0>} : vector<16xi32>
        %rev3A_442 = arith.subi %rev3A_440, %rev3A_441 : vector<16xi32>
        %rev3A_443 = tpu.dynamic_gather %sort3A_437[%rev3A_442] in [0] : vector<16xf32>, vector<16xi32> -> vector<16xf32>
        %min3A_444 = arith.minimumf %scan3A_406, %rev3A_443 : vector<16xf32>
        %sort3A_445 = arith.constant dense<true> : vector<16xi1>
        %sort3A_446, %sort3A_447, %sort3A_448 = tpu.sort %min3A_444, %min3A_444 masked %sort3A_445 : (vector<16xf32>, vector<16xf32>, vector<16xi1>) -> (vector<16xi1>, vector<16xf32>, vector<16xf32>)
        %mul3A_449 = arith.constant 16 : i32
        %mul3A_450 = arith.muli %scan3A_404, %mul3A_449 : i32
        %get3A_451 = arith.constant 10 : i32
        %get3A_452 = arith.index_cast %get3A_451 : i32 to index
        %get3A_453 = arith.index_cast %mul3A_450 : i32 to index
        %get3A_454 = tpu.vector_load %arg5[%get3A_452, %get3A_453] {strides = array<i32>} : memref<16x1024xf32, #tpu.memory_space<vmem>>, vector<16xf32>,
        %sort3A_455 = arith.constant dense<true> : vector<16xi1>
        %sort3A_456, %sort3A_457, %sort3A_458 = tpu.sort %get3A_454, %get3A_454 masked %sort3A_455 : (vector<16xf32>, vector<16xf32>, vector<16xi1>) -> (vector<16xi1>, vector<16xf32>, vector<16xf32>)
        %rev3A_459 = arith.constant 15 : i32
        %rev3A_460 = vector.broadcast %rev3A_459 : i32 to vector<16xi32>
        %rev3A_461 = tpu.iota {dimensions = array<i32: 0>} : vector<16xi32>
        %rev3A_462 = arith.subi %rev3A_460, %rev3A_461 : vector<16xi32>
        %rev3A_463 = tpu.dynamic_gather %sort3A_457[%rev3A_462] in [0] : vector<16xf32>, vector<16xi32> -> vector<16xf32>
        %min3A_464 = arith.minimumf %scan3A_407, %rev3A_463 : vector<16xf32>
        %sort3A_465 = arith.constant dense<true> : vector<16xi1>
        %sort3A_466, %sort3A_467, %sort3A_468 = tpu.sort %min3A_464, %min3A_464 masked %sort3A_465 : (vector<16xf32>, vector<16xf32>, vector<16xi1>) -> (vector<16xi1>, vector<16xf32>, vector<16xf32>)
        %mul3A_469 = arith.constant 16 : i32
        %mul3A_470 = arith.muli %scan3A_404, %mul3A_469 : i32
        %get3A_471 = arith.constant 11 : i32
        %get3A_472 = arith.index_cast %get3A_471 : i32 to index
        %get3A_473 = arith.index_cast %mul3A_470 : i32 to index
        %get3A_474 = tpu.vector_load %arg5[%get3A_472, %get3A_473] {strides = array<i32>} : memref<16x1024xf32, #tpu.memory_space<vmem>>, vector<16xf32>,
        %sort3A_475 = arith.constant dense<true> : vector<16xi1>
        %sort3A_476, %sort3A_477, %sort3A_478 = tpu.sort %get3A_474, %get3A_474 masked %sort3A_475 : (vector<16xf32>, vector<16xf32>, vector<16xi1>) -> (vector<16xi1>, vector<16xf32>, vector<16xf32>)
        %rev3A_479 = arith.constant 15 : i32
        %rev3A_480 = vector.broadcast %rev3A_479 : i32 to vector<16xi32>
        %rev3A_481 = tpu.iota {dimensions = array<i32: 0>} : vector<16xi32>
        %rev3A_482 = arith.subi %rev3A_480, %rev3A_481 : vector<16xi32>
        %rev3A_483 = tpu.dynamic_gather %sort3A_477[%rev3A_482] in [0] : vector<16xf32>, vector<16xi32> -> vector<16xf32>
        %min3A_484 = arith.minimumf %scan3A_408, %rev3A_483 : vector<16xf32>
        %sort3A_485 = arith.constant dense<true> : vector<16xi1>
        %sort3A_486, %sort3A_487, %sort3A_488 = tpu.sort %min3A_484, %min3A_484 masked %sort3A_485 : (vector<16xf32>, vector<16xf32>, vector<16xi1>) -> (vector<16xi1>, vector<16xf32>, vector<16xf32>)
        %mul3A_489 = arith.constant 16 : i32
        %mul3A_490 = arith.muli %scan3A_404, %mul3A_489 : i32
        %get3A_491 = arith.constant 12 : i32
        %get3A_492 = arith.index_cast %get3A_491 : i32 to index
        %get3A_493 = arith.index_cast %mul3A_490 : i32 to index
        %get3A_494 = tpu.vector_load %arg5[%get3A_492, %get3A_493] {strides = array<i32>} : memref<16x1024xf32, #tpu.memory_space<vmem>>, vector<16xf32>,
        %sort3A_495 = arith.constant dense<true> : vector<16xi1>
        %sort3A_496, %sort3A_497, %sort3A_498 = tpu.sort %get3A_494, %get3A_494 masked %sort3A_495 : (vector<16xf32>, vector<16xf32>, vector<16xi1>) -> (vector<16xi1>, vector<16xf32>, vector<16xf32>)
        %rev3A_499 = arith.constant 15 : i32
        %rev3A_500 = vector.broadcast %rev3A_499 : i32 to vector<16xi32>
        %rev3A_501 = tpu.iota {dimensions = array<i32: 0>} : vector<16xi32>
        %rev3A_502 = arith.subi %rev3A_500, %rev3A_501 : vector<16xi32>
        %rev3A_503 = tpu.dynamic_gather %sort3A_497[%rev3A_502] in [0] : vector<16xf32>, vector<16xi32> -> vector<16xf32>
        %min3A_504 = arith.minimumf %scan3A_409, %rev3A_503 : vector<16xf32>
        %sort3A_505 = arith.constant dense<true> : vector<16xi1>
        %sort3A_506, %sort3A_507, %sort3A_508 = tpu.sort %min3A_504, %min3A_504 masked %sort3A_505 : (vector<16xf32>, vector<16xf32>, vector<16xi1>) -> (vector<16xi1>, vector<16xf32>, vector<16xf32>)
        %mul3A_509 = arith.constant 16 : i32
        %mul3A_510 = arith.muli %scan3A_404, %mul3A_509 : i32
        %get3A_511 = arith.constant 13 : i32
        %get3A_512 = arith.index_cast %get3A_511 : i32 to index
        %get3A_513 = arith.index_cast %mul3A_510 : i32 to index
        %get3A_514 = tpu.vector_load %arg5[%get3A_512, %get3A_513] {strides = array<i32>} : memref<16x1024xf32, #tpu.memory_space<vmem>>, vector<16xf32>,
        %sort3A_515 = arith.constant dense<true> : vector<16xi1>
        %sort3A_516, %sort3A_517, %sort3A_518 = tpu.sort %get3A_514, %get3A_514 masked %sort3A_515 : (vector<16xf32>, vector<16xf32>, vector<16xi1>) -> (vector<16xi1>, vector<16xf32>, vector<16xf32>)
        %rev3A_519 = arith.constant 15 : i32
        %rev3A_520 = vector.broadcast %rev3A_519 : i32 to vector<16xi32>
        %rev3A_521 = tpu.iota {dimensions = array<i32: 0>} : vector<16xi32>
        %rev3A_522 = arith.subi %rev3A_520, %rev3A_521 : vector<16xi32>
        %rev3A_523 = tpu.dynamic_gather %sort3A_517[%rev3A_522] in [0] : vector<16xf32>, vector<16xi32> -> vector<16xf32>
        %min3A_524 = arith.minimumf %scan3A_410, %rev3A_523 : vector<16xf32>
        %sort3A_525 = arith.constant dense<true> : vector<16xi1>
        %sort3A_526, %sort3A_527, %sort3A_528 = tpu.sort %min3A_524, %min3A_524 masked %sort3A_525 : (vector<16xf32>, vector<16xf32>, vector<16xi1>) -> (vector<16xi1>, vector<16xf32>, vector<16xf32>)
        %mul3A_529 = arith.constant 16 : i32
        %mul3A_530 = arith.muli %scan3A_404, %mul3A_529 : i32
        %get3A_531 = arith.constant 14 : i32
        %get3A_532 = arith.index_cast %get3A_531 : i32 to index
        %get3A_533 = arith.index_cast %mul3A_530 : i32 to index
        %get3A_534 = tpu.vector_load %arg5[%get3A_532, %get3A_533] {strides = array<i32>} : memref<16x1024xf32, #tpu.memory_space<vmem>>, vector<16xf32>,
        %sort3A_535 = arith.constant dense<true> : vector<16xi1>
        %sort3A_536, %sort3A_537, %sort3A_538 = tpu.sort %get3A_534, %get3A_534 masked %sort3A_535 : (vector<16xf32>, vector<16xf32>, vector<16xi1>) -> (vector<16xi1>, vector<16xf32>, vector<16xf32>)
        %rev3A_539 = arith.constant 15 : i32
        %rev3A_540 = vector.broadcast %rev3A_539 : i32 to vector<16xi32>
        %rev3A_541 = tpu.iota {dimensions = array<i32: 0>} : vector<16xi32>
        %rev3A_542 = arith.subi %rev3A_540, %rev3A_541 : vector<16xi32>
        %rev3A_543 = tpu.dynamic_gather %sort3A_537[%rev3A_542] in [0] : vector<16xf32>, vector<16xi32> -> vector<16xf32>
        %min3A_544 = arith.minimumf %scan3A_411, %rev3A_543 : vector<16xf32>
        %sort3A_545 = arith.constant dense<true> : vector<16xi1>
        %sort3A_546, %sort3A_547, %sort3A_548 = tpu.sort %min3A_544, %min3A_544 masked %sort3A_545 : (vector<16xf32>, vector<16xf32>, vector<16xi1>) -> (vector<16xi1>, vector<16xf32>, vector<16xf32>)
        %mul3A_549 = arith.constant 16 : i32
        %mul3A_550 = arith.muli %scan3A_404, %mul3A_549 : i32
        %get3A_551 = arith.constant 15 : i32
        %get3A_552 = arith.index_cast %get3A_551 : i32 to index
        %get3A_553 = arith.index_cast %mul3A_550 : i32 to index
        %get3A_554 = tpu.vector_load %arg5[%get3A_552, %get3A_553] {strides = array<i32>} : memref<16x1024xf32, #tpu.memory_space<vmem>>, vector<16xf32>,
        %sort3A_555 = arith.constant dense<true> : vector<16xi1>
        %sort3A_556, %sort3A_557, %sort3A_558 = tpu.sort %get3A_554, %get3A_554 masked %sort3A_555 : (vector<16xf32>, vector<16xf32>, vector<16xi1>) -> (vector<16xi1>, vector<16xf32>, vector<16xf32>)
        %rev3A_559 = arith.constant 15 : i32
        %rev3A_560 = vector.broadcast %rev3A_559 : i32 to vector<16xi32>
        %rev3A_561 = tpu.iota {dimensions = array<i32: 0>} : vector<16xi32>
        %rev3A_562 = arith.subi %rev3A_560, %rev3A_561 : vector<16xi32>
        %rev3A_563 = tpu.dynamic_gather %sort3A_557[%rev3A_562] in [0] : vector<16xf32>, vector<16xi32> -> vector<16xf32>
        %min3A_564 = arith.minimumf %scan3A_412, %rev3A_563 : vector<16xf32>
        %sort3A_565 = arith.constant dense<true> : vector<16xi1>
        %sort3A_566, %sort3A_567, %sort3A_568 = tpu.sort %min3A_564, %min3A_564 masked %sort3A_565 : (vector<16xf32>, vector<16xf32>, vector<16xi1>) -> (vector<16xi1>, vector<16xf32>, vector<16xf32>)
        scf.yield %sort3A_427, %sort3A_447, %sort3A_467, %sort3A_487, %sort3A_507, %sort3A_527, %sort3A_547, %sort3A_567 : vector<16xf32>, vector<16xf32>, vector<16xf32>, vector<16xf32>, vector<16xf32>, vector<16xf32>, vector<16xf32>, vector<16xf32>
      }
      %scan3A_320 = arith.constant 64 : i32
      %eq3A_321 = arith.constant 8 : i32
      %eq3A_322 = vector.broadcast %eq3A_321 : i32 to vector<16xi32>
      %eq3A_323 = arith.cmpi eq, %iota3A, %eq3A_322 : vector<16xi32>
      %reduce_max3A_324 = arith.constant true
      %reduce_max3A_325 = vector.broadcast %reduce_max3A_324 : i1 to vector<16xi1>
      %reduce_max3A_326 = tpu.scan <max>, %scan3A_319#0 masked %reduce_max3A_325 : vector<16xf32>, vector<16xi1> -> vector<16xf32>
      %reduce_max3A_327 = vector.extract %reduce_max3A_326[15] : f32 from vector<16xf32>
      %broadcast_in_dim3A_328 = vector.broadcast %reduce_max3A_327 : f32 to vector<16xf32>
      %select_n3A_329 = arith.select %eq3A_323, %broadcast_in_dim3A_328, %select_n3A_306 : vector<16xi1>, vector<16xf32>
      %eq3A_330 = arith.constant 9 : i32
      %eq3A_331 = vector.broadcast %eq3A_330 : i32 to vector<16xi32>
      %eq3A_332 = arith.cmpi eq, %iota3A, %eq3A_331 : vector<16xi32>
      %reduce_max3A_333 = arith.constant true
      %reduce_max3A_334 = vector.broadcast %reduce_max3A_333 : i1 to vector<16xi1>
      %reduce_max3A_335 = tpu.scan <max>, %scan3A_319#1 masked %reduce_max3A_334 : vector<16xf32>, vector<16xi1> -> vector<16xf32>
      %reduce_max3A_336 = vector.extract %reduce_max3A_335[15] : f32 from vector<16xf32>
      %broadcast_in_dim3A_337 = vector.broadcast %reduce_max3A_336 : f32 to vector<16xf32>
      %select_n3A_338 = arith.select %eq3A_332, %broadcast_in_dim3A_337, %select_n3A_329 : vector<16xi1>, vector<16xf32>
      %eq3A_339 = arith.constant 10 : i32
      %eq3A_340 = vector.broadcast %eq3A_339 : i32 to vector<16xi32>
      %eq3A_341 = arith.cmpi eq, %iota3A, %eq3A_340 : vector<16xi32>
      %reduce_max3A_342 = arith.constant true
      %reduce_max3A_343 = vector.broadcast %reduce_max3A_342 : i1 to vector<16xi1>
      %reduce_max3A_344 = tpu.scan <max>, %scan3A_319#2 masked %reduce_max3A_343 : vector<16xf32>, vector<16xi1> -> vector<16xf32>
      %reduce_max3A_345 = vector.extract %reduce_max3A_344[15] : f32 from vector<16xf32>
      %broadcast_in_dim3A_346 = vector.broadcast %reduce_max3A_345 : f32 to vector<16xf32>
      %select_n3A_347 = arith.select %eq3A_341, %broadcast_in_dim3A_346, %select_n3A_338 : vector<16xi1>, vector<16xf32>
      %eq3A_348 = arith.constant 11 : i32
      %eq3A_349 = vector.broadcast %eq3A_348 : i32 to vector<16xi32>
      %eq3A_350 = arith.cmpi eq, %iota3A, %eq3A_349 : vector<16xi32>
      %reduce_max3A_351 = arith.constant true
      %reduce_max3A_352 = vector.broadcast %reduce_max3A_351 : i1 to vector<16xi1>
      %reduce_max3A_353 = tpu.scan <max>, %scan3A_319#3 masked %reduce_max3A_352 : vector<16xf32>, vector<16xi1> -> vector<16xf32>
      %reduce_max3A_354 = vector.extract %reduce_max3A_353[15] : f32 from vector<16xf32>
      %broadcast_in_dim3A_355 = vector.broadcast %reduce_max3A_354 : f32 to vector<16xf32>
      %select_n3A_356 = arith.select %eq3A_350, %broadcast_in_dim3A_355, %select_n3A_347 : vector<16xi1>, vector<16xf32>
      %eq3A_357 = arith.constant 12 : i32
      %eq3A_358 = vector.broadcast %eq3A_357 : i32 to vector<16xi32>
      %eq3A_359 = arith.cmpi eq, %iota3A, %eq3A_358 : vector<16xi32>
      %reduce_max3A_360 = arith.constant true
      %reduce_max3A_361 = vector.broadcast %reduce_max3A_360 : i1 to vector<16xi1>
      %reduce_max3A_362 = tpu.scan <max>, %scan3A_319#4 masked %reduce_max3A_361 : vector<16xf32>, vector<16xi1> -> vector<16xf32>
      %reduce_max3A_363 = vector.extract %reduce_max3A_362[15] : f32 from vector<16xf32>
      %broadcast_in_dim3A_364 = vector.broadcast %reduce_max3A_363 : f32 to vector<16xf32>
      %select_n3A_365 = arith.select %eq3A_359, %broadcast_in_dim3A_364, %select_n3A_356 : vector<16xi1>, vector<16xf32>
      %eq3A_366 = arith.constant 13 : i32
      %eq3A_367 = vector.broadcast %eq3A_366 : i32 to vector<16xi32>
      %eq3A_368 = arith.cmpi eq, %iota3A, %eq3A_367 : vector<16xi32>
      %reduce_max3A_369 = arith.constant true
      %reduce_max3A_370 = vector.broadcast %reduce_max3A_369 : i1 to vector<16xi1>
      %reduce_max3A_371 = tpu.scan <max>, %scan3A_319#5 masked %reduce_max3A_370 : vector<16xf32>, vector<16xi1> -> vector<16xf32>
      %reduce_max3A_372 = vector.extract %reduce_max3A_371[15] : f32 from vector<16xf32>
      %broadcast_in_dim3A_373 = vector.broadcast %reduce_max3A_372 : f32 to vector<16xf32>
      %select_n3A_374 = arith.select %eq3A_368, %broadcast_in_dim3A_373, %select_n3A_365 : vector<16xi1>, vector<16xf32>
      %eq3A_375 = arith.constant 14 : i32
      %eq3A_376 = vector.broadcast %eq3A_375 : i32 to vector<16xi32>
      %eq3A_377 = arith.cmpi eq, %iota3A, %eq3A_376 : vector<16xi32>
      %reduce_max3A_378 = arith.constant true
      %reduce_max3A_379 = vector.broadcast %reduce_max3A_378 : i1 to vector<16xi1>
      %reduce_max3A_380 = tpu.scan <max>, %scan3A_319#6 masked %reduce_max3A_379 : vector<16xf32>, vector<16xi1> -> vector<16xf32>
      %reduce_max3A_381 = vector.extract %reduce_max3A_380[15] : f32 from vector<16xf32>
      %broadcast_in_dim3A_382 = vector.broadcast %reduce_max3A_381 : f32 to vector<16xf32>
      %select_n3A_383 = arith.select %eq3A_377, %broadcast_in_dim3A_382, %select_n3A_374 : vector<16xi1>, vector<16xf32>
      %eq3A_384 = arith.constant 15 : i32
      %eq3A_385 = vector.broadcast %eq3A_384 : i32 to vector<16xi32>
      %eq3A_386 = arith.cmpi eq, %iota3A, %eq3A_385 : vector<16xi32>
      %reduce_max3A_387 = arith.constant true
      %reduce_max3A_388 = vector.broadcast %reduce_max3A_387 : i1 to vector<16xi1>
      %reduce_max3A_389 = tpu.scan <max>, %scan3A_319#7 masked %reduce_max3A_388 : vector<16xf32>, vector<16xi1> -> vector<16xf32>
      %reduce_max3A_390 = vector.extract %reduce_max3A_389[15] : f32 from vector<16xf32>
      %broadcast_in_dim3A_391 = vector.broadcast %reduce_max3A_390 : f32 to vector<16xf32>
      %select_n3A_392 = arith.select %eq3A_386, %broadcast_in_dim3A_391, %select_n3A_383 : vector<16xi1>, vector<16xf32>
      %mul3A_393 = arith.constant 16 : i32
      %mul3A_394 = arith.muli %add3A_218, %mul3A_393 : i32
      %swap3A_395 = arith.index_cast %mul3A_394 : i32 to index
      %swap3A_396 = tpu.vector_load %arg6[%swap3A_395] {strides = array<i32>} : memref<256xf32, #tpu.memory_space<vmem>>, vector<16xf32>,
      tpu.vector_store %arg6[%swap3A_395], %select_n3A_392 {strides = array<i32>} : memref<256xf32, #tpu.memory_space<vmem>>, vector<16xf32>,
      %add3A_397 = arith.constant 3 : i32
      %add3A_398 = arith.addi %mul3A_24, %add3A_397 : i32
      %lt3A_399 = arith.constant 16 : i32
      %lt3A_400 = arith.cmpi slt, %add3A_398, %lt3A_399 : i32
      %convert_element_type3A_401 = arith.extui %lt3A_400 : i1 to i32
      %cond3A_402 = arith.constant 0 : i32
      %cond3A_403 = arith.cmpi ne, %convert_element_type3A_401, %cond3A_402 : i32
      scf.if %cond3A_403 {
        %add3A_404 = arith.constant 3 : i32
        %add3A_405 = arith.addi %mul3A_24, %add3A_404 : i32
        %mul3A_406 = arith.constant 16 : i32
        %mul3A_407 = arith.muli %add3A_405, %mul3A_406 : i32
        %add3A_408 = arith.addi %add3A_4, %mul3A_407 : i32
        %dma_start3A_409 = arith.constant 0 : i32
        %dma_start3A_410 = tpu.memref_slice %arg2[%add3A_408, %dma_start3A_409] : memref<16384x1024xf32, #tpu.memory_space<hbm>> -> memref<16x1024xf32, #tpu.memory_space<hbm>>
        %dma_start3A_411 = arith.constant 0 : i32
        %dma_start3A_412 = tpu.memref_slice %arg2[%add3A_408, %dma_start3A_411] : memref<16384x1024xf32, #tpu.memory_space<hbm>> -> memref<16x1024xf32, #tpu.memory_space<hbm>>
        tpu.enqueue_dma source(%dma_start3A_412 : memref<16x1024xf32, #tpu.memory_space<hbm>>) target(%arg5 : memref<16x1024xf32, #tpu.memory_space<vmem>>) target_semaphore(%arg8 : memref<!tpu.dma_semaphore, #tpu.memory_space<semaphore_mem>>)
      } else {
      }
    }
    %scan3A_21 = arith.constant 8 : i32
    "tpu.region"() ({
      %run_scoped3A = tpu.sem_alloc : memref<!tpu.dma_semaphore, #tpu.memory_space<semaphore_mem>>
      %dma_start3A_22 = tpu.memref_slice %arg3[%mul3A_2] : memref<8192xf32, #tpu.memory_space<hbm>> -> memref<256xf32, #tpu.memory_space<hbm>>
      %dma_start3A_23 = tpu.memref_slice %arg3[%mul3A_2] : memref<8192xf32, #tpu.memory_space<hbm>> -> memref<256xf32, #tpu.memory_space<hbm>>
      tpu.enqueue_dma source(%arg6 : memref<256xf32, #tpu.memory_space<vmem>>) target(%dma_start3A_23 : memref<256xf32, #tpu.memory_space<hbm>>) target_semaphore(%run_scoped3A : memref<!tpu.dma_semaphore, #tpu.memory_space<semaphore_mem>>)
      %dma_wait3A = tpu.memref_slice %arg3[%mul3A_2] : memref<8192xf32, #tpu.memory_space<hbm>> -> memref<256xf32, #tpu.memory_space<hbm>>
      %dma_wait3A_24 = tpu.memref_slice %arg3[%mul3A_2] : memref<8192xf32, #tpu.memory_space<hbm>> -> memref<256xf32, #tpu.memory_space<hbm>>
      tpu.wait_dma2 semaphore(%run_scoped3A : memref<!tpu.dma_semaphore, #tpu.memory_space<semaphore_mem>>) src(%arg6 : memref<256xf32, #tpu.memory_space<vmem>>) dst(%dma_wait3A_24 : memref<256xf32, #tpu.memory_space<hbm>>)
      tpu.yield
    }) : () -> ()
    return
  }
}

#map = affine_map<(d0, d1) -> (0, 0)>
#map1 = affine_map<(d0, d1) -> (0)>
module attributes {stable_mosaic.version = 14 : i64} {
  func.func @k(%arg0: i32, %arg1: i32, %arg2: memref<16384x1024xf32, #tpu.memory_space<hbm>>, %arg3: memref<8192xf32, #tpu.memory_space<hbm>>, %arg4: memref<16x1024xf32, #tpu.memory_space<vmem>>, %arg5: memref<16x1024xf32, #tpu.memory_space<vmem>>, %arg6: memref<256xf32, #tpu.memory_space<vmem>>, %arg7: memref<!tpu.dma_semaphore, #tpu.memory_space<semaphore_mem>>, %arg8: memref<!tpu.dma_semaphore, #tpu.memory_space<semaphore_mem>>) attributes {dimension_semantics = [#tpu.dimension_semantics<core_parallel>, #tpu.dimension_semantics<subcore_parallel>], iteration_bounds = array<i64: 2, 16>, scalar_prefetch = 0 : i64, scratch_operands = 5 : i64, tpu.core_type = #tpu.core_type<sc_vector_subcore>, window_params = [{transform_indices = #map}, {transform_indices = #map1}]} {
    %mul3A = arith.constant 2 : i32
    %mul3A_0 = arith.muli %arg1, %mul3A : i32
    %add3A = arith.addi %mul3A_0, %arg0 : i32
    %mul3A_1 = arith.constant 256 : i32
    %mul3A_2 = arith.muli %add3A, %mul3A_1 : i32
    %add3A_3 = arith.constant 8192 : i32
    %add3A_4 = arith.addi %add3A_3, %mul3A_2 : i32
    %iota3A = tpu.iota {dimensions = array<i32: 0>} : vector<16xi32>
    %add3A_5 = arith.constant 0 : i32
    %add3A_6 = arith.addi %add3A_4, %add3A_5 : i32
    %dma_start3A = arith.constant 0 : i32
    %dma_start3A_7 = tpu.memref_slice %arg2[%add3A_6, %dma_start3A] : memref<16384x1024xf32, #tpu.memory_space<hbm>> -> memref<16x1024xf32, #tpu.memory_space<hbm>>
    %dma_start3A_8 = arith.constant 0 : i32
    %dma_start3A_9 = tpu.memref_slice %arg2[%add3A_6, %dma_start3A_8] : memref<16384x1024xf32, #tpu.memory_space<hbm>> -> memref<16x1024xf32, #tpu.memory_space<hbm>>
    tpu.enqueue_dma source(%dma_start3A_9 : memref<16x1024xf32, #tpu.memory_space<hbm>>) target(%arg4 : memref<16x1024xf32, #tpu.memory_space<vmem>>) target_semaphore(%arg7 : memref<!tpu.dma_semaphore, #tpu.memory_space<semaphore_mem>>)
    %add3A_10 = arith.constant 16 : i32
    %add3A_11 = arith.addi %add3A_4, %add3A_10 : i32
    %dma_start3A_12 = arith.constant 0 : i32
    %dma_start3A_13 = tpu.memref_slice %arg2[%add3A_11, %dma_start3A_12] : memref<16384x1024xf32, #tpu.memory_space<hbm>> -> memref<16x1024xf32, #tpu.memory_space<hbm>>
    %dma_start3A_14 = arith.constant 0 : i32
    %dma_start3A_15 = tpu.memref_slice %arg2[%add3A_11, %dma_start3A_14] : memref<16384x1024xf32, #tpu.memory_space<hbm>> -> memref<16x1024xf32, #tpu.memory_space<hbm>>
    tpu.enqueue_dma source(%dma_start3A_15 : memref<16x1024xf32, #tpu.memory_space<hbm>>) target(%arg5 : memref<16x1024xf32, #tpu.memory_space<vmem>>) target_semaphore(%arg8 : memref<!tpu.dma_semaphore, #tpu.memory_space<semaphore_mem>>)
    %scan3A = arith.constant 0 : i32
    %scan3A_16 = arith.constant 3.400000e+38 : f32
    %scan3A_17 = arith.constant 0 : i32
    %scan3A_18 = arith.constant 8 : i32
    %scan3A_19 = arith.addi %scan3A_17, %scan3A_18 : i32
    %scan3A_20 = arith.constant 1 : i32
    scf.for %scan3A_22 = %scan3A_17 to %scan3A_19 step %scan3A_20  : i32 {
      %mul3A_23 = arith.constant 2 : i32
      %mul3A_24 = arith.muli %scan3A_22, %mul3A_23 : i32
      %mul3A_25 = arith.constant 16 : i32
      %mul3A_26 = arith.muli %mul3A_24, %mul3A_25 : i32
      %add3A_27 = arith.addi %add3A_4, %mul3A_26 : i32
      %dma_wait3A = arith.constant 0 : i32
      %dma_wait3A_28 = tpu.memref_slice %arg2[%add3A_27, %dma_wait3A] : memref<16384x1024xf32, #tpu.memory_space<hbm>> -> memref<16x1024xf32, #tpu.memory_space<hbm>>
      %dma_wait3A_29 = arith.constant 0 : i32
      %dma_wait3A_30 = tpu.memref_slice %arg2[%add3A_27, %dma_wait3A_29] : memref<16384x1024xf32, #tpu.memory_space<hbm>> -> memref<16x1024xf32, #tpu.memory_space<hbm>>
      tpu.wait_dma2 semaphore(%arg7 : memref<!tpu.dma_semaphore, #tpu.memory_space<semaphore_mem>>) src(%dma_wait3A_30 : memref<16x1024xf32, #tpu.memory_space<hbm>>) dst(%arg4 : memref<16x1024xf32, #tpu.memory_space<vmem>>)
      %broadcast_in_dim3A = arith.constant 0.000000e+00 : f32
      %broadcast_in_dim3A_31 = vector.broadcast %broadcast_in_dim3A : f32 to vector<16xf32>
      %broadcast_in_dim3A_32 = vector.broadcast %scan3A_16 : f32 to vector<16xf32>
      %broadcast_in_dim3A_33 = vector.broadcast %scan3A_16 : f32 to vector<16xf32>
      %broadcast_in_dim3A_34 = vector.broadcast %scan3A_16 : f32 to vector<16xf32>
      %broadcast_in_dim3A_35 = vector.broadcast %scan3A_16 : f32 to vector<16xf32>
      %broadcast_in_dim3A_36 = vector.broadcast %scan3A_16 : f32 to vector<16xf32>
      %broadcast_in_dim3A_37 = vector.broadcast %scan3A_16 : f32 to vector<16xf32>
      %broadcast_in_dim3A_38 = vector.broadcast %scan3A_16 : f32 to vector<16xf32>
      %broadcast_in_dim3A_39 = vector.broadcast %scan3A_16 : f32 to vector<16xf32>
      %scan3A_40 = arith.constant 0 : i32
      %scan3A_41 = arith.constant 64 : i32
      %scan3A_42 = arith.addi %scan3A_40, %scan3A_41 : i32
      %scan3A_43 = arith.constant 1 : i32
      %scan3A_44:8 = scf.for %scan3A_404 = %scan3A_40 to %scan3A_42 step %scan3A_43 iter_args(%scan3A_405 = %broadcast_in_dim3A_32, %scan3A_406 = %broadcast_in_dim3A_33, %scan3A_407 = %broadcast_in_dim3A_34, %scan3A_408 = %broadcast_in_dim3A_35, %scan3A_409 = %broadcast_in_dim3A_36, %scan3A_410 = %broadcast_in_dim3A_37, %scan3A_411 = %broadcast_in_dim3A_38, %scan3A_412 = %broadcast_in_dim3A_39) -> (vector<16xf32>, vector<16xf32>, vector<16xf32>, vector<16xf32>, vector<16xf32>, vector<16xf32>, vector<16xf32>, vector<16xf32>)  : i32 {
        %mul3A_413 = arith.constant 16 : i32
        %mul3A_414 = arith.muli %scan3A_404, %mul3A_413 : i32
        %get3A = arith.constant 0 : i32
        %get3A_415 = arith.index_cast %get3A : i32 to index
        %get3A_416 = arith.index_cast %mul3A_414 : i32 to index
        %get3A_417 = tpu.vector_load %arg4[%get3A_415, %get3A_416] {strides = array<i32>} : memref<16x1024xf32, #tpu.memory_space<vmem>>, vector<16xf32>,
        %sort3A = arith.constant dense<true> : vector<16xi1>
        %sort3A_418, %sort3A_419, %sort3A_420 = tpu.sort %get3A_417, %get3A_417 masked %sort3A : (vector<16xf32>, vector<16xf32>, vector<16xi1>) -> (vector<16xi1>, vector<16xf32>, vector<16xf32>)
        %rev3A = arith.constant 15 : i32
        %rev3A_421 = vector.broadcast %rev3A : i32 to vector<16xi32>
        %rev3A_422 = tpu.iota {dimensions = array<i32: 0>} : vector<16xi32>
        %rev3A_423 = arith.subi %rev3A_421, %rev3A_422 : vector<16xi32>
        %rev3A_424 = tpu.dynamic_gather %sort3A_419[%rev3A_423] in [0] : vector<16xf32>, vector<16xi32> -> vector<16xf32>
        %min3A = arith.minimumf %scan3A_405, %rev3A_424 : vector<16xf32>
        %sort3A_425 = arith.constant dense<true> : vector<16xi1>
        %sort3A_426, %sort3A_427, %sort3A_428 = tpu.sort %min3A, %min3A masked %sort3A_425 : (vector<16xf32>, vector<16xf32>, vector<16xi1>) -> (vector<16xi1>, vector<16xf32>, vector<16xf32>)
        %mul3A_429 = arith.constant 16 : i32
        %mul3A_430 = arith.muli %scan3A_404, %mul3A_429 : i32
        %get3A_431 = arith.constant 1 : i32
        %get3A_432 = arith.index_cast %get3A_431 : i32 to index
        %get3A_433 = arith.index_cast %mul3A_430 : i32 to index
        %get3A_434 = tpu.vector_load %arg4[%get3A_432, %get3A_433] {strides = array<i32>} : memref<16x1024xf32, #tpu.memory_space<vmem>>, vector<16xf32>,
        %sort3A_435 = arith.constant dense<true> : vector<16xi1>
        %sort3A_436, %sort3A_437, %sort3A_438 = tpu.sort %get3A_434, %get3A_434 masked %sort3A_435 : (vector<16xf32>, vector<16xf32>, vector<16xi1>) -> (vector<16xi1>, vector<16xf32>, vector<16xf32>)
        %rev3A_439 = arith.constant 15 : i32
        %rev3A_440 = vector.broadcast %rev3A_439 : i32 to vector<16xi32>
        %rev3A_441 = tpu.iota {dimensions = array<i32: 0>} : vector<16xi32>
        %rev3A_442 = arith.subi %rev3A_440, %rev3A_441 : vector<16xi32>
        %rev3A_443 = tpu.dynamic_gather %sort3A_437[%rev3A_442] in [0] : vector<16xf32>, vector<16xi32> -> vector<16xf32>
        %min3A_444 = arith.minimumf %scan3A_406, %rev3A_443 : vector<16xf32>
        %sort3A_445 = arith.constant dense<true> : vector<16xi1>
        %sort3A_446, %sort3A_447, %sort3A_448 = tpu.sort %min3A_444, %min3A_444 masked %sort3A_445 : (vector<16xf32>, vector<16xf32>, vector<16xi1>) -> (vector<16xi1>, vector<16xf32>, vector<16xf32>)
        %mul3A_449 = arith.constant 16 : i32
        %mul3A_450 = arith.muli %scan3A_404, %mul3A_449 : i32
        %get3A_451 = arith.constant 2 : i32
        %get3A_452 = arith.index_cast %get3A_451 : i32 to index
        %get3A_453 = arith.index_cast %mul3A_450 : i32 to index
        %get3A_454 = tpu.vector_load %arg4[%get3A_452, %get3A_453] {strides = array<i32>} : memref<16x1024xf32, #tpu.memory_space<vmem>>, vector<16xf32>,
        %sort3A_455 = arith.constant dense<true> : vector<16xi1>
        %sort3A_456, %sort3A_457, %sort3A_458 = tpu.sort %get3A_454, %get3A_454 masked %sort3A_455 : (vector<16xf32>, vector<16xf32>, vector<16xi1>) -> (vector<16xi1>, vector<16xf32>, vector<16xf32>)
        %rev3A_459 = arith.constant 15 : i32
        %rev3A_460 = vector.broadcast %rev3A_459 : i32 to vector<16xi32>
        %rev3A_461 = tpu.iota {dimensions = array<i32: 0>} : vector<16xi32>
        %rev3A_462 = arith.subi %rev3A_460, %rev3A_461 : vector<16xi32>
        %rev3A_463 = tpu.dynamic_gather %sort3A_457[%rev3A_462] in [0] : vector<16xf32>, vector<16xi32> -> vector<16xf32>
        %min3A_464 = arith.minimumf %scan3A_407, %rev3A_463 : vector<16xf32>
        %sort3A_465 = arith.constant dense<true> : vector<16xi1>
        %sort3A_466, %sort3A_467, %sort3A_468 = tpu.sort %min3A_464, %min3A_464 masked %sort3A_465 : (vector<16xf32>, vector<16xf32>, vector<16xi1>) -> (vector<16xi1>, vector<16xf32>, vector<16xf32>)
        %mul3A_469 = arith.constant 16 : i32
        %mul3A_470 = arith.muli %scan3A_404, %mul3A_469 : i32
        %get3A_471 = arith.constant 3 : i32
        %get3A_472 = arith.index_cast %get3A_471 : i32 to index
        %get3A_473 = arith.index_cast %mul3A_470 : i32 to index
        %get3A_474 = tpu.vector_load %arg4[%get3A_472, %get3A_473] {strides = array<i32>} : memref<16x1024xf32, #tpu.memory_space<vmem>>, vector<16xf32>,
        %sort3A_475 = arith.constant dense<true> : vector<16xi1>
        %sort3A_476, %sort3A_477, %sort3A_478 = tpu.sort %get3A_474, %get3A_474 masked %sort3A_475 : (vector<16xf32>, vector<16xf32>, vector<16xi1>) -> (vector<16xi1>, vector<16xf32>, vector<16xf32>)
        %rev3A_479 = arith.constant 15 : i32
        %rev3A_480 = vector.broadcast %rev3A_479 : i32 to vector<16xi32>
        %rev3A_481 = tpu.iota {dimensions = array<i32: 0>} : vector<16xi32>
        %rev3A_482 = arith.subi %rev3A_480, %rev3A_481 : vector<16xi32>
        %rev3A_483 = tpu.dynamic_gather %sort3A_477[%rev3A_482] in [0] : vector<16xf32>, vector<16xi32> -> vector<16xf32>
        %min3A_484 = arith.minimumf %scan3A_408, %rev3A_483 : vector<16xf32>
        %sort3A_485 = arith.constant dense<true> : vector<16xi1>
        %sort3A_486, %sort3A_487, %sort3A_488 = tpu.sort %min3A_484, %min3A_484 masked %sort3A_485 : (vector<16xf32>, vector<16xf32>, vector<16xi1>) -> (vector<16xi1>, vector<16xf32>, vector<16xf32>)
        %mul3A_489 = arith.constant 16 : i32
        %mul3A_490 = arith.muli %scan3A_404, %mul3A_489 : i32
        %get3A_491 = arith.constant 4 : i32
        %get3A_492 = arith.index_cast %get3A_491 : i32 to index
        %get3A_493 = arith.index_cast %mul3A_490 : i32 to index
        %get3A_494 = tpu.vector_load %arg4[%get3A_492, %get3A_493] {strides = array<i32>} : memref<16x1024xf32, #tpu.memory_space<vmem>>, vector<16xf32>,
        %sort3A_495 = arith.constant dense<true> : vector<16xi1>
        %sort3A_496, %sort3A_497, %sort3A_498 = tpu.sort %get3A_494, %get3A_494 masked %sort3A_495 : (vector<16xf32>, vector<16xf32>, vector<16xi1>) -> (vector<16xi1>, vector<16xf32>, vector<16xf32>)
        %rev3A_499 = arith.constant 15 : i32
        %rev3A_500 = vector.broadcast %rev3A_499 : i32 to vector<16xi32>
        %rev3A_501 = tpu.iota {dimensions = array<i32: 0>} : vector<16xi32>
        %rev3A_502 = arith.subi %rev3A_500, %rev3A_501 : vector<16xi32>
        %rev3A_503 = tpu.dynamic_gather %sort3A_497[%rev3A_502] in [0] : vector<16xf32>, vector<16xi32> -> vector<16xf32>
        %min3A_504 = arith.minimumf %scan3A_409, %rev3A_503 : vector<16xf32>
        %sort3A_505 = arith.constant dense<true> : vector<16xi1>
        %sort3A_506, %sort3A_507, %sort3A_508 = tpu.sort %min3A_504, %min3A_504 masked %sort3A_505 : (vector<16xf32>, vector<16xf32>, vector<16xi1>) -> (vector<16xi1>, vector<16xf32>, vector<16xf32>)
        %mul3A_509 = arith.constant 16 : i32
        %mul3A_510 = arith.muli %scan3A_404, %mul3A_509 : i32
        %get3A_511 = arith.constant 5 : i32
        %get3A_512 = arith.index_cast %get3A_511 : i32 to index
        %get3A_513 = arith.index_cast %mul3A_510 : i32 to index
        %get3A_514 = tpu.vector_load %arg4[%get3A_512, %get3A_513] {strides = array<i32>} : memref<16x1024xf32, #tpu.memory_space<vmem>>, vector<16xf32>,
        %sort3A_515 = arith.constant dense<true> : vector<16xi1>
        %sort3A_516, %sort3A_517, %sort3A_518 = tpu.sort %get3A_514, %get3A_514 masked %sort3A_515 : (vector<16xf32>, vector<16xf32>, vector<16xi1>) -> (vector<16xi1>, vector<16xf32>, vector<16xf32>)
        %rev3A_519 = arith.constant 15 : i32
        %rev3A_520 = vector.broadcast %rev3A_519 : i32 to vector<16xi32>
        %rev3A_521 = tpu.iota {dimensions = array<i32: 0>} : vector<16xi32>
        %rev3A_522 = arith.subi %rev3A_520, %rev3A_521 : vector<16xi32>
        %rev3A_523 = tpu.dynamic_gather %sort3A_517[%rev3A_522] in [0] : vector<16xf32>, vector<16xi32> -> vector<16xf32>
        %min3A_524 = arith.minimumf %scan3A_410, %rev3A_523 : vector<16xf32>
        %sort3A_525 = arith.constant dense<true> : vector<16xi1>
        %sort3A_526, %sort3A_527, %sort3A_528 = tpu.sort %min3A_524, %min3A_524 masked %sort3A_525 : (vector<16xf32>, vector<16xf32>, vector<16xi1>) -> (vector<16xi1>, vector<16xf32>, vector<16xf32>)
        %mul3A_529 = arith.constant 16 : i32
        %mul3A_530 = arith.muli %scan3A_404, %mul3A_529 : i32
        %get3A_531 = arith.constant 6 : i32
        %get3A_532 = arith.index_cast %get3A_531 : i32 to index
        %get3A_533 = arith.index_cast %mul3A_530 : i32 to index
        %get3A_534 = tpu.vector_load %arg4[%get3A_532, %get3A_533] {strides = array<i32>} : memref<16x1024xf32, #tpu.memory_space<vmem>>, vector<16xf32>,
        %sort3A_535 = arith.constant dense<true> : vector<16xi1>
        %sort3A_536, %sort3A_537, %sort3A_538 = tpu.sort %get3A_534, %get3A_534 masked %sort3A_535 : (vector<16xf32>, vector<16xf32>, vector<16xi1>) -> (vector<16xi1>, vector<16xf32>, vector<16xf32>)
        %rev3A_539 = arith.constant 15 : i32
        %rev3A_540 = vector.broadcast %rev3A_539 : i32 to vector<16xi32>
        %rev3A_541 = tpu.iota {dimensions = array<i32: 0>} : vector<16xi32>
        %rev3A_542 = arith.subi %rev3A_540, %rev3A_541 : vector<16xi32>
        %rev3A_543 = tpu.dynamic_gather %sort3A_537[%rev3A_542] in [0] : vector<16xf32>, vector<16xi32> -> vector<16xf32>
        %min3A_544 = arith.minimumf %scan3A_411, %rev3A_543 : vector<16xf32>
        %sort3A_545 = arith.constant dense<true> : vector<16xi1>
        %sort3A_546, %sort3A_547, %sort3A_548 = tpu.sort %min3A_544, %min3A_544 masked %sort3A_545 : (vector<16xf32>, vector<16xf32>, vector<16xi1>) -> (vector<16xi1>, vector<16xf32>, vector<16xf32>)
        %mul3A_549 = arith.constant 16 : i32
        %mul3A_550 = arith.muli %scan3A_404, %mul3A_549 : i32
        %get3A_551 = arith.constant 7 : i32
        %get3A_552 = arith.index_cast %get3A_551 : i32 to index
        %get3A_553 = arith.index_cast %mul3A_550 : i32 to index
        %get3A_554 = tpu.vector_load %arg4[%get3A_552, %get3A_553] {strides = array<i32>} : memref<16x1024xf32, #tpu.memory_space<vmem>>, vector<16xf32>,
        %sort3A_555 = arith.constant dense<true> : vector<16xi1>
        %sort3A_556, %sort3A_557, %sort3A_558 = tpu.sort %get3A_554, %get3A_554 masked %sort3A_555 : (vector<16xf32>, vector<16xf32>, vector<16xi1>) -> (vector<16xi1>, vector<16xf32>, vector<16xf32>)
        %rev3A_559 = arith.constant 15 : i32
        %rev3A_560 = vector.broadcast %rev3A_559 : i32 to vector<16xi32>
        %rev3A_561 = tpu.iota {dimensions = array<i32: 0>} : vector<16xi32>
        %rev3A_562 = arith.subi %rev3A_560, %rev3A_561 : vector<16xi32>
        %rev3A_563 = tpu.dynamic_gather %sort3A_557[%rev3A_562] in [0] : vector<16xf32>, vector<16xi32> -> vector<16xf32>
        %min3A_564 = arith.minimumf %scan3A_412, %rev3A_563 : vector<16xf32>
        %sort3A_565 = arith.constant dense<true> : vector<16xi1>
        %sort3A_566, %sort3A_567, %sort3A_568 = tpu.sort %min3A_564, %min3A_564 masked %sort3A_565 : (vector<16xf32>, vector<16xf32>, vector<16xi1>) -> (vector<16xi1>, vector<16xf32>, vector<16xf32>)
        scf.yield %sort3A_427, %sort3A_447, %sort3A_467, %sort3A_487, %sort3A_507, %sort3A_527, %sort3A_547, %sort3A_567 : vector<16xf32>, vector<16xf32>, vector<16xf32>, vector<16xf32>, vector<16xf32>, vector<16xf32>, vector<16xf32>, vector<16xf32>
      }
      %scan3A_45 = arith.constant 64 : i32
      %eq3A = arith.constant 0 : i32
      %eq3A_46 = vector.broadcast %eq3A : i32 to vector<16xi32>
      %eq3A_47 = arith.cmpi eq, %iota3A, %eq3A_46 : vector<16xi32>
      %reduce_max3A = arith.constant true
      %reduce_max3A_48 = vector.broadcast %reduce_max3A : i1 to vector<16xi1>
      %reduce_max3A_49 = tpu.scan <max>, %scan3A_44#0 masked %reduce_max3A_48 : vector<16xf32>, vector<16xi1> -> vector<16xf32>
      %reduce_max3A_50 = vector.extract %reduce_max3A_49[15] : f32 from vector<16xf32>
      %broadcast_in_dim3A_51 = vector.broadcast %reduce_max3A_50 : f32 to vector<16xf32>
      %select_n3A = arith.select %eq3A_47, %broadcast_in_dim3A_51, %broadcast_in_dim3A_31 : vector<16xi1>, vector<16xf32>
      %eq3A_52 = arith.constant 1 : i32
      %eq3A_53 = vector.broadcast %eq3A_52 : i32 to vector<16xi32>
      %eq3A_54 = arith.cmpi eq, %iota3A, %eq3A_53 : vector<16xi32>
      %reduce_max3A_55 = arith.constant true
      %reduce_max3A_56 = vector.broadcast %reduce_max3A_55 : i1 to vector<16xi1>
      %reduce_max3A_57 = tpu.scan <max>, %scan3A_44#1 masked %reduce_max3A_56 : vector<16xf32>, vector<16xi1> -> vector<16xf32>
      %reduce_max3A_58 = vector.extract %reduce_max3A_57[15] : f32 from vector<16xf32>
      %broadcast_in_dim3A_59 = vector.broadcast %reduce_max3A_58 : f32 to vector<16xf32>
      %select_n3A_60 = arith.select %eq3A_54, %broadcast_in_dim3A_59, %select_n3A : vector<16xi1>, vector<16xf32>
      %eq3A_61 = arith.constant 2 : i32
      %eq3A_62 = vector.broadcast %eq3A_61 : i32 to vector<16xi32>
      %eq3A_63 = arith.cmpi eq, %iota3A, %eq3A_62 : vector<16xi32>
      %reduce_max3A_64 = arith.constant true
      %reduce_max3A_65 = vector.broadcast %reduce_max3A_64 : i1 to vector<16xi1>
      %reduce_max3A_66 = tpu.scan <max>, %scan3A_44#2 masked %reduce_max3A_65 : vector<16xf32>, vector<16xi1> -> vector<16xf32>
      %reduce_max3A_67 = vector.extract %reduce_max3A_66[15] : f32 from vector<16xf32>
      %broadcast_in_dim3A_68 = vector.broadcast %reduce_max3A_67 : f32 to vector<16xf32>
      %select_n3A_69 = arith.select %eq3A_63, %broadcast_in_dim3A_68, %select_n3A_60 : vector<16xi1>, vector<16xf32>
      %eq3A_70 = arith.constant 3 : i32
      %eq3A_71 = vector.broadcast %eq3A_70 : i32 to vector<16xi32>
      %eq3A_72 = arith.cmpi eq, %iota3A, %eq3A_71 : vector<16xi32>
      %reduce_max3A_73 = arith.constant true
      %reduce_max3A_74 = vector.broadcast %reduce_max3A_73 : i1 to vector<16xi1>
      %reduce_max3A_75 = tpu.scan <max>, %scan3A_44#3 masked %reduce_max3A_74 : vector<16xf32>, vector<16xi1> -> vector<16xf32>
      %reduce_max3A_76 = vector.extract %reduce_max3A_75[15] : f32 from vector<16xf32>
      %broadcast_in_dim3A_77 = vector.broadcast %reduce_max3A_76 : f32 to vector<16xf32>
      %select_n3A_78 = arith.select %eq3A_72, %broadcast_in_dim3A_77, %select_n3A_69 : vector<16xi1>, vector<16xf32>
      %eq3A_79 = arith.constant 4 : i32
      %eq3A_80 = vector.broadcast %eq3A_79 : i32 to vector<16xi32>
      %eq3A_81 = arith.cmpi eq, %iota3A, %eq3A_80 : vector<16xi32>
      %reduce_max3A_82 = arith.constant true
      %reduce_max3A_83 = vector.broadcast %reduce_max3A_82 : i1 to vector<16xi1>
      %reduce_max3A_84 = tpu.scan <max>, %scan3A_44#4 masked %reduce_max3A_83 : vector<16xf32>, vector<16xi1> -> vector<16xf32>
      %reduce_max3A_85 = vector.extract %reduce_max3A_84[15] : f32 from vector<16xf32>
      %broadcast_in_dim3A_86 = vector.broadcast %reduce_max3A_85 : f32 to vector<16xf32>
      %select_n3A_87 = arith.select %eq3A_81, %broadcast_in_dim3A_86, %select_n3A_78 : vector<16xi1>, vector<16xf32>
      %eq3A_88 = arith.constant 5 : i32
      %eq3A_89 = vector.broadcast %eq3A_88 : i32 to vector<16xi32>
      %eq3A_90 = arith.cmpi eq, %iota3A, %eq3A_89 : vector<16xi32>
      %reduce_max3A_91 = arith.constant true
      %reduce_max3A_92 = vector.broadcast %reduce_max3A_91 : i1 to vector<16xi1>
      %reduce_max3A_93 = tpu.scan <max>, %scan3A_44#5 masked %reduce_max3A_92 : vector<16xf32>, vector<16xi1> -> vector<16xf32>
      %reduce_max3A_94 = vector.extract %reduce_max3A_93[15] : f32 from vector<16xf32>
      %broadcast_in_dim3A_95 = vector.broadcast %reduce_max3A_94 : f32 to vector<16xf32>
      %select_n3A_96 = arith.select %eq3A_90, %broadcast_in_dim3A_95, %select_n3A_87 : vector<16xi1>, vector<16xf32>
      %eq3A_97 = arith.constant 6 : i32
      %eq3A_98 = vector.broadcast %eq3A_97 : i32 to vector<16xi32>
      %eq3A_99 = arith.cmpi eq, %iota3A, %eq3A_98 : vector<16xi32>
      %reduce_max3A_100 = arith.constant true
      %reduce_max3A_101 = vector.broadcast %reduce_max3A_100 : i1 to vector<16xi1>
      %reduce_max3A_102 = tpu.scan <max>, %scan3A_44#6 masked %reduce_max3A_101 : vector<16xf32>, vector<16xi1> -> vector<16xf32>
      %reduce_max3A_103 = vector.extract %reduce_max3A_102[15] : f32 from vector<16xf32>
      %broadcast_in_dim3A_104 = vector.broadcast %reduce_max3A_103 : f32 to vector<16xf32>
      %select_n3A_105 = arith.select %eq3A_99, %broadcast_in_dim3A_104, %select_n3A_96 : vector<16xi1>, vector<16xf32>
      %eq3A_106 = arith.constant 7 : i32
      %eq3A_107 = vector.broadcast %eq3A_106 : i32 to vector<16xi32>
      %eq3A_108 = arith.cmpi eq, %iota3A, %eq3A_107 : vector<16xi32>
      %reduce_max3A_109 = arith.constant true
      %reduce_max3A_110 = vector.broadcast %reduce_max3A_109 : i1 to vector<16xi1>
      %reduce_max3A_111 = tpu.scan <max>, %scan3A_44#7 masked %reduce_max3A_110 : vector<16xf32>, vector<16xi1> -> vector<16xf32>
      %reduce_max3A_112 = vector.extract %reduce_max3A_111[15] : f32 from vector<16xf32>
      %broadcast_in_dim3A_113 = vector.broadcast %reduce_max3A_112 : f32 to vector<16xf32>
      %select_n3A_114 = arith.select %eq3A_108, %broadcast_in_dim3A_113, %select_n3A_105 : vector<16xi1>, vector<16xf32>
      %broadcast_in_dim3A_115 = vector.broadcast %scan3A_16 : f32 to vector<16xf32>
      %broadcast_in_dim3A_116 = vector.broadcast %scan3A_16 : f32 to vector<16xf32>
      %broadcast_in_dim3A_117 = vector.broadcast %scan3A_16 : f32 to vector<16xf32>
      %broadcast_in_dim3A_118 = vector.broadcast %scan3A_16 : f32 to vector<16xf32>
      %broadcast_in_dim3A_119 = vector.broadcast %scan3A_16 : f32 to vector<16xf32>
      %broadcast_in_dim3A_120 = vector.broadcast %scan3A_16 : f32 to vector<16xf32>
      %broadcast_in_dim3A_121 = vector.broadcast %scan3A_16 : f32 to vector<16xf32>
      %broadcast_in_dim3A_122 = vector.broadcast %scan3A_16 : f32 to vector<16xf32>
      %scan3A_123 = arith.constant 0 : i32
      %scan3A_124 = arith.constant 64 : i32
      %scan3A_125 = arith.addi %scan3A_123, %scan3A_124 : i32
      %scan3A_126 = arith.constant 1 : i32
      %scan3A_127:8 = scf.for %scan3A_404 = %scan3A_123 to %scan3A_125 step %scan3A_126 iter_args(%scan3A_405 = %broadcast_in_dim3A_115, %scan3A_406 = %broadcast_in_dim3A_116, %scan3A_407 = %broadcast_in_dim3A_117, %scan3A_408 = %broadcast_in_dim3A_118, %scan3A_409 = %broadcast_in_dim3A_119, %scan3A_410 = %broadcast_in_dim3A_120, %scan3A_411 = %broadcast_in_dim3A_121, %scan3A_412 = %broadcast_in_dim3A_122) -> (vector<16xf32>, vector<16xf32>, vector<16xf32>, vector<16xf32>, vector<16xf32>, vector<16xf32>, vector<16xf32>, vector<16xf32>)  : i32 {
        %mul3A_413 = arith.constant 16 : i32
        %mul3A_414 = arith.muli %scan3A_404, %mul3A_413 : i32
        %get3A = arith.constant 8 : i32
        %get3A_415 = arith.index_cast %get3A : i32 to index
        %get3A_416 = arith.index_cast %mul3A_414 : i32 to index
        %get3A_417 = tpu.vector_load %arg4[%get3A_415, %get3A_416] {strides = array<i32>} : memref<16x1024xf32, #tpu.memory_space<vmem>>, vector<16xf32>,
        %sort3A = arith.constant dense<true> : vector<16xi1>
        %sort3A_418, %sort3A_419, %sort3A_420 = tpu.sort %get3A_417, %get3A_417 masked %sort3A : (vector<16xf32>, vector<16xf32>, vector<16xi1>) -> (vector<16xi1>, vector<16xf32>, vector<16xf32>)
        %rev3A = arith.constant 15 : i32
        %rev3A_421 = vector.broadcast %rev3A : i32 to vector<16xi32>
        %rev3A_422 = tpu.iota {dimensions = array<i32: 0>} : vector<16xi32>
        %rev3A_423 = arith.subi %rev3A_421, %rev3A_422 : vector<16xi32>
        %rev3A_424 = tpu.dynamic_gather %sort3A_419[%rev3A_423] in [0] : vector<16xf32>, vector<16xi32> -> vector<16xf32>
        %min3A = arith.minimumf %scan3A_405, %rev3A_424 : vector<16xf32>
        %sort3A_425 = arith.constant dense<true> : vector<16xi1>
        %sort3A_426, %sort3A_427, %sort3A_428 = tpu.sort %min3A, %min3A masked %sort3A_425 : (vector<16xf32>, vector<16xf32>, vector<16xi1>) -> (vector<16xi1>, vector<16xf32>, vector<16xf32>)
        %mul3A_429 = arith.constant 16 : i32
        %mul3A_430 = arith.muli %scan3A_404, %mul3A_429 : i32
        %get3A_431 = arith.constant 9 : i32
        %get3A_432 = arith.index_cast %get3A_431 : i32 to index
        %get3A_433 = arith.index_cast %mul3A_430 : i32 to index
        %get3A_434 = tpu.vector_load %arg4[%get3A_432, %get3A_433] {strides = array<i32>} : memref<16x1024xf32, #tpu.memory_space<vmem>>, vector<16xf32>,
        %sort3A_435 = arith.constant dense<true> : vector<16xi1>
        %sort3A_436, %sort3A_437, %sort3A_438 = tpu.sort %get3A_434, %get3A_434 masked %sort3A_435 : (vector<16xf32>, vector<16xf32>, vector<16xi1>) -> (vector<16xi1>, vector<16xf32>, vector<16xf32>)
        %rev3A_439 = arith.constant 15 : i32
        %rev3A_440 = vector.broadcast %rev3A_439 : i32 to vector<16xi32>
        %rev3A_441 = tpu.iota {dimensions = array<i32: 0>} : vector<16xi32>
        %rev3A_442 = arith.subi %rev3A_440, %rev3A_441 : vector<16xi32>
        %rev3A_443 = tpu.dynamic_gather %sort3A_437[%rev3A_442] in [0] : vector<16xf32>, vector<16xi32> -> vector<16xf32>
        %min3A_444 = arith.minimumf %scan3A_406, %rev3A_443 : vector<16xf32>
        %sort3A_445 = arith.constant dense<true> : vector<16xi1>
        %sort3A_446, %sort3A_447, %sort3A_448 = tpu.sort %min3A_444, %min3A_444 masked %sort3A_445 : (vector<16xf32>, vector<16xf32>, vector<16xi1>) -> (vector<16xi1>, vector<16xf32>, vector<16xf32>)
        %mul3A_449 = arith.constant 16 : i32
        %mul3A_450 = arith.muli %scan3A_404, %mul3A_449 : i32
        %get3A_451 = arith.constant 10 : i32
        %get3A_452 = arith.index_cast %get3A_451 : i32 to index
        %get3A_453 = arith.index_cast %mul3A_450 : i32 to index
        %get3A_454 = tpu.vector_load %arg4[%get3A_452, %get3A_453] {strides = array<i32>} : memref<16x1024xf32, #tpu.memory_space<vmem>>, vector<16xf32>,
        %sort3A_455 = arith.constant dense<true> : vector<16xi1>
        %sort3A_456, %sort3A_457, %sort3A_458 = tpu.sort %get3A_454, %get3A_454 masked %sort3A_455 : (vector<16xf32>, vector<16xf32>, vector<16xi1>) -> (vector<16xi1>, vector<16xf32>, vector<16xf32>)
        %rev3A_459 = arith.constant 15 : i32
        %rev3A_460 = vector.broadcast %rev3A_459 : i32 to vector<16xi32>
        %rev3A_461 = tpu.iota {dimensions = array<i32: 0>} : vector<16xi32>
        %rev3A_462 = arith.subi %rev3A_460, %rev3A_461 : vector<16xi32>
        %rev3A_463 = tpu.dynamic_gather %sort3A_457[%rev3A_462] in [0] : vector<16xf32>, vector<16xi32> -> vector<16xf32>
        %min3A_464 = arith.minimumf %scan3A_407, %rev3A_463 : vector<16xf32>
        %sort3A_465 = arith.constant dense<true> : vector<16xi1>
        %sort3A_466, %sort3A_467, %sort3A_468 = tpu.sort %min3A_464, %min3A_464 masked %sort3A_465 : (vector<16xf32>, vector<16xf32>, vector<16xi1>) -> (vector<16xi1>, vector<16xf32>, vector<16xf32>)
        %mul3A_469 = arith.constant 16 : i32
        %mul3A_470 = arith.muli %scan3A_404, %mul3A_469 : i32
        %get3A_471 = arith.constant 11 : i32
        %get3A_472 = arith.index_cast %get3A_471 : i32 to index
        %get3A_473 = arith.index_cast %mul3A_470 : i32 to index
        %get3A_474 = tpu.vector_load %arg4[%get3A_472, %get3A_473] {strides = array<i32>} : memref<16x1024xf32, #tpu.memory_space<vmem>>, vector<16xf32>,
        %sort3A_475 = arith.constant dense<true> : vector<16xi1>
        %sort3A_476, %sort3A_477, %sort3A_478 = tpu.sort %get3A_474, %get3A_474 masked %sort3A_475 : (vector<16xf32>, vector<16xf32>, vector<16xi1>) -> (vector<16xi1>, vector<16xf32>, vector<16xf32>)
        %rev3A_479 = arith.constant 15 : i32
        %rev3A_480 = vector.broadcast %rev3A_479 : i32 to vector<16xi32>
        %rev3A_481 = tpu.iota {dimensions = array<i32: 0>} : vector<16xi32>
        %rev3A_482 = arith.subi %rev3A_480, %rev3A_481 : vector<16xi32>
        %rev3A_483 = tpu.dynamic_gather %sort3A_477[%rev3A_482] in [0] : vector<16xf32>, vector<16xi32> -> vector<16xf32>
        %min3A_484 = arith.minimumf %scan3A_408, %rev3A_483 : vector<16xf32>
        %sort3A_485 = arith.constant dense<true> : vector<16xi1>
        %sort3A_486, %sort3A_487, %sort3A_488 = tpu.sort %min3A_484, %min3A_484 masked %sort3A_485 : (vector<16xf32>, vector<16xf32>, vector<16xi1>) -> (vector<16xi1>, vector<16xf32>, vector<16xf32>)
        %mul3A_489 = arith.constant 16 : i32
        %mul3A_490 = arith.muli %scan3A_404, %mul3A_489 : i32
        %get3A_491 = arith.constant 12 : i32
        %get3A_492 = arith.index_cast %get3A_491 : i32 to index
        %get3A_493 = arith.index_cast %mul3A_490 : i32 to index
        %get3A_494 = tpu.vector_load %arg4[%get3A_492, %get3A_493] {strides = array<i32>} : memref<16x1024xf32, #tpu.memory_space<vmem>>, vector<16xf32>,
        %sort3A_495 = arith.constant dense<true> : vector<16xi1>
        %sort3A_496, %sort3A_497, %sort3A_498 = tpu.sort %get3A_494, %get3A_494 masked %sort3A_495 : (vector<16xf32>, vector<16xf32>, vector<16xi1>) -> (vector<16xi1>, vector<16xf32>, vector<16xf32>)
        %rev3A_499 = arith.constant 15 : i32
        %rev3A_500 = vector.broadcast %rev3A_499 : i32 to vector<16xi32>
        %rev3A_501 = tpu.iota {dimensions = array<i32: 0>} : vector<16xi32>
        %rev3A_502 = arith.subi %rev3A_500, %rev3A_501 : vector<16xi32>
        %rev3A_503 = tpu.dynamic_gather %sort3A_497[%rev3A_502] in [0] : vector<16xf32>, vector<16xi32> -> vector<16xf32>
        %min3A_504 = arith.minimumf %scan3A_409, %rev3A_503 : vector<16xf32>
        %sort3A_505 = arith.constant dense<true> : vector<16xi1>
        %sort3A_506, %sort3A_507, %sort3A_508 = tpu.sort %min3A_504, %min3A_504 masked %sort3A_505 : (vector<16xf32>, vector<16xf32>, vector<16xi1>) -> (vector<16xi1>, vector<16xf32>, vector<16xf32>)
        %mul3A_509 = arith.constant 16 : i32
        %mul3A_510 = arith.muli %scan3A_404, %mul3A_509 : i32
        %get3A_511 = arith.constant 13 : i32
        %get3A_512 = arith.index_cast %get3A_511 : i32 to index
        %get3A_513 = arith.index_cast %mul3A_510 : i32 to index
        %get3A_514 = tpu.vector_load %arg4[%get3A_512, %get3A_513] {strides = array<i32>} : memref<16x1024xf32, #tpu.memory_space<vmem>>, vector<16xf32>,
        %sort3A_515 = arith.constant dense<true> : vector<16xi1>
        %sort3A_516, %sort3A_517, %sort3A_518 = tpu.sort %get3A_514, %get3A_514 masked %sort3A_515 : (vector<16xf32>, vector<16xf32>, vector<16xi1>) -> (vector<16xi1>, vector<16xf32>, vector<16xf32>)
        %rev3A_519 = arith.constant 15 : i32
        %rev3A_520 = vector.broadcast %rev3A_519 : i32 to vector<16xi32>
        %rev3A_521 = tpu.iota {dimensions = array<i32: 0>} : vector<16xi32>
        %rev3A_522 = arith.subi %rev3A_520, %rev3A_521 : vector<16xi32>
        %rev3A_523 = tpu.dynamic_gather %sort3A_517[%rev3A_522] in [0] : vector<16xf32>, vector<16xi32> -> vector<16xf32>
        %min3A_524 = arith.minimumf %scan3A_410, %rev3A_523 : vector<16xf32>
        %sort3A_525 = arith.constant dense<true> : vector<16xi1>
        %sort3A_526, %sort3A_527, %sort3A_528 = tpu.sort %min3A_524, %min3A_524 masked %sort3A_525 : (vector<16xf32>, vector<16xf32>, vector<16xi1>) -> (vector<16xi1>, vector<16xf32>, vector<16xf32>)
        %mul3A_529 = arith.constant 16 : i32
        %mul3A_530 = arith.muli %scan3A_404, %mul3A_529 : i32
        %get3A_531 = arith.constant 14 : i32
        %get3A_532 = arith.index_cast %get3A_531 : i32 to index
        %get3A_533 = arith.index_cast %mul3A_530 : i32 to index
        %get3A_534 = tpu.vector_load %arg4[%get3A_532, %get3A_533] {strides = array<i32>} : memref<16x1024xf32, #tpu.memory_space<vmem>>, vector<16xf32>,
        %sort3A_535 = arith.constant dense<true> : vector<16xi1>
        %sort3A_536, %sort3A_537, %sort3A_538 = tpu.sort %get3A_534, %get3A_534 masked %sort3A_535 : (vector<16xf32>, vector<16xf32>, vector<16xi1>) -> (vector<16xi1>, vector<16xf32>, vector<16xf32>)
        %rev3A_539 = arith.constant 15 : i32
        %rev3A_540 = vector.broadcast %rev3A_539 : i32 to vector<16xi32>
        %rev3A_541 = tpu.iota {dimensions = array<i32: 0>} : vector<16xi32>
        %rev3A_542 = arith.subi %rev3A_540, %rev3A_541 : vector<16xi32>
        %rev3A_543 = tpu.dynamic_gather %sort3A_537[%rev3A_542] in [0] : vector<16xf32>, vector<16xi32> -> vector<16xf32>
        %min3A_544 = arith.minimumf %scan3A_411, %rev3A_543 : vector<16xf32>
        %sort3A_545 = arith.constant dense<true> : vector<16xi1>
        %sort3A_546, %sort3A_547, %sort3A_548 = tpu.sort %min3A_544, %min3A_544 masked %sort3A_545 : (vector<16xf32>, vector<16xf32>, vector<16xi1>) -> (vector<16xi1>, vector<16xf32>, vector<16xf32>)
        %mul3A_549 = arith.constant 16 : i32
        %mul3A_550 = arith.muli %scan3A_404, %mul3A_549 : i32
        %get3A_551 = arith.constant 15 : i32
        %get3A_552 = arith.index_cast %get3A_551 : i32 to index
        %get3A_553 = arith.index_cast %mul3A_550 : i32 to index
        %get3A_554 = tpu.vector_load %arg4[%get3A_552, %get3A_553] {strides = array<i32>} : memref<16x1024xf32, #tpu.memory_space<vmem>>, vector<16xf32>,
        %sort3A_555 = arith.constant dense<true> : vector<16xi1>
        %sort3A_556, %sort3A_557, %sort3A_558 = tpu.sort %get3A_554, %get3A_554 masked %sort3A_555 : (vector<16xf32>, vector<16xf32>, vector<16xi1>) -> (vector<16xi1>, vector<16xf32>, vector<16xf32>)
        %rev3A_559 = arith.constant 15 : i32
        %rev3A_560 = vector.broadcast %rev3A_559 : i32 to vector<16xi32>
        %rev3A_561 = tpu.iota {dimensions = array<i32: 0>} : vector<16xi32>
        %rev3A_562 = arith.subi %rev3A_560, %rev3A_561 : vector<16xi32>
        %rev3A_563 = tpu.dynamic_gather %sort3A_557[%rev3A_562] in [0] : vector<16xf32>, vector<16xi32> -> vector<16xf32>
        %min3A_564 = arith.minimumf %scan3A_412, %rev3A_563 : vector<16xf32>
        %sort3A_565 = arith.constant dense<true> : vector<16xi1>
        %sort3A_566, %sort3A_567, %sort3A_568 = tpu.sort %min3A_564, %min3A_564 masked %sort3A_565 : (vector<16xf32>, vector<16xf32>, vector<16xi1>) -> (vector<16xi1>, vector<16xf32>, vector<16xf32>)
        scf.yield %sort3A_427, %sort3A_447, %sort3A_467, %sort3A_487, %sort3A_507, %sort3A_527, %sort3A_547, %sort3A_567 : vector<16xf32>, vector<16xf32>, vector<16xf32>, vector<16xf32>, vector<16xf32>, vector<16xf32>, vector<16xf32>, vector<16xf32>
      }
      %scan3A_128 = arith.constant 64 : i32
      %eq3A_129 = arith.constant 8 : i32
      %eq3A_130 = vector.broadcast %eq3A_129 : i32 to vector<16xi32>
      %eq3A_131 = arith.cmpi eq, %iota3A, %eq3A_130 : vector<16xi32>
      %reduce_max3A_132 = arith.constant true
      %reduce_max3A_133 = vector.broadcast %reduce_max3A_132 : i1 to vector<16xi1>
      %reduce_max3A_134 = tpu.scan <max>, %scan3A_127#0 masked %reduce_max3A_133 : vector<16xf32>, vector<16xi1> -> vector<16xf32>
      %reduce_max3A_135 = vector.extract %reduce_max3A_134[15] : f32 from vector<16xf32>
      %broadcast_in_dim3A_136 = vector.broadcast %reduce_max3A_135 : f32 to vector<16xf32>
      %select_n3A_137 = arith.select %eq3A_131, %broadcast_in_dim3A_136, %select_n3A_114 : vector<16xi1>, vector<16xf32>
      %eq3A_138 = arith.constant 9 : i32
      %eq3A_139 = vector.broadcast %eq3A_138 : i32 to vector<16xi32>
      %eq3A_140 = arith.cmpi eq, %iota3A, %eq3A_139 : vector<16xi32>
      %reduce_max3A_141 = arith.constant true
      %reduce_max3A_142 = vector.broadcast %reduce_max3A_141 : i1 to vector<16xi1>
      %reduce_max3A_143 = tpu.scan <max>, %scan3A_127#1 masked %reduce_max3A_142 : vector<16xf32>, vector<16xi1> -> vector<16xf32>
      %reduce_max3A_144 = vector.extract %reduce_max3A_143[15] : f32 from vector<16xf32>
      %broadcast_in_dim3A_145 = vector.broadcast %reduce_max3A_144 : f32 to vector<16xf32>
      %select_n3A_146 = arith.select %eq3A_140, %broadcast_in_dim3A_145, %select_n3A_137 : vector<16xi1>, vector<16xf32>
      %eq3A_147 = arith.constant 10 : i32
      %eq3A_148 = vector.broadcast %eq3A_147 : i32 to vector<16xi32>
      %eq3A_149 = arith.cmpi eq, %iota3A, %eq3A_148 : vector<16xi32>
      %reduce_max3A_150 = arith.constant true
      %reduce_max3A_151 = vector.broadcast %reduce_max3A_150 : i1 to vector<16xi1>
      %reduce_max3A_152 = tpu.scan <max>, %scan3A_127#2 masked %reduce_max3A_151 : vector<16xf32>, vector<16xi1> -> vector<16xf32>
      %reduce_max3A_153 = vector.extract %reduce_max3A_152[15] : f32 from vector<16xf32>
      %broadcast_in_dim3A_154 = vector.broadcast %reduce_max3A_153 : f32 to vector<16xf32>
      %select_n3A_155 = arith.select %eq3A_149, %broadcast_in_dim3A_154, %select_n3A_146 : vector<16xi1>, vector<16xf32>
      %eq3A_156 = arith.constant 11 : i32
      %eq3A_157 = vector.broadcast %eq3A_156 : i32 to vector<16xi32>
      %eq3A_158 = arith.cmpi eq, %iota3A, %eq3A_157 : vector<16xi32>
      %reduce_max3A_159 = arith.constant true
      %reduce_max3A_160 = vector.broadcast %reduce_max3A_159 : i1 to vector<16xi1>
      %reduce_max3A_161 = tpu.scan <max>, %scan3A_127#3 masked %reduce_max3A_160 : vector<16xf32>, vector<16xi1> -> vector<16xf32>
      %reduce_max3A_162 = vector.extract %reduce_max3A_161[15] : f32 from vector<16xf32>
      %broadcast_in_dim3A_163 = vector.broadcast %reduce_max3A_162 : f32 to vector<16xf32>
      %select_n3A_164 = arith.select %eq3A_158, %broadcast_in_dim3A_163, %select_n3A_155 : vector<16xi1>, vector<16xf32>
      %eq3A_165 = arith.constant 12 : i32
      %eq3A_166 = vector.broadcast %eq3A_165 : i32 to vector<16xi32>
      %eq3A_167 = arith.cmpi eq, %iota3A, %eq3A_166 : vector<16xi32>
      %reduce_max3A_168 = arith.constant true
      %reduce_max3A_169 = vector.broadcast %reduce_max3A_168 : i1 to vector<16xi1>
      %reduce_max3A_170 = tpu.scan <max>, %scan3A_127#4 masked %reduce_max3A_169 : vector<16xf32>, vector<16xi1> -> vector<16xf32>
      %reduce_max3A_171 = vector.extract %reduce_max3A_170[15] : f32 from vector<16xf32>
      %broadcast_in_dim3A_172 = vector.broadcast %reduce_max3A_171 : f32 to vector<16xf32>
      %select_n3A_173 = arith.select %eq3A_167, %broadcast_in_dim3A_172, %select_n3A_164 : vector<16xi1>, vector<16xf32>
      %eq3A_174 = arith.constant 13 : i32
      %eq3A_175 = vector.broadcast %eq3A_174 : i32 to vector<16xi32>
      %eq3A_176 = arith.cmpi eq, %iota3A, %eq3A_175 : vector<16xi32>
      %reduce_max3A_177 = arith.constant true
      %reduce_max3A_178 = vector.broadcast %reduce_max3A_177 : i1 to vector<16xi1>
      %reduce_max3A_179 = tpu.scan <max>, %scan3A_127#5 masked %reduce_max3A_178 : vector<16xf32>, vector<16xi1> -> vector<16xf32>
      %reduce_max3A_180 = vector.extract %reduce_max3A_179[15] : f32 from vector<16xf32>
      %broadcast_in_dim3A_181 = vector.broadcast %reduce_max3A_180 : f32 to vector<16xf32>
      %select_n3A_182 = arith.select %eq3A_176, %broadcast_in_dim3A_181, %select_n3A_173 : vector<16xi1>, vector<16xf32>
      %eq3A_183 = arith.constant 14 : i32
      %eq3A_184 = vector.broadcast %eq3A_183 : i32 to vector<16xi32>
      %eq3A_185 = arith.cmpi eq, %iota3A, %eq3A_184 : vector<16xi32>
      %reduce_max3A_186 = arith.constant true
      %reduce_max3A_187 = vector.broadcast %reduce_max3A_186 : i1 to vector<16xi1>
      %reduce_max3A_188 = tpu.scan <max>, %scan3A_127#6 masked %reduce_max3A_187 : vector<16xf32>, vector<16xi1> -> vector<16xf32>
      %reduce_max3A_189 = vector.extract %reduce_max3A_188[15] : f32 from vector<16xf32>
      %broadcast_in_dim3A_190 = vector.broadcast %reduce_max3A_189 : f32 to vector<16xf32>
      %select_n3A_191 = arith.select %eq3A_185, %broadcast_in_dim3A_190, %select_n3A_182 : vector<16xi1>, vector<16xf32>
      %eq3A_192 = arith.constant 15 : i32
      %eq3A_193 = vector.broadcast %eq3A_192 : i32 to vector<16xi32>
      %eq3A_194 = arith.cmpi eq, %iota3A, %eq3A_193 : vector<16xi32>
      %reduce_max3A_195 = arith.constant true
      %reduce_max3A_196 = vector.broadcast %reduce_max3A_195 : i1 to vector<16xi1>
      %reduce_max3A_197 = tpu.scan <max>, %scan3A_127#7 masked %reduce_max3A_196 : vector<16xf32>, vector<16xi1> -> vector<16xf32>
      %reduce_max3A_198 = vector.extract %reduce_max3A_197[15] : f32 from vector<16xf32>
      %broadcast_in_dim3A_199 = vector.broadcast %reduce_max3A_198 : f32 to vector<16xf32>
      %select_n3A_200 = arith.select %eq3A_194, %broadcast_in_dim3A_199, %select_n3A_191 : vector<16xi1>, vector<16xf32>
      %mul3A_201 = arith.constant 16 : i32
      %mul3A_202 = arith.muli %mul3A_24, %mul3A_201 : i32
      %swap3A = arith.index_cast %mul3A_202 : i32 to index
      %swap3A_203 = tpu.vector_load %arg6[%swap3A] {strides = array<i32>} : memref<256xf32, #tpu.memory_space<vmem>>, vector<16xf32>,
      tpu.vector_store %arg6[%swap3A], %select_n3A_200 {strides = array<i32>} : memref<256xf32, #tpu.memory_space<vmem>>, vector<16xf32>,
      %add3A_204 = arith.constant 2 : i32
      %add3A_205 = arith.addi %mul3A_24, %add3A_204 : i32
      %lt3A = arith.constant 16 : i32
      %lt3A_206 = arith.cmpi slt, %add3A_205, %lt3A : i32
      %convert_element_type3A = arith.extui %lt3A_206 : i1 to i32
      %cond3A = arith.constant 0 : i32
      %cond3A_207 = arith.cmpi ne, %convert_element_type3A, %cond3A : i32
      scf.if %cond3A_207 {
        %add3A_404 = arith.constant 2 : i32
        %add3A_405 = arith.addi %mul3A_24, %add3A_404 : i32
        %mul3A_406 = arith.constant 16 : i32
        %mul3A_407 = arith.muli %add3A_405, %mul3A_406 : i32
        %add3A_408 = arith.addi %add3A_4, %mul3A_407 : i32
        %dma_start3A_409 = arith.constant 0 : i32
        %dma_start3A_410 = tpu.memref_slice %arg2[%add3A_408, %dma_start3A_409] : memref<16384x1024xf32, #tpu.memory_space<hbm>> -> memref<16x1024xf32, #tpu.memory_space<hbm>>
        %dma_start3A_411 = arith.constant 0 : i32
        %dma_start3A_412 = tpu.memref_slice %arg2[%add3A_408, %dma_start3A_411] : memref<16384x1024xf32, #tpu.memory_space<hbm>> -> memref<16x1024xf32, #tpu.memory_space<hbm>>
        tpu.enqueue_dma source(%dma_start3A_412 : memref<16x1024xf32, #tpu.memory_space<hbm>>) target(%arg4 : memref<16x1024xf32, #tpu.memory_space<vmem>>) target_semaphore(%arg7 : memref<!tpu.dma_semaphore, #tpu.memory_space<semaphore_mem>>)
      } else {
      }
      %add3A_208 = arith.constant 1 : i32
      %add3A_209 = arith.addi %mul3A_24, %add3A_208 : i32
      %mul3A_210 = arith.constant 16 : i32
      %mul3A_211 = arith.muli %add3A_209, %mul3A_210 : i32
      %add3A_212 = arith.addi %add3A_4, %mul3A_211 : i32
      %dma_wait3A_213 = arith.constant 0 : i32
      %dma_wait3A_214 = tpu.memref_slice %arg2[%add3A_212, %dma_wait3A_213] : memref<16384x1024xf32, #tpu.memory_space<hbm>> -> memref<16x1024xf32, #tpu.memory_space<hbm>>
      %dma_wait3A_215 = arith.constant 0 : i32
      %dma_wait3A_216 = tpu.memref_slice %arg2[%add3A_212, %dma_wait3A_215] : memref<16384x1024xf32, #tpu.memory_space<hbm>> -> memref<16x1024xf32, #tpu.memory_space<hbm>>
      tpu.wait_dma2 semaphore(%arg8 : memref<!tpu.dma_semaphore, #tpu.memory_space<semaphore_mem>>) src(%dma_wait3A_216 : memref<16x1024xf32, #tpu.memory_space<hbm>>) dst(%arg5 : memref<16x1024xf32, #tpu.memory_space<vmem>>)
      %add3A_217 = arith.constant 1 : i32
      %add3A_218 = arith.addi %mul3A_24, %add3A_217 : i32
      %broadcast_in_dim3A_219 = arith.constant 0.000000e+00 : f32
      %broadcast_in_dim3A_220 = vector.broadcast %broadcast_in_dim3A_219 : f32 to vector<16xf32>
      %broadcast_in_dim3A_221 = vector.broadcast %scan3A_16 : f32 to vector<16xf32>
      %broadcast_in_dim3A_222 = vector.broadcast %scan3A_16 : f32 to vector<16xf32>
      %broadcast_in_dim3A_223 = vector.broadcast %scan3A_16 : f32 to vector<16xf32>
      %broadcast_in_dim3A_224 = vector.broadcast %scan3A_16 : f32 to vector<16xf32>
      %broadcast_in_dim3A_225 = vector.broadcast %scan3A_16 : f32 to vector<16xf32>
      %broadcast_in_dim3A_226 = vector.broadcast %scan3A_16 : f32 to vector<16xf32>
      %broadcast_in_dim3A_227 = vector.broadcast %scan3A_16 : f32 to vector<16xf32>
      %broadcast_in_dim3A_228 = vector.broadcast %scan3A_16 : f32 to vector<16xf32>
      %scan3A_229 = arith.constant 0 : i32
      %scan3A_230 = arith.constant 64 : i32
      %scan3A_231 = arith.addi %scan3A_229, %scan3A_230 : i32
      %scan3A_232 = arith.constant 1 : i32
      %scan3A_233:8 = scf.for %scan3A_404 = %scan3A_229 to %scan3A_231 step %scan3A_232 iter_args(%scan3A_405 = %broadcast_in_dim3A_221, %scan3A_406 = %broadcast_in_dim3A_222, %scan3A_407 = %broadcast_in_dim3A_223, %scan3A_408 = %broadcast_in_dim3A_224, %scan3A_409 = %broadcast_in_dim3A_225, %scan3A_410 = %broadcast_in_dim3A_226, %scan3A_411 = %broadcast_in_dim3A_227, %scan3A_412 = %broadcast_in_dim3A_228) -> (vector<16xf32>, vector<16xf32>, vector<16xf32>, vector<16xf32>, vector<16xf32>, vector<16xf32>, vector<16xf32>, vector<16xf32>)  : i32 {
        %mul3A_413 = arith.constant 16 : i32
        %mul3A_414 = arith.muli %scan3A_404, %mul3A_413 : i32
        %get3A = arith.constant 0 : i32
        %get3A_415 = arith.index_cast %get3A : i32 to index
        %get3A_416 = arith.index_cast %mul3A_414 : i32 to index
        %get3A_417 = tpu.vector_load %arg5[%get3A_415, %get3A_416] {strides = array<i32>} : memref<16x1024xf32, #tpu.memory_space<vmem>>, vector<16xf32>,
        %sort3A = arith.constant dense<true> : vector<16xi1>
        %sort3A_418, %sort3A_419, %sort3A_420 = tpu.sort %get3A_417, %get3A_417 masked %sort3A : (vector<16xf32>, vector<16xf32>, vector<16xi1>) -> (vector<16xi1>, vector<16xf32>, vector<16xf32>)
        %rev3A = arith.constant 15 : i32
        %rev3A_421 = vector.broadcast %rev3A : i32 to vector<16xi32>
        %rev3A_422 = tpu.iota {dimensions = array<i32: 0>} : vector<16xi32>
        %rev3A_423 = arith.subi %rev3A_421, %rev3A_422 : vector<16xi32>
        %rev3A_424 = tpu.dynamic_gather %sort3A_419[%rev3A_423] in [0] : vector<16xf32>, vector<16xi32> -> vector<16xf32>
        %min3A = arith.minimumf %scan3A_405, %rev3A_424 : vector<16xf32>
        %sort3A_425 = arith.constant dense<true> : vector<16xi1>
        %sort3A_426, %sort3A_427, %sort3A_428 = tpu.sort %min3A, %min3A masked %sort3A_425 : (vector<16xf32>, vector<16xf32>, vector<16xi1>) -> (vector<16xi1>, vector<16xf32>, vector<16xf32>)
        %mul3A_429 = arith.constant 16 : i32
        %mul3A_430 = arith.muli %scan3A_404, %mul3A_429 : i32
        %get3A_431 = arith.constant 1 : i32
        %get3A_432 = arith.index_cast %get3A_431 : i32 to index
        %get3A_433 = arith.index_cast %mul3A_430 : i32 to index
        %get3A_434 = tpu.vector_load %arg5[%get3A_432, %get3A_433] {strides = array<i32>} : memref<16x1024xf32, #tpu.memory_space<vmem>>, vector<16xf32>,
        %sort3A_435 = arith.constant dense<true> : vector<16xi1>
        %sort3A_436, %sort3A_437, %sort3A_438 = tpu.sort %get3A_434, %get3A_434 masked %sort3A_435 : (vector<16xf32>, vector<16xf32>, vector<16xi1>) -> (vector<16xi1>, vector<16xf32>, vector<16xf32>)
        %rev3A_439 = arith.constant 15 : i32
        %rev3A_440 = vector.broadcast %rev3A_439 : i32 to vector<16xi32>
        %rev3A_441 = tpu.iota {dimensions = array<i32: 0>} : vector<16xi32>
        %rev3A_442 = arith.subi %rev3A_440, %rev3A_441 : vector<16xi32>
        %rev3A_443 = tpu.dynamic_gather %sort3A_437[%rev3A_442] in [0] : vector<16xf32>, vector<16xi32> -> vector<16xf32>
        %min3A_444 = arith.minimumf %scan3A_406, %rev3A_443 : vector<16xf32>
        %sort3A_445 = arith.constant dense<true> : vector<16xi1>
        %sort3A_446, %sort3A_447, %sort3A_448 = tpu.sort %min3A_444, %min3A_444 masked %sort3A_445 : (vector<16xf32>, vector<16xf32>, vector<16xi1>) -> (vector<16xi1>, vector<16xf32>, vector<16xf32>)
        %mul3A_449 = arith.constant 16 : i32
        %mul3A_450 = arith.muli %scan3A_404, %mul3A_449 : i32
        %get3A_451 = arith.constant 2 : i32
        %get3A_452 = arith.index_cast %get3A_451 : i32 to index
        %get3A_453 = arith.index_cast %mul3A_450 : i32 to index
        %get3A_454 = tpu.vector_load %arg5[%get3A_452, %get3A_453] {strides = array<i32>} : memref<16x1024xf32, #tpu.memory_space<vmem>>, vector<16xf32>,
        %sort3A_455 = arith.constant dense<true> : vector<16xi1>
        %sort3A_456, %sort3A_457, %sort3A_458 = tpu.sort %get3A_454, %get3A_454 masked %sort3A_455 : (vector<16xf32>, vector<16xf32>, vector<16xi1>) -> (vector<16xi1>, vector<16xf32>, vector<16xf32>)
        %rev3A_459 = arith.constant 15 : i32
        %rev3A_460 = vector.broadcast %rev3A_459 : i32 to vector<16xi32>
        %rev3A_461 = tpu.iota {dimensions = array<i32: 0>} : vector<16xi32>
        %rev3A_462 = arith.subi %rev3A_460, %rev3A_461 : vector<16xi32>
        %rev3A_463 = tpu.dynamic_gather %sort3A_457[%rev3A_462] in [0] : vector<16xf32>, vector<16xi32> -> vector<16xf32>
        %min3A_464 = arith.minimumf %scan3A_407, %rev3A_463 : vector<16xf32>
        %sort3A_465 = arith.constant dense<true> : vector<16xi1>
        %sort3A_466, %sort3A_467, %sort3A_468 = tpu.sort %min3A_464, %min3A_464 masked %sort3A_465 : (vector<16xf32>, vector<16xf32>, vector<16xi1>) -> (vector<16xi1>, vector<16xf32>, vector<16xf32>)
        %mul3A_469 = arith.constant 16 : i32
        %mul3A_470 = arith.muli %scan3A_404, %mul3A_469 : i32
        %get3A_471 = arith.constant 3 : i32
        %get3A_472 = arith.index_cast %get3A_471 : i32 to index
        %get3A_473 = arith.index_cast %mul3A_470 : i32 to index
        %get3A_474 = tpu.vector_load %arg5[%get3A_472, %get3A_473] {strides = array<i32>} : memref<16x1024xf32, #tpu.memory_space<vmem>>, vector<16xf32>,
        %sort3A_475 = arith.constant dense<true> : vector<16xi1>
        %sort3A_476, %sort3A_477, %sort3A_478 = tpu.sort %get3A_474, %get3A_474 masked %sort3A_475 : (vector<16xf32>, vector<16xf32>, vector<16xi1>) -> (vector<16xi1>, vector<16xf32>, vector<16xf32>)
        %rev3A_479 = arith.constant 15 : i32
        %rev3A_480 = vector.broadcast %rev3A_479 : i32 to vector<16xi32>
        %rev3A_481 = tpu.iota {dimensions = array<i32: 0>} : vector<16xi32>
        %rev3A_482 = arith.subi %rev3A_480, %rev3A_481 : vector<16xi32>
        %rev3A_483 = tpu.dynamic_gather %sort3A_477[%rev3A_482] in [0] : vector<16xf32>, vector<16xi32> -> vector<16xf32>
        %min3A_484 = arith.minimumf %scan3A_408, %rev3A_483 : vector<16xf32>
        %sort3A_485 = arith.constant dense<true> : vector<16xi1>
        %sort3A_486, %sort3A_487, %sort3A_488 = tpu.sort %min3A_484, %min3A_484 masked %sort3A_485 : (vector<16xf32>, vector<16xf32>, vector<16xi1>) -> (vector<16xi1>, vector<16xf32>, vector<16xf32>)
        %mul3A_489 = arith.constant 16 : i32
        %mul3A_490 = arith.muli %scan3A_404, %mul3A_489 : i32
        %get3A_491 = arith.constant 4 : i32
        %get3A_492 = arith.index_cast %get3A_491 : i32 to index
        %get3A_493 = arith.index_cast %mul3A_490 : i32 to index
        %get3A_494 = tpu.vector_load %arg5[%get3A_492, %get3A_493] {strides = array<i32>} : memref<16x1024xf32, #tpu.memory_space<vmem>>, vector<16xf32>,
        %sort3A_495 = arith.constant dense<true> : vector<16xi1>
        %sort3A_496, %sort3A_497, %sort3A_498 = tpu.sort %get3A_494, %get3A_494 masked %sort3A_495 : (vector<16xf32>, vector<16xf32>, vector<16xi1>) -> (vector<16xi1>, vector<16xf32>, vector<16xf32>)
        %rev3A_499 = arith.constant 15 : i32
        %rev3A_500 = vector.broadcast %rev3A_499 : i32 to vector<16xi32>
        %rev3A_501 = tpu.iota {dimensions = array<i32: 0>} : vector<16xi32>
        %rev3A_502 = arith.subi %rev3A_500, %rev3A_501 : vector<16xi32>
        %rev3A_503 = tpu.dynamic_gather %sort3A_497[%rev3A_502] in [0] : vector<16xf32>, vector<16xi32> -> vector<16xf32>
        %min3A_504 = arith.minimumf %scan3A_409, %rev3A_503 : vector<16xf32>
        %sort3A_505 = arith.constant dense<true> : vector<16xi1>
        %sort3A_506, %sort3A_507, %sort3A_508 = tpu.sort %min3A_504, %min3A_504 masked %sort3A_505 : (vector<16xf32>, vector<16xf32>, vector<16xi1>) -> (vector<16xi1>, vector<16xf32>, vector<16xf32>)
        %mul3A_509 = arith.constant 16 : i32
        %mul3A_510 = arith.muli %scan3A_404, %mul3A_509 : i32
        %get3A_511 = arith.constant 5 : i32
        %get3A_512 = arith.index_cast %get3A_511 : i32 to index
        %get3A_513 = arith.index_cast %mul3A_510 : i32 to index
        %get3A_514 = tpu.vector_load %arg5[%get3A_512, %get3A_513] {strides = array<i32>} : memref<16x1024xf32, #tpu.memory_space<vmem>>, vector<16xf32>,
        %sort3A_515 = arith.constant dense<true> : vector<16xi1>
        %sort3A_516, %sort3A_517, %sort3A_518 = tpu.sort %get3A_514, %get3A_514 masked %sort3A_515 : (vector<16xf32>, vector<16xf32>, vector<16xi1>) -> (vector<16xi1>, vector<16xf32>, vector<16xf32>)
        %rev3A_519 = arith.constant 15 : i32
        %rev3A_520 = vector.broadcast %rev3A_519 : i32 to vector<16xi32>
        %rev3A_521 = tpu.iota {dimensions = array<i32: 0>} : vector<16xi32>
        %rev3A_522 = arith.subi %rev3A_520, %rev3A_521 : vector<16xi32>
        %rev3A_523 = tpu.dynamic_gather %sort3A_517[%rev3A_522] in [0] : vector<16xf32>, vector<16xi32> -> vector<16xf32>
        %min3A_524 = arith.minimumf %scan3A_410, %rev3A_523 : vector<16xf32>
        %sort3A_525 = arith.constant dense<true> : vector<16xi1>
        %sort3A_526, %sort3A_527, %sort3A_528 = tpu.sort %min3A_524, %min3A_524 masked %sort3A_525 : (vector<16xf32>, vector<16xf32>, vector<16xi1>) -> (vector<16xi1>, vector<16xf32>, vector<16xf32>)
        %mul3A_529 = arith.constant 16 : i32
        %mul3A_530 = arith.muli %scan3A_404, %mul3A_529 : i32
        %get3A_531 = arith.constant 6 : i32
        %get3A_532 = arith.index_cast %get3A_531 : i32 to index
        %get3A_533 = arith.index_cast %mul3A_530 : i32 to index
        %get3A_534 = tpu.vector_load %arg5[%get3A_532, %get3A_533] {strides = array<i32>} : memref<16x1024xf32, #tpu.memory_space<vmem>>, vector<16xf32>,
        %sort3A_535 = arith.constant dense<true> : vector<16xi1>
        %sort3A_536, %sort3A_537, %sort3A_538 = tpu.sort %get3A_534, %get3A_534 masked %sort3A_535 : (vector<16xf32>, vector<16xf32>, vector<16xi1>) -> (vector<16xi1>, vector<16xf32>, vector<16xf32>)
        %rev3A_539 = arith.constant 15 : i32
        %rev3A_540 = vector.broadcast %rev3A_539 : i32 to vector<16xi32>
        %rev3A_541 = tpu.iota {dimensions = array<i32: 0>} : vector<16xi32>
        %rev3A_542 = arith.subi %rev3A_540, %rev3A_541 : vector<16xi32>
        %rev3A_543 = tpu.dynamic_gather %sort3A_537[%rev3A_542] in [0] : vector<16xf32>, vector<16xi32> -> vector<16xf32>
        %min3A_544 = arith.minimumf %scan3A_411, %rev3A_543 : vector<16xf32>
        %sort3A_545 = arith.constant dense<true> : vector<16xi1>
        %sort3A_546, %sort3A_547, %sort3A_548 = tpu.sort %min3A_544, %min3A_544 masked %sort3A_545 : (vector<16xf32>, vector<16xf32>, vector<16xi1>) -> (vector<16xi1>, vector<16xf32>, vector<16xf32>)
        %mul3A_549 = arith.constant 16 : i32
        %mul3A_550 = arith.muli %scan3A_404, %mul3A_549 : i32
        %get3A_551 = arith.constant 7 : i32
        %get3A_552 = arith.index_cast %get3A_551 : i32 to index
        %get3A_553 = arith.index_cast %mul3A_550 : i32 to index
        %get3A_554 = tpu.vector_load %arg5[%get3A_552, %get3A_553] {strides = array<i32>} : memref<16x1024xf32, #tpu.memory_space<vmem>>, vector<16xf32>,
        %sort3A_555 = arith.constant dense<true> : vector<16xi1>
        %sort3A_556, %sort3A_557, %sort3A_558 = tpu.sort %get3A_554, %get3A_554 masked %sort3A_555 : (vector<16xf32>, vector<16xf32>, vector<16xi1>) -> (vector<16xi1>, vector<16xf32>, vector<16xf32>)
        %rev3A_559 = arith.constant 15 : i32
        %rev3A_560 = vector.broadcast %rev3A_559 : i32 to vector<16xi32>
        %rev3A_561 = tpu.iota {dimensions = array<i32: 0>} : vector<16xi32>
        %rev3A_562 = arith.subi %rev3A_560, %rev3A_561 : vector<16xi32>
        %rev3A_563 = tpu.dynamic_gather %sort3A_557[%rev3A_562] in [0] : vector<16xf32>, vector<16xi32> -> vector<16xf32>
        %min3A_564 = arith.minimumf %scan3A_412, %rev3A_563 : vector<16xf32>
        %sort3A_565 = arith.constant dense<true> : vector<16xi1>
        %sort3A_566, %sort3A_567, %sort3A_568 = tpu.sort %min3A_564, %min3A_564 masked %sort3A_565 : (vector<16xf32>, vector<16xf32>, vector<16xi1>) -> (vector<16xi1>, vector<16xf32>, vector<16xf32>)
        scf.yield %sort3A_427, %sort3A_447, %sort3A_467, %sort3A_487, %sort3A_507, %sort3A_527, %sort3A_547, %sort3A_567 : vector<16xf32>, vector<16xf32>, vector<16xf32>, vector<16xf32>, vector<16xf32>, vector<16xf32>, vector<16xf32>, vector<16xf32>
      }
      %scan3A_234 = arith.constant 64 : i32
      %eq3A_235 = arith.constant 0 : i32
      %eq3A_236 = vector.broadcast %eq3A_235 : i32 to vector<16xi32>
      %eq3A_237 = arith.cmpi eq, %iota3A, %eq3A_236 : vector<16xi32>
      %reduce_max3A_238 = arith.constant true
      %reduce_max3A_239 = vector.broadcast %reduce_max3A_238 : i1 to vector<16xi1>
      %reduce_max3A_240 = tpu.scan <max>, %scan3A_233#0 masked %reduce_max3A_239 : vector<16xf32>, vector<16xi1> -> vector<16xf32>
      %reduce_max3A_241 = vector.extract %reduce_max3A_240[15] : f32 from vector<16xf32>
      %broadcast_in_dim3A_242 = vector.broadcast %reduce_max3A_241 : f32 to vector<16xf32>
      %select_n3A_243 = arith.select %eq3A_237, %broadcast_in_dim3A_242, %broadcast_in_dim3A_220 : vector<16xi1>, vector<16xf32>
      %eq3A_244 = arith.constant 1 : i32
      %eq3A_245 = vector.broadcast %eq3A_244 : i32 to vector<16xi32>
      %eq3A_246 = arith.cmpi eq, %iota3A, %eq3A_245 : vector<16xi32>
      %reduce_max3A_247 = arith.constant true
      %reduce_max3A_248 = vector.broadcast %reduce_max3A_247 : i1 to vector<16xi1>
      %reduce_max3A_249 = tpu.scan <max>, %scan3A_233#1 masked %reduce_max3A_248 : vector<16xf32>, vector<16xi1> -> vector<16xf32>
      %reduce_max3A_250 = vector.extract %reduce_max3A_249[15] : f32 from vector<16xf32>
      %broadcast_in_dim3A_251 = vector.broadcast %reduce_max3A_250 : f32 to vector<16xf32>
      %select_n3A_252 = arith.select %eq3A_246, %broadcast_in_dim3A_251, %select_n3A_243 : vector<16xi1>, vector<16xf32>
      %eq3A_253 = arith.constant 2 : i32
      %eq3A_254 = vector.broadcast %eq3A_253 : i32 to vector<16xi32>
      %eq3A_255 = arith.cmpi eq, %iota3A, %eq3A_254 : vector<16xi32>
      %reduce_max3A_256 = arith.constant true
      %reduce_max3A_257 = vector.broadcast %reduce_max3A_256 : i1 to vector<16xi1>
      %reduce_max3A_258 = tpu.scan <max>, %scan3A_233#2 masked %reduce_max3A_257 : vector<16xf32>, vector<16xi1> -> vector<16xf32>
      %reduce_max3A_259 = vector.extract %reduce_max3A_258[15] : f32 from vector<16xf32>
      %broadcast_in_dim3A_260 = vector.broadcast %reduce_max3A_259 : f32 to vector<16xf32>
      %select_n3A_261 = arith.select %eq3A_255, %broadcast_in_dim3A_260, %select_n3A_252 : vector<16xi1>, vector<16xf32>
      %eq3A_262 = arith.constant 3 : i32
      %eq3A_263 = vector.broadcast %eq3A_262 : i32 to vector<16xi32>
      %eq3A_264 = arith.cmpi eq, %iota3A, %eq3A_263 : vector<16xi32>
      %reduce_max3A_265 = arith.constant true
      %reduce_max3A_266 = vector.broadcast %reduce_max3A_265 : i1 to vector<16xi1>
      %reduce_max3A_267 = tpu.scan <max>, %scan3A_233#3 masked %reduce_max3A_266 : vector<16xf32>, vector<16xi1> -> vector<16xf32>
      %reduce_max3A_268 = vector.extract %reduce_max3A_267[15] : f32 from vector<16xf32>
      %broadcast_in_dim3A_269 = vector.broadcast %reduce_max3A_268 : f32 to vector<16xf32>
      %select_n3A_270 = arith.select %eq3A_264, %broadcast_in_dim3A_269, %select_n3A_261 : vector<16xi1>, vector<16xf32>
      %eq3A_271 = arith.constant 4 : i32
      %eq3A_272 = vector.broadcast %eq3A_271 : i32 to vector<16xi32>
      %eq3A_273 = arith.cmpi eq, %iota3A, %eq3A_272 : vector<16xi32>
      %reduce_max3A_274 = arith.constant true
      %reduce_max3A_275 = vector.broadcast %reduce_max3A_274 : i1 to vector<16xi1>
      %reduce_max3A_276 = tpu.scan <max>, %scan3A_233#4 masked %reduce_max3A_275 : vector<16xf32>, vector<16xi1> -> vector<16xf32>
      %reduce_max3A_277 = vector.extract %reduce_max3A_276[15] : f32 from vector<16xf32>
      %broadcast_in_dim3A_278 = vector.broadcast %reduce_max3A_277 : f32 to vector<16xf32>
      %select_n3A_279 = arith.select %eq3A_273, %broadcast_in_dim3A_278, %select_n3A_270 : vector<16xi1>, vector<16xf32>
      %eq3A_280 = arith.constant 5 : i32
      %eq3A_281 = vector.broadcast %eq3A_280 : i32 to vector<16xi32>
      %eq3A_282 = arith.cmpi eq, %iota3A, %eq3A_281 : vector<16xi32>
      %reduce_max3A_283 = arith.constant true
      %reduce_max3A_284 = vector.broadcast %reduce_max3A_283 : i1 to vector<16xi1>
      %reduce_max3A_285 = tpu.scan <max>, %scan3A_233#5 masked %reduce_max3A_284 : vector<16xf32>, vector<16xi1> -> vector<16xf32>
      %reduce_max3A_286 = vector.extract %reduce_max3A_285[15] : f32 from vector<16xf32>
      %broadcast_in_dim3A_287 = vector.broadcast %reduce_max3A_286 : f32 to vector<16xf32>
      %select_n3A_288 = arith.select %eq3A_282, %broadcast_in_dim3A_287, %select_n3A_279 : vector<16xi1>, vector<16xf32>
      %eq3A_289 = arith.constant 6 : i32
      %eq3A_290 = vector.broadcast %eq3A_289 : i32 to vector<16xi32>
      %eq3A_291 = arith.cmpi eq, %iota3A, %eq3A_290 : vector<16xi32>
      %reduce_max3A_292 = arith.constant true
      %reduce_max3A_293 = vector.broadcast %reduce_max3A_292 : i1 to vector<16xi1>
      %reduce_max3A_294 = tpu.scan <max>, %scan3A_233#6 masked %reduce_max3A_293 : vector<16xf32>, vector<16xi1> -> vector<16xf32>
      %reduce_max3A_295 = vector.extract %reduce_max3A_294[15] : f32 from vector<16xf32>
      %broadcast_in_dim3A_296 = vector.broadcast %reduce_max3A_295 : f32 to vector<16xf32>
      %select_n3A_297 = arith.select %eq3A_291, %broadcast_in_dim3A_296, %select_n3A_288 : vector<16xi1>, vector<16xf32>
      %eq3A_298 = arith.constant 7 : i32
      %eq3A_299 = vector.broadcast %eq3A_298 : i32 to vector<16xi32>
      %eq3A_300 = arith.cmpi eq, %iota3A, %eq3A_299 : vector<16xi32>
      %reduce_max3A_301 = arith.constant true
      %reduce_max3A_302 = vector.broadcast %reduce_max3A_301 : i1 to vector<16xi1>
      %reduce_max3A_303 = tpu.scan <max>, %scan3A_233#7 masked %reduce_max3A_302 : vector<16xf32>, vector<16xi1> -> vector<16xf32>
      %reduce_max3A_304 = vector.extract %reduce_max3A_303[15] : f32 from vector<16xf32>
      %broadcast_in_dim3A_305 = vector.broadcast %reduce_max3A_304 : f32 to vector<16xf32>
      %select_n3A_306 = arith.select %eq3A_300, %broadcast_in_dim3A_305, %select_n3A_297 : vector<16xi1>, vector<16xf32>
      %broadcast_in_dim3A_307 = vector.broadcast %scan3A_16 : f32 to vector<16xf32>
      %broadcast_in_dim3A_308 = vector.broadcast %scan3A_16 : f32 to vector<16xf32>
      %broadcast_in_dim3A_309 = vector.broadcast %scan3A_16 : f32 to vector<16xf32>
      %broadcast_in_dim3A_310 = vector.broadcast %scan3A_16 : f32 to vector<16xf32>
      %broadcast_in_dim3A_311 = vector.broadcast %scan3A_16 : f32 to vector<16xf32>
      %broadcast_in_dim3A_312 = vector.broadcast %scan3A_16 : f32 to vector<16xf32>
      %broadcast_in_dim3A_313 = vector.broadcast %scan3A_16 : f32 to vector<16xf32>
      %broadcast_in_dim3A_314 = vector.broadcast %scan3A_16 : f32 to vector<16xf32>
      %scan3A_315 = arith.constant 0 : i32
      %scan3A_316 = arith.constant 64 : i32
      %scan3A_317 = arith.addi %scan3A_315, %scan3A_316 : i32
      %scan3A_318 = arith.constant 1 : i32
      %scan3A_319:8 = scf.for %scan3A_404 = %scan3A_315 to %scan3A_317 step %scan3A_318 iter_args(%scan3A_405 = %broadcast_in_dim3A_307, %scan3A_406 = %broadcast_in_dim3A_308, %scan3A_407 = %broadcast_in_dim3A_309, %scan3A_408 = %broadcast_in_dim3A_310, %scan3A_409 = %broadcast_in_dim3A_311, %scan3A_410 = %broadcast_in_dim3A_312, %scan3A_411 = %broadcast_in_dim3A_313, %scan3A_412 = %broadcast_in_dim3A_314) -> (vector<16xf32>, vector<16xf32>, vector<16xf32>, vector<16xf32>, vector<16xf32>, vector<16xf32>, vector<16xf32>, vector<16xf32>)  : i32 {
        %mul3A_413 = arith.constant 16 : i32
        %mul3A_414 = arith.muli %scan3A_404, %mul3A_413 : i32
        %get3A = arith.constant 8 : i32
        %get3A_415 = arith.index_cast %get3A : i32 to index
        %get3A_416 = arith.index_cast %mul3A_414 : i32 to index
        %get3A_417 = tpu.vector_load %arg5[%get3A_415, %get3A_416] {strides = array<i32>} : memref<16x1024xf32, #tpu.memory_space<vmem>>, vector<16xf32>,
        %sort3A = arith.constant dense<true> : vector<16xi1>
        %sort3A_418, %sort3A_419, %sort3A_420 = tpu.sort %get3A_417, %get3A_417 masked %sort3A : (vector<16xf32>, vector<16xf32>, vector<16xi1>) -> (vector<16xi1>, vector<16xf32>, vector<16xf32>)
        %rev3A = arith.constant 15 : i32
        %rev3A_421 = vector.broadcast %rev3A : i32 to vector<16xi32>
        %rev3A_422 = tpu.iota {dimensions = array<i32: 0>} : vector<16xi32>
        %rev3A_423 = arith.subi %rev3A_421, %rev3A_422 : vector<16xi32>
        %rev3A_424 = tpu.dynamic_gather %sort3A_419[%rev3A_423] in [0] : vector<16xf32>, vector<16xi32> -> vector<16xf32>
        %min3A = arith.minimumf %scan3A_405, %rev3A_424 : vector<16xf32>
        %sort3A_425 = arith.constant dense<true> : vector<16xi1>
        %sort3A_426, %sort3A_427, %sort3A_428 = tpu.sort %min3A, %min3A masked %sort3A_425 : (vector<16xf32>, vector<16xf32>, vector<16xi1>) -> (vector<16xi1>, vector<16xf32>, vector<16xf32>)
        %mul3A_429 = arith.constant 16 : i32
        %mul3A_430 = arith.muli %scan3A_404, %mul3A_429 : i32
        %get3A_431 = arith.constant 9 : i32
        %get3A_432 = arith.index_cast %get3A_431 : i32 to index
        %get3A_433 = arith.index_cast %mul3A_430 : i32 to index
        %get3A_434 = tpu.vector_load %arg5[%get3A_432, %get3A_433] {strides = array<i32>} : memref<16x1024xf32, #tpu.memory_space<vmem>>, vector<16xf32>,
        %sort3A_435 = arith.constant dense<true> : vector<16xi1>
        %sort3A_436, %sort3A_437, %sort3A_438 = tpu.sort %get3A_434, %get3A_434 masked %sort3A_435 : (vector<16xf32>, vector<16xf32>, vector<16xi1>) -> (vector<16xi1>, vector<16xf32>, vector<16xf32>)
        %rev3A_439 = arith.constant 15 : i32
        %rev3A_440 = vector.broadcast %rev3A_439 : i32 to vector<16xi32>
        %rev3A_441 = tpu.iota {dimensions = array<i32: 0>} : vector<16xi32>
        %rev3A_442 = arith.subi %rev3A_440, %rev3A_441 : vector<16xi32>
        %rev3A_443 = tpu.dynamic_gather %sort3A_437[%rev3A_442] in [0] : vector<16xf32>, vector<16xi32> -> vector<16xf32>
        %min3A_444 = arith.minimumf %scan3A_406, %rev3A_443 : vector<16xf32>
        %sort3A_445 = arith.constant dense<true> : vector<16xi1>
        %sort3A_446, %sort3A_447, %sort3A_448 = tpu.sort %min3A_444, %min3A_444 masked %sort3A_445 : (vector<16xf32>, vector<16xf32>, vector<16xi1>) -> (vector<16xi1>, vector<16xf32>, vector<16xf32>)
        %mul3A_449 = arith.constant 16 : i32
        %mul3A_450 = arith.muli %scan3A_404, %mul3A_449 : i32
        %get3A_451 = arith.constant 10 : i32
        %get3A_452 = arith.index_cast %get3A_451 : i32 to index
        %get3A_453 = arith.index_cast %mul3A_450 : i32 to index
        %get3A_454 = tpu.vector_load %arg5[%get3A_452, %get3A_453] {strides = array<i32>} : memref<16x1024xf32, #tpu.memory_space<vmem>>, vector<16xf32>,
        %sort3A_455 = arith.constant dense<true> : vector<16xi1>
        %sort3A_456, %sort3A_457, %sort3A_458 = tpu.sort %get3A_454, %get3A_454 masked %sort3A_455 : (vector<16xf32>, vector<16xf32>, vector<16xi1>) -> (vector<16xi1>, vector<16xf32>, vector<16xf32>)
        %rev3A_459 = arith.constant 15 : i32
        %rev3A_460 = vector.broadcast %rev3A_459 : i32 to vector<16xi32>
        %rev3A_461 = tpu.iota {dimensions = array<i32: 0>} : vector<16xi32>
        %rev3A_462 = arith.subi %rev3A_460, %rev3A_461 : vector<16xi32>
        %rev3A_463 = tpu.dynamic_gather %sort3A_457[%rev3A_462] in [0] : vector<16xf32>, vector<16xi32> -> vector<16xf32>
        %min3A_464 = arith.minimumf %scan3A_407, %rev3A_463 : vector<16xf32>
        %sort3A_465 = arith.constant dense<true> : vector<16xi1>
        %sort3A_466, %sort3A_467, %sort3A_468 = tpu.sort %min3A_464, %min3A_464 masked %sort3A_465 : (vector<16xf32>, vector<16xf32>, vector<16xi1>) -> (vector<16xi1>, vector<16xf32>, vector<16xf32>)
        %mul3A_469 = arith.constant 16 : i32
        %mul3A_470 = arith.muli %scan3A_404, %mul3A_469 : i32
        %get3A_471 = arith.constant 11 : i32
        %get3A_472 = arith.index_cast %get3A_471 : i32 to index
        %get3A_473 = arith.index_cast %mul3A_470 : i32 to index
        %get3A_474 = tpu.vector_load %arg5[%get3A_472, %get3A_473] {strides = array<i32>} : memref<16x1024xf32, #tpu.memory_space<vmem>>, vector<16xf32>,
        %sort3A_475 = arith.constant dense<true> : vector<16xi1>
        %sort3A_476, %sort3A_477, %sort3A_478 = tpu.sort %get3A_474, %get3A_474 masked %sort3A_475 : (vector<16xf32>, vector<16xf32>, vector<16xi1>) -> (vector<16xi1>, vector<16xf32>, vector<16xf32>)
        %rev3A_479 = arith.constant 15 : i32
        %rev3A_480 = vector.broadcast %rev3A_479 : i32 to vector<16xi32>
        %rev3A_481 = tpu.iota {dimensions = array<i32: 0>} : vector<16xi32>
        %rev3A_482 = arith.subi %rev3A_480, %rev3A_481 : vector<16xi32>
        %rev3A_483 = tpu.dynamic_gather %sort3A_477[%rev3A_482] in [0] : vector<16xf32>, vector<16xi32> -> vector<16xf32>
        %min3A_484 = arith.minimumf %scan3A_408, %rev3A_483 : vector<16xf32>
        %sort3A_485 = arith.constant dense<true> : vector<16xi1>
        %sort3A_486, %sort3A_487, %sort3A_488 = tpu.sort %min3A_484, %min3A_484 masked %sort3A_485 : (vector<16xf32>, vector<16xf32>, vector<16xi1>) -> (vector<16xi1>, vector<16xf32>, vector<16xf32>)
        %mul3A_489 = arith.constant 16 : i32
        %mul3A_490 = arith.muli %scan3A_404, %mul3A_489 : i32
        %get3A_491 = arith.constant 12 : i32
        %get3A_492 = arith.index_cast %get3A_491 : i32 to index
        %get3A_493 = arith.index_cast %mul3A_490 : i32 to index
        %get3A_494 = tpu.vector_load %arg5[%get3A_492, %get3A_493] {strides = array<i32>} : memref<16x1024xf32, #tpu.memory_space<vmem>>, vector<16xf32>,
        %sort3A_495 = arith.constant dense<true> : vector<16xi1>
        %sort3A_496, %sort3A_497, %sort3A_498 = tpu.sort %get3A_494, %get3A_494 masked %sort3A_495 : (vector<16xf32>, vector<16xf32>, vector<16xi1>) -> (vector<16xi1>, vector<16xf32>, vector<16xf32>)
        %rev3A_499 = arith.constant 15 : i32
        %rev3A_500 = vector.broadcast %rev3A_499 : i32 to vector<16xi32>
        %rev3A_501 = tpu.iota {dimensions = array<i32: 0>} : vector<16xi32>
        %rev3A_502 = arith.subi %rev3A_500, %rev3A_501 : vector<16xi32>
        %rev3A_503 = tpu.dynamic_gather %sort3A_497[%rev3A_502] in [0] : vector<16xf32>, vector<16xi32> -> vector<16xf32>
        %min3A_504 = arith.minimumf %scan3A_409, %rev3A_503 : vector<16xf32>
        %sort3A_505 = arith.constant dense<true> : vector<16xi1>
        %sort3A_506, %sort3A_507, %sort3A_508 = tpu.sort %min3A_504, %min3A_504 masked %sort3A_505 : (vector<16xf32>, vector<16xf32>, vector<16xi1>) -> (vector<16xi1>, vector<16xf32>, vector<16xf32>)
        %mul3A_509 = arith.constant 16 : i32
        %mul3A_510 = arith.muli %scan3A_404, %mul3A_509 : i32
        %get3A_511 = arith.constant 13 : i32
        %get3A_512 = arith.index_cast %get3A_511 : i32 to index
        %get3A_513 = arith.index_cast %mul3A_510 : i32 to index
        %get3A_514 = tpu.vector_load %arg5[%get3A_512, %get3A_513] {strides = array<i32>} : memref<16x1024xf32, #tpu.memory_space<vmem>>, vector<16xf32>,
        %sort3A_515 = arith.constant dense<true> : vector<16xi1>
        %sort3A_516, %sort3A_517, %sort3A_518 = tpu.sort %get3A_514, %get3A_514 masked %sort3A_515 : (vector<16xf32>, vector<16xf32>, vector<16xi1>) -> (vector<16xi1>, vector<16xf32>, vector<16xf32>)
        %rev3A_519 = arith.constant 15 : i32
        %rev3A_520 = vector.broadcast %rev3A_519 : i32 to vector<16xi32>
        %rev3A_521 = tpu.iota {dimensions = array<i32: 0>} : vector<16xi32>
        %rev3A_522 = arith.subi %rev3A_520, %rev3A_521 : vector<16xi32>
        %rev3A_523 = tpu.dynamic_gather %sort3A_517[%rev3A_522] in [0] : vector<16xf32>, vector<16xi32> -> vector<16xf32>
        %min3A_524 = arith.minimumf %scan3A_410, %rev3A_523 : vector<16xf32>
        %sort3A_525 = arith.constant dense<true> : vector<16xi1>
        %sort3A_526, %sort3A_527, %sort3A_528 = tpu.sort %min3A_524, %min3A_524 masked %sort3A_525 : (vector<16xf32>, vector<16xf32>, vector<16xi1>) -> (vector<16xi1>, vector<16xf32>, vector<16xf32>)
        %mul3A_529 = arith.constant 16 : i32
        %mul3A_530 = arith.muli %scan3A_404, %mul3A_529 : i32
        %get3A_531 = arith.constant 14 : i32
        %get3A_532 = arith.index_cast %get3A_531 : i32 to index
        %get3A_533 = arith.index_cast %mul3A_530 : i32 to index
        %get3A_534 = tpu.vector_load %arg5[%get3A_532, %get3A_533] {strides = array<i32>} : memref<16x1024xf32, #tpu.memory_space<vmem>>, vector<16xf32>,
        %sort3A_535 = arith.constant dense<true> : vector<16xi1>
        %sort3A_536, %sort3A_537, %sort3A_538 = tpu.sort %get3A_534, %get3A_534 masked %sort3A_535 : (vector<16xf32>, vector<16xf32>, vector<16xi1>) -> (vector<16xi1>, vector<16xf32>, vector<16xf32>)
        %rev3A_539 = arith.constant 15 : i32
        %rev3A_540 = vector.broadcast %rev3A_539 : i32 to vector<16xi32>
        %rev3A_541 = tpu.iota {dimensions = array<i32: 0>} : vector<16xi32>
        %rev3A_542 = arith.subi %rev3A_540, %rev3A_541 : vector<16xi32>
        %rev3A_543 = tpu.dynamic_gather %sort3A_537[%rev3A_542] in [0] : vector<16xf32>, vector<16xi32> -> vector<16xf32>
        %min3A_544 = arith.minimumf %scan3A_411, %rev3A_543 : vector<16xf32>
        %sort3A_545 = arith.constant dense<true> : vector<16xi1>
        %sort3A_546, %sort3A_547, %sort3A_548 = tpu.sort %min3A_544, %min3A_544 masked %sort3A_545 : (vector<16xf32>, vector<16xf32>, vector<16xi1>) -> (vector<16xi1>, vector<16xf32>, vector<16xf32>)
        %mul3A_549 = arith.constant 16 : i32
        %mul3A_550 = arith.muli %scan3A_404, %mul3A_549 : i32
        %get3A_551 = arith.constant 15 : i32
        %get3A_552 = arith.index_cast %get3A_551 : i32 to index
        %get3A_553 = arith.index_cast %mul3A_550 : i32 to index
        %get3A_554 = tpu.vector_load %arg5[%get3A_552, %get3A_553] {strides = array<i32>} : memref<16x1024xf32, #tpu.memory_space<vmem>>, vector<16xf32>,
        %sort3A_555 = arith.constant dense<true> : vector<16xi1>
        %sort3A_556, %sort3A_557, %sort3A_558 = tpu.sort %get3A_554, %get3A_554 masked %sort3A_555 : (vector<16xf32>, vector<16xf32>, vector<16xi1>) -> (vector<16xi1>, vector<16xf32>, vector<16xf32>)
        %rev3A_559 = arith.constant 15 : i32
        %rev3A_560 = vector.broadcast %rev3A_559 : i32 to vector<16xi32>
        %rev3A_561 = tpu.iota {dimensions = array<i32: 0>} : vector<16xi32>
        %rev3A_562 = arith.subi %rev3A_560, %rev3A_561 : vector<16xi32>
        %rev3A_563 = tpu.dynamic_gather %sort3A_557[%rev3A_562] in [0] : vector<16xf32>, vector<16xi32> -> vector<16xf32>
        %min3A_564 = arith.minimumf %scan3A_412, %rev3A_563 : vector<16xf32>
        %sort3A_565 = arith.constant dense<true> : vector<16xi1>
        %sort3A_566, %sort3A_567, %sort3A_568 = tpu.sort %min3A_564, %min3A_564 masked %sort3A_565 : (vector<16xf32>, vector<16xf32>, vector<16xi1>) -> (vector<16xi1>, vector<16xf32>, vector<16xf32>)
        scf.yield %sort3A_427, %sort3A_447, %sort3A_467, %sort3A_487, %sort3A_507, %sort3A_527, %sort3A_547, %sort3A_567 : vector<16xf32>, vector<16xf32>, vector<16xf32>, vector<16xf32>, vector<16xf32>, vector<16xf32>, vector<16xf32>, vector<16xf32>
      }
      %scan3A_320 = arith.constant 64 : i32
      %eq3A_321 = arith.constant 8 : i32
      %eq3A_322 = vector.broadcast %eq3A_321 : i32 to vector<16xi32>
      %eq3A_323 = arith.cmpi eq, %iota3A, %eq3A_322 : vector<16xi32>
      %reduce_max3A_324 = arith.constant true
      %reduce_max3A_325 = vector.broadcast %reduce_max3A_324 : i1 to vector<16xi1>
      %reduce_max3A_326 = tpu.scan <max>, %scan3A_319#0 masked %reduce_max3A_325 : vector<16xf32>, vector<16xi1> -> vector<16xf32>
      %reduce_max3A_327 = vector.extract %reduce_max3A_326[15] : f32 from vector<16xf32>
      %broadcast_in_dim3A_328 = vector.broadcast %reduce_max3A_327 : f32 to vector<16xf32>
      %select_n3A_329 = arith.select %eq3A_323, %broadcast_in_dim3A_328, %select_n3A_306 : vector<16xi1>, vector<16xf32>
      %eq3A_330 = arith.constant 9 : i32
      %eq3A_331 = vector.broadcast %eq3A_330 : i32 to vector<16xi32>
      %eq3A_332 = arith.cmpi eq, %iota3A, %eq3A_331 : vector<16xi32>
      %reduce_max3A_333 = arith.constant true
      %reduce_max3A_334 = vector.broadcast %reduce_max3A_333 : i1 to vector<16xi1>
      %reduce_max3A_335 = tpu.scan <max>, %scan3A_319#1 masked %reduce_max3A_334 : vector<16xf32>, vector<16xi1> -> vector<16xf32>
      %reduce_max3A_336 = vector.extract %reduce_max3A_335[15] : f32 from vector<16xf32>
      %broadcast_in_dim3A_337 = vector.broadcast %reduce_max3A_336 : f32 to vector<16xf32>
      %select_n3A_338 = arith.select %eq3A_332, %broadcast_in_dim3A_337, %select_n3A_329 : vector<16xi1>, vector<16xf32>
      %eq3A_339 = arith.constant 10 : i32
      %eq3A_340 = vector.broadcast %eq3A_339 : i32 to vector<16xi32>
      %eq3A_341 = arith.cmpi eq, %iota3A, %eq3A_340 : vector<16xi32>
      %reduce_max3A_342 = arith.constant true
      %reduce_max3A_343 = vector.broadcast %reduce_max3A_342 : i1 to vector<16xi1>
      %reduce_max3A_344 = tpu.scan <max>, %scan3A_319#2 masked %reduce_max3A_343 : vector<16xf32>, vector<16xi1> -> vector<16xf32>
      %reduce_max3A_345 = vector.extract %reduce_max3A_344[15] : f32 from vector<16xf32>
      %broadcast_in_dim3A_346 = vector.broadcast %reduce_max3A_345 : f32 to vector<16xf32>
      %select_n3A_347 = arith.select %eq3A_341, %broadcast_in_dim3A_346, %select_n3A_338 : vector<16xi1>, vector<16xf32>
      %eq3A_348 = arith.constant 11 : i32
      %eq3A_349 = vector.broadcast %eq3A_348 : i32 to vector<16xi32>
      %eq3A_350 = arith.cmpi eq, %iota3A, %eq3A_349 : vector<16xi32>
      %reduce_max3A_351 = arith.constant true
      %reduce_max3A_352 = vector.broadcast %reduce_max3A_351 : i1 to vector<16xi1>
      %reduce_max3A_353 = tpu.scan <max>, %scan3A_319#3 masked %reduce_max3A_352 : vector<16xf32>, vector<16xi1> -> vector<16xf32>
      %reduce_max3A_354 = vector.extract %reduce_max3A_353[15] : f32 from vector<16xf32>
      %broadcast_in_dim3A_355 = vector.broadcast %reduce_max3A_354 : f32 to vector<16xf32>
      %select_n3A_356 = arith.select %eq3A_350, %broadcast_in_dim3A_355, %select_n3A_347 : vector<16xi1>, vector<16xf32>
      %eq3A_357 = arith.constant 12 : i32
      %eq3A_358 = vector.broadcast %eq3A_357 : i32 to vector<16xi32>
      %eq3A_359 = arith.cmpi eq, %iota3A, %eq3A_358 : vector<16xi32>
      %reduce_max3A_360 = arith.constant true
      %reduce_max3A_361 = vector.broadcast %reduce_max3A_360 : i1 to vector<16xi1>
      %reduce_max3A_362 = tpu.scan <max>, %scan3A_319#4 masked %reduce_max3A_361 : vector<16xf32>, vector<16xi1> -> vector<16xf32>
      %reduce_max3A_363 = vector.extract %reduce_max3A_362[15] : f32 from vector<16xf32>
      %broadcast_in_dim3A_364 = vector.broadcast %reduce_max3A_363 : f32 to vector<16xf32>
      %select_n3A_365 = arith.select %eq3A_359, %broadcast_in_dim3A_364, %select_n3A_356 : vector<16xi1>, vector<16xf32>
      %eq3A_366 = arith.constant 13 : i32
      %eq3A_367 = vector.broadcast %eq3A_366 : i32 to vector<16xi32>
      %eq3A_368 = arith.cmpi eq, %iota3A, %eq3A_367 : vector<16xi32>
      %reduce_max3A_369 = arith.constant true
      %reduce_max3A_370 = vector.broadcast %reduce_max3A_369 : i1 to vector<16xi1>
      %reduce_max3A_371 = tpu.scan <max>, %scan3A_319#5 masked %reduce_max3A_370 : vector<16xf32>, vector<16xi1> -> vector<16xf32>
      %reduce_max3A_372 = vector.extract %reduce_max3A_371[15] : f32 from vector<16xf32>
      %broadcast_in_dim3A_373 = vector.broadcast %reduce_max3A_372 : f32 to vector<16xf32>
      %select_n3A_374 = arith.select %eq3A_368, %broadcast_in_dim3A_373, %select_n3A_365 : vector<16xi1>, vector<16xf32>
      %eq3A_375 = arith.constant 14 : i32
      %eq3A_376 = vector.broadcast %eq3A_375 : i32 to vector<16xi32>
      %eq3A_377 = arith.cmpi eq, %iota3A, %eq3A_376 : vector<16xi32>
      %reduce_max3A_378 = arith.constant true
      %reduce_max3A_379 = vector.broadcast %reduce_max3A_378 : i1 to vector<16xi1>
      %reduce_max3A_380 = tpu.scan <max>, %scan3A_319#6 masked %reduce_max3A_379 : vector<16xf32>, vector<16xi1> -> vector<16xf32>
      %reduce_max3A_381 = vector.extract %reduce_max3A_380[15] : f32 from vector<16xf32>
      %broadcast_in_dim3A_382 = vector.broadcast %reduce_max3A_381 : f32 to vector<16xf32>
      %select_n3A_383 = arith.select %eq3A_377, %broadcast_in_dim3A_382, %select_n3A_374 : vector<16xi1>, vector<16xf32>
      %eq3A_384 = arith.constant 15 : i32
      %eq3A_385 = vector.broadcast %eq3A_384 : i32 to vector<16xi32>
      %eq3A_386 = arith.cmpi eq, %iota3A, %eq3A_385 : vector<16xi32>
      %reduce_max3A_387 = arith.constant true
      %reduce_max3A_388 = vector.broadcast %reduce_max3A_387 : i1 to vector<16xi1>
      %reduce_max3A_389 = tpu.scan <max>, %scan3A_319#7 masked %reduce_max3A_388 : vector<16xf32>, vector<16xi1> -> vector<16xf32>
      %reduce_max3A_390 = vector.extract %reduce_max3A_389[15] : f32 from vector<16xf32>
      %broadcast_in_dim3A_391 = vector.broadcast %reduce_max3A_390 : f32 to vector<16xf32>
      %select_n3A_392 = arith.select %eq3A_386, %broadcast_in_dim3A_391, %select_n3A_383 : vector<16xi1>, vector<16xf32>
      %mul3A_393 = arith.constant 16 : i32
      %mul3A_394 = arith.muli %add3A_218, %mul3A_393 : i32
      %swap3A_395 = arith.index_cast %mul3A_394 : i32 to index
      %swap3A_396 = tpu.vector_load %arg6[%swap3A_395] {strides = array<i32>} : memref<256xf32, #tpu.memory_space<vmem>>, vector<16xf32>,
      tpu.vector_store %arg6[%swap3A_395], %select_n3A_392 {strides = array<i32>} : memref<256xf32, #tpu.memory_space<vmem>>, vector<16xf32>,
      %add3A_397 = arith.constant 3 : i32
      %add3A_398 = arith.addi %mul3A_24, %add3A_397 : i32
      %lt3A_399 = arith.constant 16 : i32
      %lt3A_400 = arith.cmpi slt, %add3A_398, %lt3A_399 : i32
      %convert_element_type3A_401 = arith.extui %lt3A_400 : i1 to i32
      %cond3A_402 = arith.constant 0 : i32
      %cond3A_403 = arith.cmpi ne, %convert_element_type3A_401, %cond3A_402 : i32
      scf.if %cond3A_403 {
        %add3A_404 = arith.constant 3 : i32
        %add3A_405 = arith.addi %mul3A_24, %add3A_404 : i32
        %mul3A_406 = arith.constant 16 : i32
        %mul3A_407 = arith.muli %add3A_405, %mul3A_406 : i32
        %add3A_408 = arith.addi %add3A_4, %mul3A_407 : i32
        %dma_start3A_409 = arith.constant 0 : i32
        %dma_start3A_410 = tpu.memref_slice %arg2[%add3A_408, %dma_start3A_409] : memref<16384x1024xf32, #tpu.memory_space<hbm>> -> memref<16x1024xf32, #tpu.memory_space<hbm>>
        %dma_start3A_411 = arith.constant 0 : i32
        %dma_start3A_412 = tpu.memref_slice %arg2[%add3A_408, %dma_start3A_411] : memref<16384x1024xf32, #tpu.memory_space<hbm>> -> memref<16x1024xf32, #tpu.memory_space<hbm>>
        tpu.enqueue_dma source(%dma_start3A_412 : memref<16x1024xf32, #tpu.memory_space<hbm>>) target(%arg5 : memref<16x1024xf32, #tpu.memory_space<vmem>>) target_semaphore(%arg8 : memref<!tpu.dma_semaphore, #tpu.memory_space<semaphore_mem>>)
      } else {
      }
    }
    %scan3A_21 = arith.constant 8 : i32
    "tpu.region"() ({
      %run_scoped3A = tpu.sem_alloc : memref<!tpu.dma_semaphore, #tpu.memory_space<semaphore_mem>>
      %dma_start3A_22 = tpu.memref_slice %arg3[%mul3A_2] : memref<8192xf32, #tpu.memory_space<hbm>> -> memref<256xf32, #tpu.memory_space<hbm>>
      %dma_start3A_23 = tpu.memref_slice %arg3[%mul3A_2] : memref<8192xf32, #tpu.memory_space<hbm>> -> memref<256xf32, #tpu.memory_space<hbm>>
      tpu.enqueue_dma source(%arg6 : memref<256xf32, #tpu.memory_space<vmem>>) target(%dma_start3A_23 : memref<256xf32, #tpu.memory_space<hbm>>) target_semaphore(%run_scoped3A : memref<!tpu.dma_semaphore, #tpu.memory_space<semaphore_mem>>)
      %dma_wait3A = tpu.memref_slice %arg3[%mul3A_2] : memref<8192xf32, #tpu.memory_space<hbm>> -> memref<256xf32, #tpu.memory_space<hbm>>
      %dma_wait3A_24 = tpu.memref_slice %arg3[%mul3A_2] : memref<8192xf32, #tpu.memory_space<hbm>> -> memref<256xf32, #tpu.memory_space<hbm>>
      tpu.wait_dma2 semaphore(%run_scoped3A : memref<!tpu.dma_semaphore, #tpu.memory_space<semaphore_mem>>) src(%arg6 : memref<256xf32, #tpu.memory_space<vmem>>) dst(%dma_wait3A_24 : memref<256xf32, #tpu.memory_space<hbm>>)
      tpu.yield
    }) : () -> ()
    return
  }
}

module attributes {stable_mosaic.version = 14 : i64} {
  func.func @_body_a(%arg0: i32, %arg1: memref<1x1024x20xf32, #tpu.memory_space<vmem>>, %arg2: memref<1x1024x3xf32, #tpu.memory_space<vmem>>, %arg3: memref<1x3x1024xf32, #tpu.memory_space<vmem>>, %arg4: memref<20x128xf32, #tpu.memory_space<vmem>>, %arg5: memref<1x128xf32, #tpu.memory_space<vmem>>, %arg6: memref<128x128xf32, #tpu.memory_space<vmem>>, %arg7: memref<1x128xf32, #tpu.memory_space<vmem>>, %arg8: memref<1x128xf32, #tpu.memory_space<vmem>>, %arg9: memref<1x1024x128xf32, #tpu.memory_space<vmem>>, %arg10: memref<1024x1024xf32, #tpu.memory_space<vmem>>) attributes {dimension_semantics = [#tpu.dimension_semantics<parallel>], iteration_bounds = array<i64: 16>, scalar_prefetch = 0 : i64, scratch_operands = 0 : i64, tpu.core_type = #tpu.core_type<tc>, window_params = [{transform_indices = @transform_0, window_bounds = array<i64: 1, 1024, 20>}, {transform_indices = @transform_1, window_bounds = array<i64: 1, 1024, 3>}, {transform_indices = @transform_2, window_bounds = array<i64: 1, 3, 1024>}, {pipeline_mode = #tpu.pipeline_mode<synchronous>, transform_indices = @transform_3, window_bounds = array<i64: 20, 128>}, {pipeline_mode = #tpu.pipeline_mode<synchronous>, transform_indices = @transform_4, window_bounds = array<i64: 1, 128>}, {pipeline_mode = #tpu.pipeline_mode<synchronous>, transform_indices = @transform_5, window_bounds = array<i64: 128, 128>}, {pipeline_mode = #tpu.pipeline_mode<synchronous>, transform_indices = @transform_6, window_bounds = array<i64: 1, 128>}, {pipeline_mode = #tpu.pipeline_mode<synchronous>, transform_indices = @transform_7, window_bounds = array<i64: 1, 128>}, {transform_indices = @transform_8, window_bounds = array<i64: 1, 1024, 128>}, {transform_indices = @transform_9, window_bounds = array<i64: 1024, 1024>}]} {
    %get3A = arith.constant 0 : index
    %get3A_0 = arith.constant 0 : index
    %get3A_1 = arith.constant 0 : index
    %get3A_2 = vector.load %arg1[%get3A, %get3A_0, %get3A_1] : memref<1x1024x20xf32, #tpu.memory_space<vmem>>, vector<1x1024x20xf32>
    %get3A_3 = vector.shape_cast %get3A_2 : vector<1x1024x20xf32> to vector<1024x20xf32>
    %get3A_4 = arith.constant 0 : index
    %get3A_5 = arith.constant 0 : index
    %get3A_6 = vector.load %arg4[%get3A_4, %get3A_5] : memref<20x128xf32, #tpu.memory_space<vmem>>, vector<20x128xf32>
    %dot_general3A = arith.constant dense<0.000000e+00> : vector<1024x128xf32>
    %dot_general3A_7 = tpu.matmul %get3A_3, %get3A_6, %dot_general3A {dimension_numbers = #tpu.dot_dimension_numbers<[1], [0], [0], [1], [0, 0, 1, 1], [], []>, transpose_lhs_hint = false} : vector<1024x20xf32>, vector<20x128xf32>, vector<1024x128xf32> -> vector<1024x128xf32>
    %get3A_8 = arith.constant 0 : index
    %get3A_9 = arith.constant 0 : index
    %get3A_10 = vector.load %arg5[%get3A_8, %get3A_9] : memref<1x128xf32, #tpu.memory_space<vmem>>, vector<1x128xf32>
    %add3A = vector.broadcast %get3A_10 : vector<1x128xf32> to vector<1024x128xf32>
    %add3A_11 = arith.addf %dot_general3A_7, %add3A : vector<1024x128xf32>
    %max3A = arith.constant 0.000000e+00 : f32
    %max3A_12 = vector.broadcast %max3A : f32 to vector<1024x128xf32>
    %max3A_13 = arith.maximumf %add3A_11, %max3A_12 : vector<1024x128xf32>
    %get3A_14 = arith.constant 0 : index
    %get3A_15 = arith.constant 0 : index
    %get3A_16 = vector.load %arg6[%get3A_14, %get3A_15] : memref<128x128xf32, #tpu.memory_space<vmem>>, vector<128x128xf32>
    %dot_general3A_17 = arith.constant dense<0.000000e+00> : vector<1024x128xf32>
    %dot_general3A_18 = tpu.matmul %max3A_13, %get3A_16, %dot_general3A_17 {dimension_numbers = #tpu.dot_dimension_numbers<[1], [0], [0], [1], [0, 0, 1, 1], [], []>, transpose_lhs_hint = false} : vector<1024x128xf32>, vector<128x128xf32>, vector<1024x128xf32> -> vector<1024x128xf32>
    %get3A_19 = arith.constant 0 : index
    %get3A_20 = arith.constant 0 : index
    %get3A_21 = vector.load %arg7[%get3A_19, %get3A_20] : memref<1x128xf32, #tpu.memory_space<vmem>>, vector<1x128xf32>
    %get3A_22 = arith.constant 0 : index
    %get3A_23 = arith.constant 0 : index
    %get3A_24 = vector.load %arg8[%get3A_22, %get3A_23] : memref<1x128xf32, #tpu.memory_space<vmem>>, vector<1x128xf32>
    %reduce_sum3A = arith.constant dense<0.000000e+00> : vector<1024xf32>
    %reduce_sum3A_25 = vector.multi_reduction <add>, %dot_general3A_18, %reduce_sum3A [1] : vector<1024x128xf32> to vector<1024xf32>
    %broadcast_in_dim3A = vector.shape_cast %reduce_sum3A_25 : vector<1024xf32> to vector<1024x1xf32>
    %div3A = arith.constant 1.280000e+02 : f32
    %div3A_26 = vector.broadcast %div3A : f32 to vector<1024x1xf32>
    %div3A_27 = arith.divf %broadcast_in_dim3A, %div3A_26 : vector<1024x1xf32>
    %jit3A = arith.constant 0 : i32
    %reduce_sum3A_28 = arith.constant dense<0.000000e+00> : vector<1024xf32>
    %reduce_sum3A_29 = vector.multi_reduction <add>, %dot_general3A_18, %reduce_sum3A_28 [1] : vector<1024x128xf32> to vector<1024xf32>
    %broadcast_in_dim3A_30 = vector.shape_cast %reduce_sum3A_29 : vector<1024xf32> to vector<1024x1xf32>
    %div3A_31 = arith.constant 1.280000e+02 : f32
    %div3A_32 = vector.broadcast %div3A_31 : f32 to vector<1024x1xf32>
    %div3A_33 = arith.divf %broadcast_in_dim3A_30, %div3A_32 : vector<1024x1xf32>
    %sub3A = vector.broadcast %div3A_33 : vector<1024x1xf32> to vector<1024x128xf32>
    %sub3A_34 = arith.subf %dot_general3A_18, %sub3A : vector<1024x128xf32>
    %square3A = arith.mulf %sub3A_34, %sub3A_34 : vector<1024x128xf32>
    %convert_element_type3A = arith.sitofp %jit3A : i32 to f32
    %sub3A_35 = arith.constant 1.280000e+02 : f32
    %sub3A_36 = arith.subf %sub3A_35, %convert_element_type3A : f32
    %reduce_sum3A_37 = arith.constant dense<0.000000e+00> : vector<1024xf32>
    %reduce_sum3A_38 = vector.multi_reduction <add>, %square3A, %reduce_sum3A_37 [1] : vector<1024x128xf32> to vector<1024xf32>
    %broadcast_in_dim3A_39 = vector.shape_cast %reduce_sum3A_38 : vector<1024xf32> to vector<1024x1xf32>
    %div3A_40 = vector.broadcast %sub3A_36 : f32 to vector<1024x1xf32>
    %div3A_41 = arith.divf %broadcast_in_dim3A_39, %div3A_40 : vector<1024x1xf32>
    %gt3A = arith.constant 0.000000e+00 : f32
    %gt3A_42 = arith.cmpf ogt, %sub3A_36, %gt3A : f32
    %jit3A_43 = arith.constant 0x7FC00000 : f32
    %broadcast_in_dim3A_44 = vector.broadcast %jit3A_43 : f32 to vector<1024x1xf32>
    %select_n3A = arith.select %gt3A_42, %div3A_41, %broadcast_in_dim3A_44 : vector<1024x1xf32>
    %sub3A_45 = vector.broadcast %div3A_27 : vector<1024x1xf32> to vector<1024x128xf32>
    %sub3A_46 = arith.subf %dot_general3A_18, %sub3A_45 : vector<1024x128xf32>
    %add3A_47 = arith.constant 9.99999974E-6 : f32
    %add3A_48 = vector.broadcast %add3A_47 : f32 to vector<1024x1xf32>
    %add3A_49 = arith.addf %select_n3A, %add3A_48 : vector<1024x1xf32>
    %sqrt3A = math.sqrt %add3A_49 : vector<1024x1xf32>
    %div3A_50 = vector.broadcast %sqrt3A : vector<1024x1xf32> to vector<1024x128xf32>
    %div3A_51 = arith.divf %sub3A_46, %div3A_50 : vector<1024x128xf32>
    %mul3A = vector.broadcast %get3A_21 : vector<1x128xf32> to vector<1024x128xf32>
    %mul3A_52 = arith.mulf %div3A_51, %mul3A : vector<1024x128xf32>
    %add3A_53 = vector.broadcast %get3A_24 : vector<1x128xf32> to vector<1024x128xf32>
    %add3A_54 = arith.addf %mul3A_52, %add3A_53 : vector<1024x128xf32>
    %max3A_55 = arith.constant 0.000000e+00 : f32
    %max3A_56 = vector.broadcast %max3A_55 : f32 to vector<1024x128xf32>
    %max3A_57 = arith.maximumf %add3A_54, %max3A_56 : vector<1024x128xf32>
    %swap3A = arith.constant 0 : index
    %swap3A_58 = arith.constant 0 : index
    %swap3A_59 = arith.constant 0 : index
    %swap3A_60 = vector.load %arg9[%swap3A, %swap3A_58, %swap3A_59] : memref<1x1024x128xf32, #tpu.memory_space<vmem>>, vector<1x1024x128xf32>
    %swap3A_61 = vector.shape_cast %swap3A_60 : vector<1x1024x128xf32> to vector<1024x128xf32>
    %swap3A_62 = vector.shape_cast %max3A_57 : vector<1024x128xf32> to vector<1x1024x128xf32>
    tpu.vector_store %arg9[%swap3A, %swap3A_58, %swap3A_59], %swap3A_62 {strides = array<i32>} : memref<1x1024x128xf32, #tpu.memory_space<vmem>>, vector<1x1024x128xf32>,
    %get3A_63 = arith.constant 0 : index
    %get3A_64 = arith.constant 0 : index
    %get3A_65 = arith.constant 0 : index
    %get3A_66 = vector.load %arg2[%get3A_63, %get3A_64, %get3A_65] : memref<1x1024x3xf32, #tpu.memory_space<vmem>>, vector<1x1024x3xf32>
    %get3A_67 = vector.shape_cast %get3A_66 : vector<1x1024x3xf32> to vector<1024x3xf32>
    %get3A_68 = arith.constant 0 : index
    %get3A_69 = arith.constant 0 : index
    %get3A_70 = arith.constant 0 : index
    %get3A_71 = vector.load %arg3[%get3A_68, %get3A_69, %get3A_70] : memref<1x3x1024xf32, #tpu.memory_space<vmem>>, vector<1x3x1024xf32>
    %get3A_72 = vector.shape_cast %get3A_71 : vector<1x3x1024xf32> to vector<3x1024xf32>
    %slice3A = vector.extract_strided_slice %get3A_67 {offsets = [0, 0], sizes = [1024, 1], strides = [1, 1]} : vector<1024x3xf32> to vector<1024x1xf32>
    %slice3A_73 = vector.extract_strided_slice %get3A_72 {offsets = [0, 0], sizes = [1, 1024], strides = [1, 1]} : vector<3x1024xf32> to vector<1x1024xf32>
    %sub3A_74 = vector.broadcast %slice3A : vector<1024x1xf32> to vector<1024x1024xf32>
    %sub3A_75 = vector.broadcast %slice3A_73 : vector<1x1024xf32> to vector<1024x1024xf32>
    %sub3A_76 = arith.subf %sub3A_74, %sub3A_75 : vector<1024x1024xf32>
    %mul3A_77 = arith.mulf %sub3A_76, %sub3A_76 : vector<1024x1024xf32>
    %slice3A_78 = vector.extract_strided_slice %get3A_67 {offsets = [0, 1], sizes = [1024, 1], strides = [1, 1]} : vector<1024x3xf32> to vector<1024x1xf32>
    %slice3A_79 = vector.extract_strided_slice %get3A_72 {offsets = [1, 0], sizes = [1, 1024], strides = [1, 1]} : vector<3x1024xf32> to vector<1x1024xf32>
    %sub3A_80 = vector.broadcast %slice3A_78 : vector<1024x1xf32> to vector<1024x1024xf32>
    %sub3A_81 = vector.broadcast %slice3A_79 : vector<1x1024xf32> to vector<1024x1024xf32>
    %sub3A_82 = arith.subf %sub3A_80, %sub3A_81 : vector<1024x1024xf32>
    %mul3A_83 = arith.mulf %sub3A_82, %sub3A_82 : vector<1024x1024xf32>
    %add3A_84 = arith.addf %mul3A_77, %mul3A_83 : vector<1024x1024xf32>
    %slice3A_85 = vector.extract_strided_slice %get3A_67 {offsets = [0, 2], sizes = [1024, 1], strides = [1, 1]} : vector<1024x3xf32> to vector<1024x1xf32>
    %slice3A_86 = vector.extract_strided_slice %get3A_72 {offsets = [2, 0], sizes = [1, 1024], strides = [1, 1]} : vector<3x1024xf32> to vector<1x1024xf32>
    %sub3A_87 = vector.broadcast %slice3A_85 : vector<1024x1xf32> to vector<1024x1024xf32>
    %sub3A_88 = vector.broadcast %slice3A_86 : vector<1x1024xf32> to vector<1024x1024xf32>
    %sub3A_89 = arith.subf %sub3A_87, %sub3A_88 : vector<1024x1024xf32>
    %mul3A_90 = arith.mulf %sub3A_89, %sub3A_89 : vector<1024x1024xf32>
    %add3A_91 = arith.addf %add3A_84, %mul3A_90 : vector<1024x1024xf32>
    %swap3A_92 = arith.constant 0 : index
    %swap3A_93 = arith.constant 0 : index
    %swap3A_94 = vector.load %arg10[%swap3A_92, %swap3A_93] : memref<1024x1024xf32, #tpu.memory_space<vmem>>, vector<1024x1024xf32>
    tpu.vector_store %arg10[%swap3A_92, %swap3A_93], %add3A_91 {strides = array<i32>} : memref<1024x1024xf32, #tpu.memory_space<vmem>>, vector<1024x1024xf32>,
    return
  }
  func.func @transform_0(%arg0: i32) -> (i32, i32, i32) {
    %c0_i32 = arith.constant 0 : i32
    %c0_i32_0 = arith.constant 0 : i32
    %c0_i32_1 = arith.constant 0 : i32
    return %arg0, %c0_i32, %c0_i32_0 : i32, i32, i32
  }
  func.func @transform_1(%arg0: i32) -> (i32, i32, i32) {
    %c0_i32 = arith.constant 0 : i32
    %c0_i32_0 = arith.constant 0 : i32
    %c0_i32_1 = arith.constant 0 : i32
    return %arg0, %c0_i32, %c0_i32_0 : i32, i32, i32
  }
  func.func @transform_2(%arg0: i32) -> (i32, i32, i32) {
    %c0_i32 = arith.constant 0 : i32
    %c0_i32_0 = arith.constant 0 : i32
    %c0_i32_1 = arith.constant 0 : i32
    return %arg0, %c0_i32, %c0_i32_0 : i32, i32, i32
  }
  func.func @transform_3(%arg0: i32) -> (i32, i32) {
    %c0_i32 = arith.constant 0 : i32
    %c0_i32_0 = arith.constant 0 : i32
    %c0_i32_1 = arith.constant 0 : i32
    return %c0_i32, %c0_i32_0 : i32, i32
  }
  func.func @transform_4(%arg0: i32) -> (i32, i32) {
    %c0_i32 = arith.constant 0 : i32
    %c0_i32_0 = arith.constant 0 : i32
    %c0_i32_1 = arith.constant 0 : i32
    return %c0_i32, %c0_i32_0 : i32, i32
  }
  func.func @transform_5(%arg0: i32) -> (i32, i32) {
    %c0_i32 = arith.constant 0 : i32
    %c0_i32_0 = arith.constant 0 : i32
    %c0_i32_1 = arith.constant 0 : i32
    return %c0_i32, %c0_i32_0 : i32, i32
  }
  func.func @transform_6(%arg0: i32) -> (i32, i32) {
    %c0_i32 = arith.constant 0 : i32
    %c0_i32_0 = arith.constant 0 : i32
    %c0_i32_1 = arith.constant 0 : i32
    return %c0_i32, %c0_i32_0 : i32, i32
  }
  func.func @transform_7(%arg0: i32) -> (i32, i32) {
    %c0_i32 = arith.constant 0 : i32
    %c0_i32_0 = arith.constant 0 : i32
    %c0_i32_1 = arith.constant 0 : i32
    return %c0_i32, %c0_i32_0 : i32, i32
  }
  func.func @transform_8(%arg0: i32) -> (i32, i32, i32) {
    %c0_i32 = arith.constant 0 : i32
    %c0_i32_0 = arith.constant 0 : i32
    %c0_i32_1 = arith.constant 0 : i32
    return %arg0, %c0_i32, %c0_i32_0 : i32, i32, i32
  }
  func.func @transform_9(%arg0: i32) -> (i32, i32) {
    %c0_i32 = arith.constant 0 : i32
    %c0_i32_0 = arith.constant 0 : i32
    return %arg0, %c0_i32 : i32, i32
  }
}

module attributes {stable_mosaic.version = 14 : i64} {
  func.func @_body_b(%arg0: i32, %arg1: memref<1x1024x128xf32, #tpu.memory_space<vmem>>, %arg2: memref<1024x1024xf32, #tpu.memory_space<vmem>>, %arg3: memref<1x1024x1xf32, #tpu.memory_space<vmem>>, %arg4: memref<4x128x128xf32, #tpu.memory_space<vmem>>, %arg5: memref<4x128x128xf32, #tpu.memory_space<vmem>>, %arg6: memref<4x128xf32, #tpu.memory_space<vmem>>, %arg7: memref<4x128xf32, #tpu.memory_space<vmem>>, %arg8: memref<4x128x128xf32, #tpu.memory_space<vmem>>, %arg9: memref<4x128xf32, #tpu.memory_space<vmem>>, %arg10: memref<4x128xf32, #tpu.memory_space<vmem>>, %arg11: memref<1x1024x128xf32, #tpu.memory_space<vmem>>) attributes {dimension_semantics = [#tpu.dimension_semantics<parallel>], iteration_bounds = array<i64: 8>, scalar_prefetch = 0 : i64, scratch_operands = 0 : i64, tpu.core_type = #tpu.core_type<tc>, window_params = [{transform_indices = @transform_0, window_bounds = array<i64: 1, 1024, 128>}, {transform_indices = @transform_1, window_bounds = array<i64: 1024, 1024>}, {transform_indices = @transform_2, window_bounds = array<i64: 1, 1024, 1>}, {pipeline_mode = #tpu.pipeline_mode<synchronous>, transform_indices = @transform_3, window_bounds = array<i64: 4, 128, 128>}, {pipeline_mode = #tpu.pipeline_mode<synchronous>, transform_indices = @transform_4, window_bounds = array<i64: 4, 128, 128>}, {pipeline_mode = #tpu.pipeline_mode<synchronous>, transform_indices = @transform_5, window_bounds = array<i64: 4, 128>}, {pipeline_mode = #tpu.pipeline_mode<synchronous>, transform_indices = @transform_6, window_bounds = array<i64: 4, 128>}, {pipeline_mode = #tpu.pipeline_mode<synchronous>, transform_indices = @transform_7, window_bounds = array<i64: 4, 128, 128>}, {pipeline_mode = #tpu.pipeline_mode<synchronous>, transform_indices = @transform_8, window_bounds = array<i64: 4, 128>}, {pipeline_mode = #tpu.pipeline_mode<synchronous>, transform_indices = @transform_9, window_bounds = array<i64: 4, 128>}, {transform_indices = @transform_10, window_bounds = array<i64: 1, 1024, 128>}]} {
    %get3A = arith.constant 0 : index
    %get3A_0 = arith.constant 0 : index
    %get3A_1 = arith.constant 0 : index
    %get3A_2 = vector.load %arg1[%get3A, %get3A_0, %get3A_1] : memref<1x1024x128xf32, #tpu.memory_space<vmem>>, vector<1x1024x128xf32>
    %get3A_3 = vector.shape_cast %get3A_2 : vector<1x1024x128xf32> to vector<1024x128xf32>
    %get3A_4 = arith.constant 0 : index
    %get3A_5 = arith.constant 0 : index
    %get3A_6 = vector.load %arg2[%get3A_4, %get3A_5] : memref<1024x1024xf32, #tpu.memory_space<vmem>>, vector<1024x1024xf32>
    %get3A_7 = arith.constant 0 : index
    %get3A_8 = arith.constant 0 : index
    %get3A_9 = arith.constant 0 : index
    %get3A_10 = vector.load %arg3[%get3A_7, %get3A_8, %get3A_9] : memref<1x1024x1xf32, #tpu.memory_space<vmem>>, vector<1x1024x1xf32>
    %get3A_11 = vector.shape_cast %get3A_10 : vector<1x1024x1xf32> to vector<1024x1xf32>
    %le3A = vector.broadcast %get3A_11 : vector<1024x1xf32> to vector<1024x1024xf32>
    %le3A_12 = arith.cmpf ole, %get3A_6, %le3A : vector<1024x1024xf32>
    %convert_element_type3A = arith.extui %le3A_12 : vector<1024x1024xi1> to vector<1024x1024xi32>
    %convert_element_type3A_13 = arith.sitofp %convert_element_type3A : vector<1024x1024xi32> to vector<1024x1024xf32>
    %get3A_14 = arith.constant 0 : index
    %get3A_15 = arith.constant 0 : index
    %get3A_16 = arith.constant 0 : index
    %get3A_17 = vector.load %arg4[%get3A_14, %get3A_15, %get3A_16] : memref<4x128x128xf32, #tpu.memory_space<vmem>>, vector<1x128x128xf32>
    %get3A_18 = vector.shape_cast %get3A_17 : vector<1x128x128xf32> to vector<128x128xf32>
    %dot_general3A = arith.constant dense<0.000000e+00> : vector<1024x128xf32>
    %dot_general3A_19 = tpu.matmul %get3A_3, %get3A_18, %dot_general3A {dimension_numbers = #tpu.dot_dimension_numbers<[1], [0], [0], [1], [0, 0, 1, 1], [], []>, transpose_lhs_hint = false} : vector<1024x128xf32>, vector<128x128xf32>, vector<1024x128xf32> -> vector<1024x128xf32>
    %get3A_20 = arith.constant 0 : index
    %get3A_21 = arith.constant 0 : index
    %get3A_22 = arith.constant 0 : index
    %get3A_23 = vector.load %arg5[%get3A_20, %get3A_21, %get3A_22] : memref<4x128x128xf32, #tpu.memory_space<vmem>>, vector<1x128x128xf32>
    %get3A_24 = vector.shape_cast %get3A_23 : vector<1x128x128xf32> to vector<128x128xf32>
    %dot_general3A_25 = arith.constant dense<0.000000e+00> : vector<1024x128xf32>
    %dot_general3A_26 = tpu.matmul %get3A_3, %get3A_24, %dot_general3A_25 {dimension_numbers = #tpu.dot_dimension_numbers<[1], [0], [0], [1], [0, 0, 1, 1], [], []>, transpose_lhs_hint = false} : vector<1024x128xf32>, vector<128x128xf32>, vector<1024x128xf32> -> vector<1024x128xf32>
    %dot_general3A_27 = arith.constant dense<0.000000e+00> : vector<1024x128xf32>
    %dot_general3A_28 = tpu.matmul %convert_element_type3A_13, %dot_general3A_26, %dot_general3A_27 {dimension_numbers = #tpu.dot_dimension_numbers<[1], [0], [0], [1], [0, 0, 1, 1], [], []>, transpose_lhs_hint = false} : vector<1024x1024xf32>, vector<1024x128xf32>, vector<1024x128xf32> -> vector<1024x128xf32>
    %add3A = arith.addf %dot_general3A_19, %dot_general3A_28 : vector<1024x128xf32>
    %get3A_29 = arith.constant 0 : index
    %get3A_30 = arith.constant 0 : index
    %get3A_31 = vector.load %arg6[%get3A_29, %get3A_30] : memref<4x128xf32, #tpu.memory_space<vmem>>, vector<1x128xf32>
    %get3A_32 = arith.constant 0 : index
    %get3A_33 = arith.constant 0 : index
    %get3A_34 = vector.load %arg7[%get3A_32, %get3A_33] : memref<4x128xf32, #tpu.memory_space<vmem>>, vector<1x128xf32>
    %reduce_sum3A = arith.constant dense<0.000000e+00> : vector<1024xf32>
    %reduce_sum3A_35 = vector.multi_reduction <add>, %add3A, %reduce_sum3A [1] : vector<1024x128xf32> to vector<1024xf32>
    %broadcast_in_dim3A = vector.shape_cast %reduce_sum3A_35 : vector<1024xf32> to vector<1024x1xf32>
    %div3A = arith.constant 1.280000e+02 : f32
    %div3A_36 = vector.broadcast %div3A : f32 to vector<1024x1xf32>
    %div3A_37 = arith.divf %broadcast_in_dim3A, %div3A_36 : vector<1024x1xf32>
    %jit3A = arith.constant 0 : i32
    %reduce_sum3A_38 = arith.constant dense<0.000000e+00> : vector<1024xf32>
    %reduce_sum3A_39 = vector.multi_reduction <add>, %add3A, %reduce_sum3A_38 [1] : vector<1024x128xf32> to vector<1024xf32>
    %broadcast_in_dim3A_40 = vector.shape_cast %reduce_sum3A_39 : vector<1024xf32> to vector<1024x1xf32>
    %div3A_41 = arith.constant 1.280000e+02 : f32
    %div3A_42 = vector.broadcast %div3A_41 : f32 to vector<1024x1xf32>
    %div3A_43 = arith.divf %broadcast_in_dim3A_40, %div3A_42 : vector<1024x1xf32>
    %sub3A = vector.broadcast %div3A_43 : vector<1024x1xf32> to vector<1024x128xf32>
    %sub3A_44 = arith.subf %add3A, %sub3A : vector<1024x128xf32>
    %square3A = arith.mulf %sub3A_44, %sub3A_44 : vector<1024x128xf32>
    %convert_element_type3A_45 = arith.sitofp %jit3A : i32 to f32
    %sub3A_46 = arith.constant 1.280000e+02 : f32
    %sub3A_47 = arith.subf %sub3A_46, %convert_element_type3A_45 : f32
    %reduce_sum3A_48 = arith.constant dense<0.000000e+00> : vector<1024xf32>
    %reduce_sum3A_49 = vector.multi_reduction <add>, %square3A, %reduce_sum3A_48 [1] : vector<1024x128xf32> to vector<1024xf32>
    %broadcast_in_dim3A_50 = vector.shape_cast %reduce_sum3A_49 : vector<1024xf32> to vector<1024x1xf32>
    %div3A_51 = vector.broadcast %sub3A_47 : f32 to vector<1024x1xf32>
    %div3A_52 = arith.divf %broadcast_in_dim3A_50, %div3A_51 : vector<1024x1xf32>
    %gt3A = arith.constant 0.000000e+00 : f32
    %gt3A_53 = arith.cmpf ogt, %sub3A_47, %gt3A : f32
    %jit3A_54 = arith.constant 0x7FC00000 : f32
    %broadcast_in_dim3A_55 = vector.broadcast %jit3A_54 : f32 to vector<1024x1xf32>
    %select_n3A = arith.select %gt3A_53, %div3A_52, %broadcast_in_dim3A_55 : vector<1024x1xf32>
    %sub3A_56 = vector.broadcast %div3A_37 : vector<1024x1xf32> to vector<1024x128xf32>
    %sub3A_57 = arith.subf %add3A, %sub3A_56 : vector<1024x128xf32>
    %add3A_58 = arith.constant 9.99999974E-6 : f32
    %add3A_59 = vector.broadcast %add3A_58 : f32 to vector<1024x1xf32>
    %add3A_60 = arith.addf %select_n3A, %add3A_59 : vector<1024x1xf32>
    %sqrt3A = math.sqrt %add3A_60 : vector<1024x1xf32>
    %div3A_61 = vector.broadcast %sqrt3A : vector<1024x1xf32> to vector<1024x128xf32>
    %div3A_62 = arith.divf %sub3A_57, %div3A_61 : vector<1024x128xf32>
    %mul3A = vector.broadcast %get3A_31 : vector<1x128xf32> to vector<1024x128xf32>
    %mul3A_63 = arith.mulf %div3A_62, %mul3A : vector<1024x128xf32>
    %add3A_64 = vector.broadcast %get3A_34 : vector<1x128xf32> to vector<1024x128xf32>
    %add3A_65 = arith.addf %mul3A_63, %add3A_64 : vector<1024x128xf32>
    %max3A = arith.constant 0.000000e+00 : f32
    %max3A_66 = vector.broadcast %max3A : f32 to vector<1024x128xf32>
    %max3A_67 = arith.maximumf %add3A_65, %max3A_66 : vector<1024x128xf32>
    %get3A_68 = arith.constant 0 : index
    %get3A_69 = arith.constant 0 : index
    %get3A_70 = arith.constant 0 : index
    %get3A_71 = vector.load %arg8[%get3A_68, %get3A_69, %get3A_70] : memref<4x128x128xf32, #tpu.memory_space<vmem>>, vector<1x128x128xf32>
    %get3A_72 = vector.shape_cast %get3A_71 : vector<1x128x128xf32> to vector<128x128xf32>
    %dot_general3A_73 = arith.constant dense<0.000000e+00> : vector<1024x128xf32>
    %dot_general3A_74 = tpu.matmul %max3A_67, %get3A_72, %dot_general3A_73 {dimension_numbers = #tpu.dot_dimension_numbers<[1], [0], [0], [1], [0, 0, 1, 1], [], []>, transpose_lhs_hint = false} : vector<1024x128xf32>, vector<128x128xf32>, vector<1024x128xf32> -> vector<1024x128xf32>
    %get3A_75 = arith.constant 0 : index
    %get3A_76 = arith.constant 0 : index
    %get3A_77 = vector.load %arg9[%get3A_75, %get3A_76] : memref<4x128xf32, #tpu.memory_space<vmem>>, vector<1x128xf32>
    %get3A_78 = arith.constant 0 : index
    %get3A_79 = arith.constant 0 : index
    %get3A_80 = vector.load %arg10[%get3A_78, %get3A_79] : memref<4x128xf32, #tpu.memory_space<vmem>>, vector<1x128xf32>
    %reduce_sum3A_81 = arith.constant dense<0.000000e+00> : vector<1024xf32>
    %reduce_sum3A_82 = vector.multi_reduction <add>, %dot_general3A_74, %reduce_sum3A_81 [1] : vector<1024x128xf32> to vector<1024xf32>
    %broadcast_in_dim3A_83 = vector.shape_cast %reduce_sum3A_82 : vector<1024xf32> to vector<1024x1xf32>
    %div3A_84 = arith.constant 1.280000e+02 : f32
    %div3A_85 = vector.broadcast %div3A_84 : f32 to vector<1024x1xf32>
    %div3A_86 = arith.divf %broadcast_in_dim3A_83, %div3A_85 : vector<1024x1xf32>
    %jit3A_87 = arith.constant 0 : i32
    %reduce_sum3A_88 = arith.constant dense<0.000000e+00> : vector<1024xf32>
    %reduce_sum3A_89 = vector.multi_reduction <add>, %dot_general3A_74, %reduce_sum3A_88 [1] : vector<1024x128xf32> to vector<1024xf32>
    %broadcast_in_dim3A_90 = vector.shape_cast %reduce_sum3A_89 : vector<1024xf32> to vector<1024x1xf32>
    %div3A_91 = arith.constant 1.280000e+02 : f32
    %div3A_92 = vector.broadcast %div3A_91 : f32 to vector<1024x1xf32>
    %div3A_93 = arith.divf %broadcast_in_dim3A_90, %div3A_92 : vector<1024x1xf32>
    %sub3A_94 = vector.broadcast %div3A_93 : vector<1024x1xf32> to vector<1024x128xf32>
    %sub3A_95 = arith.subf %dot_general3A_74, %sub3A_94 : vector<1024x128xf32>
    %square3A_96 = arith.mulf %sub3A_95, %sub3A_95 : vector<1024x128xf32>
    %convert_element_type3A_97 = arith.sitofp %jit3A_87 : i32 to f32
    %sub3A_98 = arith.constant 1.280000e+02 : f32
    %sub3A_99 = arith.subf %sub3A_98, %convert_element_type3A_97 : f32
    %reduce_sum3A_100 = arith.constant dense<0.000000e+00> : vector<1024xf32>
    %reduce_sum3A_101 = vector.multi_reduction <add>, %square3A_96, %reduce_sum3A_100 [1] : vector<1024x128xf32> to vector<1024xf32>
    %broadcast_in_dim3A_102 = vector.shape_cast %reduce_sum3A_101 : vector<1024xf32> to vector<1024x1xf32>
    %div3A_103 = vector.broadcast %sub3A_99 : f32 to vector<1024x1xf32>
    %div3A_104 = arith.divf %broadcast_in_dim3A_102, %div3A_103 : vector<1024x1xf32>
    %gt3A_105 = arith.constant 0.000000e+00 : f32
    %gt3A_106 = arith.cmpf ogt, %sub3A_99, %gt3A_105 : f32
    %jit3A_107 = arith.constant 0x7FC00000 : f32
    %broadcast_in_dim3A_108 = vector.broadcast %jit3A_107 : f32 to vector<1024x1xf32>
    %select_n3A_109 = arith.select %gt3A_106, %div3A_104, %broadcast_in_dim3A_108 : vector<1024x1xf32>
    %sub3A_110 = vector.broadcast %div3A_86 : vector<1024x1xf32> to vector<1024x128xf32>
    %sub3A_111 = arith.subf %dot_general3A_74, %sub3A_110 : vector<1024x128xf32>
    %add3A_112 = arith.constant 9.99999974E-6 : f32
    %add3A_113 = vector.broadcast %add3A_112 : f32 to vector<1024x1xf32>
    %add3A_114 = arith.addf %select_n3A_109, %add3A_113 : vector<1024x1xf32>
    %sqrt3A_115 = math.sqrt %add3A_114 : vector<1024x1xf32>
    %div3A_116 = vector.broadcast %sqrt3A_115 : vector<1024x1xf32> to vector<1024x128xf32>
    %div3A_117 = arith.divf %sub3A_111, %div3A_116 : vector<1024x128xf32>
    %mul3A_118 = vector.broadcast %get3A_77 : vector<1x128xf32> to vector<1024x128xf32>
    %mul3A_119 = arith.mulf %div3A_117, %mul3A_118 : vector<1024x128xf32>
    %add3A_120 = vector.broadcast %get3A_80 : vector<1x128xf32> to vector<1024x128xf32>
    %add3A_121 = arith.addf %mul3A_119, %add3A_120 : vector<1024x128xf32>
    %add3A_122 = arith.addf %add3A_121, %get3A_3 : vector<1024x128xf32>
    %max3A_123 = arith.constant 0.000000e+00 : f32
    %max3A_124 = vector.broadcast %max3A_123 : f32 to vector<1024x128xf32>
    %max3A_125 = arith.maximumf %add3A_122, %max3A_124 : vector<1024x128xf32>
    %get3A_126 = arith.constant 1 : index
    %get3A_127 = arith.constant 0 : index
    %get3A_128 = arith.constant 0 : index
    %get3A_129 = vector.load %arg4[%get3A_126, %get3A_127, %get3A_128] : memref<4x128x128xf32, #tpu.memory_space<vmem>>, vector<1x128x128xf32>
    %get3A_130 = vector.shape_cast %get3A_129 : vector<1x128x128xf32> to vector<128x128xf32>
    %dot_general3A_131 = arith.constant dense<0.000000e+00> : vector<1024x128xf32>
    %dot_general3A_132 = tpu.matmul %max3A_125, %get3A_130, %dot_general3A_131 {dimension_numbers = #tpu.dot_dimension_numbers<[1], [0], [0], [1], [0, 0, 1, 1], [], []>, transpose_lhs_hint = false} : vector<1024x128xf32>, vector<128x128xf32>, vector<1024x128xf32> -> vector<1024x128xf32>
    %get3A_133 = arith.constant 1 : index
    %get3A_134 = arith.constant 0 : index
    %get3A_135 = arith.constant 0 : index
    %get3A_136 = vector.load %arg5[%get3A_133, %get3A_134, %get3A_135] : memref<4x128x128xf32, #tpu.memory_space<vmem>>, vector<1x128x128xf32>
    %get3A_137 = vector.shape_cast %get3A_136 : vector<1x128x128xf32> to vector<128x128xf32>
    %dot_general3A_138 = arith.constant dense<0.000000e+00> : vector<1024x128xf32>
    %dot_general3A_139 = tpu.matmul %max3A_125, %get3A_137, %dot_general3A_138 {dimension_numbers = #tpu.dot_dimension_numbers<[1], [0], [0], [1], [0, 0, 1, 1], [], []>, transpose_lhs_hint = false} : vector<1024x128xf32>, vector<128x128xf32>, vector<1024x128xf32> -> vector<1024x128xf32>
    %dot_general3A_140 = arith.constant dense<0.000000e+00> : vector<1024x128xf32>
    %dot_general3A_141 = tpu.matmul %convert_element_type3A_13, %dot_general3A_139, %dot_general3A_140 {dimension_numbers = #tpu.dot_dimension_numbers<[1], [0], [0], [1], [0, 0, 1, 1], [], []>, transpose_lhs_hint = false} : vector<1024x1024xf32>, vector<1024x128xf32>, vector<1024x128xf32> -> vector<1024x128xf32>
    %add3A_142 = arith.addf %dot_general3A_132, %dot_general3A_141 : vector<1024x128xf32>
    %get3A_143 = arith.constant 1 : index
    %get3A_144 = arith.constant 0 : index
    %get3A_145 = vector.load %arg6[%get3A_143, %get3A_144] : memref<4x128xf32, #tpu.memory_space<vmem>>, vector<1x128xf32>
    %get3A_146 = arith.constant 1 : index
    %get3A_147 = arith.constant 0 : index
    %get3A_148 = vector.load %arg7[%get3A_146, %get3A_147] : memref<4x128xf32, #tpu.memory_space<vmem>>, vector<1x128xf32>
    %reduce_sum3A_149 = arith.constant dense<0.000000e+00> : vector<1024xf32>
    %reduce_sum3A_150 = vector.multi_reduction <add>, %add3A_142, %reduce_sum3A_149 [1] : vector<1024x128xf32> to vector<1024xf32>
    %broadcast_in_dim3A_151 = vector.shape_cast %reduce_sum3A_150 : vector<1024xf32> to vector<1024x1xf32>
    %div3A_152 = arith.constant 1.280000e+02 : f32
    %div3A_153 = vector.broadcast %div3A_152 : f32 to vector<1024x1xf32>
    %div3A_154 = arith.divf %broadcast_in_dim3A_151, %div3A_153 : vector<1024x1xf32>
    %jit3A_155 = arith.constant 0 : i32
    %reduce_sum3A_156 = arith.constant dense<0.000000e+00> : vector<1024xf32>
    %reduce_sum3A_157 = vector.multi_reduction <add>, %add3A_142, %reduce_sum3A_156 [1] : vector<1024x128xf32> to vector<1024xf32>
    %broadcast_in_dim3A_158 = vector.shape_cast %reduce_sum3A_157 : vector<1024xf32> to vector<1024x1xf32>
    %div3A_159 = arith.constant 1.280000e+02 : f32
    %div3A_160 = vector.broadcast %div3A_159 : f32 to vector<1024x1xf32>
    %div3A_161 = arith.divf %broadcast_in_dim3A_158, %div3A_160 : vector<1024x1xf32>
    %sub3A_162 = vector.broadcast %div3A_161 : vector<1024x1xf32> to vector<1024x128xf32>
    %sub3A_163 = arith.subf %add3A_142, %sub3A_162 : vector<1024x128xf32>
    %square3A_164 = arith.mulf %sub3A_163, %sub3A_163 : vector<1024x128xf32>
    %convert_element_type3A_165 = arith.sitofp %jit3A_155 : i32 to f32
    %sub3A_166 = arith.constant 1.280000e+02 : f32
    %sub3A_167 = arith.subf %sub3A_166, %convert_element_type3A_165 : f32
    %reduce_sum3A_168 = arith.constant dense<0.000000e+00> : vector<1024xf32>
    %reduce_sum3A_169 = vector.multi_reduction <add>, %square3A_164, %reduce_sum3A_168 [1] : vector<1024x128xf32> to vector<1024xf32>
    %broadcast_in_dim3A_170 = vector.shape_cast %reduce_sum3A_169 : vector<1024xf32> to vector<1024x1xf32>
    %div3A_171 = vector.broadcast %sub3A_167 : f32 to vector<1024x1xf32>
    %div3A_172 = arith.divf %broadcast_in_dim3A_170, %div3A_171 : vector<1024x1xf32>
    %gt3A_173 = arith.constant 0.000000e+00 : f32
    %gt3A_174 = arith.cmpf ogt, %sub3A_167, %gt3A_173 : f32
    %jit3A_175 = arith.constant 0x7FC00000 : f32
    %broadcast_in_dim3A_176 = vector.broadcast %jit3A_175 : f32 to vector<1024x1xf32>
    %select_n3A_177 = arith.select %gt3A_174, %div3A_172, %broadcast_in_dim3A_176 : vector<1024x1xf32>
    %sub3A_178 = vector.broadcast %div3A_154 : vector<1024x1xf32> to vector<1024x128xf32>
    %sub3A_179 = arith.subf %add3A_142, %sub3A_178 : vector<1024x128xf32>
    %add3A_180 = arith.constant 9.99999974E-6 : f32
    %add3A_181 = vector.broadcast %add3A_180 : f32 to vector<1024x1xf32>
    %add3A_182 = arith.addf %select_n3A_177, %add3A_181 : vector<1024x1xf32>
    %sqrt3A_183 = math.sqrt %add3A_182 : vector<1024x1xf32>
    %div3A_184 = vector.broadcast %sqrt3A_183 : vector<1024x1xf32> to vector<1024x128xf32>
    %div3A_185 = arith.divf %sub3A_179, %div3A_184 : vector<1024x128xf32>
    %mul3A_186 = vector.broadcast %get3A_145 : vector<1x128xf32> to vector<1024x128xf32>
    %mul3A_187 = arith.mulf %div3A_185, %mul3A_186 : vector<1024x128xf32>
    %add3A_188 = vector.broadcast %get3A_148 : vector<1x128xf32> to vector<1024x128xf32>
    %add3A_189 = arith.addf %mul3A_187, %add3A_188 : vector<1024x128xf32>
    %max3A_190 = arith.constant 0.000000e+00 : f32
    %max3A_191 = vector.broadcast %max3A_190 : f32 to vector<1024x128xf32>
    %max3A_192 = arith.maximumf %add3A_189, %max3A_191 : vector<1024x128xf32>
    %get3A_193 = arith.constant 1 : index
    %get3A_194 = arith.constant 0 : index
    %get3A_195 = arith.constant 0 : index
    %get3A_196 = vector.load %arg8[%get3A_193, %get3A_194, %get3A_195] : memref<4x128x128xf32, #tpu.memory_space<vmem>>, vector<1x128x128xf32>
    %get3A_197 = vector.shape_cast %get3A_196 : vector<1x128x128xf32> to vector<128x128xf32>
    %dot_general3A_198 = arith.constant dense<0.000000e+00> : vector<1024x128xf32>
    %dot_general3A_199 = tpu.matmul %max3A_192, %get3A_197, %dot_general3A_198 {dimension_numbers = #tpu.dot_dimension_numbers<[1], [0], [0], [1], [0, 0, 1, 1], [], []>, transpose_lhs_hint = false} : vector<1024x128xf32>, vector<128x128xf32>, vector<1024x128xf32> -> vector<1024x128xf32>
    %get3A_200 = arith.constant 1 : index
    %get3A_201 = arith.constant 0 : index
    %get3A_202 = vector.load %arg9[%get3A_200, %get3A_201] : memref<4x128xf32, #tpu.memory_space<vmem>>, vector<1x128xf32>
    %get3A_203 = arith.constant 1 : index
    %get3A_204 = arith.constant 0 : index
    %get3A_205 = vector.load %arg10[%get3A_203, %get3A_204] : memref<4x128xf32, #tpu.memory_space<vmem>>, vector<1x128xf32>
    %reduce_sum3A_206 = arith.constant dense<0.000000e+00> : vector<1024xf32>
    %reduce_sum3A_207 = vector.multi_reduction <add>, %dot_general3A_199, %reduce_sum3A_206 [1] : vector<1024x128xf32> to vector<1024xf32>
    %broadcast_in_dim3A_208 = vector.shape_cast %reduce_sum3A_207 : vector<1024xf32> to vector<1024x1xf32>
    %div3A_209 = arith.constant 1.280000e+02 : f32
    %div3A_210 = vector.broadcast %div3A_209 : f32 to vector<1024x1xf32>
    %div3A_211 = arith.divf %broadcast_in_dim3A_208, %div3A_210 : vector<1024x1xf32>
    %jit3A_212 = arith.constant 0 : i32
    %reduce_sum3A_213 = arith.constant dense<0.000000e+00> : vector<1024xf32>
    %reduce_sum3A_214 = vector.multi_reduction <add>, %dot_general3A_199, %reduce_sum3A_213 [1] : vector<1024x128xf32> to vector<1024xf32>
    %broadcast_in_dim3A_215 = vector.shape_cast %reduce_sum3A_214 : vector<1024xf32> to vector<1024x1xf32>
    %div3A_216 = arith.constant 1.280000e+02 : f32
    %div3A_217 = vector.broadcast %div3A_216 : f32 to vector<1024x1xf32>
    %div3A_218 = arith.divf %broadcast_in_dim3A_215, %div3A_217 : vector<1024x1xf32>
    %sub3A_219 = vector.broadcast %div3A_218 : vector<1024x1xf32> to vector<1024x128xf32>
    %sub3A_220 = arith.subf %dot_general3A_199, %sub3A_219 : vector<1024x128xf32>
    %square3A_221 = arith.mulf %sub3A_220, %sub3A_220 : vector<1024x128xf32>
    %convert_element_type3A_222 = arith.sitofp %jit3A_212 : i32 to f32
    %sub3A_223 = arith.constant 1.280000e+02 : f32
    %sub3A_224 = arith.subf %sub3A_223, %convert_element_type3A_222 : f32
    %reduce_sum3A_225 = arith.constant dense<0.000000e+00> : vector<1024xf32>
    %reduce_sum3A_226 = vector.multi_reduction <add>, %square3A_221, %reduce_sum3A_225 [1] : vector<1024x128xf32> to vector<1024xf32>
    %broadcast_in_dim3A_227 = vector.shape_cast %reduce_sum3A_226 : vector<1024xf32> to vector<1024x1xf32>
    %div3A_228 = vector.broadcast %sub3A_224 : f32 to vector<1024x1xf32>
    %div3A_229 = arith.divf %broadcast_in_dim3A_227, %div3A_228 : vector<1024x1xf32>
    %gt3A_230 = arith.constant 0.000000e+00 : f32
    %gt3A_231 = arith.cmpf ogt, %sub3A_224, %gt3A_230 : f32
    %jit3A_232 = arith.constant 0x7FC00000 : f32
    %broadcast_in_dim3A_233 = vector.broadcast %jit3A_232 : f32 to vector<1024x1xf32>
    %select_n3A_234 = arith.select %gt3A_231, %div3A_229, %broadcast_in_dim3A_233 : vector<1024x1xf32>
    %sub3A_235 = vector.broadcast %div3A_211 : vector<1024x1xf32> to vector<1024x128xf32>
    %sub3A_236 = arith.subf %dot_general3A_199, %sub3A_235 : vector<1024x128xf32>
    %add3A_237 = arith.constant 9.99999974E-6 : f32
    %add3A_238 = vector.broadcast %add3A_237 : f32 to vector<1024x1xf32>
    %add3A_239 = arith.addf %select_n3A_234, %add3A_238 : vector<1024x1xf32>
    %sqrt3A_240 = math.sqrt %add3A_239 : vector<1024x1xf32>
    %div3A_241 = vector.broadcast %sqrt3A_240 : vector<1024x1xf32> to vector<1024x128xf32>
    %div3A_242 = arith.divf %sub3A_236, %div3A_241 : vector<1024x128xf32>
    %mul3A_243 = vector.broadcast %get3A_202 : vector<1x128xf32> to vector<1024x128xf32>
    %mul3A_244 = arith.mulf %div3A_242, %mul3A_243 : vector<1024x128xf32>
    %add3A_245 = vector.broadcast %get3A_205 : vector<1x128xf32> to vector<1024x128xf32>
    %add3A_246 = arith.addf %mul3A_244, %add3A_245 : vector<1024x128xf32>
    %add3A_247 = arith.addf %add3A_246, %max3A_125 : vector<1024x128xf32>
    %max3A_248 = arith.constant 0.000000e+00 : f32
    %max3A_249 = vector.broadcast %max3A_248 : f32 to vector<1024x128xf32>
    %max3A_250 = arith.maximumf %add3A_247, %max3A_249 : vector<1024x128xf32>
    %get3A_251 = arith.constant 2 : index
    %get3A_252 = arith.constant 0 : index
    %get3A_253 = arith.constant 0 : index
    %get3A_254 = vector.load %arg4[%get3A_251, %get3A_252, %get3A_253] : memref<4x128x128xf32, #tpu.memory_space<vmem>>, vector<1x128x128xf32>
    %get3A_255 = vector.shape_cast %get3A_254 : vector<1x128x128xf32> to vector<128x128xf32>
    %dot_general3A_256 = arith.constant dense<0.000000e+00> : vector<1024x128xf32>
    %dot_general3A_257 = tpu.matmul %max3A_250, %get3A_255, %dot_general3A_256 {dimension_numbers = #tpu.dot_dimension_numbers<[1], [0], [0], [1], [0, 0, 1, 1], [], []>, transpose_lhs_hint = false} : vector<1024x128xf32>, vector<128x128xf32>, vector<1024x128xf32> -> vector<1024x128xf32>
    %get3A_258 = arith.constant 2 : index
    %get3A_259 = arith.constant 0 : index
    %get3A_260 = arith.constant 0 : index
    %get3A_261 = vector.load %arg5[%get3A_258, %get3A_259, %get3A_260] : memref<4x128x128xf32, #tpu.memory_space<vmem>>, vector<1x128x128xf32>
    %get3A_262 = vector.shape_cast %get3A_261 : vector<1x128x128xf32> to vector<128x128xf32>
    %dot_general3A_263 = arith.constant dense<0.000000e+00> : vector<1024x128xf32>
    %dot_general3A_264 = tpu.matmul %max3A_250, %get3A_262, %dot_general3A_263 {dimension_numbers = #tpu.dot_dimension_numbers<[1], [0], [0], [1], [0, 0, 1, 1], [], []>, transpose_lhs_hint = false} : vector<1024x128xf32>, vector<128x128xf32>, vector<1024x128xf32> -> vector<1024x128xf32>
    %dot_general3A_265 = arith.constant dense<0.000000e+00> : vector<1024x128xf32>
    %dot_general3A_266 = tpu.matmul %convert_element_type3A_13, %dot_general3A_264, %dot_general3A_265 {dimension_numbers = #tpu.dot_dimension_numbers<[1], [0], [0], [1], [0, 0, 1, 1], [], []>, transpose_lhs_hint = false} : vector<1024x1024xf32>, vector<1024x128xf32>, vector<1024x128xf32> -> vector<1024x128xf32>
    %add3A_267 = arith.addf %dot_general3A_257, %dot_general3A_266 : vector<1024x128xf32>
    %get3A_268 = arith.constant 2 : index
    %get3A_269 = arith.constant 0 : index
    %get3A_270 = vector.load %arg6[%get3A_268, %get3A_269] : memref<4x128xf32, #tpu.memory_space<vmem>>, vector<1x128xf32>
    %get3A_271 = arith.constant 2 : index
    %get3A_272 = arith.constant 0 : index
    %get3A_273 = vector.load %arg7[%get3A_271, %get3A_272] : memref<4x128xf32, #tpu.memory_space<vmem>>, vector<1x128xf32>
    %reduce_sum3A_274 = arith.constant dense<0.000000e+00> : vector<1024xf32>
    %reduce_sum3A_275 = vector.multi_reduction <add>, %add3A_267, %reduce_sum3A_274 [1] : vector<1024x128xf32> to vector<1024xf32>
    %broadcast_in_dim3A_276 = vector.shape_cast %reduce_sum3A_275 : vector<1024xf32> to vector<1024x1xf32>
    %div3A_277 = arith.constant 1.280000e+02 : f32
    %div3A_278 = vector.broadcast %div3A_277 : f32 to vector<1024x1xf32>
    %div3A_279 = arith.divf %broadcast_in_dim3A_276, %div3A_278 : vector<1024x1xf32>
    %jit3A_280 = arith.constant 0 : i32
    %reduce_sum3A_281 = arith.constant dense<0.000000e+00> : vector<1024xf32>
    %reduce_sum3A_282 = vector.multi_reduction <add>, %add3A_267, %reduce_sum3A_281 [1] : vector<1024x128xf32> to vector<1024xf32>
    %broadcast_in_dim3A_283 = vector.shape_cast %reduce_sum3A_282 : vector<1024xf32> to vector<1024x1xf32>
    %div3A_284 = arith.constant 1.280000e+02 : f32
    %div3A_285 = vector.broadcast %div3A_284 : f32 to vector<1024x1xf32>
    %div3A_286 = arith.divf %broadcast_in_dim3A_283, %div3A_285 : vector<1024x1xf32>
    %sub3A_287 = vector.broadcast %div3A_286 : vector<1024x1xf32> to vector<1024x128xf32>
    %sub3A_288 = arith.subf %add3A_267, %sub3A_287 : vector<1024x128xf32>
    %square3A_289 = arith.mulf %sub3A_288, %sub3A_288 : vector<1024x128xf32>
    %convert_element_type3A_290 = arith.sitofp %jit3A_280 : i32 to f32
    %sub3A_291 = arith.constant 1.280000e+02 : f32
    %sub3A_292 = arith.subf %sub3A_291, %convert_element_type3A_290 : f32
    %reduce_sum3A_293 = arith.constant dense<0.000000e+00> : vector<1024xf32>
    %reduce_sum3A_294 = vector.multi_reduction <add>, %square3A_289, %reduce_sum3A_293 [1] : vector<1024x128xf32> to vector<1024xf32>
    %broadcast_in_dim3A_295 = vector.shape_cast %reduce_sum3A_294 : vector<1024xf32> to vector<1024x1xf32>
    %div3A_296 = vector.broadcast %sub3A_292 : f32 to vector<1024x1xf32>
    %div3A_297 = arith.divf %broadcast_in_dim3A_295, %div3A_296 : vector<1024x1xf32>
    %gt3A_298 = arith.constant 0.000000e+00 : f32
    %gt3A_299 = arith.cmpf ogt, %sub3A_292, %gt3A_298 : f32
    %jit3A_300 = arith.constant 0x7FC00000 : f32
    %broadcast_in_dim3A_301 = vector.broadcast %jit3A_300 : f32 to vector<1024x1xf32>
    %select_n3A_302 = arith.select %gt3A_299, %div3A_297, %broadcast_in_dim3A_301 : vector<1024x1xf32>
    %sub3A_303 = vector.broadcast %div3A_279 : vector<1024x1xf32> to vector<1024x128xf32>
    %sub3A_304 = arith.subf %add3A_267, %sub3A_303 : vector<1024x128xf32>
    %add3A_305 = arith.constant 9.99999974E-6 : f32
    %add3A_306 = vector.broadcast %add3A_305 : f32 to vector<1024x1xf32>
    %add3A_307 = arith.addf %select_n3A_302, %add3A_306 : vector<1024x1xf32>
    %sqrt3A_308 = math.sqrt %add3A_307 : vector<1024x1xf32>
    %div3A_309 = vector.broadcast %sqrt3A_308 : vector<1024x1xf32> to vector<1024x128xf32>
    %div3A_310 = arith.divf %sub3A_304, %div3A_309 : vector<1024x128xf32>
    %mul3A_311 = vector.broadcast %get3A_270 : vector<1x128xf32> to vector<1024x128xf32>
    %mul3A_312 = arith.mulf %div3A_310, %mul3A_311 : vector<1024x128xf32>
    %add3A_313 = vector.broadcast %get3A_273 : vector<1x128xf32> to vector<1024x128xf32>
    %add3A_314 = arith.addf %mul3A_312, %add3A_313 : vector<1024x128xf32>
    %max3A_315 = arith.constant 0.000000e+00 : f32
    %max3A_316 = vector.broadcast %max3A_315 : f32 to vector<1024x128xf32>
    %max3A_317 = arith.maximumf %add3A_314, %max3A_316 : vector<1024x128xf32>
    %get3A_318 = arith.constant 2 : index
    %get3A_319 = arith.constant 0 : index
    %get3A_320 = arith.constant 0 : index
    %get3A_321 = vector.load %arg8[%get3A_318, %get3A_319, %get3A_320] : memref<4x128x128xf32, #tpu.memory_space<vmem>>, vector<1x128x128xf32>
    %get3A_322 = vector.shape_cast %get3A_321 : vector<1x128x128xf32> to vector<128x128xf32>
    %dot_general3A_323 = arith.constant dense<0.000000e+00> : vector<1024x128xf32>
    %dot_general3A_324 = tpu.matmul %max3A_317, %get3A_322, %dot_general3A_323 {dimension_numbers = #tpu.dot_dimension_numbers<[1], [0], [0], [1], [0, 0, 1, 1], [], []>, transpose_lhs_hint = false} : vector<1024x128xf32>, vector<128x128xf32>, vector<1024x128xf32> -> vector<1024x128xf32>
    %get3A_325 = arith.constant 2 : index
    %get3A_326 = arith.constant 0 : index
    %get3A_327 = vector.load %arg9[%get3A_325, %get3A_326] : memref<4x128xf32, #tpu.memory_space<vmem>>, vector<1x128xf32>
    %get3A_328 = arith.constant 2 : index
    %get3A_329 = arith.constant 0 : index
    %get3A_330 = vector.load %arg10[%get3A_328, %get3A_329] : memref<4x128xf32, #tpu.memory_space<vmem>>, vector<1x128xf32>
    %reduce_sum3A_331 = arith.constant dense<0.000000e+00> : vector<1024xf32>
    %reduce_sum3A_332 = vector.multi_reduction <add>, %dot_general3A_324, %reduce_sum3A_331 [1] : vector<1024x128xf32> to vector<1024xf32>
    %broadcast_in_dim3A_333 = vector.shape_cast %reduce_sum3A_332 : vector<1024xf32> to vector<1024x1xf32>
    %div3A_334 = arith.constant 1.280000e+02 : f32
    %div3A_335 = vector.broadcast %div3A_334 : f32 to vector<1024x1xf32>
    %div3A_336 = arith.divf %broadcast_in_dim3A_333, %div3A_335 : vector<1024x1xf32>
    %jit3A_337 = arith.constant 0 : i32
    %reduce_sum3A_338 = arith.constant dense<0.000000e+00> : vector<1024xf32>
    %reduce_sum3A_339 = vector.multi_reduction <add>, %dot_general3A_324, %reduce_sum3A_338 [1] : vector<1024x128xf32> to vector<1024xf32>
    %broadcast_in_dim3A_340 = vector.shape_cast %reduce_sum3A_339 : vector<1024xf32> to vector<1024x1xf32>
    %div3A_341 = arith.constant 1.280000e+02 : f32
    %div3A_342 = vector.broadcast %div3A_341 : f32 to vector<1024x1xf32>
    %div3A_343 = arith.divf %broadcast_in_dim3A_340, %div3A_342 : vector<1024x1xf32>
    %sub3A_344 = vector.broadcast %div3A_343 : vector<1024x1xf32> to vector<1024x128xf32>
    %sub3A_345 = arith.subf %dot_general3A_324, %sub3A_344 : vector<1024x128xf32>
    %square3A_346 = arith.mulf %sub3A_345, %sub3A_345 : vector<1024x128xf32>
    %convert_element_type3A_347 = arith.sitofp %jit3A_337 : i32 to f32
    %sub3A_348 = arith.constant 1.280000e+02 : f32
    %sub3A_349 = arith.subf %sub3A_348, %convert_element_type3A_347 : f32
    %reduce_sum3A_350 = arith.constant dense<0.000000e+00> : vector<1024xf32>
    %reduce_sum3A_351 = vector.multi_reduction <add>, %square3A_346, %reduce_sum3A_350 [1] : vector<1024x128xf32> to vector<1024xf32>
    %broadcast_in_dim3A_352 = vector.shape_cast %reduce_sum3A_351 : vector<1024xf32> to vector<1024x1xf32>
    %div3A_353 = vector.broadcast %sub3A_349 : f32 to vector<1024x1xf32>
    %div3A_354 = arith.divf %broadcast_in_dim3A_352, %div3A_353 : vector<1024x1xf32>
    %gt3A_355 = arith.constant 0.000000e+00 : f32
    %gt3A_356 = arith.cmpf ogt, %sub3A_349, %gt3A_355 : f32
    %jit3A_357 = arith.constant 0x7FC00000 : f32
    %broadcast_in_dim3A_358 = vector.broadcast %jit3A_357 : f32 to vector<1024x1xf32>
    %select_n3A_359 = arith.select %gt3A_356, %div3A_354, %broadcast_in_dim3A_358 : vector<1024x1xf32>
    %sub3A_360 = vector.broadcast %div3A_336 : vector<1024x1xf32> to vector<1024x128xf32>
    %sub3A_361 = arith.subf %dot_general3A_324, %sub3A_360 : vector<1024x128xf32>
    %add3A_362 = arith.constant 9.99999974E-6 : f32
    %add3A_363 = vector.broadcast %add3A_362 : f32 to vector<1024x1xf32>
    %add3A_364 = arith.addf %select_n3A_359, %add3A_363 : vector<1024x1xf32>
    %sqrt3A_365 = math.sqrt %add3A_364 : vector<1024x1xf32>
    %div3A_366 = vector.broadcast %sqrt3A_365 : vector<1024x1xf32> to vector<1024x128xf32>
    %div3A_367 = arith.divf %sub3A_361, %div3A_366 : vector<1024x128xf32>
    %mul3A_368 = vector.broadcast %get3A_327 : vector<1x128xf32> to vector<1024x128xf32>
    %mul3A_369 = arith.mulf %div3A_367, %mul3A_368 : vector<1024x128xf32>
    %add3A_370 = vector.broadcast %get3A_330 : vector<1x128xf32> to vector<1024x128xf32>
    %add3A_371 = arith.addf %mul3A_369, %add3A_370 : vector<1024x128xf32>
    %add3A_372 = arith.addf %add3A_371, %max3A_250 : vector<1024x128xf32>
    %max3A_373 = arith.constant 0.000000e+00 : f32
    %max3A_374 = vector.broadcast %max3A_373 : f32 to vector<1024x128xf32>
    %max3A_375 = arith.maximumf %add3A_372, %max3A_374 : vector<1024x128xf32>
    %get3A_376 = arith.constant 3 : index
    %get3A_377 = arith.constant 0 : index
    %get3A_378 = arith.constant 0 : index
    %get3A_379 = vector.load %arg4[%get3A_376, %get3A_377, %get3A_378] : memref<4x128x128xf32, #tpu.memory_space<vmem>>, vector<1x128x128xf32>
    %get3A_380 = vector.shape_cast %get3A_379 : vector<1x128x128xf32> to vector<128x128xf32>
    %dot_general3A_381 = arith.constant dense<0.000000e+00> : vector<1024x128xf32>
    %dot_general3A_382 = tpu.matmul %max3A_375, %get3A_380, %dot_general3A_381 {dimension_numbers = #tpu.dot_dimension_numbers<[1], [0], [0], [1], [0, 0, 1, 1], [], []>, transpose_lhs_hint = false} : vector<1024x128xf32>, vector<128x128xf32>, vector<1024x128xf32> -> vector<1024x128xf32>
    %get3A_383 = arith.constant 3 : index
    %get3A_384 = arith.constant 0 : index
    %get3A_385 = arith.constant 0 : index
    %get3A_386 = vector.load %arg5[%get3A_383, %get3A_384, %get3A_385] : memref<4x128x128xf32, #tpu.memory_space<vmem>>, vector<1x128x128xf32>
    %get3A_387 = vector.shape_cast %get3A_386 : vector<1x128x128xf32> to vector<128x128xf32>
    %dot_general3A_388 = arith.constant dense<0.000000e+00> : vector<1024x128xf32>
    %dot_general3A_389 = tpu.matmul %max3A_375, %get3A_387, %dot_general3A_388 {dimension_numbers = #tpu.dot_dimension_numbers<[1], [0], [0], [1], [0, 0, 1, 1], [], []>, transpose_lhs_hint = false} : vector<1024x128xf32>, vector<128x128xf32>, vector<1024x128xf32> -> vector<1024x128xf32>
    %dot_general3A_390 = arith.constant dense<0.000000e+00> : vector<1024x128xf32>
    %dot_general3A_391 = tpu.matmul %convert_element_type3A_13, %dot_general3A_389, %dot_general3A_390 {dimension_numbers = #tpu.dot_dimension_numbers<[1], [0], [0], [1], [0, 0, 1, 1], [], []>, transpose_lhs_hint = false} : vector<1024x1024xf32>, vector<1024x128xf32>, vector<1024x128xf32> -> vector<1024x128xf32>
    %add3A_392 = arith.addf %dot_general3A_382, %dot_general3A_391 : vector<1024x128xf32>
    %get3A_393 = arith.constant 3 : index
    %get3A_394 = arith.constant 0 : index
    %get3A_395 = vector.load %arg6[%get3A_393, %get3A_394] : memref<4x128xf32, #tpu.memory_space<vmem>>, vector<1x128xf32>
    %get3A_396 = arith.constant 3 : index
    %get3A_397 = arith.constant 0 : index
    %get3A_398 = vector.load %arg7[%get3A_396, %get3A_397] : memref<4x128xf32, #tpu.memory_space<vmem>>, vector<1x128xf32>
    %reduce_sum3A_399 = arith.constant dense<0.000000e+00> : vector<1024xf32>
    %reduce_sum3A_400 = vector.multi_reduction <add>, %add3A_392, %reduce_sum3A_399 [1] : vector<1024x128xf32> to vector<1024xf32>
    %broadcast_in_dim3A_401 = vector.shape_cast %reduce_sum3A_400 : vector<1024xf32> to vector<1024x1xf32>
    %div3A_402 = arith.constant 1.280000e+02 : f32
    %div3A_403 = vector.broadcast %div3A_402 : f32 to vector<1024x1xf32>
    %div3A_404 = arith.divf %broadcast_in_dim3A_401, %div3A_403 : vector<1024x1xf32>
    %jit3A_405 = arith.constant 0 : i32
    %reduce_sum3A_406 = arith.constant dense<0.000000e+00> : vector<1024xf32>
    %reduce_sum3A_407 = vector.multi_reduction <add>, %add3A_392, %reduce_sum3A_406 [1] : vector<1024x128xf32> to vector<1024xf32>
    %broadcast_in_dim3A_408 = vector.shape_cast %reduce_sum3A_407 : vector<1024xf32> to vector<1024x1xf32>
    %div3A_409 = arith.constant 1.280000e+02 : f32
    %div3A_410 = vector.broadcast %div3A_409 : f32 to vector<1024x1xf32>
    %div3A_411 = arith.divf %broadcast_in_dim3A_408, %div3A_410 : vector<1024x1xf32>
    %sub3A_412 = vector.broadcast %div3A_411 : vector<1024x1xf32> to vector<1024x128xf32>
    %sub3A_413 = arith.subf %add3A_392, %sub3A_412 : vector<1024x128xf32>
    %square3A_414 = arith.mulf %sub3A_413, %sub3A_413 : vector<1024x128xf32>
    %convert_element_type3A_415 = arith.sitofp %jit3A_405 : i32 to f32
    %sub3A_416 = arith.constant 1.280000e+02 : f32
    %sub3A_417 = arith.subf %sub3A_416, %convert_element_type3A_415 : f32
    %reduce_sum3A_418 = arith.constant dense<0.000000e+00> : vector<1024xf32>
    %reduce_sum3A_419 = vector.multi_reduction <add>, %square3A_414, %reduce_sum3A_418 [1] : vector<1024x128xf32> to vector<1024xf32>
    %broadcast_in_dim3A_420 = vector.shape_cast %reduce_sum3A_419 : vector<1024xf32> to vector<1024x1xf32>
    %div3A_421 = vector.broadcast %sub3A_417 : f32 to vector<1024x1xf32>
    %div3A_422 = arith.divf %broadcast_in_dim3A_420, %div3A_421 : vector<1024x1xf32>
    %gt3A_423 = arith.constant 0.000000e+00 : f32
    %gt3A_424 = arith.cmpf ogt, %sub3A_417, %gt3A_423 : f32
    %jit3A_425 = arith.constant 0x7FC00000 : f32
    %broadcast_in_dim3A_426 = vector.broadcast %jit3A_425 : f32 to vector<1024x1xf32>
    %select_n3A_427 = arith.select %gt3A_424, %div3A_422, %broadcast_in_dim3A_426 : vector<1024x1xf32>
    %sub3A_428 = vector.broadcast %div3A_404 : vector<1024x1xf32> to vector<1024x128xf32>
    %sub3A_429 = arith.subf %add3A_392, %sub3A_428 : vector<1024x128xf32>
    %add3A_430 = arith.constant 9.99999974E-6 : f32
    %add3A_431 = vector.broadcast %add3A_430 : f32 to vector<1024x1xf32>
    %add3A_432 = arith.addf %select_n3A_427, %add3A_431 : vector<1024x1xf32>
    %sqrt3A_433 = math.sqrt %add3A_432 : vector<1024x1xf32>
    %div3A_434 = vector.broadcast %sqrt3A_433 : vector<1024x1xf32> to vector<1024x128xf32>
    %div3A_435 = arith.divf %sub3A_429, %div3A_434 : vector<1024x128xf32>
    %mul3A_436 = vector.broadcast %get3A_395 : vector<1x128xf32> to vector<1024x128xf32>
    %mul3A_437 = arith.mulf %div3A_435, %mul3A_436 : vector<1024x128xf32>
    %add3A_438 = vector.broadcast %get3A_398 : vector<1x128xf32> to vector<1024x128xf32>
    %add3A_439 = arith.addf %mul3A_437, %add3A_438 : vector<1024x128xf32>
    %max3A_440 = arith.constant 0.000000e+00 : f32
    %max3A_441 = vector.broadcast %max3A_440 : f32 to vector<1024x128xf32>
    %max3A_442 = arith.maximumf %add3A_439, %max3A_441 : vector<1024x128xf32>
    %get3A_443 = arith.constant 3 : index
    %get3A_444 = arith.constant 0 : index
    %get3A_445 = arith.constant 0 : index
    %get3A_446 = vector.load %arg8[%get3A_443, %get3A_444, %get3A_445] : memref<4x128x128xf32, #tpu.memory_space<vmem>>, vector<1x128x128xf32>
    %get3A_447 = vector.shape_cast %get3A_446 : vector<1x128x128xf32> to vector<128x128xf32>
    %dot_general3A_448 = arith.constant dense<0.000000e+00> : vector<1024x128xf32>
    %dot_general3A_449 = tpu.matmul %max3A_442, %get3A_447, %dot_general3A_448 {dimension_numbers = #tpu.dot_dimension_numbers<[1], [0], [0], [1], [0, 0, 1, 1], [], []>, transpose_lhs_hint = false} : vector<1024x128xf32>, vector<128x128xf32>, vector<1024x128xf32> -> vector<1024x128xf32>
    %get3A_450 = arith.constant 3 : index
    %get3A_451 = arith.constant 0 : index
    %get3A_452 = vector.load %arg9[%get3A_450, %get3A_451] : memref<4x128xf32, #tpu.memory_space<vmem>>, vector<1x128xf32>
    %get3A_453 = arith.constant 3 : index
    %get3A_454 = arith.constant 0 : index
    %get3A_455 = vector.load %arg10[%get3A_453, %get3A_454] : memref<4x128xf32, #tpu.memory_space<vmem>>, vector<1x128xf32>
    %reduce_sum3A_456 = arith.constant dense<0.000000e+00> : vector<1024xf32>
    %reduce_sum3A_457 = vector.multi_reduction <add>, %dot_general3A_449, %reduce_sum3A_456 [1] : vector<1024x128xf32> to vector<1024xf32>
    %broadcast_in_dim3A_458 = vector.shape_cast %reduce_sum3A_457 : vector<1024xf32> to vector<1024x1xf32>
    %div3A_459 = arith.constant 1.280000e+02 : f32
    %div3A_460 = vector.broadcast %div3A_459 : f32 to vector<1024x1xf32>
    %div3A_461 = arith.divf %broadcast_in_dim3A_458, %div3A_460 : vector<1024x1xf32>
    %jit3A_462 = arith.constant 0 : i32
    %reduce_sum3A_463 = arith.constant dense<0.000000e+00> : vector<1024xf32>
    %reduce_sum3A_464 = vector.multi_reduction <add>, %dot_general3A_449, %reduce_sum3A_463 [1] : vector<1024x128xf32> to vector<1024xf32>
    %broadcast_in_dim3A_465 = vector.shape_cast %reduce_sum3A_464 : vector<1024xf32> to vector<1024x1xf32>
    %div3A_466 = arith.constant 1.280000e+02 : f32
    %div3A_467 = vector.broadcast %div3A_466 : f32 to vector<1024x1xf32>
    %div3A_468 = arith.divf %broadcast_in_dim3A_465, %div3A_467 : vector<1024x1xf32>
    %sub3A_469 = vector.broadcast %div3A_468 : vector<1024x1xf32> to vector<1024x128xf32>
    %sub3A_470 = arith.subf %dot_general3A_449, %sub3A_469 : vector<1024x128xf32>
    %square3A_471 = arith.mulf %sub3A_470, %sub3A_470 : vector<1024x128xf32>
    %convert_element_type3A_472 = arith.sitofp %jit3A_462 : i32 to f32
    %sub3A_473 = arith.constant 1.280000e+02 : f32
    %sub3A_474 = arith.subf %sub3A_473, %convert_element_type3A_472 : f32
    %reduce_sum3A_475 = arith.constant dense<0.000000e+00> : vector<1024xf32>
    %reduce_sum3A_476 = vector.multi_reduction <add>, %square3A_471, %reduce_sum3A_475 [1] : vector<1024x128xf32> to vector<1024xf32>
    %broadcast_in_dim3A_477 = vector.shape_cast %reduce_sum3A_476 : vector<1024xf32> to vector<1024x1xf32>
    %div3A_478 = vector.broadcast %sub3A_474 : f32 to vector<1024x1xf32>
    %div3A_479 = arith.divf %broadcast_in_dim3A_477, %div3A_478 : vector<1024x1xf32>
    %gt3A_480 = arith.constant 0.000000e+00 : f32
    %gt3A_481 = arith.cmpf ogt, %sub3A_474, %gt3A_480 : f32
    %jit3A_482 = arith.constant 0x7FC00000 : f32
    %broadcast_in_dim3A_483 = vector.broadcast %jit3A_482 : f32 to vector<1024x1xf32>
    %select_n3A_484 = arith.select %gt3A_481, %div3A_479, %broadcast_in_dim3A_483 : vector<1024x1xf32>
    %sub3A_485 = vector.broadcast %div3A_461 : vector<1024x1xf32> to vector<1024x128xf32>
    %sub3A_486 = arith.subf %dot_general3A_449, %sub3A_485 : vector<1024x128xf32>
    %add3A_487 = arith.constant 9.99999974E-6 : f32
    %add3A_488 = vector.broadcast %add3A_487 : f32 to vector<1024x1xf32>
    %add3A_489 = arith.addf %select_n3A_484, %add3A_488 : vector<1024x1xf32>
    %sqrt3A_490 = math.sqrt %add3A_489 : vector<1024x1xf32>
    %div3A_491 = vector.broadcast %sqrt3A_490 : vector<1024x1xf32> to vector<1024x128xf32>
    %div3A_492 = arith.divf %sub3A_486, %div3A_491 : vector<1024x128xf32>
    %mul3A_493 = vector.broadcast %get3A_452 : vector<1x128xf32> to vector<1024x128xf32>
    %mul3A_494 = arith.mulf %div3A_492, %mul3A_493 : vector<1024x128xf32>
    %add3A_495 = vector.broadcast %get3A_455 : vector<1x128xf32> to vector<1024x128xf32>
    %add3A_496 = arith.addf %mul3A_494, %add3A_495 : vector<1024x128xf32>
    %add3A_497 = arith.addf %add3A_496, %max3A_375 : vector<1024x128xf32>
    %max3A_498 = arith.constant 0.000000e+00 : f32
    %max3A_499 = vector.broadcast %max3A_498 : f32 to vector<1024x128xf32>
    %max3A_500 = arith.maximumf %add3A_497, %max3A_499 : vector<1024x128xf32>
    %swap3A = arith.constant 0 : index
    %swap3A_501 = arith.constant 0 : index
    %swap3A_502 = arith.constant 0 : index
    %swap3A_503 = vector.load %arg11[%swap3A, %swap3A_501, %swap3A_502] : memref<1x1024x128xf32, #tpu.memory_space<vmem>>, vector<1x1024x128xf32>
    %swap3A_504 = vector.shape_cast %swap3A_503 : vector<1x1024x128xf32> to vector<1024x128xf32>
    %swap3A_505 = vector.shape_cast %max3A_500 : vector<1024x128xf32> to vector<1x1024x128xf32>
    tpu.vector_store %arg11[%swap3A, %swap3A_501, %swap3A_502], %swap3A_505 {strides = array<i32>} : memref<1x1024x128xf32, #tpu.memory_space<vmem>>, vector<1x1024x128xf32>,
    return
  }
  func.func @transform_0(%arg0: i32) -> (i32, i32, i32) {
    %add3A = arith.constant 0 : i32
    %add3A_0 = arith.addi %add3A, %arg0 : i32
    %c0_i32 = arith.constant 0 : i32
    %c0_i32_1 = arith.constant 0 : i32
    %c0_i32_2 = arith.constant 0 : i32
    return %add3A_0, %c0_i32, %c0_i32_1 : i32, i32, i32
  }
  func.func @transform_1(%arg0: i32) -> (i32, i32) {
    %add3A = arith.constant 0 : i32
    %add3A_0 = arith.addi %add3A, %arg0 : i32
    %c0_i32 = arith.constant 0 : i32
    %c0_i32_1 = arith.constant 0 : i32
    return %add3A_0, %c0_i32 : i32, i32
  }
  func.func @transform_2(%arg0: i32) -> (i32, i32, i32) {
    %c0_i32 = arith.constant 0 : i32
    %c0_i32_0 = arith.constant 0 : i32
    %c0_i32_1 = arith.constant 0 : i32
    return %arg0, %c0_i32, %c0_i32_0 : i32, i32, i32
  }
  func.func @transform_3(%arg0: i32) -> (i32, i32, i32) {
    %c0_i32 = arith.constant 0 : i32
    %c0_i32_0 = arith.constant 0 : i32
    %c0_i32_1 = arith.constant 0 : i32
    %c0_i32_2 = arith.constant 0 : i32
    return %c0_i32, %c0_i32_0, %c0_i32_1 : i32, i32, i32
  }
  func.func @transform_4(%arg0: i32) -> (i32, i32, i32) {
    %c0_i32 = arith.constant 0 : i32
    %c0_i32_0 = arith.constant 0 : i32
    %c0_i32_1 = arith.constant 0 : i32
    %c0_i32_2 = arith.constant 0 : i32
    return %c0_i32, %c0_i32_0, %c0_i32_1 : i32, i32, i32
  }
  func.func @transform_5(%arg0: i32) -> (i32, i32) {
    %c0_i32 = arith.constant 0 : i32
    %c0_i32_0 = arith.constant 0 : i32
    %c0_i32_1 = arith.constant 0 : i32
    return %c0_i32, %c0_i32_0 : i32, i32
  }
  func.func @transform_6(%arg0: i32) -> (i32, i32) {
    %c0_i32 = arith.constant 0 : i32
    %c0_i32_0 = arith.constant 0 : i32
    %c0_i32_1 = arith.constant 0 : i32
    return %c0_i32, %c0_i32_0 : i32, i32
  }
  func.func @transform_7(%arg0: i32) -> (i32, i32, i32) {
    %c0_i32 = arith.constant 0 : i32
    %c0_i32_0 = arith.constant 0 : i32
    %c0_i32_1 = arith.constant 0 : i32
    %c0_i32_2 = arith.constant 0 : i32
    return %c0_i32, %c0_i32_0, %c0_i32_1 : i32, i32, i32
  }
  func.func @transform_8(%arg0: i32) -> (i32, i32) {
    %c0_i32 = arith.constant 0 : i32
    %c0_i32_0 = arith.constant 0 : i32
    %c0_i32_1 = arith.constant 0 : i32
    return %c0_i32, %c0_i32_0 : i32, i32
  }
  func.func @transform_9(%arg0: i32) -> (i32, i32) {
    %c0_i32 = arith.constant 0 : i32
    %c0_i32_0 = arith.constant 0 : i32
    %c0_i32_1 = arith.constant 0 : i32
    return %c0_i32, %c0_i32_0 : i32, i32
  }
  func.func @transform_10(%arg0: i32) -> (i32, i32, i32) {
    %c0_i32 = arith.constant 0 : i32
    %c0_i32_0 = arith.constant 0 : i32
    %c0_i32_1 = arith.constant 0 : i32
    return %arg0, %c0_i32, %c0_i32_0 : i32, i32, i32
  }
}

module attributes {stable_mosaic.version = 14 : i64} {
  func.func @_body_b(%arg0: i32, %arg1: memref<1x1024x128xf32, #tpu.memory_space<vmem>>, %arg2: memref<1024x1024xf32, #tpu.memory_space<vmem>>, %arg3: memref<1x1024x1xf32, #tpu.memory_space<vmem>>, %arg4: memref<4x128x128xf32, #tpu.memory_space<vmem>>, %arg5: memref<4x128x128xf32, #tpu.memory_space<vmem>>, %arg6: memref<4x128xf32, #tpu.memory_space<vmem>>, %arg7: memref<4x128xf32, #tpu.memory_space<vmem>>, %arg8: memref<4x128x128xf32, #tpu.memory_space<vmem>>, %arg9: memref<4x128xf32, #tpu.memory_space<vmem>>, %arg10: memref<4x128xf32, #tpu.memory_space<vmem>>, %arg11: memref<1x1024x128xf32, #tpu.memory_space<vmem>>) attributes {dimension_semantics = [#tpu.dimension_semantics<parallel>], iteration_bounds = array<i64: 8>, scalar_prefetch = 0 : i64, scratch_operands = 0 : i64, tpu.core_type = #tpu.core_type<tc>, window_params = [{transform_indices = @transform_0, window_bounds = array<i64: 1, 1024, 128>}, {transform_indices = @transform_1, window_bounds = array<i64: 1024, 1024>}, {transform_indices = @transform_2, window_bounds = array<i64: 1, 1024, 1>}, {pipeline_mode = #tpu.pipeline_mode<synchronous>, transform_indices = @transform_3, window_bounds = array<i64: 4, 128, 128>}, {pipeline_mode = #tpu.pipeline_mode<synchronous>, transform_indices = @transform_4, window_bounds = array<i64: 4, 128, 128>}, {pipeline_mode = #tpu.pipeline_mode<synchronous>, transform_indices = @transform_5, window_bounds = array<i64: 4, 128>}, {pipeline_mode = #tpu.pipeline_mode<synchronous>, transform_indices = @transform_6, window_bounds = array<i64: 4, 128>}, {pipeline_mode = #tpu.pipeline_mode<synchronous>, transform_indices = @transform_7, window_bounds = array<i64: 4, 128, 128>}, {pipeline_mode = #tpu.pipeline_mode<synchronous>, transform_indices = @transform_8, window_bounds = array<i64: 4, 128>}, {pipeline_mode = #tpu.pipeline_mode<synchronous>, transform_indices = @transform_9, window_bounds = array<i64: 4, 128>}, {transform_indices = @transform_10, window_bounds = array<i64: 1, 1024, 128>}]} {
    %get3A = arith.constant 0 : index
    %get3A_0 = arith.constant 0 : index
    %get3A_1 = arith.constant 0 : index
    %get3A_2 = vector.load %arg1[%get3A, %get3A_0, %get3A_1] : memref<1x1024x128xf32, #tpu.memory_space<vmem>>, vector<1x1024x128xf32>
    %get3A_3 = vector.shape_cast %get3A_2 : vector<1x1024x128xf32> to vector<1024x128xf32>
    %get3A_4 = arith.constant 0 : index
    %get3A_5 = arith.constant 0 : index
    %get3A_6 = vector.load %arg2[%get3A_4, %get3A_5] : memref<1024x1024xf32, #tpu.memory_space<vmem>>, vector<1024x1024xf32>
    %get3A_7 = arith.constant 0 : index
    %get3A_8 = arith.constant 0 : index
    %get3A_9 = arith.constant 0 : index
    %get3A_10 = vector.load %arg3[%get3A_7, %get3A_8, %get3A_9] : memref<1x1024x1xf32, #tpu.memory_space<vmem>>, vector<1x1024x1xf32>
    %get3A_11 = vector.shape_cast %get3A_10 : vector<1x1024x1xf32> to vector<1024x1xf32>
    %le3A = vector.broadcast %get3A_11 : vector<1024x1xf32> to vector<1024x1024xf32>
    %le3A_12 = arith.cmpf ole, %get3A_6, %le3A : vector<1024x1024xf32>
    %convert_element_type3A = arith.extui %le3A_12 : vector<1024x1024xi1> to vector<1024x1024xi32>
    %convert_element_type3A_13 = arith.sitofp %convert_element_type3A : vector<1024x1024xi32> to vector<1024x1024xf32>
    %get3A_14 = arith.constant 0 : index
    %get3A_15 = arith.constant 0 : index
    %get3A_16 = arith.constant 0 : index
    %get3A_17 = vector.load %arg4[%get3A_14, %get3A_15, %get3A_16] : memref<4x128x128xf32, #tpu.memory_space<vmem>>, vector<1x128x128xf32>
    %get3A_18 = vector.shape_cast %get3A_17 : vector<1x128x128xf32> to vector<128x128xf32>
    %dot_general3A = arith.constant dense<0.000000e+00> : vector<1024x128xf32>
    %dot_general3A_19 = tpu.matmul %get3A_3, %get3A_18, %dot_general3A {dimension_numbers = #tpu.dot_dimension_numbers<[1], [0], [0], [1], [0, 0, 1, 1], [], []>, transpose_lhs_hint = false} : vector<1024x128xf32>, vector<128x128xf32>, vector<1024x128xf32> -> vector<1024x128xf32>
    %get3A_20 = arith.constant 0 : index
    %get3A_21 = arith.constant 0 : index
    %get3A_22 = arith.constant 0 : index
    %get3A_23 = vector.load %arg5[%get3A_20, %get3A_21, %get3A_22] : memref<4x128x128xf32, #tpu.memory_space<vmem>>, vector<1x128x128xf32>
    %get3A_24 = vector.shape_cast %get3A_23 : vector<1x128x128xf32> to vector<128x128xf32>
    %dot_general3A_25 = arith.constant dense<0.000000e+00> : vector<1024x128xf32>
    %dot_general3A_26 = tpu.matmul %get3A_3, %get3A_24, %dot_general3A_25 {dimension_numbers = #tpu.dot_dimension_numbers<[1], [0], [0], [1], [0, 0, 1, 1], [], []>, transpose_lhs_hint = false} : vector<1024x128xf32>, vector<128x128xf32>, vector<1024x128xf32> -> vector<1024x128xf32>
    %dot_general3A_27 = arith.constant dense<0.000000e+00> : vector<1024x128xf32>
    %dot_general3A_28 = tpu.matmul %convert_element_type3A_13, %dot_general3A_26, %dot_general3A_27 {dimension_numbers = #tpu.dot_dimension_numbers<[1], [0], [0], [1], [0, 0, 1, 1], [], []>, transpose_lhs_hint = false} : vector<1024x1024xf32>, vector<1024x128xf32>, vector<1024x128xf32> -> vector<1024x128xf32>
    %add3A = arith.addf %dot_general3A_19, %dot_general3A_28 : vector<1024x128xf32>
    %get3A_29 = arith.constant 0 : index
    %get3A_30 = arith.constant 0 : index
    %get3A_31 = vector.load %arg6[%get3A_29, %get3A_30] : memref<4x128xf32, #tpu.memory_space<vmem>>, vector<1x128xf32>
    %get3A_32 = arith.constant 0 : index
    %get3A_33 = arith.constant 0 : index
    %get3A_34 = vector.load %arg7[%get3A_32, %get3A_33] : memref<4x128xf32, #tpu.memory_space<vmem>>, vector<1x128xf32>
    %reduce_sum3A = arith.constant dense<0.000000e+00> : vector<1024xf32>
    %reduce_sum3A_35 = vector.multi_reduction <add>, %add3A, %reduce_sum3A [1] : vector<1024x128xf32> to vector<1024xf32>
    %broadcast_in_dim3A = vector.shape_cast %reduce_sum3A_35 : vector<1024xf32> to vector<1024x1xf32>
    %div3A = arith.constant 1.280000e+02 : f32
    %div3A_36 = vector.broadcast %div3A : f32 to vector<1024x1xf32>
    %div3A_37 = arith.divf %broadcast_in_dim3A, %div3A_36 : vector<1024x1xf32>
    %jit3A = arith.constant 0 : i32
    %reduce_sum3A_38 = arith.constant dense<0.000000e+00> : vector<1024xf32>
    %reduce_sum3A_39 = vector.multi_reduction <add>, %add3A, %reduce_sum3A_38 [1] : vector<1024x128xf32> to vector<1024xf32>
    %broadcast_in_dim3A_40 = vector.shape_cast %reduce_sum3A_39 : vector<1024xf32> to vector<1024x1xf32>
    %div3A_41 = arith.constant 1.280000e+02 : f32
    %div3A_42 = vector.broadcast %div3A_41 : f32 to vector<1024x1xf32>
    %div3A_43 = arith.divf %broadcast_in_dim3A_40, %div3A_42 : vector<1024x1xf32>
    %sub3A = vector.broadcast %div3A_43 : vector<1024x1xf32> to vector<1024x128xf32>
    %sub3A_44 = arith.subf %add3A, %sub3A : vector<1024x128xf32>
    %square3A = arith.mulf %sub3A_44, %sub3A_44 : vector<1024x128xf32>
    %convert_element_type3A_45 = arith.sitofp %jit3A : i32 to f32
    %sub3A_46 = arith.constant 1.280000e+02 : f32
    %sub3A_47 = arith.subf %sub3A_46, %convert_element_type3A_45 : f32
    %reduce_sum3A_48 = arith.constant dense<0.000000e+00> : vector<1024xf32>
    %reduce_sum3A_49 = vector.multi_reduction <add>, %square3A, %reduce_sum3A_48 [1] : vector<1024x128xf32> to vector<1024xf32>
    %broadcast_in_dim3A_50 = vector.shape_cast %reduce_sum3A_49 : vector<1024xf32> to vector<1024x1xf32>
    %div3A_51 = vector.broadcast %sub3A_47 : f32 to vector<1024x1xf32>
    %div3A_52 = arith.divf %broadcast_in_dim3A_50, %div3A_51 : vector<1024x1xf32>
    %gt3A = arith.constant 0.000000e+00 : f32
    %gt3A_53 = arith.cmpf ogt, %sub3A_47, %gt3A : f32
    %jit3A_54 = arith.constant 0x7FC00000 : f32
    %broadcast_in_dim3A_55 = vector.broadcast %jit3A_54 : f32 to vector<1024x1xf32>
    %select_n3A = arith.select %gt3A_53, %div3A_52, %broadcast_in_dim3A_55 : vector<1024x1xf32>
    %sub3A_56 = vector.broadcast %div3A_37 : vector<1024x1xf32> to vector<1024x128xf32>
    %sub3A_57 = arith.subf %add3A, %sub3A_56 : vector<1024x128xf32>
    %add3A_58 = arith.constant 9.99999974E-6 : f32
    %add3A_59 = vector.broadcast %add3A_58 : f32 to vector<1024x1xf32>
    %add3A_60 = arith.addf %select_n3A, %add3A_59 : vector<1024x1xf32>
    %sqrt3A = math.sqrt %add3A_60 : vector<1024x1xf32>
    %div3A_61 = vector.broadcast %sqrt3A : vector<1024x1xf32> to vector<1024x128xf32>
    %div3A_62 = arith.divf %sub3A_57, %div3A_61 : vector<1024x128xf32>
    %mul3A = vector.broadcast %get3A_31 : vector<1x128xf32> to vector<1024x128xf32>
    %mul3A_63 = arith.mulf %div3A_62, %mul3A : vector<1024x128xf32>
    %add3A_64 = vector.broadcast %get3A_34 : vector<1x128xf32> to vector<1024x128xf32>
    %add3A_65 = arith.addf %mul3A_63, %add3A_64 : vector<1024x128xf32>
    %max3A = arith.constant 0.000000e+00 : f32
    %max3A_66 = vector.broadcast %max3A : f32 to vector<1024x128xf32>
    %max3A_67 = arith.maximumf %add3A_65, %max3A_66 : vector<1024x128xf32>
    %get3A_68 = arith.constant 0 : index
    %get3A_69 = arith.constant 0 : index
    %get3A_70 = arith.constant 0 : index
    %get3A_71 = vector.load %arg8[%get3A_68, %get3A_69, %get3A_70] : memref<4x128x128xf32, #tpu.memory_space<vmem>>, vector<1x128x128xf32>
    %get3A_72 = vector.shape_cast %get3A_71 : vector<1x128x128xf32> to vector<128x128xf32>
    %dot_general3A_73 = arith.constant dense<0.000000e+00> : vector<1024x128xf32>
    %dot_general3A_74 = tpu.matmul %max3A_67, %get3A_72, %dot_general3A_73 {dimension_numbers = #tpu.dot_dimension_numbers<[1], [0], [0], [1], [0, 0, 1, 1], [], []>, transpose_lhs_hint = false} : vector<1024x128xf32>, vector<128x128xf32>, vector<1024x128xf32> -> vector<1024x128xf32>
    %get3A_75 = arith.constant 0 : index
    %get3A_76 = arith.constant 0 : index
    %get3A_77 = vector.load %arg9[%get3A_75, %get3A_76] : memref<4x128xf32, #tpu.memory_space<vmem>>, vector<1x128xf32>
    %get3A_78 = arith.constant 0 : index
    %get3A_79 = arith.constant 0 : index
    %get3A_80 = vector.load %arg10[%get3A_78, %get3A_79] : memref<4x128xf32, #tpu.memory_space<vmem>>, vector<1x128xf32>
    %reduce_sum3A_81 = arith.constant dense<0.000000e+00> : vector<1024xf32>
    %reduce_sum3A_82 = vector.multi_reduction <add>, %dot_general3A_74, %reduce_sum3A_81 [1] : vector<1024x128xf32> to vector<1024xf32>
    %broadcast_in_dim3A_83 = vector.shape_cast %reduce_sum3A_82 : vector<1024xf32> to vector<1024x1xf32>
    %div3A_84 = arith.constant 1.280000e+02 : f32
    %div3A_85 = vector.broadcast %div3A_84 : f32 to vector<1024x1xf32>
    %div3A_86 = arith.divf %broadcast_in_dim3A_83, %div3A_85 : vector<1024x1xf32>
    %jit3A_87 = arith.constant 0 : i32
    %reduce_sum3A_88 = arith.constant dense<0.000000e+00> : vector<1024xf32>
    %reduce_sum3A_89 = vector.multi_reduction <add>, %dot_general3A_74, %reduce_sum3A_88 [1] : vector<1024x128xf32> to vector<1024xf32>
    %broadcast_in_dim3A_90 = vector.shape_cast %reduce_sum3A_89 : vector<1024xf32> to vector<1024x1xf32>
    %div3A_91 = arith.constant 1.280000e+02 : f32
    %div3A_92 = vector.broadcast %div3A_91 : f32 to vector<1024x1xf32>
    %div3A_93 = arith.divf %broadcast_in_dim3A_90, %div3A_92 : vector<1024x1xf32>
    %sub3A_94 = vector.broadcast %div3A_93 : vector<1024x1xf32> to vector<1024x128xf32>
    %sub3A_95 = arith.subf %dot_general3A_74, %sub3A_94 : vector<1024x128xf32>
    %square3A_96 = arith.mulf %sub3A_95, %sub3A_95 : vector<1024x128xf32>
    %convert_element_type3A_97 = arith.sitofp %jit3A_87 : i32 to f32
    %sub3A_98 = arith.constant 1.280000e+02 : f32
    %sub3A_99 = arith.subf %sub3A_98, %convert_element_type3A_97 : f32
    %reduce_sum3A_100 = arith.constant dense<0.000000e+00> : vector<1024xf32>
    %reduce_sum3A_101 = vector.multi_reduction <add>, %square3A_96, %reduce_sum3A_100 [1] : vector<1024x128xf32> to vector<1024xf32>
    %broadcast_in_dim3A_102 = vector.shape_cast %reduce_sum3A_101 : vector<1024xf32> to vector<1024x1xf32>
    %div3A_103 = vector.broadcast %sub3A_99 : f32 to vector<1024x1xf32>
    %div3A_104 = arith.divf %broadcast_in_dim3A_102, %div3A_103 : vector<1024x1xf32>
    %gt3A_105 = arith.constant 0.000000e+00 : f32
    %gt3A_106 = arith.cmpf ogt, %sub3A_99, %gt3A_105 : f32
    %jit3A_107 = arith.constant 0x7FC00000 : f32
    %broadcast_in_dim3A_108 = vector.broadcast %jit3A_107 : f32 to vector<1024x1xf32>
    %select_n3A_109 = arith.select %gt3A_106, %div3A_104, %broadcast_in_dim3A_108 : vector<1024x1xf32>
    %sub3A_110 = vector.broadcast %div3A_86 : vector<1024x1xf32> to vector<1024x128xf32>
    %sub3A_111 = arith.subf %dot_general3A_74, %sub3A_110 : vector<1024x128xf32>
    %add3A_112 = arith.constant 9.99999974E-6 : f32
    %add3A_113 = vector.broadcast %add3A_112 : f32 to vector<1024x1xf32>
    %add3A_114 = arith.addf %select_n3A_109, %add3A_113 : vector<1024x1xf32>
    %sqrt3A_115 = math.sqrt %add3A_114 : vector<1024x1xf32>
    %div3A_116 = vector.broadcast %sqrt3A_115 : vector<1024x1xf32> to vector<1024x128xf32>
    %div3A_117 = arith.divf %sub3A_111, %div3A_116 : vector<1024x128xf32>
    %mul3A_118 = vector.broadcast %get3A_77 : vector<1x128xf32> to vector<1024x128xf32>
    %mul3A_119 = arith.mulf %div3A_117, %mul3A_118 : vector<1024x128xf32>
    %add3A_120 = vector.broadcast %get3A_80 : vector<1x128xf32> to vector<1024x128xf32>
    %add3A_121 = arith.addf %mul3A_119, %add3A_120 : vector<1024x128xf32>
    %add3A_122 = arith.addf %add3A_121, %get3A_3 : vector<1024x128xf32>
    %max3A_123 = arith.constant 0.000000e+00 : f32
    %max3A_124 = vector.broadcast %max3A_123 : f32 to vector<1024x128xf32>
    %max3A_125 = arith.maximumf %add3A_122, %max3A_124 : vector<1024x128xf32>
    %get3A_126 = arith.constant 1 : index
    %get3A_127 = arith.constant 0 : index
    %get3A_128 = arith.constant 0 : index
    %get3A_129 = vector.load %arg4[%get3A_126, %get3A_127, %get3A_128] : memref<4x128x128xf32, #tpu.memory_space<vmem>>, vector<1x128x128xf32>
    %get3A_130 = vector.shape_cast %get3A_129 : vector<1x128x128xf32> to vector<128x128xf32>
    %dot_general3A_131 = arith.constant dense<0.000000e+00> : vector<1024x128xf32>
    %dot_general3A_132 = tpu.matmul %max3A_125, %get3A_130, %dot_general3A_131 {dimension_numbers = #tpu.dot_dimension_numbers<[1], [0], [0], [1], [0, 0, 1, 1], [], []>, transpose_lhs_hint = false} : vector<1024x128xf32>, vector<128x128xf32>, vector<1024x128xf32> -> vector<1024x128xf32>
    %get3A_133 = arith.constant 1 : index
    %get3A_134 = arith.constant 0 : index
    %get3A_135 = arith.constant 0 : index
    %get3A_136 = vector.load %arg5[%get3A_133, %get3A_134, %get3A_135] : memref<4x128x128xf32, #tpu.memory_space<vmem>>, vector<1x128x128xf32>
    %get3A_137 = vector.shape_cast %get3A_136 : vector<1x128x128xf32> to vector<128x128xf32>
    %dot_general3A_138 = arith.constant dense<0.000000e+00> : vector<1024x128xf32>
    %dot_general3A_139 = tpu.matmul %max3A_125, %get3A_137, %dot_general3A_138 {dimension_numbers = #tpu.dot_dimension_numbers<[1], [0], [0], [1], [0, 0, 1, 1], [], []>, transpose_lhs_hint = false} : vector<1024x128xf32>, vector<128x128xf32>, vector<1024x128xf32> -> vector<1024x128xf32>
    %dot_general3A_140 = arith.constant dense<0.000000e+00> : vector<1024x128xf32>
    %dot_general3A_141 = tpu.matmul %convert_element_type3A_13, %dot_general3A_139, %dot_general3A_140 {dimension_numbers = #tpu.dot_dimension_numbers<[1], [0], [0], [1], [0, 0, 1, 1], [], []>, transpose_lhs_hint = false} : vector<1024x1024xf32>, vector<1024x128xf32>, vector<1024x128xf32> -> vector<1024x128xf32>
    %add3A_142 = arith.addf %dot_general3A_132, %dot_general3A_141 : vector<1024x128xf32>
    %get3A_143 = arith.constant 1 : index
    %get3A_144 = arith.constant 0 : index
    %get3A_145 = vector.load %arg6[%get3A_143, %get3A_144] : memref<4x128xf32, #tpu.memory_space<vmem>>, vector<1x128xf32>
    %get3A_146 = arith.constant 1 : index
    %get3A_147 = arith.constant 0 : index
    %get3A_148 = vector.load %arg7[%get3A_146, %get3A_147] : memref<4x128xf32, #tpu.memory_space<vmem>>, vector<1x128xf32>
    %reduce_sum3A_149 = arith.constant dense<0.000000e+00> : vector<1024xf32>
    %reduce_sum3A_150 = vector.multi_reduction <add>, %add3A_142, %reduce_sum3A_149 [1] : vector<1024x128xf32> to vector<1024xf32>
    %broadcast_in_dim3A_151 = vector.shape_cast %reduce_sum3A_150 : vector<1024xf32> to vector<1024x1xf32>
    %div3A_152 = arith.constant 1.280000e+02 : f32
    %div3A_153 = vector.broadcast %div3A_152 : f32 to vector<1024x1xf32>
    %div3A_154 = arith.divf %broadcast_in_dim3A_151, %div3A_153 : vector<1024x1xf32>
    %jit3A_155 = arith.constant 0 : i32
    %reduce_sum3A_156 = arith.constant dense<0.000000e+00> : vector<1024xf32>
    %reduce_sum3A_157 = vector.multi_reduction <add>, %add3A_142, %reduce_sum3A_156 [1] : vector<1024x128xf32> to vector<1024xf32>
    %broadcast_in_dim3A_158 = vector.shape_cast %reduce_sum3A_157 : vector<1024xf32> to vector<1024x1xf32>
    %div3A_159 = arith.constant 1.280000e+02 : f32
    %div3A_160 = vector.broadcast %div3A_159 : f32 to vector<1024x1xf32>
    %div3A_161 = arith.divf %broadcast_in_dim3A_158, %div3A_160 : vector<1024x1xf32>
    %sub3A_162 = vector.broadcast %div3A_161 : vector<1024x1xf32> to vector<1024x128xf32>
    %sub3A_163 = arith.subf %add3A_142, %sub3A_162 : vector<1024x128xf32>
    %square3A_164 = arith.mulf %sub3A_163, %sub3A_163 : vector<1024x128xf32>
    %convert_element_type3A_165 = arith.sitofp %jit3A_155 : i32 to f32
    %sub3A_166 = arith.constant 1.280000e+02 : f32
    %sub3A_167 = arith.subf %sub3A_166, %convert_element_type3A_165 : f32
    %reduce_sum3A_168 = arith.constant dense<0.000000e+00> : vector<1024xf32>
    %reduce_sum3A_169 = vector.multi_reduction <add>, %square3A_164, %reduce_sum3A_168 [1] : vector<1024x128xf32> to vector<1024xf32>
    %broadcast_in_dim3A_170 = vector.shape_cast %reduce_sum3A_169 : vector<1024xf32> to vector<1024x1xf32>
    %div3A_171 = vector.broadcast %sub3A_167 : f32 to vector<1024x1xf32>
    %div3A_172 = arith.divf %broadcast_in_dim3A_170, %div3A_171 : vector<1024x1xf32>
    %gt3A_173 = arith.constant 0.000000e+00 : f32
    %gt3A_174 = arith.cmpf ogt, %sub3A_167, %gt3A_173 : f32
    %jit3A_175 = arith.constant 0x7FC00000 : f32
    %broadcast_in_dim3A_176 = vector.broadcast %jit3A_175 : f32 to vector<1024x1xf32>
    %select_n3A_177 = arith.select %gt3A_174, %div3A_172, %broadcast_in_dim3A_176 : vector<1024x1xf32>
    %sub3A_178 = vector.broadcast %div3A_154 : vector<1024x1xf32> to vector<1024x128xf32>
    %sub3A_179 = arith.subf %add3A_142, %sub3A_178 : vector<1024x128xf32>
    %add3A_180 = arith.constant 9.99999974E-6 : f32
    %add3A_181 = vector.broadcast %add3A_180 : f32 to vector<1024x1xf32>
    %add3A_182 = arith.addf %select_n3A_177, %add3A_181 : vector<1024x1xf32>
    %sqrt3A_183 = math.sqrt %add3A_182 : vector<1024x1xf32>
    %div3A_184 = vector.broadcast %sqrt3A_183 : vector<1024x1xf32> to vector<1024x128xf32>
    %div3A_185 = arith.divf %sub3A_179, %div3A_184 : vector<1024x128xf32>
    %mul3A_186 = vector.broadcast %get3A_145 : vector<1x128xf32> to vector<1024x128xf32>
    %mul3A_187 = arith.mulf %div3A_185, %mul3A_186 : vector<1024x128xf32>
    %add3A_188 = vector.broadcast %get3A_148 : vector<1x128xf32> to vector<1024x128xf32>
    %add3A_189 = arith.addf %mul3A_187, %add3A_188 : vector<1024x128xf32>
    %max3A_190 = arith.constant 0.000000e+00 : f32
    %max3A_191 = vector.broadcast %max3A_190 : f32 to vector<1024x128xf32>
    %max3A_192 = arith.maximumf %add3A_189, %max3A_191 : vector<1024x128xf32>
    %get3A_193 = arith.constant 1 : index
    %get3A_194 = arith.constant 0 : index
    %get3A_195 = arith.constant 0 : index
    %get3A_196 = vector.load %arg8[%get3A_193, %get3A_194, %get3A_195] : memref<4x128x128xf32, #tpu.memory_space<vmem>>, vector<1x128x128xf32>
    %get3A_197 = vector.shape_cast %get3A_196 : vector<1x128x128xf32> to vector<128x128xf32>
    %dot_general3A_198 = arith.constant dense<0.000000e+00> : vector<1024x128xf32>
    %dot_general3A_199 = tpu.matmul %max3A_192, %get3A_197, %dot_general3A_198 {dimension_numbers = #tpu.dot_dimension_numbers<[1], [0], [0], [1], [0, 0, 1, 1], [], []>, transpose_lhs_hint = false} : vector<1024x128xf32>, vector<128x128xf32>, vector<1024x128xf32> -> vector<1024x128xf32>
    %get3A_200 = arith.constant 1 : index
    %get3A_201 = arith.constant 0 : index
    %get3A_202 = vector.load %arg9[%get3A_200, %get3A_201] : memref<4x128xf32, #tpu.memory_space<vmem>>, vector<1x128xf32>
    %get3A_203 = arith.constant 1 : index
    %get3A_204 = arith.constant 0 : index
    %get3A_205 = vector.load %arg10[%get3A_203, %get3A_204] : memref<4x128xf32, #tpu.memory_space<vmem>>, vector<1x128xf32>
    %reduce_sum3A_206 = arith.constant dense<0.000000e+00> : vector<1024xf32>
    %reduce_sum3A_207 = vector.multi_reduction <add>, %dot_general3A_199, %reduce_sum3A_206 [1] : vector<1024x128xf32> to vector<1024xf32>
    %broadcast_in_dim3A_208 = vector.shape_cast %reduce_sum3A_207 : vector<1024xf32> to vector<1024x1xf32>
    %div3A_209 = arith.constant 1.280000e+02 : f32
    %div3A_210 = vector.broadcast %div3A_209 : f32 to vector<1024x1xf32>
    %div3A_211 = arith.divf %broadcast_in_dim3A_208, %div3A_210 : vector<1024x1xf32>
    %jit3A_212 = arith.constant 0 : i32
    %reduce_sum3A_213 = arith.constant dense<0.000000e+00> : vector<1024xf32>
    %reduce_sum3A_214 = vector.multi_reduction <add>, %dot_general3A_199, %reduce_sum3A_213 [1] : vector<1024x128xf32> to vector<1024xf32>
    %broadcast_in_dim3A_215 = vector.shape_cast %reduce_sum3A_214 : vector<1024xf32> to vector<1024x1xf32>
    %div3A_216 = arith.constant 1.280000e+02 : f32
    %div3A_217 = vector.broadcast %div3A_216 : f32 to vector<1024x1xf32>
    %div3A_218 = arith.divf %broadcast_in_dim3A_215, %div3A_217 : vector<1024x1xf32>
    %sub3A_219 = vector.broadcast %div3A_218 : vector<1024x1xf32> to vector<1024x128xf32>
    %sub3A_220 = arith.subf %dot_general3A_199, %sub3A_219 : vector<1024x128xf32>
    %square3A_221 = arith.mulf %sub3A_220, %sub3A_220 : vector<1024x128xf32>
    %convert_element_type3A_222 = arith.sitofp %jit3A_212 : i32 to f32
    %sub3A_223 = arith.constant 1.280000e+02 : f32
    %sub3A_224 = arith.subf %sub3A_223, %convert_element_type3A_222 : f32
    %reduce_sum3A_225 = arith.constant dense<0.000000e+00> : vector<1024xf32>
    %reduce_sum3A_226 = vector.multi_reduction <add>, %square3A_221, %reduce_sum3A_225 [1] : vector<1024x128xf32> to vector<1024xf32>
    %broadcast_in_dim3A_227 = vector.shape_cast %reduce_sum3A_226 : vector<1024xf32> to vector<1024x1xf32>
    %div3A_228 = vector.broadcast %sub3A_224 : f32 to vector<1024x1xf32>
    %div3A_229 = arith.divf %broadcast_in_dim3A_227, %div3A_228 : vector<1024x1xf32>
    %gt3A_230 = arith.constant 0.000000e+00 : f32
    %gt3A_231 = arith.cmpf ogt, %sub3A_224, %gt3A_230 : f32
    %jit3A_232 = arith.constant 0x7FC00000 : f32
    %broadcast_in_dim3A_233 = vector.broadcast %jit3A_232 : f32 to vector<1024x1xf32>
    %select_n3A_234 = arith.select %gt3A_231, %div3A_229, %broadcast_in_dim3A_233 : vector<1024x1xf32>
    %sub3A_235 = vector.broadcast %div3A_211 : vector<1024x1xf32> to vector<1024x128xf32>
    %sub3A_236 = arith.subf %dot_general3A_199, %sub3A_235 : vector<1024x128xf32>
    %add3A_237 = arith.constant 9.99999974E-6 : f32
    %add3A_238 = vector.broadcast %add3A_237 : f32 to vector<1024x1xf32>
    %add3A_239 = arith.addf %select_n3A_234, %add3A_238 : vector<1024x1xf32>
    %sqrt3A_240 = math.sqrt %add3A_239 : vector<1024x1xf32>
    %div3A_241 = vector.broadcast %sqrt3A_240 : vector<1024x1xf32> to vector<1024x128xf32>
    %div3A_242 = arith.divf %sub3A_236, %div3A_241 : vector<1024x128xf32>
    %mul3A_243 = vector.broadcast %get3A_202 : vector<1x128xf32> to vector<1024x128xf32>
    %mul3A_244 = arith.mulf %div3A_242, %mul3A_243 : vector<1024x128xf32>
    %add3A_245 = vector.broadcast %get3A_205 : vector<1x128xf32> to vector<1024x128xf32>
    %add3A_246 = arith.addf %mul3A_244, %add3A_245 : vector<1024x128xf32>
    %add3A_247 = arith.addf %add3A_246, %max3A_125 : vector<1024x128xf32>
    %max3A_248 = arith.constant 0.000000e+00 : f32
    %max3A_249 = vector.broadcast %max3A_248 : f32 to vector<1024x128xf32>
    %max3A_250 = arith.maximumf %add3A_247, %max3A_249 : vector<1024x128xf32>
    %get3A_251 = arith.constant 2 : index
    %get3A_252 = arith.constant 0 : index
    %get3A_253 = arith.constant 0 : index
    %get3A_254 = vector.load %arg4[%get3A_251, %get3A_252, %get3A_253] : memref<4x128x128xf32, #tpu.memory_space<vmem>>, vector<1x128x128xf32>
    %get3A_255 = vector.shape_cast %get3A_254 : vector<1x128x128xf32> to vector<128x128xf32>
    %dot_general3A_256 = arith.constant dense<0.000000e+00> : vector<1024x128xf32>
    %dot_general3A_257 = tpu.matmul %max3A_250, %get3A_255, %dot_general3A_256 {dimension_numbers = #tpu.dot_dimension_numbers<[1], [0], [0], [1], [0, 0, 1, 1], [], []>, transpose_lhs_hint = false} : vector<1024x128xf32>, vector<128x128xf32>, vector<1024x128xf32> -> vector<1024x128xf32>
    %get3A_258 = arith.constant 2 : index
    %get3A_259 = arith.constant 0 : index
    %get3A_260 = arith.constant 0 : index
    %get3A_261 = vector.load %arg5[%get3A_258, %get3A_259, %get3A_260] : memref<4x128x128xf32, #tpu.memory_space<vmem>>, vector<1x128x128xf32>
    %get3A_262 = vector.shape_cast %get3A_261 : vector<1x128x128xf32> to vector<128x128xf32>
    %dot_general3A_263 = arith.constant dense<0.000000e+00> : vector<1024x128xf32>
    %dot_general3A_264 = tpu.matmul %max3A_250, %get3A_262, %dot_general3A_263 {dimension_numbers = #tpu.dot_dimension_numbers<[1], [0], [0], [1], [0, 0, 1, 1], [], []>, transpose_lhs_hint = false} : vector<1024x128xf32>, vector<128x128xf32>, vector<1024x128xf32> -> vector<1024x128xf32>
    %dot_general3A_265 = arith.constant dense<0.000000e+00> : vector<1024x128xf32>
    %dot_general3A_266 = tpu.matmul %convert_element_type3A_13, %dot_general3A_264, %dot_general3A_265 {dimension_numbers = #tpu.dot_dimension_numbers<[1], [0], [0], [1], [0, 0, 1, 1], [], []>, transpose_lhs_hint = false} : vector<1024x1024xf32>, vector<1024x128xf32>, vector<1024x128xf32> -> vector<1024x128xf32>
    %add3A_267 = arith.addf %dot_general3A_257, %dot_general3A_266 : vector<1024x128xf32>
    %get3A_268 = arith.constant 2 : index
    %get3A_269 = arith.constant 0 : index
    %get3A_270 = vector.load %arg6[%get3A_268, %get3A_269] : memref<4x128xf32, #tpu.memory_space<vmem>>, vector<1x128xf32>
    %get3A_271 = arith.constant 2 : index
    %get3A_272 = arith.constant 0 : index
    %get3A_273 = vector.load %arg7[%get3A_271, %get3A_272] : memref<4x128xf32, #tpu.memory_space<vmem>>, vector<1x128xf32>
    %reduce_sum3A_274 = arith.constant dense<0.000000e+00> : vector<1024xf32>
    %reduce_sum3A_275 = vector.multi_reduction <add>, %add3A_267, %reduce_sum3A_274 [1] : vector<1024x128xf32> to vector<1024xf32>
    %broadcast_in_dim3A_276 = vector.shape_cast %reduce_sum3A_275 : vector<1024xf32> to vector<1024x1xf32>
    %div3A_277 = arith.constant 1.280000e+02 : f32
    %div3A_278 = vector.broadcast %div3A_277 : f32 to vector<1024x1xf32>
    %div3A_279 = arith.divf %broadcast_in_dim3A_276, %div3A_278 : vector<1024x1xf32>
    %jit3A_280 = arith.constant 0 : i32
    %reduce_sum3A_281 = arith.constant dense<0.000000e+00> : vector<1024xf32>
    %reduce_sum3A_282 = vector.multi_reduction <add>, %add3A_267, %reduce_sum3A_281 [1] : vector<1024x128xf32> to vector<1024xf32>
    %broadcast_in_dim3A_283 = vector.shape_cast %reduce_sum3A_282 : vector<1024xf32> to vector<1024x1xf32>
    %div3A_284 = arith.constant 1.280000e+02 : f32
    %div3A_285 = vector.broadcast %div3A_284 : f32 to vector<1024x1xf32>
    %div3A_286 = arith.divf %broadcast_in_dim3A_283, %div3A_285 : vector<1024x1xf32>
    %sub3A_287 = vector.broadcast %div3A_286 : vector<1024x1xf32> to vector<1024x128xf32>
    %sub3A_288 = arith.subf %add3A_267, %sub3A_287 : vector<1024x128xf32>
    %square3A_289 = arith.mulf %sub3A_288, %sub3A_288 : vector<1024x128xf32>
    %convert_element_type3A_290 = arith.sitofp %jit3A_280 : i32 to f32
    %sub3A_291 = arith.constant 1.280000e+02 : f32
    %sub3A_292 = arith.subf %sub3A_291, %convert_element_type3A_290 : f32
    %reduce_sum3A_293 = arith.constant dense<0.000000e+00> : vector<1024xf32>
    %reduce_sum3A_294 = vector.multi_reduction <add>, %square3A_289, %reduce_sum3A_293 [1] : vector<1024x128xf32> to vector<1024xf32>
    %broadcast_in_dim3A_295 = vector.shape_cast %reduce_sum3A_294 : vector<1024xf32> to vector<1024x1xf32>
    %div3A_296 = vector.broadcast %sub3A_292 : f32 to vector<1024x1xf32>
    %div3A_297 = arith.divf %broadcast_in_dim3A_295, %div3A_296 : vector<1024x1xf32>
    %gt3A_298 = arith.constant 0.000000e+00 : f32
    %gt3A_299 = arith.cmpf ogt, %sub3A_292, %gt3A_298 : f32
    %jit3A_300 = arith.constant 0x7FC00000 : f32
    %broadcast_in_dim3A_301 = vector.broadcast %jit3A_300 : f32 to vector<1024x1xf32>
    %select_n3A_302 = arith.select %gt3A_299, %div3A_297, %broadcast_in_dim3A_301 : vector<1024x1xf32>
    %sub3A_303 = vector.broadcast %div3A_279 : vector<1024x1xf32> to vector<1024x128xf32>
    %sub3A_304 = arith.subf %add3A_267, %sub3A_303 : vector<1024x128xf32>
    %add3A_305 = arith.constant 9.99999974E-6 : f32
    %add3A_306 = vector.broadcast %add3A_305 : f32 to vector<1024x1xf32>
    %add3A_307 = arith.addf %select_n3A_302, %add3A_306 : vector<1024x1xf32>
    %sqrt3A_308 = math.sqrt %add3A_307 : vector<1024x1xf32>
    %div3A_309 = vector.broadcast %sqrt3A_308 : vector<1024x1xf32> to vector<1024x128xf32>
    %div3A_310 = arith.divf %sub3A_304, %div3A_309 : vector<1024x128xf32>
    %mul3A_311 = vector.broadcast %get3A_270 : vector<1x128xf32> to vector<1024x128xf32>
    %mul3A_312 = arith.mulf %div3A_310, %mul3A_311 : vector<1024x128xf32>
    %add3A_313 = vector.broadcast %get3A_273 : vector<1x128xf32> to vector<1024x128xf32>
    %add3A_314 = arith.addf %mul3A_312, %add3A_313 : vector<1024x128xf32>
    %max3A_315 = arith.constant 0.000000e+00 : f32
    %max3A_316 = vector.broadcast %max3A_315 : f32 to vector<1024x128xf32>
    %max3A_317 = arith.maximumf %add3A_314, %max3A_316 : vector<1024x128xf32>
    %get3A_318 = arith.constant 2 : index
    %get3A_319 = arith.constant 0 : index
    %get3A_320 = arith.constant 0 : index
    %get3A_321 = vector.load %arg8[%get3A_318, %get3A_319, %get3A_320] : memref<4x128x128xf32, #tpu.memory_space<vmem>>, vector<1x128x128xf32>
    %get3A_322 = vector.shape_cast %get3A_321 : vector<1x128x128xf32> to vector<128x128xf32>
    %dot_general3A_323 = arith.constant dense<0.000000e+00> : vector<1024x128xf32>
    %dot_general3A_324 = tpu.matmul %max3A_317, %get3A_322, %dot_general3A_323 {dimension_numbers = #tpu.dot_dimension_numbers<[1], [0], [0], [1], [0, 0, 1, 1], [], []>, transpose_lhs_hint = false} : vector<1024x128xf32>, vector<128x128xf32>, vector<1024x128xf32> -> vector<1024x128xf32>
    %get3A_325 = arith.constant 2 : index
    %get3A_326 = arith.constant 0 : index
    %get3A_327 = vector.load %arg9[%get3A_325, %get3A_326] : memref<4x128xf32, #tpu.memory_space<vmem>>, vector<1x128xf32>
    %get3A_328 = arith.constant 2 : index
    %get3A_329 = arith.constant 0 : index
    %get3A_330 = vector.load %arg10[%get3A_328, %get3A_329] : memref<4x128xf32, #tpu.memory_space<vmem>>, vector<1x128xf32>
    %reduce_sum3A_331 = arith.constant dense<0.000000e+00> : vector<1024xf32>
    %reduce_sum3A_332 = vector.multi_reduction <add>, %dot_general3A_324, %reduce_sum3A_331 [1] : vector<1024x128xf32> to vector<1024xf32>
    %broadcast_in_dim3A_333 = vector.shape_cast %reduce_sum3A_332 : vector<1024xf32> to vector<1024x1xf32>
    %div3A_334 = arith.constant 1.280000e+02 : f32
    %div3A_335 = vector.broadcast %div3A_334 : f32 to vector<1024x1xf32>
    %div3A_336 = arith.divf %broadcast_in_dim3A_333, %div3A_335 : vector<1024x1xf32>
    %jit3A_337 = arith.constant 0 : i32
    %reduce_sum3A_338 = arith.constant dense<0.000000e+00> : vector<1024xf32>
    %reduce_sum3A_339 = vector.multi_reduction <add>, %dot_general3A_324, %reduce_sum3A_338 [1] : vector<1024x128xf32> to vector<1024xf32>
    %broadcast_in_dim3A_340 = vector.shape_cast %reduce_sum3A_339 : vector<1024xf32> to vector<1024x1xf32>
    %div3A_341 = arith.constant 1.280000e+02 : f32
    %div3A_342 = vector.broadcast %div3A_341 : f32 to vector<1024x1xf32>
    %div3A_343 = arith.divf %broadcast_in_dim3A_340, %div3A_342 : vector<1024x1xf32>
    %sub3A_344 = vector.broadcast %div3A_343 : vector<1024x1xf32> to vector<1024x128xf32>
    %sub3A_345 = arith.subf %dot_general3A_324, %sub3A_344 : vector<1024x128xf32>
    %square3A_346 = arith.mulf %sub3A_345, %sub3A_345 : vector<1024x128xf32>
    %convert_element_type3A_347 = arith.sitofp %jit3A_337 : i32 to f32
    %sub3A_348 = arith.constant 1.280000e+02 : f32
    %sub3A_349 = arith.subf %sub3A_348, %convert_element_type3A_347 : f32
    %reduce_sum3A_350 = arith.constant dense<0.000000e+00> : vector<1024xf32>
    %reduce_sum3A_351 = vector.multi_reduction <add>, %square3A_346, %reduce_sum3A_350 [1] : vector<1024x128xf32> to vector<1024xf32>
    %broadcast_in_dim3A_352 = vector.shape_cast %reduce_sum3A_351 : vector<1024xf32> to vector<1024x1xf32>
    %div3A_353 = vector.broadcast %sub3A_349 : f32 to vector<1024x1xf32>
    %div3A_354 = arith.divf %broadcast_in_dim3A_352, %div3A_353 : vector<1024x1xf32>
    %gt3A_355 = arith.constant 0.000000e+00 : f32
    %gt3A_356 = arith.cmpf ogt, %sub3A_349, %gt3A_355 : f32
    %jit3A_357 = arith.constant 0x7FC00000 : f32
    %broadcast_in_dim3A_358 = vector.broadcast %jit3A_357 : f32 to vector<1024x1xf32>
    %select_n3A_359 = arith.select %gt3A_356, %div3A_354, %broadcast_in_dim3A_358 : vector<1024x1xf32>
    %sub3A_360 = vector.broadcast %div3A_336 : vector<1024x1xf32> to vector<1024x128xf32>
    %sub3A_361 = arith.subf %dot_general3A_324, %sub3A_360 : vector<1024x128xf32>
    %add3A_362 = arith.constant 9.99999974E-6 : f32
    %add3A_363 = vector.broadcast %add3A_362 : f32 to vector<1024x1xf32>
    %add3A_364 = arith.addf %select_n3A_359, %add3A_363 : vector<1024x1xf32>
    %sqrt3A_365 = math.sqrt %add3A_364 : vector<1024x1xf32>
    %div3A_366 = vector.broadcast %sqrt3A_365 : vector<1024x1xf32> to vector<1024x128xf32>
    %div3A_367 = arith.divf %sub3A_361, %div3A_366 : vector<1024x128xf32>
    %mul3A_368 = vector.broadcast %get3A_327 : vector<1x128xf32> to vector<1024x128xf32>
    %mul3A_369 = arith.mulf %div3A_367, %mul3A_368 : vector<1024x128xf32>
    %add3A_370 = vector.broadcast %get3A_330 : vector<1x128xf32> to vector<1024x128xf32>
    %add3A_371 = arith.addf %mul3A_369, %add3A_370 : vector<1024x128xf32>
    %add3A_372 = arith.addf %add3A_371, %max3A_250 : vector<1024x128xf32>
    %max3A_373 = arith.constant 0.000000e+00 : f32
    %max3A_374 = vector.broadcast %max3A_373 : f32 to vector<1024x128xf32>
    %max3A_375 = arith.maximumf %add3A_372, %max3A_374 : vector<1024x128xf32>
    %get3A_376 = arith.constant 3 : index
    %get3A_377 = arith.constant 0 : index
    %get3A_378 = arith.constant 0 : index
    %get3A_379 = vector.load %arg4[%get3A_376, %get3A_377, %get3A_378] : memref<4x128x128xf32, #tpu.memory_space<vmem>>, vector<1x128x128xf32>
    %get3A_380 = vector.shape_cast %get3A_379 : vector<1x128x128xf32> to vector<128x128xf32>
    %dot_general3A_381 = arith.constant dense<0.000000e+00> : vector<1024x128xf32>
    %dot_general3A_382 = tpu.matmul %max3A_375, %get3A_380, %dot_general3A_381 {dimension_numbers = #tpu.dot_dimension_numbers<[1], [0], [0], [1], [0, 0, 1, 1], [], []>, transpose_lhs_hint = false} : vector<1024x128xf32>, vector<128x128xf32>, vector<1024x128xf32> -> vector<1024x128xf32>
    %get3A_383 = arith.constant 3 : index
    %get3A_384 = arith.constant 0 : index
    %get3A_385 = arith.constant 0 : index
    %get3A_386 = vector.load %arg5[%get3A_383, %get3A_384, %get3A_385] : memref<4x128x128xf32, #tpu.memory_space<vmem>>, vector<1x128x128xf32>
    %get3A_387 = vector.shape_cast %get3A_386 : vector<1x128x128xf32> to vector<128x128xf32>
    %dot_general3A_388 = arith.constant dense<0.000000e+00> : vector<1024x128xf32>
    %dot_general3A_389 = tpu.matmul %max3A_375, %get3A_387, %dot_general3A_388 {dimension_numbers = #tpu.dot_dimension_numbers<[1], [0], [0], [1], [0, 0, 1, 1], [], []>, transpose_lhs_hint = false} : vector<1024x128xf32>, vector<128x128xf32>, vector<1024x128xf32> -> vector<1024x128xf32>
    %dot_general3A_390 = arith.constant dense<0.000000e+00> : vector<1024x128xf32>
    %dot_general3A_391 = tpu.matmul %convert_element_type3A_13, %dot_general3A_389, %dot_general3A_390 {dimension_numbers = #tpu.dot_dimension_numbers<[1], [0], [0], [1], [0, 0, 1, 1], [], []>, transpose_lhs_hint = false} : vector<1024x1024xf32>, vector<1024x128xf32>, vector<1024x128xf32> -> vector<1024x128xf32>
    %add3A_392 = arith.addf %dot_general3A_382, %dot_general3A_391 : vector<1024x128xf32>
    %get3A_393 = arith.constant 3 : index
    %get3A_394 = arith.constant 0 : index
    %get3A_395 = vector.load %arg6[%get3A_393, %get3A_394] : memref<4x128xf32, #tpu.memory_space<vmem>>, vector<1x128xf32>
    %get3A_396 = arith.constant 3 : index
    %get3A_397 = arith.constant 0 : index
    %get3A_398 = vector.load %arg7[%get3A_396, %get3A_397] : memref<4x128xf32, #tpu.memory_space<vmem>>, vector<1x128xf32>
    %reduce_sum3A_399 = arith.constant dense<0.000000e+00> : vector<1024xf32>
    %reduce_sum3A_400 = vector.multi_reduction <add>, %add3A_392, %reduce_sum3A_399 [1] : vector<1024x128xf32> to vector<1024xf32>
    %broadcast_in_dim3A_401 = vector.shape_cast %reduce_sum3A_400 : vector<1024xf32> to vector<1024x1xf32>
    %div3A_402 = arith.constant 1.280000e+02 : f32
    %div3A_403 = vector.broadcast %div3A_402 : f32 to vector<1024x1xf32>
    %div3A_404 = arith.divf %broadcast_in_dim3A_401, %div3A_403 : vector<1024x1xf32>
    %jit3A_405 = arith.constant 0 : i32
    %reduce_sum3A_406 = arith.constant dense<0.000000e+00> : vector<1024xf32>
    %reduce_sum3A_407 = vector.multi_reduction <add>, %add3A_392, %reduce_sum3A_406 [1] : vector<1024x128xf32> to vector<1024xf32>
    %broadcast_in_dim3A_408 = vector.shape_cast %reduce_sum3A_407 : vector<1024xf32> to vector<1024x1xf32>
    %div3A_409 = arith.constant 1.280000e+02 : f32
    %div3A_410 = vector.broadcast %div3A_409 : f32 to vector<1024x1xf32>
    %div3A_411 = arith.divf %broadcast_in_dim3A_408, %div3A_410 : vector<1024x1xf32>
    %sub3A_412 = vector.broadcast %div3A_411 : vector<1024x1xf32> to vector<1024x128xf32>
    %sub3A_413 = arith.subf %add3A_392, %sub3A_412 : vector<1024x128xf32>
    %square3A_414 = arith.mulf %sub3A_413, %sub3A_413 : vector<1024x128xf32>
    %convert_element_type3A_415 = arith.sitofp %jit3A_405 : i32 to f32
    %sub3A_416 = arith.constant 1.280000e+02 : f32
    %sub3A_417 = arith.subf %sub3A_416, %convert_element_type3A_415 : f32
    %reduce_sum3A_418 = arith.constant dense<0.000000e+00> : vector<1024xf32>
    %reduce_sum3A_419 = vector.multi_reduction <add>, %square3A_414, %reduce_sum3A_418 [1] : vector<1024x128xf32> to vector<1024xf32>
    %broadcast_in_dim3A_420 = vector.shape_cast %reduce_sum3A_419 : vector<1024xf32> to vector<1024x1xf32>
    %div3A_421 = vector.broadcast %sub3A_417 : f32 to vector<1024x1xf32>
    %div3A_422 = arith.divf %broadcast_in_dim3A_420, %div3A_421 : vector<1024x1xf32>
    %gt3A_423 = arith.constant 0.000000e+00 : f32
    %gt3A_424 = arith.cmpf ogt, %sub3A_417, %gt3A_423 : f32
    %jit3A_425 = arith.constant 0x7FC00000 : f32
    %broadcast_in_dim3A_426 = vector.broadcast %jit3A_425 : f32 to vector<1024x1xf32>
    %select_n3A_427 = arith.select %gt3A_424, %div3A_422, %broadcast_in_dim3A_426 : vector<1024x1xf32>
    %sub3A_428 = vector.broadcast %div3A_404 : vector<1024x1xf32> to vector<1024x128xf32>
    %sub3A_429 = arith.subf %add3A_392, %sub3A_428 : vector<1024x128xf32>
    %add3A_430 = arith.constant 9.99999974E-6 : f32
    %add3A_431 = vector.broadcast %add3A_430 : f32 to vector<1024x1xf32>
    %add3A_432 = arith.addf %select_n3A_427, %add3A_431 : vector<1024x1xf32>
    %sqrt3A_433 = math.sqrt %add3A_432 : vector<1024x1xf32>
    %div3A_434 = vector.broadcast %sqrt3A_433 : vector<1024x1xf32> to vector<1024x128xf32>
    %div3A_435 = arith.divf %sub3A_429, %div3A_434 : vector<1024x128xf32>
    %mul3A_436 = vector.broadcast %get3A_395 : vector<1x128xf32> to vector<1024x128xf32>
    %mul3A_437 = arith.mulf %div3A_435, %mul3A_436 : vector<1024x128xf32>
    %add3A_438 = vector.broadcast %get3A_398 : vector<1x128xf32> to vector<1024x128xf32>
    %add3A_439 = arith.addf %mul3A_437, %add3A_438 : vector<1024x128xf32>
    %max3A_440 = arith.constant 0.000000e+00 : f32
    %max3A_441 = vector.broadcast %max3A_440 : f32 to vector<1024x128xf32>
    %max3A_442 = arith.maximumf %add3A_439, %max3A_441 : vector<1024x128xf32>
    %get3A_443 = arith.constant 3 : index
    %get3A_444 = arith.constant 0 : index
    %get3A_445 = arith.constant 0 : index
    %get3A_446 = vector.load %arg8[%get3A_443, %get3A_444, %get3A_445] : memref<4x128x128xf32, #tpu.memory_space<vmem>>, vector<1x128x128xf32>
    %get3A_447 = vector.shape_cast %get3A_446 : vector<1x128x128xf32> to vector<128x128xf32>
    %dot_general3A_448 = arith.constant dense<0.000000e+00> : vector<1024x128xf32>
    %dot_general3A_449 = tpu.matmul %max3A_442, %get3A_447, %dot_general3A_448 {dimension_numbers = #tpu.dot_dimension_numbers<[1], [0], [0], [1], [0, 0, 1, 1], [], []>, transpose_lhs_hint = false} : vector<1024x128xf32>, vector<128x128xf32>, vector<1024x128xf32> -> vector<1024x128xf32>
    %get3A_450 = arith.constant 3 : index
    %get3A_451 = arith.constant 0 : index
    %get3A_452 = vector.load %arg9[%get3A_450, %get3A_451] : memref<4x128xf32, #tpu.memory_space<vmem>>, vector<1x128xf32>
    %get3A_453 = arith.constant 3 : index
    %get3A_454 = arith.constant 0 : index
    %get3A_455 = vector.load %arg10[%get3A_453, %get3A_454] : memref<4x128xf32, #tpu.memory_space<vmem>>, vector<1x128xf32>
    %reduce_sum3A_456 = arith.constant dense<0.000000e+00> : vector<1024xf32>
    %reduce_sum3A_457 = vector.multi_reduction <add>, %dot_general3A_449, %reduce_sum3A_456 [1] : vector<1024x128xf32> to vector<1024xf32>
    %broadcast_in_dim3A_458 = vector.shape_cast %reduce_sum3A_457 : vector<1024xf32> to vector<1024x1xf32>
    %div3A_459 = arith.constant 1.280000e+02 : f32
    %div3A_460 = vector.broadcast %div3A_459 : f32 to vector<1024x1xf32>
    %div3A_461 = arith.divf %broadcast_in_dim3A_458, %div3A_460 : vector<1024x1xf32>
    %jit3A_462 = arith.constant 0 : i32
    %reduce_sum3A_463 = arith.constant dense<0.000000e+00> : vector<1024xf32>
    %reduce_sum3A_464 = vector.multi_reduction <add>, %dot_general3A_449, %reduce_sum3A_463 [1] : vector<1024x128xf32> to vector<1024xf32>
    %broadcast_in_dim3A_465 = vector.shape_cast %reduce_sum3A_464 : vector<1024xf32> to vector<1024x1xf32>
    %div3A_466 = arith.constant 1.280000e+02 : f32
    %div3A_467 = vector.broadcast %div3A_466 : f32 to vector<1024x1xf32>
    %div3A_468 = arith.divf %broadcast_in_dim3A_465, %div3A_467 : vector<1024x1xf32>
    %sub3A_469 = vector.broadcast %div3A_468 : vector<1024x1xf32> to vector<1024x128xf32>
    %sub3A_470 = arith.subf %dot_general3A_449, %sub3A_469 : vector<1024x128xf32>
    %square3A_471 = arith.mulf %sub3A_470, %sub3A_470 : vector<1024x128xf32>
    %convert_element_type3A_472 = arith.sitofp %jit3A_462 : i32 to f32
    %sub3A_473 = arith.constant 1.280000e+02 : f32
    %sub3A_474 = arith.subf %sub3A_473, %convert_element_type3A_472 : f32
    %reduce_sum3A_475 = arith.constant dense<0.000000e+00> : vector<1024xf32>
    %reduce_sum3A_476 = vector.multi_reduction <add>, %square3A_471, %reduce_sum3A_475 [1] : vector<1024x128xf32> to vector<1024xf32>
    %broadcast_in_dim3A_477 = vector.shape_cast %reduce_sum3A_476 : vector<1024xf32> to vector<1024x1xf32>
    %div3A_478 = vector.broadcast %sub3A_474 : f32 to vector<1024x1xf32>
    %div3A_479 = arith.divf %broadcast_in_dim3A_477, %div3A_478 : vector<1024x1xf32>
    %gt3A_480 = arith.constant 0.000000e+00 : f32
    %gt3A_481 = arith.cmpf ogt, %sub3A_474, %gt3A_480 : f32
    %jit3A_482 = arith.constant 0x7FC00000 : f32
    %broadcast_in_dim3A_483 = vector.broadcast %jit3A_482 : f32 to vector<1024x1xf32>
    %select_n3A_484 = arith.select %gt3A_481, %div3A_479, %broadcast_in_dim3A_483 : vector<1024x1xf32>
    %sub3A_485 = vector.broadcast %div3A_461 : vector<1024x1xf32> to vector<1024x128xf32>
    %sub3A_486 = arith.subf %dot_general3A_449, %sub3A_485 : vector<1024x128xf32>
    %add3A_487 = arith.constant 9.99999974E-6 : f32
    %add3A_488 = vector.broadcast %add3A_487 : f32 to vector<1024x1xf32>
    %add3A_489 = arith.addf %select_n3A_484, %add3A_488 : vector<1024x1xf32>
    %sqrt3A_490 = math.sqrt %add3A_489 : vector<1024x1xf32>
    %div3A_491 = vector.broadcast %sqrt3A_490 : vector<1024x1xf32> to vector<1024x128xf32>
    %div3A_492 = arith.divf %sub3A_486, %div3A_491 : vector<1024x128xf32>
    %mul3A_493 = vector.broadcast %get3A_452 : vector<1x128xf32> to vector<1024x128xf32>
    %mul3A_494 = arith.mulf %div3A_492, %mul3A_493 : vector<1024x128xf32>
    %add3A_495 = vector.broadcast %get3A_455 : vector<1x128xf32> to vector<1024x128xf32>
    %add3A_496 = arith.addf %mul3A_494, %add3A_495 : vector<1024x128xf32>
    %add3A_497 = arith.addf %add3A_496, %max3A_375 : vector<1024x128xf32>
    %max3A_498 = arith.constant 0.000000e+00 : f32
    %max3A_499 = vector.broadcast %max3A_498 : f32 to vector<1024x128xf32>
    %max3A_500 = arith.maximumf %add3A_497, %max3A_499 : vector<1024x128xf32>
    %swap3A = arith.constant 0 : index
    %swap3A_501 = arith.constant 0 : index
    %swap3A_502 = arith.constant 0 : index
    %swap3A_503 = vector.load %arg11[%swap3A, %swap3A_501, %swap3A_502] : memref<1x1024x128xf32, #tpu.memory_space<vmem>>, vector<1x1024x128xf32>
    %swap3A_504 = vector.shape_cast %swap3A_503 : vector<1x1024x128xf32> to vector<1024x128xf32>
    %swap3A_505 = vector.shape_cast %max3A_500 : vector<1024x128xf32> to vector<1x1024x128xf32>
    tpu.vector_store %arg11[%swap3A, %swap3A_501, %swap3A_502], %swap3A_505 {strides = array<i32>} : memref<1x1024x128xf32, #tpu.memory_space<vmem>>, vector<1x1024x128xf32>,
    return
  }
  func.func @transform_0(%arg0: i32) -> (i32, i32, i32) {
    %add3A = arith.constant 8 : i32
    %add3A_0 = arith.addi %add3A, %arg0 : i32
    %c0_i32 = arith.constant 0 : i32
    %c0_i32_1 = arith.constant 0 : i32
    %c0_i32_2 = arith.constant 0 : i32
    return %add3A_0, %c0_i32, %c0_i32_1 : i32, i32, i32
  }
  func.func @transform_1(%arg0: i32) -> (i32, i32) {
    %add3A = arith.constant 8 : i32
    %add3A_0 = arith.addi %add3A, %arg0 : i32
    %c0_i32 = arith.constant 0 : i32
    %c0_i32_1 = arith.constant 0 : i32
    return %add3A_0, %c0_i32 : i32, i32
  }
  func.func @transform_2(%arg0: i32) -> (i32, i32, i32) {
    %c0_i32 = arith.constant 0 : i32
    %c0_i32_0 = arith.constant 0 : i32
    %c0_i32_1 = arith.constant 0 : i32
    return %arg0, %c0_i32, %c0_i32_0 : i32, i32, i32
  }
  func.func @transform_3(%arg0: i32) -> (i32, i32, i32) {
    %c0_i32 = arith.constant 0 : i32
    %c0_i32_0 = arith.constant 0 : i32
    %c0_i32_1 = arith.constant 0 : i32
    %c0_i32_2 = arith.constant 0 : i32
    return %c0_i32, %c0_i32_0, %c0_i32_1 : i32, i32, i32
  }
  func.func @transform_4(%arg0: i32) -> (i32, i32, i32) {
    %c0_i32 = arith.constant 0 : i32
    %c0_i32_0 = arith.constant 0 : i32
    %c0_i32_1 = arith.constant 0 : i32
    %c0_i32_2 = arith.constant 0 : i32
    return %c0_i32, %c0_i32_0, %c0_i32_1 : i32, i32, i32
  }
  func.func @transform_5(%arg0: i32) -> (i32, i32) {
    %c0_i32 = arith.constant 0 : i32
    %c0_i32_0 = arith.constant 0 : i32
    %c0_i32_1 = arith.constant 0 : i32
    return %c0_i32, %c0_i32_0 : i32, i32
  }
  func.func @transform_6(%arg0: i32) -> (i32, i32) {
    %c0_i32 = arith.constant 0 : i32
    %c0_i32_0 = arith.constant 0 : i32
    %c0_i32_1 = arith.constant 0 : i32
    return %c0_i32, %c0_i32_0 : i32, i32
  }
  func.func @transform_7(%arg0: i32) -> (i32, i32, i32) {
    %c0_i32 = arith.constant 0 : i32
    %c0_i32_0 = arith.constant 0 : i32
    %c0_i32_1 = arith.constant 0 : i32
    %c0_i32_2 = arith.constant 0 : i32
    return %c0_i32, %c0_i32_0, %c0_i32_1 : i32, i32, i32
  }
  func.func @transform_8(%arg0: i32) -> (i32, i32) {
    %c0_i32 = arith.constant 0 : i32
    %c0_i32_0 = arith.constant 0 : i32
    %c0_i32_1 = arith.constant 0 : i32
    return %c0_i32, %c0_i32_0 : i32, i32
  }
  func.func @transform_9(%arg0: i32) -> (i32, i32) {
    %c0_i32 = arith.constant 0 : i32
    %c0_i32_0 = arith.constant 0 : i32
    %c0_i32_1 = arith.constant 0 : i32
    return %c0_i32, %c0_i32_0 : i32, i32
  }
  func.func @transform_10(%arg0: i32) -> (i32, i32, i32) {
    %c0_i32 = arith.constant 0 : i32
    %c0_i32_0 = arith.constant 0 : i32
    %c0_i32_1 = arith.constant 0 : i32
    return %arg0, %c0_i32, %c0_i32_0 : i32, i32, i32
  }
}

</mosaic_0001>

<sc_bundles>
// kernel: kernel.10.cloned.1.call-start
scs
__scs_entry_jumppad:
0x0: {  	(pc) =	sbr.rel $0x88, $3  }
0x1: {  	(tag) =	ssettag $0x0;
	lr =	simm.s32 $0x1  }
0x2: {  	[smem:$0x3F93] =	sst lr;
	_ =	strace $0xD0000000  }
0x3: {  	_ = 	snop  }
0x4: {  	_ = 	snop  }
0x5: {  	_ = 	snop  }
0x6: {  	_ = 	snop  }
0x7: {  	_ = 	snop  }
__scs_overlays_trampoline_lowered:
0x8: {  	[smem:$0x3FA2] =	sst s0  }
0x9: {  	[smem:$0x3FA3] =	sst s1  }
0xa: {  	[smem:$0x3FA4] =	sst s2  }
0xb: {  	[smem:$0x3FA5] =	sst s3  }
0xc: {  	[smem:$0x3FA6] =	sst s4  }
0xd: {  	[smem:$0x3FA7] =	sst s5  }
0xe: {  	[smem:$0x3FA8] =	sst s6  }
0xf: {  	[smem:$0x3FA9] =	sst s7  }
0x10: {  	[smem:$0x3FAA] =	sst s8  }
0x11: {  	[smem:$0x3FAB] =	sst s9;
	s0 =	simm.s32 @!p0 $0x0  }
0x12: {  	s1 =	sld [smem:$0x3F91];
	s0 =	simm.s32 @p0 $0x1  }
0x13: {  	[smem:$0x3FAC] =	sst s0;
	s0 =	simm.s32 @!p1 $0x0  }
0x14: {  	s2 =	sld [smem:$0x3F90];
	s0 =	simm.s32 @p1 $0x1  }
0x15: {  	[smem:$0x3FAD] =	sst s0;
	s0 =	simm.s32 @!p2 $0x0  }
0x16: {  	s3 =	sld [smem:$0x3FDB];
	s0 =	simm.s32 @p2 $0x1  }
0x17: {  	s4 =	simm.s32 $0x1BF5;
	[smem:$0x3FAF] =	sst s0  }
0x18: {  	s0 =	sld [smem:$0x3F92];
	_ =	swait.ge [sflag:s4], $0x0  }
0x19: {  	s7 =	sld [smem:$0x3F93]  }
0x1a: {  	s8 =	sadd.s32 $0xFFFFE003, lr  }
0x1b: {  	s9 =	sadd.s32 $0xFFFFFEF7, lr;
	s5 =	simm.s32 $0xFFFFFFFF;
	p2 =	slt.u32 s8, $0xFFFFF086  }
0x1c: {  	p1 =	slt.u32 s9, $0xF7A;
	s5 =	simm.s32 @!p2 $0x0  }
0x1d: {  	s5 =	simm.s32 @p1 $0x1;
	p0 =	seq.s32 s7, s2  }
0x1e: {  	s7 =	smul.u32 @!p0 $0xF7A, s2;
	p2 =	seq.s32 @!p0 s5, $0x0  }
0x1f: {  	s9 =	smul.u32 $0xF7A, s1;
	s8 =	simm.s32 @!p0 $0x1BF5;
	p2 =	por !p2, p0  }
0x20: {  	[sflag:s8] =	ssyncset.s32 @!p0 $0xFFFFF086;
	s6 =	sadd.s32 @!p0 s3, s7;
	s7 =	simm.s32 @!p0 $0x108  }
0x21: {  	s3 =	sadd.s32 s3, s9;
	s6 =	sadd.s32 @!p0 $0x88, s6;
	s7 =	simm.s32 @p2 $0x1082  }
0x22: {  	[simem:s7], [sflag:s8] =	dma.local @!p0 [hbm:s6], $0xF7A  }
0x23: {  	s9 =	sor.u32 $0xD0000000, s2;
	s6 =	simm.s32 $0x108;
	_ =	swait.ge @!p0 [sflag:s8], $0x0  }
0x24: {  	s3 =	sadd.s32 $0x88, s3;
	s6 =	simm.s32 @!p1 $0x1082;
	[sflag:s4] =	ssyncset.s32 $0xFFFFF086  }
0x25: {  	[simem:s6], [sflag:s4] =	dma.local [hbm:s3], $0xF7A  }
0x26: {  	[smem:$0x3F93] =	sst s1;
	(tag) =	ssettag s2;
	_ =	strace s9  }
0x27: {  	s1 =	sld [smem:$0x3FA3]  }
0x28: {  	s2 =	sld [smem:$0x3FA4]  }
0x29: {  	s4 =	sld [smem:$0x3FA6]  }
0x2a: {  	p0 =	seq.s32 s5, $0x0;
	s5 =	sld [smem:$0x3FA7]  }
0x2b: {  	s6 =	sld [smem:$0x3FA8]  }
0x2c: {  	s7 =	sld [smem:$0x3FA9]  }
0x2d: {  	s3 =	simm.s32 $0x108;
	s8 =	sld [smem:$0x3FAA]  }
0x2e: {  	s3 =	simm.s32 @!p0 $0x1082;
	s9 =	sld [smem:$0x3FAB]  }
0x2f: {  	lr =	sadd.s32 s0, s3;
	s0 =	sld [smem:$0x3FA2]  }
0x30: {  	s3 =	sld [smem:$0x3FA5]  }
0x31: {  	[smem:$0x3FAE] =	sst s10  }
0x32: {  	s10 =	sld [smem:$0x3FAC];
	_ =	sdelay $0x3  }
0x33: {  	p0 =	seq.s32 s10, $0x1;
	s10 =	sld [smem:$0x3FAE];
	_ =	sdelay $0x3  }
0x34: {  	[smem:$0x3FAE] =	sst s10  }
0x35: {  	s10 =	sld [smem:$0x3FAD];
	_ =	sdelay $0x3  }
0x36: {  	p1 =	seq.s32 s10, $0x1;
	s10 =	sld [smem:$0x3FAE];
	_ =	sdelay $0x3  }
0x37: {  	[smem:$0x3FAE] =	sst s10  }
0x38: {  	s10 =	sld [smem:$0x3FAF]  }
0x39: {  	_ = 	snop;
	(pc) =	sbr.ind lr, $3  }
0x3a: {  	_ = 	snop  }
0x3b: {  	_ = 	snop  }
0x3c: {  	p2 =	seq.s32 s10, $0x1;
	s10 =	sld [smem:$0x3FAE]  }
0x3d: {  	_ =	shalt  }
0x3e: {  	_ =	shalt  }
0x3f: {  	_ =	shalt  }
0x40: {  	_ =	shalt  }
0x41: {  	_ =	shalt  }
0x42: {  	_ =	shalt  }
0x43: {  	_ =	shalt  }
0x44: {  	_ =	shalt  }
0x45: {  	_ =	shalt  }
0x46: {  	_ =	shalt  }
0x47: {  	_ =	shalt  }
0x48: {  	_ =	shalt  }
0x49: {  	_ =	shalt  }
0x4a: {  	_ =	shalt  }
0x4b: {  	_ =	shalt  }
0x4c: {  	_ =	shalt  }
0x4d: {  	_ =	shalt  }
0x4e: {  	_ =	shalt  }
0x4f: {  	_ =	shalt  }
0x50: {  	_ =	shalt  }
0x51: {  	_ =	shalt  }
0x52: {  	_ =	shalt  }
0x53: {  	_ =	shalt  }
0x54: {  	_ =	shalt  }
0x55: {  	_ =	shalt  }
0x56: {  	_ =	shalt  }
0x57: {  	_ =	shalt  }
0x58: {  	_ =	shalt  }
0x59: {  	_ =	shalt  }
0x5a: {  	_ =	shalt  }
0x5b: {  	_ =	shalt  }
0x5c: {  	_ =	shalt  }
0x5d: {  	_ =	shalt  }
0x5e: {  	_ =	shalt  }
0x5f: {  	_ =	shalt  }
0x60: {  	_ =	shalt  }
0x61: {  	_ =	shalt  }
0x62: {  	_ =	shalt  }
0x63: {  	_ =	shalt  }
0x64: {  	_ =	shalt  }
0x65: {  	_ =	shalt  }
0x66: {  	_ =	shalt  }
0x67: {  	_ =	shalt  }
0x68: {  	_ =	shalt  }
0x69: {  	_ =	shalt  }
0x6a: {  	_ =	shalt  }
0x6b: {  	_ =	shalt  }
0x6c: {  	_ =	shalt  }
0x6d: {  	_ =	shalt  }
0x6e: {  	_ =	shalt  }
0x6f: {  	_ =	shalt  }
0x70: {  	_ =	shalt  }
0x71: {  	_ =	shalt  }
0x72: {  	_ =	shalt  }
0x73: {  	_ =	shalt  }
0x74: {  	_ =	shalt  }
0x75: {  	_ =	shalt  }
0x76: {  	_ =	shalt  }
0x77: {  	_ =	shalt  }
0x78: {  	_ =	shalt  }
0x79: {  	_ =	shalt  }
0x7a: {  	_ =	shalt  }
0x7b: {  	_ =	shalt  }
0x7c: {  	_ =	shalt  }
0x7d: {  	_ =	shalt  }
0x7e: {  	_ =	shalt  }
0x7f: {  	_ =	shalt  }
0x80: {  	_ =	shalt  }
0x81: {  	_ =	shalt  }
0x82: {  	_ =	shalt  }
0x83: {  	_ =	shalt  }
0x84: {  	_ =	shalt  }
0x85: {  	_ =	shalt  }
0x86: {  	_ =	shalt  }
0x87: {  	_ =	shalt  }
.Lfunc_end0:
.L_simem_size_0:
called_computation.1_lowered:
.L_overlay_start_0:
0x88: {  	s2 =	sld [smem:$0x3FD9]  }
0x89: {  	s3 =	sld [smem:$0x3FFE];
	_ =	sdelay $0x1  }
0x8a: {  	s1 =	srdreg.scid  }
0x8b: {  	s0 =	sand.u32 $0x1, s1  }
0x8c: {  	s17 =	sshll.u32 s0, $0xA;
	s2 =	sadd.s32 s3, s2  }
0x8d: {  	s2 =	sadd.s32 s2, s17  }
0x8e: {  	[smem:$0x3FBA] =	sst s2  }
0x8f: {  	_ = 	snop  }
0x90: {  	s18 =	sld [smem:$0x3FD0];
	(tm) =	ssettm $0x1  }
0x91: {  	s19 =	sld [smem:$0x3FFB];
	_ =	sdelay $0x3  }
0x92: {  	_ =	strace s19  }
0x93: {  	s2 =	sld [smem:$0x3FFC];
	_ =	sdelay $0x3  }
0x94: {  	_ =	strace s2  }
0x95: {  	s2 =	sld [smem:$0x3FFD];
	_ =	sdelay $0x3  }
0x96: {  	_ =	strace s2  }
0x97: {  	_ =	strace $0x8FFFFFFF  }
0x98: {  	s20 =	sld [smem:$0x3FDB];
	_ =	sdelay $0x1  }
0x99: {  	s4 =	simm.s32 $_scs_section_size  }
0x9a: {  	s5 =	simm.s32 $_size__tile_overlayer_lowered;
	s6 =	simm.s32 $_tile_overlayer_lowered  }
0x9b: {  	s7 =	simm.s32 $0x1BFF;
	s21 =	sshll.u32 s6, $0x1;
	s4 =	sadd.s32 s4, s20  }
0x9c: {  	s22 =	simm.s32 $0x0;
	s5 =	sshll.u32 s5, $0x1;
	s6 =	sadd.s32 s21, s4  }
0x9d: {  	[timem:s22], [sflag:s7] =	dma.local [hbm:s6], s5  }
0x9e: {  	_ =	swait.ge [sflag:s7], s5  }
0x9f: {  	s5 =	ssub.s32 $0x0, s5;
	[sflag:s7] =	ssyncset.done $0x0  }
0xa0: {  	[sflag:s7] =	ssyncadd.s32 s5;
	_ =	sdelay $0x1  }
0xa1: {  	s23 =	simm.s32 $0x1B8B  }
0xa2: {  	_ =	swait.ge [sflag:s23], $0x1  }
0xa3: {  	[sflag:s23] =	ssyncset.done $0x0  }
0xa4: {  	[sflag:s23] =	ssyncadd.s32 $0xFFFFFFFF  }
0xa5: {  	s5 =	sld [smem:$0x0]  }
0xa6: {  	s6 =	sand.u32 $0xFFFFFFFE, s1  }
0xa7: {  	p0 =	sne.s32 s1, s6  }
0xa8: {  	s6 =	sshll.u32 @p0 s6, $0xE  }
0xa9: {  	s6 =	sadd.s32 @p0 $0x11B8D, s6;
	s7 =	sshll.u32 @p0 s5, $0x11  }
0xaa: {  	s6 =	sor.u32 @p0 s7, s6  }
0xab: {  	[sflag:s6] =	ssyncadd.remote.s32 @p0 $0x1;
	_ =	sdelay $0x1  }
0xac: {  	s6 =	simm.s32 @p0 $0x1B8D  }
0xad: {  	_ =	swait.eq @p0 [sflag:s6], $0x1  }
0xae: {  	[sflag:s6] =	ssyncadd.s32 @p0 $0xFFFFFFFF  }
0xaf: {  	s7 =	sshll.u32 @!p0 s1, $0xE  }
0xb0: {  	s7 =	sor.u32 @!p0 $0x4000, s7;
	s6 =	simm.s32 @!p0 $0x1B8D  }
0xb1: {  	s5 =	sshll.u32 @!p0 s5, $0x11;
	s7 =	sadd.s32 @!p0 $0x11B8D, s7;
	_ =	swait.eq @!p0 [sflag:s6], $0x1  }
0xb2: {  	s5 =	sor.u32 @!p0 s5, s7;
	[sflag:s6] =	ssyncadd.s32 @!p0 $0xFFFFFFFF  }
0xb3: {  	s25 =	simm.s32 $0x1B8E;
	s24 =	sld [smem:$0x3FFE];
	[sflag:s5] =	ssyncadd.remote.s32 @!p0 $0x1  }
0xb4: {  	s26 =	simm.s32 $execute0_lowered;
	[smem:$0x3FD2] =	sst s25  }
0xb5: {  	s6 =	sshll.u32 s26, $0x1;
	_ =	strace $0x80000049;
	[dreg:$0x1] =	wrdreg $0xFFFFFFFF  }
0xb6: {  	s28 =	simm.s32 $_size_execute0_lowered;
	s4 =	sadd.s32 s4, s6;
	[dreg:$0x0] =	wrdreg $0x0  }
0xb7: {  	s6 =	sshll.u32 s28, $0x1;
	[dreg:$0x2] =	wrdreg s4  }
0xb8: {  	[dreg:$0x3] =	wrdreg s6  }
0xb9: {  	[dreg:$0x4] =	wrdreg $0xC0  }
0xba: {  	_ =	task [dreg:s22], $0x5FFFF  }
0xbb: {  	[dreg:$0x1] =	wrdreg $0xFFFFFFFF  }
0xbc: {  	[dreg:$0x0] =	wrdreg $0x60  }
0xbd: {  	[dreg:$0x2] =	wrdreg s24  }
0xbe: {  	[dreg:$0x3] =	wrdreg s18  }
0xbf: {  	[dreg:$0x4] =	wrdreg $0xA  }
0xc0: {  	_ =	task.clear_ibuf [dreg:s22], $0x5FFFF;
	_ =	strace $0x90000049  }
0xc1: {  	s29 =	simm.s32 $0xA;
	_ =	strace $0x8000004B  }
0xc2: {  	_ =	swait.ge [sflag:s29], $0x1  }
0xc3: {  	[sflag:s29] =	ssyncadd.s32 $0xFFFFFFFF  }
0xc4: {  	_ =	strace $0x9000004B  }
0xc5: {  	_ =	sfence  }
0xc6: {  	s30 =	sld [smem:$0x0];
	_ =	sdelay $0x2  }
0xc7: {  	s31 =	sshll.u32 s1, $0xD;
	s1 =	sshrl.u32 s1, $0x2  }
0xc8: {  	s4 =	sand.u32 $0x4000, s31;
	s1 =	sadd.s32 s1, s30  }
0xc9: {  	s0 =	sor.u32 s4, s0;
	s1 =	sshll.u32 s1, $0x11  }
0xca: {  	s0 =	sor.u32 s1, s0  }
0xcb: {  	s0 =	sadd.s32 $0x8F2B, s0  }
0xcc: {  	[sflag:s0] =	ssyncadd.remote.s32 $0x1  }
0xcd: {  	_ =	sfence.sel $0xFFFF  }
0xce: {  	[dreg:$0x0] =	wrdreg $0xFFFFFFFF;
	(pc) =	sbr.abs _section_cstart, $3  }
0xcf: {  	[dreg:$0x1] =	wrdreg $0xFFFFFFFF  }
0xd0: {  	_ =	task.clear_ibuf [dreg:s22], $0x2FFFF;
	_ =	strace $0x9FFFFFFF  }
0xd1: {  	(tm) =	ssettm $0x7FFFFFFF  }
tec
execute0_lowered:
.L_overlay_start_1:
0x0: {  	(tag) =	ssettag $0x1  }
0x1: {  	s1 =	srdreg.scid;
	s3 =	rddreg [dreg:$0x0]  }
0x2: {  	s0 =	stileid.u32;
	s7 =	rddreg [dreg:$0x1]  }
0x3: {  	s11 =	simm.s32 $0x2;
	s12 =	simm.s32 $0x8000;
	s13 =	simm.s32 $0x3  }
0x4: {  	s14 =	simm.s32 $0x0;
	s4 =	sand.u32 $0x1, s1;
	s2 =	sshll.u32 s0, $0x9  }
0x5: {  	s1 =	rddreg [dreg:$0x2];
	s5 =	sshll.u32 s4, $0x8;
	s4 =	ssub.s32 $0x2, s4  }
0x6: {  	v0 =	vlaneseq.u32;
	vm0 =	vmmov $0x1;
	vm2 =	vmmov $0x3;
	s6 =	sor.u32 s5, s2;
	s2 =	simm.s32 $0x0;
	s31 =	sshrl.u32 s4, $0x1  }
.Ltmp0:
0x7: {  	vm1 =	vmmov $0x7;
	vm3 =	vmmov $0xf;
	vm4 =	vmmov $0x1f;
	s5 =	sshll.u32 s6, $0x7;
	[smem:$0x7FF] =	sst s2;
	(pc) =	sbr.rel .LBB2_1-.Ltmp0, $4  }
0x8: {  	vm5 =	vmmov $0x3f;
	vm6 =	vmmov $0x7f;
	vm8 =	vmmov $0xff;
	s9 =	ssub.s32 s4, s31;
	s10 =	sshrl.u32 s6, $0x3;
	s8 =	sadd.s32 s5, s3  }
0x9: {  	vm7 =	vmmov $0x1ff;
	vm9 =	vmmov $0x3ff;
	v0 =	vmul.u32 $0xFFFFFFFF, v0;
	_ =	strace $0x8000004A;
	s7 =	sadd.s32 s7, s10;
	s3 =	sadd.s32 $0x102400, s8  }
0xa: {  	vm10 =	vmmov $0x7ff;
	vm11 =	vmmov $0xfff;
	vm12 =	vmmov $0x1fff;
	s10 =	simm.s32 $0x1;
	s4 =	sadd.s32 $0x102C00, s8;
	s5 =	sadd.s32 $0x103400, s8  }
0xb: {  	vm13 =	vmmov $0x3fff;
	vm14 =	vmmov $0x7fff;
	v0 =	vadd.s32 $0xF, v0;
	s6 =	sadd.s32 $0x103C00, s8;
	s8 =	smax.u32 s9, $0x1;
	s9 =	simm.s32 $0x4000  }
.LBB2_12:
0xc: {  	s14 =	sadd.s32 $0x1, s14  }
0xd: {  	p0 =	sne.s32 s14, s8  }
.Ltmp1:
0xe: {  	_ = 	snop;
	(pc) =	sbr.rel @!p0 .LBB2_13-.Ltmp1, $4  }
0xf: {  	[hbm4b:s7+s2] =	stream.linear.scatter [tilespmem:s12], [sflag:$0x3], $0x100, $0x38;
	[tilespmem:$0x8100] =	vst v63  }
0x10: {  	_ =	swait.ge [sflag:s13], $0x100  }
0x11: {  	[sflag:s13] =	ssyncset.done $0x0  }
0x12: {  	[sflag:s13] =	ssyncadd.s32 $0xFFFFFF00  }
.LBB2_1:
0x13: {  	[tilespmem:s2], [sflag:$0x1] =	stream.linear.gather [hbm4b:s3+s2], $0x4000, $0x38;
	[tilespmem:$0x8100] =	vst v63  }
0x14: {  	s15 =	simm.s32 $0x0  }
0x15: {  	[tilespmem:s9], [sflag:$0x2] =	stream.linear.gather [hbm4b:s4+s2], $0x4000, $0x38;
	[tilespmem:$0x8100] =	vst v63  }
.LBB2_2:
0x16: {  	_ =	swait.ge [sflag:s10], $0x4000;
	s16 =	simm.s32 $0x0  }
0x17: {  	[sflag:s10] =	ssyncset.done $0x0;
	s17 =	sand.u32 $0x70, s16;
	s18 =	sand.u32 $0x1C00, s16  }
0x18: {  	[sflag:s10] =	ssyncadd.s32 $0xFFFFC000;
	s17 =	sor.u32 s17, s18  }
0x19: {  	v1 =	vld [tilespmem:s17+$0x0]  }
0x1a: {  	v2 =	vld [tilespmem:s17+$0x80]  }
0x1b: {  	v3 =	vld [tilespmem:s17+$0x100];
	_ =	sdelay $0x1  }
0x1c: {  	v4 =	vld [tilespmem:s17+$0x180]  }
0x1d: {  	v5 =	vld [tilespmem:s17+$0x200];
	(xrf1) =	vsort.ascd.msk.f32 $0xffff, v1, v1  }
0x1e: {  	s16 =	sor.u32 s16, s16;
	v6 =	vld [tilespmem:s17+$0x280];
	(xrf1) =	vsort.ascd.msk.f32 $0xffff, v2, v2  }
0x1f: {  	s16 =	sor.u32 $0x380, s16;
	v1 =	vld [tilespmem:s17+$0x300];
	(xrf1) =	vsort.ascd.msk.f32 $0xffff, v3, v3  }
0x20: {  	s29 =	simm.s32 $0x10;
	s19 =	simm.s32 $0x80;
	v2 =	vld [tilespmem:s16+$0x0]  }
0x21: {  	s30 =	sand.u32 $0x70, s29;
	s20 =	sand.u32 $0x1C00, s19;
	(xrf1) =	vsort.ascd.msk.f32 $0xffff, v4, v4  }
0x22: {  	s16 =	sor.u32 s30, s20;
	(xrf1) =	vsort.ascd.msk.f32 $0xffff, v5, v5  }
0x23: {  	v3 =	vld [tilespmem:s16+$0x0];
	(xrf1) =	vsort.ascd.msk.f32 $0xffff, v6, v6  }
0x24: {  	(xrf1) =	vsort.ascd.msk.f32 $0xffff, v1, v1;
	v1 =	vld [tilespmem:s16+$0x80]  }
0x25: {  	(xrf1) =	vsort.ascd.msk.f32 $0xffff, v2, v2;
	v2 =	vld [tilespmem:s16+$0x100]  }
0x26: {  	v4 =	vld [tilespmem:s16+$0x180]  }
0x27: {  	v5 =	vld [tilespmem:s16+$0x200]  }
0x28: {  	s18 =	sor.u32 s19, s29;
	v6 =	vld [tilespmem:s16+$0x280];
	(xrf1) =	vsort.ascd.msk.f32 $0xffff, v3, v3  }
0x29: {  	s18 =	sor.u32 $0x380, s18;
	v3 =	vld [tilespmem:s16+$0x300];
	(xrf1) =	vsort.ascd.msk.f32 $0xffff, v1, v1  }
0x2a: {  	v7 =	vld [tilespmem:s18+$0x0];
	(xrf1) =	vsort.ascd.msk.f32 $0xffff, v2, v2  }
0x2b: {  	(xrf1) =	vsort.ascd.msk.f32 $0xffff, v4, v4;
	v1, _, _ =	vpop (xrf1)  }
0x2c: {  	(xrf1) =	vsort.ascd.msk.f32 $0xffff, v5, v5;
	v2, _, _ =	vpop (xrf1);
	v4 =	vperm.xlane v1, v0  }
0x2d: {  	(xrf1) =	vsort.ascd.msk.f32 $0xffff, v6, v6;
	v1 =	vimm.f32 $3.399999950e+38;
	v5, _, _ =	vpop (xrf1);
	v2 =	vperm.xlane v2, v0  }
0x2e: {  	(xrf1) =	vsort.ascd.msk.f32 $0xffff, v3, v3;
	v4 =	vmin.f32 v1, v4;
	v5 =	vperm.xlane v5, v0  }
0x2f: {  	v3, _, _ =	vpop (xrf1);
	(xrf1) =	vsort.ascd.msk.f32 $0xffff, v7, v7;
	v2 =	vmin.f32 v1, v2  }
0x30: {  	s31 =	simm.s32 $0x20;
	s19 =	simm.s32 $0x100;
	v6, _, _ =	vpop (xrf1);
	v3 =	vperm.xlane v3, v0;
	(xrf1) =	vsort.ascd.msk.f32 $0xffff, v4, v4;
	v5 =	vmin.f32 v1, v5  }
0x31: {  	s21 =	sand.u32 $0x1C00, s19;
	s18 =	sand.u32 $0x70, s31;
	v6 =	vperm.xlane v6, v0;
	(xrf1) =	vsort.ascd.msk.f32 $0xffff, v2, v2;
	v4, _, _ =	vpop (xrf1)  }
0x32: {  	s21 =	sor.u32 s18, s21;
	v3 =	vmin.f32 v1, v3;
	(xrf1) =	vsort.ascd.msk.f32 $0xffff, v5, v5;
	v2, _, _ =	vpop (xrf1);
	v4 =	vperm.xlane v4, v0  }
0x33: {  	v7 =	vld [tilespmem:s21+$0x0];
	v6 =	vmin.f32 v1, v6;
	(xrf1) =	vsort.ascd.msk.f32 $0xffff, v3, v3;
	v5, _, _ =	vpop (xrf1);
	v2 =	vperm.xlane v2, v0  }
0x34: {  	v3 =	vld [tilespmem:s21+$0x80];
	(xrf1) =	vsort.ascd.msk.f32 $0xffff, v6, v6;
	v4 =	vmin.f32 v1, v4;
	v5 =	vperm.xlane v5, v0  }
0x35: {  	v8 =	vld [tilespmem:s21+$0x100];
	v2 =	vmin.f32 v1, v2;
	(xrf1) =	vsort.ascd.msk.f32 $0xffff, v4, v4  }
0x36: {  	v9, _, _ =	vpop (xrf1);
	v4 =	vld [tilespmem:s21+$0x180];
	v5 =	vmin.f32 v1, v5;
	(xrf1) =	vsort.ascd.msk.f32 $0xffff, v2, v2  }
0x37: {  	v2 =	vld [tilespmem:s21+$0x200];
	v10, _, _ =	vpop (xrf1);
	(xrf1) =	vsort.ascd.msk.f32 $0xffff, v5, v5  }
0x38: {  	v11 =	vld [tilespmem:s21+$0x280];
	s20 =	sor.u32 s19, s31;
	v6, _, _ =	vpop (xrf1);
	(xrf1) =	vsort.ascd.msk.f32 $0xffff, v7, v7  }
0x39: {  	v12 =	vld [tilespmem:s21+$0x300];
	s20 =	sor.u32 $0x380, s20;
	v7, _, _ =	vpop (xrf1);
	(xrf1) =	vsort.ascd.msk.f32 $0xffff, v3, v3  }
0x3a: {  	v5, _, _ =	vpop (xrf1);
	(xrf1) =	vsort.ascd.msk.f32 $0xffff, v8, v8;
	v8 =	vld [tilespmem:s20+$0x0]  }
0x3b: {  	(xrf1) =	vsort.ascd.msk.f32 $0xffff, v4, v4;
	v4, _, _ =	vpop (xrf1)  }
0x3c: {  	(xrf1) =	vsort.ascd.msk.f32 $0xffff, v2, v2;
	v3, _, _ =	vpop (xrf1)  }
0x3d: {  	v9 =	vperm.xlane v9, v0;
	(xrf1) =	vsort.ascd.msk.f32 $0xffff, v11, v11;
	v2, _, _ =	vpop (xrf1)  }
0x3e: {  	v10 =	vperm.xlane v10, v0;
	s20 =	simm.s32 $0x30;
	(xrf1) =	vsort.ascd.msk.f32 $0xffff, v12, v12;
	v11, _, _ =	vpop (xrf1)  }
.LBB2_3:
0x3f: {  	p0 =	sne.s32 s20, $0x3F0;
	(xrf1) =	vsort.ascd.msk.f32 $0xffff, v8, v8;
	v11 =	vmin.f32 v11, v9;
	v12 =	vperm.xlane v6, v0;
	v9, _, _ =	vpop (xrf1)  }
0x40: {  	s19 =	sadd.s32 $0x80, s19;
	v7 =	vperm.xlane v7, v0;
	v9 =	vmin.f32 v9, v10;
	(xrf1) =	vsort.ascd.msk.f32 $0xffff, v11, v11;
	v8, _, _ =	vpop (xrf1)  }
0x41: {  	s21 =	sand.u32 $0x70, s20;
	s22 =	sand.u32 $0x1C00, s19;
	v11 =	vperm.xlane v5, v0;
	v10 =	vmin.f32 v8, v12;
	(xrf1) =	vsort.ascd.msk.f32 $0xffff, v9, v9;
	v8, _, _ =	vpop (xrf1)  }
0x42: {  	s21 =	sor.u32 s21, s22;
	v12 =	vperm.xlane v4, v0;
	v7 =	vmin.f32 v8, v7;
	(xrf1) =	vsort.ascd.msk.f32 $0xffff, v10, v10;
	v6, _, _ =	vpop (xrf1)  }
0x43: {  	v3 =	vperm.xlane v3, v0;
	v8 =	vld [tilespmem:s21+$0x0];
	v9 =	vmin.f32 v6, v11;
	(xrf1) =	vsort.ascd.msk.f32 $0xffff, v7, v7;
	v6, _, _ =	vpop (xrf1)  }
0x44: {  	v2 =	vperm.xlane v2, v0;
	v7 =	vld [tilespmem:s21+$0x80];
	v6 =	vmin.f32 v6, v12;
	(xrf1) =	vsort.ascd.msk.f32 $0xffff, v9, v9;
	v5, _, _ =	vpop (xrf1)  }
0x45: {  	v9 =	vld [tilespmem:s21+$0x100];
	v3 =	vmin.f32 v5, v3;
	(xrf1) =	vsort.ascd.msk.f32 $0xffff, v6, v6;
	v4, _, _ =	vpop (xrf1)  }
0x46: {  	v10 =	vld [tilespmem:s21+$0x180];
	v11, _, _ =	vpop (xrf1);
	v2 =	vmin.f32 v4, v2;
	(xrf1) =	vsort.ascd.msk.f32 $0xffff, v3, v3  }
0x47: {  	v3 =	vld [tilespmem:s21+$0x200];
	v12, _, _ =	vpop (xrf1);
	(xrf1) =	vsort.ascd.msk.f32 $0xffff, v2, v2  }
0x48: {  	s22 =	sor.u32 s19, s20;
	v2 =	vld [tilespmem:s21+$0x280];
	(xrf1) =	vsort.ascd.msk.f32 $0xffff, v8, v8;
	v6, _, _ =	vpop (xrf1)  }
0x49: {  	v13 =	vld [tilespmem:s21+$0x300];
	s21 =	sor.u32 $0x380, s22;
	(xrf1) =	vsort.ascd.msk.f32 $0xffff, v7, v7;
	v7, _, _ =	vpop (xrf1)  }
.Ltmp2:
0x4a: {  	v8 =	vld [tilespmem:s21+$0x0];
	(xrf1) =	vsort.ascd.msk.f32 $0xffff, v9, v9;
	v5, _, _ =	vpop (xrf1);
	(pc) =	sbr.rel @p0 .LBB2_3-.Ltmp2, $4  }
0x4b: {  	(xrf1) =	vsort.ascd.msk.f32 $0xffff, v10, v10;
	v4, _, _ =	vpop (xrf1)  }
0x4c: {  	(xrf1) =	vsort.ascd.msk.f32 $0xffff, v3, v3;
	v3, _, _ =	vpop (xrf1)  }
0x4d: {  	v9 =	vperm.xlane v11, v0;
	(xrf1) =	vsort.ascd.msk.f32 $0xffff, v2, v2;
	v2, _, _ =	vpop (xrf1)  }
0x4e: {  	s20 =	sadd.s32 $0x10, s20;
	v10 =	vperm.xlane v12, v0;
	(xrf1) =	vsort.ascd.msk.f32 $0xffff, v13, v13;
	v11, _, _ =	vpop (xrf1)  }
0x4f: {  	(xrf1) =	vsort.ascd.msk.f32 $0xffff, v8, v8;
	v8 =	vmin.f32 v11, v9;
	_ =	sdelay $0x1  }
0x50: {  	v6 =	vperm.xlane v6, v0;
	v9, _, _ =	vpop (xrf1)  }
0x51: {  	(xrf1) =	vsort.ascd.msk.f32 $0xffff, v8, v8;
	v8, _, _ =	vpop (xrf1)  }
0x52: {  	v6 =	vmin.f32 v8, v6  }
0x53: {  	v9 =	vmin.f32 v9, v10  }
0x54: {  	v5 =	vperm.xlane v5, v0;
	(xrf1) =	vsort.ascd.msk.f32 $0xffff, v9, v9;
	v8, _, _ =	vpop (xrf1)  }
0x55: {  	v7 =	vperm.xlane v7, v0;
	v4 =	vperm.xlane v4, v0;
	(xrf1) =	vsort.ascd.msk.f32 $0xffff, v6, v6;
	v6, _, _ =	vpop (xrf1)  }
0x56: {  	v5 =	vmin.f32 v6, v5;
	v6, _, _ =	vpop (xrf1)  }
0x57: {  	v7 =	vmin.f32 v8, v7;
	v4 =	vmin.f32 v6, v4  }
0x58: {  	v3 =	vperm.xlane v3, v0;
	(xrf1) =	vsort.ascd.msk.f32 $0xffff, v7, v7  }
0x59: {  	v2 =	vperm.xlane v2, v0;
	(xrf1) =	vsort.ascd.msk.f32 $0xffff, v5, v5;
	v5, _, _ =	vpop (xrf1)  }
0x5a: {  	(xrf1) =	vsort.ascd.msk.f32 $0xffff, v4, v4;
	v3 =	vmin.f32 v5, v3;
	v4, _, _ =	vpop (xrf1)  }
0x5b: {  	v2 =	vmin.f32 v4, v2  }
0x5c: {  	v5, _, _ =	vpop (xrf1)  }
0x5d: {  	(xrf1) =	vsort.ascd.msk.f32 $0xffff, v3, v3;
	v3, _, _ =	vpop (xrf1)  }
0x5e: {  	(xrf1) =	vsort.ascd.msk.f32 $0xffff, v2, v2;
	v2, _, _ =	vpop (xrf1)  }
0x5f: {  	v4, _, _ =	vpop (xrf1)  }
0x60: {  	v6, _, _ =	vpop (xrf1)  }
0x61: {  	v7, _, _ =	vpop (xrf1)  }
0x62: {  	v8, _, _ =	vpop (xrf1)  }
0x63: {  	v5 =	vperm.xlane v5, v0;
	v9, _, _ =	vpop (xrf1)  }
0x64: {  	v3 =	vperm.xlane v3, v0;
	v10, _, _ =	vpop (xrf1)  }
0x65: {  	v5 =	vmin.f32 v10, v5;
	v10, _, _ =	vpop (xrf1)  }
0x66: {  	v3 =	vmin.f32 v10, v3  }
0x67: {  	v2 =	vperm.xlane v2, v0  }
0x68: {  	v4 =	vperm.xlane v4, v0;
	(xrf1) =	vsort.ascd.msk.f32 $0xffff, v5, v5;
	v5, _, _ =	vpop (xrf1)  }
0x69: {  	(xrf1) =	vsort.ascd.msk.f32 $0xffff, v3, v3;
	v2 =	vmin.f32 v5, v2;
	v3, _, _ =	vpop (xrf1)  }
0x6a: {  	v3 =	vmin.f32 v3, v4  }
0x6b: {  	v5 =	vperm.xlane v6, v0  }
0x6c: {  	v4 =	vperm.xlane v7, v0;
	(xrf1) =	vsort.ascd.msk.f32 $0xffff, v2, v2;
	v2, _, _ =	vpop (xrf1)  }
0x6d: {  	(xrf1) =	vsort.ascd.msk.f32 $0xffff, v3, v3;
	v2 =	vmin.f32 v2, v5;
	v3, _, _ =	vpop (xrf1)  }
0x6e: {  	v3 =	vmin.f32 v3, v4  }
0x6f: {  	v6 =	vld [tilespmem:s17+$0x2000];
	v5 =	vperm.xlane v8, v0  }
0x70: {  	v7 =	vld [tilespmem:s17+$0x2080];
	v4 =	vperm.xlane v9, v0;
	(xrf1) =	vsort.ascd.msk.f32 $0xffff, v2, v2;
	v2, _, _ =	vpop (xrf1)  }
0x71: {  	(xrf1) =	vsort.ascd.msk.f32 $0xffff, v3, v3;
	v2 =	vmin.f32 v2, v5;
	v3, _, _ =	vpop (xrf1);
	v5 =	vld [tilespmem:s17+$0x2100]  }
0x72: {  	v3 =	vmin.f32 v3, v4;
	(xrf1) =	vsort.ascd.msk.f32 $0xffff, v2, v2  }
0x73: {  	v2 =	vld [tilespmem:s17+$0x2180];
	(xrf1) =	vsort.ascd.msk.f32 $0xffff, v3, v3  }
0x74: {  	v3 =	vld [tilespmem:s17+$0x2200];
	(xrf1) =	vsort.ascd.msk.f32 $0xffff, v6, v6  }
0x75: {  	v4 =	vld [tilespmem:s17+$0x2280];
	(xrf1) =	vsort.ascd.msk.f32 $0xffff, v7, v7  }
0x76: {  	v8 =	vld [tilespmem:s17+$0x2300];
	(xrf1) =	vsort.ascd.msk.f32 $0xffff, v5, v5  }
0x77: {  	v7 =	vld [tilespmem:s17+$0x2380]  }
0x78: {  	(xrf1) =	vsort.ascd.msk.f32 $0xffff, v2, v2  }
0x79: {  	(xrf1) =	vsort.ascd.msk.f32 $0xffff, v3, v3  }
0x7a: {  	v9 =	vld [tilespmem:s16+$0x2000];
	v6, _, _ =	vpop (xrf1);
	(xrf1) =	vsort.ascd.msk.f32 $0xffff, v4, v4  }
0x7b: {  	v2, _, _ =	vpop (xrf1);
	(xrf1) =	vsort.ascd.msk.f32 $0xffff, v8, v8;
	v8 =	vld [tilespmem:s16+$0x2080]  }
0x7c: {  	v10 =	vld [tilespmem:s16+$0x2100];
	v3, _, _ =	vpop (xrf1);
	(xrf1) =	vsort.ascd.msk.f32 $0xffff, v7, v7  }
0x7d: {  	v11 =	vld [tilespmem:s16+$0x2180];
	v4, _, _ =	vpop (xrf1)  }
0x7e: {  	v12 =	vld [tilespmem:s16+$0x2200];
	v5, _, _ =	vpop (xrf1)  }
0x7f: {  	v13 =	vld [tilespmem:s16+$0x2280];
	(xrf1) =	vsort.ascd.msk.f32 $0xffff, v9, v9;
	v7, _, _ =	vpop (xrf1)  }
0x80: {  	v14 =	vld [tilespmem:s16+$0x2300];
	(xrf1) =	vsort.ascd.msk.f32 $0xffff, v8, v8;
	v8, _, _ =	vpop (xrf1)  }
0x81: {  	v15 =	vld [tilespmem:s16+$0x2380];
	(xrf1) =	vsort.ascd.msk.f32 $0xffff, v10, v10;
	v9, _, _ =	vpop (xrf1)  }
0x82: {  	(xrf1) =	vsort.ascd.msk.f32 $0xffff, v11, v11;
	v10, _, _ =	vpop (xrf1)  }
0x83: {  	(xrf1) =	vsort.ascd.msk.f32 $0xffff, v12, v12;
	v11, _, _ =	vpop (xrf1);
	v10 =	vperm.xlane v10, v0  }
0x84: {  	(xrf1) =	vsort.ascd.msk.f32 $0xffff, v13, v13;
	v12, _, _ =	vpop (xrf1);
	v11 =	vperm.xlane v11, v0  }
0x85: {  	(xrf1) =	vsort.ascd.msk.f32 $0xffff, v14, v14;
	v10 =	vmin.f32 v1, v10;
	v12 =	vperm.xlane v12, v0  }
0x86: {  	v13, _, _ =	vpop (xrf1);
	(xrf1) =	vsort.ascd.msk.f32 $0xffff, v15, v15;
	v11 =	vmin.f32 v1, v11  }
0x87: {  	s16 =	simm.s32 $0x100;
	v14, _, _ =	vpop (xrf1);
	v13 =	vperm.xlane v13, v0;
	(xrf1) =	vsort.ascd.msk.f32 $0xffff, v10, v10;
	v12 =	vmin.f32 v1, v12  }
0x88: {  	s31 =	sand.u32 $0x1C00, s16;
	v14 =	vperm.xlane v14, v0;
	(xrf1) =	vsort.ascd.msk.f32 $0xffff, v11, v11;
	v10, _, _ =	vpop (xrf1)  }
0x89: {  	s17 =	sor.u32 s18, s31;
	v13 =	vmin.f32 v1, v13;
	(xrf1) =	vsort.ascd.msk.f32 $0xffff, v12, v12;
	v11, _, _ =	vpop (xrf1);
	v10 =	vperm.xlane v10, v0  }
0x8a: {  	v15 =	vld [tilespmem:s17+$0x2000];
	v14 =	vmin.f32 v1, v14;
	(xrf1) =	vsort.ascd.msk.f32 $0xffff, v13, v13;
	v12, _, _ =	vpop (xrf1);
	v11 =	vperm.xlane v11, v0  }
0x8b: {  	v13 =	vld [tilespmem:s17+$0x2080];
	(xrf1) =	vsort.ascd.msk.f32 $0xffff, v14, v14;
	v10 =	vmin.f32 v1, v10;
	v12 =	vperm.xlane v12, v0  }
0x8c: {  	v16 =	vld [tilespmem:s17+$0x2100];
	v11 =	vmin.f32 v1, v11;
	(xrf1) =	vsort.ascd.msk.f32 $0xffff, v10, v10  }
0x8d: {  	v17, _, _ =	vpop (xrf1);
	v10 =	vld [tilespmem:s17+$0x2180];
	v1 =	vmin.f32 v1, v12;
	(xrf1) =	vsort.ascd.msk.f32 $0xffff, v11, v11  }
0x8e: {  	v18 =	vld [tilespmem:s17+$0x2200];
	v19, _, _ =	vpop (xrf1);
	(xrf1) =	vsort.ascd.msk.f32 $0xffff, v1, v1  }
0x8f: {  	v1 =	vld [tilespmem:s17+$0x2280];
	v14, _, _ =	vpop (xrf1);
	(xrf1) =	vsort.ascd.msk.f32 $0xffff, v15, v15  }
0x90: {  	v20 =	vld [tilespmem:s17+$0x2300];
	(xrf1) =	vsort.ascd.msk.f32 $0xffff, v13, v13;
	v13, _, _ =	vpop (xrf1)  }
0x91: {  	v15 =	vld [tilespmem:s17+$0x2380];
	(xrf1) =	vsort.ascd.msk.f32 $0xffff, v16, v16;
	v12, _, _ =	vpop (xrf1)  }
0x92: {  	(xrf1) =	vsort.ascd.msk.f32 $0xffff, v10, v10;
	v11, _, _ =	vpop (xrf1)  }
0x93: {  	(xrf1) =	vsort.ascd.msk.f32 $0xffff, v18, v18;
	v10, _, _ =	vpop (xrf1)  }
0x94: {  	v16 =	vperm.xlane v17, v0;
	(xrf1) =	vsort.ascd.msk.f32 $0xffff, v1, v1;
	v1, _, _ =	vpop (xrf1)  }
0x95: {  	s17 =	simm.s32 $0x30;
	v17 =	vperm.xlane v19, v0;
	(xrf1) =	vsort.ascd.msk.f32 $0xffff, v20, v20;
	v18, _, _ =	vpop (xrf1)  }
.LBB2_5:
0x96: {  	p0 =	sne.s32 s17, $0x3F0;
	(xrf1) =	vsort.ascd.msk.f32 $0xffff, v15, v15;
	v18 =	vmin.f32 v18, v16;
	v19 =	vperm.xlane v14, v0;
	v16, _, _ =	vpop (xrf1)  }
0x97: {  	s16 =	sadd.s32 $0x80, s16;
	v20 =	vperm.xlane v13, v0;
	v16 =	vmin.f32 v16, v17;
	(xrf1) =	vsort.ascd.msk.f32 $0xffff, v18, v18;
	v15, _, _ =	vpop (xrf1)  }
0x98: {  	s18 =	sand.u32 $0x70, s17;
	s19 =	sand.u32 $0x1C00, s16;
	v18 =	vperm.xlane v12, v0;
	v17 =	vmin.f32 v15, v19;
	(xrf1) =	vsort.ascd.msk.f32 $0xffff, v16, v16;
	v15, _, _ =	vpop (xrf1)  }
0x99: {  	s18 =	sor.u32 s18, s19;
	v19 =	vperm.xlane v11, v0;
	v16 =	vmin.f32 v15, v20;
	(xrf1) =	vsort.ascd.msk.f32 $0xffff, v17, v17;
	v14, _, _ =	vpop (xrf1)  }
0x9a: {  	v10 =	vperm.xlane v10, v0;
	v15 =	vld [tilespmem:s18+$0x2000];
	v14 =	vmin.f32 v14, v18;
	(xrf1) =	vsort.ascd.msk.f32 $0xffff, v16, v16;
	v13, _, _ =	vpop (xrf1)  }
0x9b: {  	v1 =	vperm.xlane v1, v0;
	v16 =	vld [tilespmem:s18+$0x2080];
	v13 =	vmin.f32 v13, v19;
	(xrf1) =	vsort.ascd.msk.f32 $0xffff, v14, v14;
	v12, _, _ =	vpop (xrf1)  }
0x9c: {  	v17 =	vld [tilespmem:s18+$0x2100];
	v10 =	vmin.f32 v12, v10;
	(xrf1) =	vsort.ascd.msk.f32 $0xffff, v13, v13;
	v11, _, _ =	vpop (xrf1)  }
0x9d: {  	v18 =	vld [tilespmem:s18+$0x2180];
	v19, _, _ =	vpop (xrf1);
	v1 =	vmin.f32 v11, v1;
	(xrf1) =	vsort.ascd.msk.f32 $0xffff, v10, v10  }
0x9e: {  	v10 =	vld [tilespmem:s18+$0x2200];
	v20, _, _ =	vpop (xrf1);
	(xrf1) =	vsort.ascd.msk.f32 $0xffff, v1, v1  }
0x9f: {  	v1 =	vld [tilespmem:s18+$0x2280];
	(xrf1) =	vsort.ascd.msk.f32 $0xffff, v15, v15;
	v14, _, _ =	vpop (xrf1)  }
0xa0: {  	v21 =	vld [tilespmem:s18+$0x2300];
	(xrf1) =	vsort.ascd.msk.f32 $0xffff, v16, v16;
	v13, _, _ =	vpop (xrf1)  }
.Ltmp3:
0xa1: {  	v15 =	vld [tilespmem:s18+$0x2380];
	(xrf1) =	vsort.ascd.msk.f32 $0xffff, v17, v17;
	v12, _, _ =	vpop (xrf1);
	(pc) =	sbr.rel @p0 .LBB2_5-.Ltmp3, $4  }
0xa2: {  	(xrf1) =	vsort.ascd.msk.f32 $0xffff, v18, v18;
	v11, _, _ =	vpop (xrf1)  }
0xa3: {  	(xrf1) =	vsort.ascd.msk.f32 $0xffff, v10, v10;
	v10, _, _ =	vpop (xrf1)  }
0xa4: {  	v16 =	vperm.xlane v19, v0;
	(xrf1) =	vsort.ascd.msk.f32 $0xffff, v1, v1;
	v1, _, _ =	vpop (xrf1)  }
0xa5: {  	s17 =	sadd.s32 $0x10, s17;
	v17 =	vperm.xlane v20, v0;
	(xrf1) =	vsort.ascd.msk.f32 $0xffff, v21, v21;
	v18, _, _ =	vpop (xrf1)  }
0xa6: {  	v45, _, _ =	vpop (xrf1)  }
0xa7: {  	(xrf1) =	vsort.ascd.msk.f32 $0xffff, v15, v15;
	v44 =	vmin.f32 v18, v16;
	v46, _, _ =	vpop (xrf1)  }
0xa8: {  	v14 =	vperm.xlane v14, v0;
	v16 =	vmin.f32 v45, v17;
	(xrf1) =	vsort.ascd.msk.f32 $0xffff, v44, v44;
	v47, _, _ =	vpop (xrf1)  }
0xa9: {  	v13 =	vperm.xlane v13, v0;
	v11 =	vperm.xlane v11, v0;
	(xrf1) =	vsort.ascd.msk.f32 $0xffff, v16, v16;
	v48, _, _ =	vpop (xrf1)  }
0xaa: {  	v12 =	vperm.xlane v12, v0;
	v14 =	vmin.f32 v46, v14;
	v49, _, _ =	vpop (xrf1)  }
0xab: {  	v13 =	vmin.f32 v47, v13;
	(xrf1) =	vsort.ascd.msk.f32 $0xffff, v14, v14;
	v11 =	vmin.f32 v49, v11  }
0xac: {  	v12 =	vmin.f32 v48, v12;
	(xrf1) =	vsort.ascd.msk.f32 $0xffff, v13, v13;
	v50, _, _ =	vpop (xrf1)  }
0xad: {  	(xrf1) =	vsort.ascd.msk.f32 $0xffff, v12, v12;
	v51, _, _ =	vpop (xrf1)  }
0xae: {  	(xrf1) =	vsort.ascd.msk.f32 $0xffff, v11, v11;
	v11, _, _ =	vpop (xrf1)  }
0xaf: {  	v10 =	vperm.xlane v10, v0;
	v52, _, _ =	vpop (xrf1)  }
0xb0: {  	v53, _, _ =	vpop (xrf1)  }
0xb1: {  	v10 =	vmin.f32 v50, v10;
	v54, _, _ =	vpop (xrf1)  }
0xb2: {  	v1 =	vperm.xlane v1, v0;
	v55, _, _ =	vpop (xrf1)  }
0xb3: {  	v56, _, _ =	vpop (xrf1)  }
0xb4: {  	v1 =	vmin.f32 v51, v1;
	(xrf1) =	vsort.ascd.msk.f32 $0xffff, v10, v10;
	v10, _, _ =	vpop (xrf1)  }
0xb5: {  	v11 =	vperm.xlane v11, v0;
	(xrf1) =	vsort.ascd.msk.f32 $0xffff, v1, v1;
	v57, _, _ =	vpop (xrf1)  }
0xb6: {  	v1 =	vperm.xlane v52, v0;
	v58, _, _ =	vpop (xrf1)  }
0xb7: {  	(xrf0) =	vmax.scan.msk.f32 $0xffff, v6;
	v11 =	vmin.f32 v58, v11;
	v60, _, _ =	vpop (xrf1)  }
0xb8: {  	(xrf0) =	vmax.scan.msk.f32 $0xffff, v2;
	v1 =	vmin.f32 v60, v1  }
0xb9: {  	v59 =	vperm.xlane v53, v0;
	(xrf1) =	vsort.ascd.msk.f32 $0xffff, v11, v11  }
0xba: {  	v61 =	vperm.xlane v54, v0;
	(xrf1) =	vsort.ascd.msk.f32 $0xffff, v1, v1;
	v11, _, _ =	vpop (xrf1)  }
0xbb: {  	(xrf0) =	vmax.scan.msk.f32 $0xffff, v3;
	v11 =	vmin.f32 v11, v59;
	v1, _, _ =	vpop (xrf1)  }
0xbc: {  	(xrf0) =	vmax.scan.msk.f32 $0xffff, v4;
	v1 =	vmin.f32 v1, v61  }
0xbd: {  	v62 =	vperm.xlane v55, v0;
	(xrf1) =	vsort.ascd.msk.f32 $0xffff, v11, v11  }
0xbe: {  	(xrf0) =	vmax.scan.msk.f32 $0xffff, v5;
	v12 =	vperm.xlane v56, v0;
	v11, _, _ =	vpop (xrf1)  }
0xbf: {  	(xrf1) =	vsort.ascd.msk.f32 $0xffff, v1, v1;
	v11 =	vmin.f32 v11, v62;
	v1, _, _ =	vpop (xrf1)  }
0xc0: {  	(xrf1) =	vsort.ascd.msk.f32 $0xffff, v11, v11;
	v1 =	vmin.f32 v1, v12  }
0xc1: {  	v5, _, _ =	vpop (xrf0);
	(xrf1) =	vsort.ascd.msk.f32 $0xffff, v1, v1;
	v1 =	vperm.xlane v10, v0  }
0xc2: {  	v11 =	vperm.xlane v57, v0;
	v10, _, _ =	vpop (xrf1)  }
0xc3: {  	(xrf0) =	vmax.scan.msk.f32 $0xffff, v7;
	v1 =	vmin.f32 v10, v1;
	v10, _, _ =	vpop (xrf1)  }
0xc4: {  	(xrf1) =	vsort.ascd.msk.f32 $0xffff, v1, v1;
	v1 =	vmin.f32 v10, v11;
	v10, _, _ =	vpop (xrf0)  }
0xc5: {  	(xrf0) =	vmax.scan.msk.f32 $0xffff, v8;
	v8, _, _ =	vpop (xrf0)  }
0xc6: {  	(xrf0) =	vmax.scan.msk.f32 $0xffff, v9;
	v9, _, _ =	vpop (xrf0)  }
0xc7: {  	(xrf1) =	vsort.ascd.msk.f32 $0xffff, v1, v1;
	v1, _, _ =	vpop (xrf1)  }
0xc8: {  	v6, _, _ =	vpop (xrf1)  }
0xc9: {  	(xrf0) =	vmax.scan.msk.f32 $0xffff, v1;
	v1 =	vbroadcast v5, $0xF;
	v5 =	vbroadcast v10, $0xF;
	v10, _, _ =	vpop (xrf0)  }
0xca: {  	(xrf0) =	vmax.scan.msk.f32 $0xffff, v6;
	v6 =	vbroadcast v8, $0xF;
	v8, _, _ =	vpop (xrf0)  }
0xcb: {  	v2, _, _ =	vpop (xrf1);
	v1 =	vsel vm0, v1, v5;
	v5 =	vbroadcast v9, $0xF  }
0xcc: {  	v9, _, _ =	vpop (xrf0)  }
0xcd: {  	v3, _, _ =	vpop (xrf1);
	v1 =	vsel vm2, v1, v6;
	v6 =	vbroadcast v10, $0xF  }
0xce: {  	(xrf0) =	vmax.scan.msk.f32 $0xffff, v2;
	v4, _, _ =	vpop (xrf1)  }
0xcf: {  	(xrf0) =	vmax.scan.msk.f32 $0xffff, v3;
	v1 =	vsel vm1, v1, v5;
	v3 =	vbroadcast v8, $0xF;
	v5, _, _ =	vpop (xrf0)  }
0xd0: {  	v1 =	vsel vm3, v1, v6;
	v7, _, _ =	vpop (xrf1);
	(xrf0) =	vmax.scan.msk.f32 $0xffff, v4;
	v4 =	vbroadcast v9, $0xF  }
0xd1: {  	v1 =	vsel vm4, v1, v3;
	v6, _, _ =	vpop (xrf0)  }
0xd2: {  	(xrf0) =	vmax.scan.msk.f32 $0xffff, v7;
	v1 =	vsel vm5, v1, v4;
	v4 =	vbroadcast v6, $0xF;
	v2, _, _ =	vpop (xrf1)  }
0xd3: {  	v3 =	vbroadcast v5, $0xF;
	v5, _, _ =	vpop (xrf0);
	(xrf0) =	vmax.scan.msk.f32 $0xffff, v2  }
0xd4: {  	v2, _, _ =	vpop (xrf0)  }
0xd5: {  	v1 =	vsel vm6, v1, v3;
	v3 =	vbroadcast v5, $0xF;
	v6, _, _ =	vpop (xrf1)  }
0xd6: {  	v1 =	vsel vm8, v1, v4;
	v2 =	vbroadcast v2, $0xF;
	v4, _, _ =	vpop (xrf0)  }
0xd7: {  	v1 =	vsel vm7, v1, v3;
	v5, _, _ =	vpop (xrf0);
	v3 =	vbroadcast v4, $0xF  }
0xd8: {  	(xrf0) =	vmax.scan.msk.f32 $0xffff, v6;
	v1 =	vsel vm9, v1, v2;
	v4, _, _ =	vpop (xrf0);
	v2 =	vbroadcast v5, $0xF  }
0xd9: {  	v1 =	vsel vm10, v1, v3;
	v5, _, _ =	vpop (xrf0)  }
0xda: {  	v1 =	vsel vm11, v1, v2;
	v2 =	vbroadcast v5, $0xF  }
0xdb: {  	v3 =	vbroadcast v4, $0xF;
	_ =	sdelay $0x1  }
0xdc: {  	v1 =	vsel vm12, v1, v3  }
0xdd: {  	s17 =	sshll.u32 s15, $0x5;
	v1 =	vsel vm13, v1, v2;
	v2, _, _ =	vpop (xrf0)  }
0xde: {  	s16 =	sshll.u32 s15, $0xC;
	p0 =	seq.s32 s15, $0x7;
	s17 =	sand.u32 $0x3FFFFFE0, s17;
	v1 =	vsel vm14, v1, v2  }
0xdf: {  	s18 =	sadd.s32 @!p0 s16, s5;
	s19 =	simm.s32 @!p0 $0x0;
	[tilespmem:s17+$0x8000] =	vst v1  }
0xe0: {  	[tilespmem:s19], [sflag:$0x1] =	stream.linear.gather @!p0 [hbm4b:s18+s19], $0x4000, $0x38;
	[tilespmem:$0x8100] =	vst v63  }
0xe1: {  	s26 =	simm.s32 $0x0;
	_ =	swait.ge [sflag:s11], $0x4000  }
0xe2: {  	s28 =	sand.u32 $0x70, s26;
	s20 =	sand.u32 $0x1C00, s26;
	[sflag:s11] =	ssyncset.done $0x0  }
0xe3: {  	s19 =	sor.u32 s28, s20;
	[sflag:s11] =	ssyncadd.s32 $0xFFFFC000  }
0xe4: {  	v1 =	vld [tilespmem:s19+$0x4000]  }
0xe5: {  	v2 =	vld [tilespmem:s19+$0x4080]  }
0xe6: {  	v3 =	vld [tilespmem:s19+$0x4100];
	_ =	sdelay $0x1  }
0xe7: {  	v4 =	vld [tilespmem:s19+$0x4180]  }
0xe8: {  	v5 =	vld [tilespmem:s19+$0x4200];
	(xrf1) =	vsort.ascd.msk.f32 $0xffff, v1, v1  }
0xe9: {  	s18 =	sor.u32 s26, s26;
	v6 =	vld [tilespmem:s19+$0x4280];
	(xrf1) =	vsort.ascd.msk.f32 $0xffff, v2, v2  }
0xea: {  	s18 =	sor.u32 $0x380, s18;
	v1 =	vld [tilespmem:s19+$0x4300];
	(xrf1) =	vsort.ascd.msk.f32 $0xffff, v3, v3  }
0xeb: {  	s29 =	simm.s32 $0x10;
	s21 =	simm.s32 $0x80;
	v2 =	vld [tilespmem:s18+$0x4000]  }
0xec: {  	s30 =	sand.u32 $0x70, s29;
	s22 =	sand.u32 $0x1C00, s21;
	(xrf1) =	vsort.ascd.msk.f32 $0xffff, v4, v4  }
0xed: {  	s18 =	sor.u32 s30, s22;
	(xrf1) =	vsort.ascd.msk.f32 $0xffff, v5, v5  }
0xee: {  	v3 =	vld [tilespmem:s18+$0x4000];
	(xrf1) =	vsort.ascd.msk.f32 $0xffff, v6, v6  }
0xef: {  	(xrf1) =	vsort.ascd.msk.f32 $0xffff, v1, v1;
	v1 =	vld [tilespmem:s18+$0x4080]  }
0xf0: {  	(xrf1) =	vsort.ascd.msk.f32 $0xffff, v2, v2;
	v2 =	vld [tilespmem:s18+$0x4100]  }
0xf1: {  	v4 =	vld [tilespmem:s18+$0x4180]  }
0xf2: {  	v5 =	vld [tilespmem:s18+$0x4200]  }
0xf3: {  	s20 =	sor.u32 s21, s29;
	v6 =	vld [tilespmem:s18+$0x4280];
	(xrf1) =	vsort.ascd.msk.f32 $0xffff, v3, v3  }
0xf4: {  	s20 =	sor.u32 $0x380, s20;
	v3 =	vld [tilespmem:s18+$0x4300];
	(xrf1) =	vsort.ascd.msk.f32 $0xffff, v1, v1  }
0xf5: {  	v7 =	vld [tilespmem:s20+$0x4000];
	(xrf1) =	vsort.ascd.msk.f32 $0xffff, v2, v2  }
0xf6: {  	(xrf1) =	vsort.ascd.msk.f32 $0xffff, v4, v4;
	v1, _, _ =	vpop (xrf1)  }
0xf7: {  	(xrf1) =	vsort.ascd.msk.f32 $0xffff, v5, v5;
	v2, _, _ =	vpop (xrf1);
	v4 =	vperm.xlane v1, v0  }
0xf8: {  	(xrf1) =	vsort.ascd.msk.f32 $0xffff, v6, v6;
	v1 =	vimm.f32 $3.399999950e+38;
	v5, _, _ =	vpop (xrf1);
	v2 =	vperm.xlane v2, v0  }
0xf9: {  	(xrf1) =	vsort.ascd.msk.f32 $0xffff, v3, v3;
	v4 =	vmin.f32 v1, v4;
	v5 =	vperm.xlane v5, v0  }
0xfa: {  	v3, _, _ =	vpop (xrf1);
	(xrf1) =	vsort.ascd.msk.f32 $0xffff, v7, v7;
	v2 =	vmin.f32 v1, v2  }
0xfb: {  	s31 =	simm.s32 $0x20;
	s21 =	simm.s32 $0x100;
	v6, _, _ =	vpop (xrf1);
	v3 =	vperm.xlane v3, v0;
	(xrf1) =	vsort.ascd.msk.f32 $0xffff, v4, v4;
	v5 =	vmin.f32 v1, v5  }
0xfc: {  	s23 =	sand.u32 $0x1C00, s21;
	s20 =	sand.u32 $0x70, s31;
	v6 =	vperm.xlane v6, v0;
	(xrf1) =	vsort.ascd.msk.f32 $0xffff, v2, v2;
	v4, _, _ =	vpop (xrf1)  }
0xfd: {  	s23 =	sor.u32 s20, s23;
	v3 =	vmin.f32 v1, v3;
	(xrf1) =	vsort.ascd.msk.f32 $0xffff, v5, v5;
	v2, _, _ =	vpop (xrf1);
	v4 =	vperm.xlane v4, v0  }
0xfe: {  	v7 =	vld [tilespmem:s23+$0x4000];
	v6 =	vmin.f32 v1, v6;
	(xrf1) =	vsort.ascd.msk.f32 $0xffff, v3, v3;
	v5, _, _ =	vpop (xrf1);
	v2 =	vperm.xlane v2, v0  }
0xff: {  	v3 =	vld [tilespmem:s23+$0x4080];
	(xrf1) =	vsort.ascd.msk.f32 $0xffff, v6, v6;
	v4 =	vmin.f32 v1, v4;
	v5 =	vperm.xlane v5, v0  }
0x100: {  	v8 =	vld [tilespmem:s23+$0x4100];
	v2 =	vmin.f32 v1, v2;
	(xrf1) =	vsort.ascd.msk.f32 $0xffff, v4, v4  }
0x101: {  	v9, _, _ =	vpop (xrf1);
	v4 =	vld [tilespmem:s23+$0x4180];
	v5 =	vmin.f32 v1, v5;
	(xrf1) =	vsort.ascd.msk.f32 $0xffff, v2, v2  }
0x102: {  	v2 =	vld [tilespmem:s23+$0x4200];
	v10, _, _ =	vpop (xrf1);
	(xrf1) =	vsort.ascd.msk.f32 $0xffff, v5, v5  }
0x103: {  	v11 =	vld [tilespmem:s23+$0x4280];
	s22 =	sor.u32 s21, s31;
	v6, _, _ =	vpop (xrf1);
	(xrf1) =	vsort.ascd.msk.f32 $0xffff, v7, v7  }
0x104: {  	v63 =	vld [tilespmem:s23+$0x4300];
	s22 =	sor.u32 $0x380, s22;
	v7, _, _ =	vpop (xrf1);
	(xrf1) =	vsort.ascd.msk.f32 $0xffff, v3, v3  }
0x105: {  	v5, _, _ =	vpop (xrf1);
	(xrf1) =	vsort.ascd.msk.f32 $0xffff, v8, v8;
	v8 =	vld [tilespmem:s22+$0x4000]  }
0x106: {  	(xrf1) =	vsort.ascd.msk.f32 $0xffff, v4, v4;
	v4, _, _ =	vpop (xrf1)  }
0x107: {  	(xrf1) =	vsort.ascd.msk.f32 $0xffff, v2, v2;
	v3, _, _ =	vpop (xrf1)  }
0x108: {  	v9 =	vperm.xlane v9, v0;
	(xrf1) =	vsort.ascd.msk.f32 $0xffff, v11, v11;
	v2, _, _ =	vpop (xrf1)  }
0x109: {  	v10 =	vperm.xlane v10, v0;
	s22 =	simm.s32 $0x30;
	(xrf1) =	vsort.ascd.msk.f32 $0xffff, v63, v63;
	v11, _, _ =	vpop (xrf1)  }
.LBB2_7:
0x10a: {  	p1 =	sne.s32 s22, $0x3F0;
	(xrf1) =	vsort.ascd.msk.f32 $0xffff, v8, v8;
	v11 =	vmin.f32 v11, v9;
	v12 =	vperm.xlane v6, v0;
	v9, _, _ =	vpop (xrf1)  }
0x10b: {  	s21 =	sadd.s32 $0x80, s21;
	v7 =	vperm.xlane v7, v0;
	v9 =	vmin.f32 v9, v10;
	(xrf1) =	vsort.ascd.msk.f32 $0xffff, v11, v11;
	v8, _, _ =	vpop (xrf1)  }
0x10c: {  	s23 =	sand.u32 $0x70, s22;
	s24 =	sand.u32 $0x1C00, s21;
	v11 =	vperm.xlane v5, v0;
	v10 =	vmin.f32 v8, v12;
	(xrf1) =	vsort.ascd.msk.f32 $0xffff, v9, v9;
	v8, _, _ =	vpop (xrf1)  }
0x10d: {  	s23 =	sor.u32 s23, s24;
	v12 =	vperm.xlane v4, v0;
	v7 =	vmin.f32 v8, v7;
	(xrf1) =	vsort.ascd.msk.f32 $0xffff, v10, v10;
	v6, _, _ =	vpop (xrf1)  }
0x10e: {  	v3 =	vperm.xlane v3, v0;
	v8 =	vld [tilespmem:s23+$0x4000];
	v9 =	vmin.f32 v6, v11;
	(xrf1) =	vsort.ascd.msk.f32 $0xffff, v7, v7;
	v6, _, _ =	vpop (xrf1)  }
0x10f: {  	v2 =	vperm.xlane v2, v0;
	v7 =	vld [tilespmem:s23+$0x4080];
	v6 =	vmin.f32 v6, v12;
	(xrf1) =	vsort.ascd.msk.f32 $0xffff, v9, v9;
	v5, _, _ =	vpop (xrf1)  }
0x110: {  	v9 =	vld [tilespmem:s23+$0x4100];
	v3 =	vmin.f32 v5, v3;
	(xrf1) =	vsort.ascd.msk.f32 $0xffff, v6, v6;
	v4, _, _ =	vpop (xrf1)  }
0x111: {  	v10 =	vld [tilespmem:s23+$0x4180];
	v11, _, _ =	vpop (xrf1);
	v2 =	vmin.f32 v4, v2;
	(xrf1) =	vsort.ascd.msk.f32 $0xffff, v3, v3  }
0x112: {  	v3 =	vld [tilespmem:s23+$0x4200];
	v12, _, _ =	vpop (xrf1);
	(xrf1) =	vsort.ascd.msk.f32 $0xffff, v2, v2  }
0x113: {  	s24 =	sor.u32 s21, s22;
	v2 =	vld [tilespmem:s23+$0x4280];
	(xrf1) =	vsort.ascd.msk.f32 $0xffff, v8, v8;
	v6, _, _ =	vpop (xrf1)  }
0x114: {  	v13 =	vld [tilespmem:s23+$0x4300];
	s23 =	sor.u32 $0x380, s24;
	(xrf1) =	vsort.ascd.msk.f32 $0xffff, v7, v7;
	v7, _, _ =	vpop (xrf1)  }
.Ltmp4:
0x115: {  	v8 =	vld [tilespmem:s23+$0x4000];
	(xrf1) =	vsort.ascd.msk.f32 $0xffff, v9, v9;
	v5, _, _ =	vpop (xrf1);
	(pc) =	sbr.rel @p1 .LBB2_7-.Ltmp4, $4  }
0x116: {  	(xrf1) =	vsort.ascd.msk.f32 $0xffff, v10, v10;
	v4, _, _ =	vpop (xrf1)  }
0x117: {  	(xrf1) =	vsort.ascd.msk.f32 $0xffff, v3, v3;
	v3, _, _ =	vpop (xrf1)  }
0x118: {  	v9 =	vperm.xlane v11, v0;
	(xrf1) =	vsort.ascd.msk.f32 $0xffff, v2, v2;
	v2, _, _ =	vpop (xrf1)  }
0x119: {  	s22 =	sadd.s32 $0x10, s22;
	v10 =	vperm.xlane v12, v0;
	(xrf1) =	vsort.ascd.msk.f32 $0xffff, v13, v13;
	v11, _, _ =	vpop (xrf1)  }
0x11a: {  	(xrf1) =	vsort.ascd.msk.f32 $0xffff, v8, v8;
	v8 =	vmin.f32 v11, v9;
	_ =	sdelay $0x1  }
0x11b: {  	v6 =	vperm.xlane v6, v0;
	v9, _, _ =	vpop (xrf1)  }
0x11c: {  	(xrf1) =	vsort.ascd.msk.f32 $0xffff, v8, v8;
	v8, _, _ =	vpop (xrf1)  }
0x11d: {  	v6 =	vmin.f32 v8, v6  }
0x11e: {  	v9 =	vmin.f32 v9, v10  }
0x11f: {  	v5 =	vperm.xlane v5, v0;
	(xrf1) =	vsort.ascd.msk.f32 $0xffff, v9, v9;
	v8, _, _ =	vpop (xrf1)  }
0x120: {  	v7 =	vperm.xlane v7, v0;
	v4 =	vperm.xlane v4, v0;
	(xrf1) =	vsort.ascd.msk.f32 $0xffff, v6, v6;
	v6, _, _ =	vpop (xrf1)  }
0x121: {  	v5 =	vmin.f32 v6, v5;
	v6, _, _ =	vpop (xrf1)  }
0x122: {  	v7 =	vmin.f32 v8, v7;
	v4 =	vmin.f32 v6, v4  }
0x123: {  	v3 =	vperm.xlane v3, v0;
	(xrf1) =	vsort.ascd.msk.f32 $0xffff, v7, v7  }
0x124: {  	v2 =	vperm.xlane v2, v0;
	(xrf1) =	vsort.ascd.msk.f32 $0xffff, v5, v5;
	v5, _, _ =	vpop (xrf1)  }
0x125: {  	(xrf1) =	vsort.ascd.msk.f32 $0xffff, v4, v4;
	v3 =	vmin.f32 v5, v3;
	v4, _, _ =	vpop (xrf1)  }
0x126: {  	v2 =	vmin.f32 v4, v2  }
0x127: {  	v5, _, _ =	vpop (xrf1)  }
0x128: {  	(xrf1) =	vsort.ascd.msk.f32 $0xffff, v3, v3;
	v3, _, _ =	vpop (xrf1)  }
0x129: {  	(xrf1) =	vsort.ascd.msk.f32 $0xffff, v2, v2;
	v2, _, _ =	vpop (xrf1)  }
0x12a: {  	v4, _, _ =	vpop (xrf1)  }
0x12b: {  	v6, _, _ =	vpop (xrf1)  }
0x12c: {  	v7, _, _ =	vpop (xrf1)  }
0x12d: {  	v8, _, _ =	vpop (xrf1)  }
0x12e: {  	v5 =	vperm.xlane v5, v0;
	v9, _, _ =	vpop (xrf1)  }
0x12f: {  	v3 =	vperm.xlane v3, v0;
	v10, _, _ =	vpop (xrf1)  }
0x130: {  	v5 =	vmin.f32 v10, v5;
	v10, _, _ =	vpop (xrf1)  }
0x131: {  	v3 =	vmin.f32 v10, v3  }
0x132: {  	v2 =	vperm.xlane v2, v0  }
0x133: {  	v4 =	vperm.xlane v4, v0;
	(xrf1) =	vsort.ascd.msk.f32 $0xffff, v5, v5;
	v5, _, _ =	vpop (xrf1)  }
0x134: {  	(xrf1) =	vsort.ascd.msk.f32 $0xffff, v3, v3;
	v2 =	vmin.f32 v5, v2;
	v3, _, _ =	vpop (xrf1)  }
0x135: {  	v3 =	vmin.f32 v3, v4  }
0x136: {  	v5 =	vperm.xlane v6, v0  }
0x137: {  	v4 =	vperm.xlane v7, v0;
	(xrf1) =	vsort.ascd.msk.f32 $0xffff, v2, v2;
	v2, _, _ =	vpop (xrf1)  }
0x138: {  	(xrf1) =	vsort.ascd.msk.f32 $0xffff, v3, v3;
	v2 =	vmin.f32 v2, v5;
	v3, _, _ =	vpop (xrf1)  }
0x139: {  	v3 =	vmin.f32 v3, v4  }
0x13a: {  	v6 =	vld [tilespmem:s19+$0x6000];
	v5 =	vperm.xlane v8, v0  }
0x13b: {  	v7 =	vld [tilespmem:s19+$0x6080];
	v4 =	vperm.xlane v9, v0;
	(xrf1) =	vsort.ascd.msk.f32 $0xffff, v2, v2;
	v2, _, _ =	vpop (xrf1)  }
0x13c: {  	(xrf1) =	vsort.ascd.msk.f32 $0xffff, v3, v3;
	v2 =	vmin.f32 v2, v5;
	v3, _, _ =	vpop (xrf1);
	v5 =	vld [tilespmem:s19+$0x6100]  }
0x13d: {  	v3 =	vmin.f32 v3, v4;
	(xrf1) =	vsort.ascd.msk.f32 $0xffff, v2, v2  }
0x13e: {  	v2 =	vld [tilespmem:s19+$0x6180];
	(xrf1) =	vsort.ascd.msk.f32 $0xffff, v3, v3  }
0x13f: {  	v3 =	vld [tilespmem:s19+$0x6200];
	(xrf1) =	vsort.ascd.msk.f32 $0xffff, v6, v6  }
0x140: {  	v4 =	vld [tilespmem:s19+$0x6280];
	(xrf1) =	vsort.ascd.msk.f32 $0xffff, v7, v7  }
0x141: {  	v8 =	vld [tilespmem:s19+$0x6300];
	(xrf1) =	vsort.ascd.msk.f32 $0xffff, v5, v5  }
0x142: {  	v7 =	vld [tilespmem:s19+$0x6380]  }
0x143: {  	(xrf1) =	vsort.ascd.msk.f32 $0xffff, v2, v2  }
0x144: {  	(xrf1) =	vsort.ascd.msk.f32 $0xffff, v3, v3  }
0x145: {  	v9 =	vld [tilespmem:s18+$0x6000];
	v6, _, _ =	vpop (xrf1);
	(xrf1) =	vsort.ascd.msk.f32 $0xffff, v4, v4  }
0x146: {  	v2, _, _ =	vpop (xrf1);
	(xrf1) =	vsort.ascd.msk.f32 $0xffff, v8, v8;
	v8 =	vld [tilespmem:s18+$0x6080]  }
0x147: {  	v10 =	vld [tilespmem:s18+$0x6100];
	v3, _, _ =	vpop (xrf1);
	(xrf1) =	vsort.ascd.msk.f32 $0xffff, v7, v7  }
0x148: {  	v11 =	vld [tilespmem:s18+$0x6180];
	v4, _, _ =	vpop (xrf1)  }
0x149: {  	v12 =	vld [tilespmem:s18+$0x6200];
	v5, _, _ =	vpop (xrf1)  }
0x14a: {  	v13 =	vld [tilespmem:s18+$0x6280];
	(xrf1) =	vsort.ascd.msk.f32 $0xffff, v9, v9;
	v7, _, _ =	vpop (xrf1)  }
0x14b: {  	v14 =	vld [tilespmem:s18+$0x6300];
	(xrf1) =	vsort.ascd.msk.f32 $0xffff, v8, v8;
	v8, _, _ =	vpop (xrf1)  }
0x14c: {  	v15 =	vld [tilespmem:s18+$0x6380];
	(xrf1) =	vsort.ascd.msk.f32 $0xffff, v10, v10;
	v9, _, _ =	vpop (xrf1)  }
0x14d: {  	(xrf1) =	vsort.ascd.msk.f32 $0xffff, v11, v11;
	v10, _, _ =	vpop (xrf1)  }
0x14e: {  	(xrf1) =	vsort.ascd.msk.f32 $0xffff, v12, v12;
	v11, _, _ =	vpop (xrf1);
	v10 =	vperm.xlane v10, v0  }
0x14f: {  	(xrf1) =	vsort.ascd.msk.f32 $0xffff, v13, v13;
	v12, _, _ =	vpop (xrf1);
	v11 =	vperm.xlane v11, v0  }
0x150: {  	(xrf1) =	vsort.ascd.msk.f32 $0xffff, v14, v14;
	v10 =	vmin.f32 v1, v10;
	v12 =	vperm.xlane v12, v0  }
0x151: {  	v13, _, _ =	vpop (xrf1);
	(xrf1) =	vsort.ascd.msk.f32 $0xffff, v15, v15;
	v11 =	vmin.f32 v1, v11  }
0x152: {  	s18 =	simm.s32 $0x100;
	v14, _, _ =	vpop (xrf1);
	v13 =	vperm.xlane v13, v0;
	(xrf1) =	vsort.ascd.msk.f32 $0xffff, v10, v10;
	v12 =	vmin.f32 v1, v12  }
0x153: {  	s31 =	sand.u32 $0x1C00, s18;
	v14 =	vperm.xlane v14, v0;
	(xrf1) =	vsort.ascd.msk.f32 $0xffff, v11, v11;
	v10, _, _ =	vpop (xrf1)  }
0x154: {  	s19 =	sor.u32 s20, s31;
	v13 =	vmin.f32 v1, v13;
	(xrf1) =	vsort.ascd.msk.f32 $0xffff, v12, v12;
	v11, _, _ =	vpop (xrf1);
	v10 =	vperm.xlane v10, v0  }
0x155: {  	v15 =	vld [tilespmem:s19+$0x6000];
	v14 =	vmin.f32 v1, v14;
	(xrf1) =	vsort.ascd.msk.f32 $0xffff, v13, v13;
	v12, _, _ =	vpop (xrf1);
	v11 =	vperm.xlane v11, v0  }
0x156: {  	v13 =	vld [tilespmem:s19+$0x6080];
	(xrf1) =	vsort.ascd.msk.f32 $0xffff, v14, v14;
	v10 =	vmin.f32 v1, v10;
	v12 =	vperm.xlane v12, v0  }
0x157: {  	v16 =	vld [tilespmem:s19+$0x6100];
	v11 =	vmin.f32 v1, v11;
	(xrf1) =	vsort.ascd.msk.f32 $0xffff, v10, v10  }
0x158: {  	v17, _, _ =	vpop (xrf1);
	v10 =	vld [tilespmem:s19+$0x6180];
	v1 =	vmin.f32 v1, v12;
	(xrf1) =	vsort.ascd.msk.f32 $0xffff, v11, v11  }
0x159: {  	v18 =	vld [tilespmem:s19+$0x6200];
	v19, _, _ =	vpop (xrf1);
	(xrf1) =	vsort.ascd.msk.f32 $0xffff, v1, v1  }
0x15a: {  	v1 =	vld [tilespmem:s19+$0x6280];
	v14, _, _ =	vpop (xrf1);
	(xrf1) =	vsort.ascd.msk.f32 $0xffff, v15, v15  }
0x15b: {  	v20 =	vld [tilespmem:s19+$0x6300];
	(xrf1) =	vsort.ascd.msk.f32 $0xffff, v13, v13;
	v13, _, _ =	vpop (xrf1)  }
0x15c: {  	v15 =	vld [tilespmem:s19+$0x6380];
	(xrf1) =	vsort.ascd.msk.f32 $0xffff, v16, v16;
	v12, _, _ =	vpop (xrf1)  }
0x15d: {  	(xrf1) =	vsort.ascd.msk.f32 $0xffff, v10, v10;
	v11, _, _ =	vpop (xrf1)  }
0x15e: {  	(xrf1) =	vsort.ascd.msk.f32 $0xffff, v18, v18;
	v10, _, _ =	vpop (xrf1)  }
0x15f: {  	v16 =	vperm.xlane v17, v0;
	(xrf1) =	vsort.ascd.msk.f32 $0xffff, v1, v1;
	v1, _, _ =	vpop (xrf1)  }
0x160: {  	s19 =	simm.s32 $0x30;
	v17 =	vperm.xlane v19, v0;
	(xrf1) =	vsort.ascd.msk.f32 $0xffff, v20, v20;
	v18, _, _ =	vpop (xrf1)  }
.LBB2_9:
0x161: {  	p1 =	sne.s32 s19, $0x3F0;
	(xrf1) =	vsort.ascd.msk.f32 $0xffff, v15, v15;
	v18 =	vmin.f32 v18, v16;
	v19 =	vperm.xlane v14, v0;
	v16, _, _ =	vpop (xrf1)  }
0x162: {  	s18 =	sadd.s32 $0x80, s18;
	v20 =	vperm.xlane v13, v0;
	v16 =	vmin.f32 v16, v17;
	(xrf1) =	vsort.ascd.msk.f32 $0xffff, v18, v18;
	v15, _, _ =	vpop (xrf1)  }
0x163: {  	s20 =	sand.u32 $0x70, s19;
	s21 =	sand.u32 $0x1C00, s18;
	v18 =	vperm.xlane v12, v0;
	v17 =	vmin.f32 v15, v19;
	(xrf1) =	vsort.ascd.msk.f32 $0xffff, v16, v16;
	v15, _, _ =	vpop (xrf1)  }
0x164: {  	s20 =	sor.u32 s20, s21;
	v19 =	vperm.xlane v11, v0;
	v16 =	vmin.f32 v15, v20;
	(xrf1) =	vsort.ascd.msk.f32 $0xffff, v17, v17;
	v14, _, _ =	vpop (xrf1)  }
0x165: {  	v10 =	vperm.xlane v10, v0;
	v15 =	vld [tilespmem:s20+$0x6000];
	v14 =	vmin.f32 v14, v18;
	(xrf1) =	vsort.ascd.msk.f32 $0xffff, v16, v16;
	v13, _, _ =	vpop (xrf1)  }
0x166: {  	v1 =	vperm.xlane v1, v0;
	v16 =	vld [tilespmem:s20+$0x6080];
	v13 =	vmin.f32 v13, v19;
	(xrf1) =	vsort.ascd.msk.f32 $0xffff, v14, v14;
	v12, _, _ =	vpop (xrf1)  }
0x167: {  	v17 =	vld [tilespmem:s20+$0x6100];
	v10 =	vmin.f32 v12, v10;
	(xrf1) =	vsort.ascd.msk.f32 $0xffff, v13, v13;
	v11, _, _ =	vpop (xrf1)  }
0x168: {  	v18 =	vld [tilespmem:s20+$0x6180];
	v19, _, _ =	vpop (xrf1);
	v1 =	vmin.f32 v11, v1;
	(xrf1) =	vsort.ascd.msk.f32 $0xffff, v10, v10  }
0x169: {  	v10 =	vld [tilespmem:s20+$0x6200];
	v20, _, _ =	vpop (xrf1);
	(xrf1) =	vsort.ascd.msk.f32 $0xffff, v1, v1  }
0x16a: {  	v1 =	vld [tilespmem:s20+$0x6280];
	(xrf1) =	vsort.ascd.msk.f32 $0xffff, v15, v15;
	v14, _, _ =	vpop (xrf1)  }
0x16b: {  	v21 =	vld [tilespmem:s20+$0x6300];
	(xrf1) =	vsort.ascd.msk.f32 $0xffff, v16, v16;
	v13, _, _ =	vpop (xrf1)  }
.Ltmp5:
0x16c: {  	v15 =	vld [tilespmem:s20+$0x6380];
	(xrf1) =	vsort.ascd.msk.f32 $0xffff, v17, v17;
	v12, _, _ =	vpop (xrf1);
	(pc) =	sbr.rel @p1 .LBB2_9-.Ltmp5, $4  }
0x16d: {  	(xrf1) =	vsort.ascd.msk.f32 $0xffff, v18, v18;
	v11, _, _ =	vpop (xrf1)  }
0x16e: {  	(xrf1) =	vsort.ascd.msk.f32 $0xffff, v10, v10;
	v10, _, _ =	vpop (xrf1)  }
0x16f: {  	v16 =	vperm.xlane v19, v0;
	(xrf1) =	vsort.ascd.msk.f32 $0xffff, v1, v1;
	v1, _, _ =	vpop (xrf1)  }
0x170: {  	s19 =	sadd.s32 $0x10, s19;
	v17 =	vperm.xlane v20, v0;
	(xrf1) =	vsort.ascd.msk.f32 $0xffff, v21, v21;
	v18, _, _ =	vpop (xrf1)  }
0x171: {  	(xrf1) =	vsort.ascd.msk.f32 $0xffff, v15, v15;
	v60 =	vmin.f32 v18, v16;
	v61, _, _ =	vpop (xrf1)  }
0x172: {  	v16 =	vmin.f32 v61, v17;
	(xrf1) =	vsort.ascd.msk.f32 $0xffff, v60, v60;
	v62, _, _ =	vpop (xrf1)  }
0x173: {  	v14 =	vperm.xlane v14, v0;
	(xrf1) =	vsort.ascd.msk.f32 $0xffff, v16, v16;
	v63, _, _ =	vpop (xrf1)  }
0x174: {  	v13 =	vperm.xlane v13, v0;
	v18, _, _ =	vpop (xrf1)  }
0x175: {  	v14 =	vmin.f32 v62, v14;
	v19, _, _ =	vpop (xrf1)  }
0x176: {  	v13 =	vmin.f32 v63, v13;
	(xrf1) =	vsort.ascd.msk.f32 $0xffff, v14, v14;
	v20, _, _ =	vpop (xrf1)  }
0x177: {  	v12 =	vperm.xlane v12, v0;
	(xrf1) =	vsort.ascd.msk.f32 $0xffff, v13, v13;
	v21, _, _ =	vpop (xrf1)  }
0x178: {  	v11 =	vperm.xlane v11, v0;
	v22, _, _ =	vpop (xrf1)  }
0x179: {  	v12 =	vmin.f32 v18, v12;
	v23, _, _ =	vpop (xrf1)  }
0x17a: {  	(xrf1) =	vsort.ascd.msk.f32 $0xffff, v12, v12;
	v11 =	vmin.f32 v19, v11;
	v24, _, _ =	vpop (xrf1)  }
0x17b: {  	v10 =	vperm.xlane v10, v0;
	(xrf1) =	vsort.ascd.msk.f32 $0xffff, v11, v11;
	v25, _, _ =	vpop (xrf1)  }
0x17c: {  	v26, _, _ =	vpop (xrf1)  }
0x17d: {  	v1 =	vperm.xlane v1, v0;
	v10 =	vmin.f32 v20, v10;
	v27, _, _ =	vpop (xrf1)  }
0x17e: {  	(xrf1) =	vsort.ascd.msk.f32 $0xffff, v10, v10;
	v28, _, _ =	vpop (xrf1)  }
0x17f: {  	v1 =	vmin.f32 v21, v1;
	v29, _, _ =	vpop (xrf1)  }
0x180: {  	(xrf1) =	vsort.ascd.msk.f32 $0xffff, v1, v1;
	v1 =	vperm.xlane v23, v0;
	v30, _, _ =	vpop (xrf1)  }
0x181: {  	(xrf0) =	vmax.scan.msk.f32 $0xffff, v6;
	v11 =	vperm.xlane v22, v0;
	v32, _, _ =	vpop (xrf1)  }
0x182: {  	(xrf0) =	vmax.scan.msk.f32 $0xffff, v2;
	v1 =	vmin.f32 v32, v1  }
0x183: {  	(xrf0) =	vmax.scan.msk.f32 $0xffff, v3;
	v11 =	vmin.f32 v30, v11  }
0x184: {  	v33 =	vperm.xlane v25, v0;
	(xrf1) =	vsort.ascd.msk.f32 $0xffff, v11, v11;
	v34, _, _ =	vpop (xrf1)  }
0x185: {  	v31 =	vperm.xlane v24, v0;
	(xrf1) =	vsort.ascd.msk.f32 $0xffff, v1, v1;
	v1, _, _ =	vpop (xrf1)  }
0x186: {  	(xrf0) =	vmax.scan.msk.f32 $0xffff, v4;
	v1 =	vmin.f32 v1, v33  }
0x187: {  	(xrf0) =	vmax.scan.msk.f32 $0xffff, v5;
	v35 =	vperm.xlane v26, v0;
	v11 =	vmin.f32 v34, v31  }
0x188: {  	v12 =	vperm.xlane v27, v0;
	(xrf1) =	vsort.ascd.msk.f32 $0xffff, v11, v11;
	v36, _, _ =	vpop (xrf1)  }
0x189: {  	v11 =	vmin.f32 v36, v35;
	(xrf1) =	vsort.ascd.msk.f32 $0xffff, v1, v1;
	v1, _, _ =	vpop (xrf1)  }
0x18a: {  	(xrf1) =	vsort.ascd.msk.f32 $0xffff, v11, v11;
	v1 =	vmin.f32 v1, v12  }
0x18b: {  	v42, _, _ =	vpop (xrf0);
	(xrf1) =	vsort.ascd.msk.f32 $0xffff, v1, v1;
	v1 =	vperm.xlane v28, v0  }
0x18c: {  	(xrf0) =	vmax.scan.msk.f32 $0xffff, v7;
	v37, _, _ =	vpop (xrf1)  }
0x18d: {  	v44, _, _ =	vpop (xrf0);
	(xrf0) =	vmax.scan.msk.f32 $0xffff, v8;
	v1 =	vmin.f32 v37, v1  }
0x18e: {  	v45, _, _ =	vpop (xrf0);
	v38 =	vperm.xlane v29, v0;
	(xrf1) =	vsort.ascd.msk.f32 $0xffff, v1, v1  }
0x18f: {  	(xrf0) =	vmax.scan.msk.f32 $0xffff, v9;
	v39, _, _ =	vpop (xrf1)  }
0x190: {  	v46, _, _ =	vpop (xrf0);
	v1 =	vmin.f32 v39, v38  }
0x191: {  	v48, _, _ =	vpop (xrf0);
	(xrf1) =	vsort.ascd.msk.f32 $0xffff, v1, v1  }
0x192: {  	v50, _, _ =	vpop (xrf0)  }
0x193: {  	v1, _, _ =	vpop (xrf1)  }
0x194: {  	v53, _, _ =	vpop (xrf0);
	(xrf0) =	vmax.scan.msk.f32 $0xffff, v1  }
0x195: {  	v54, _, _ =	vpop (xrf0)  }
0x196: {  	v40, _, _ =	vpop (xrf1)  }
0x197: {  	v47 =	vbroadcast v44, $0xF;
	v1 =	vbroadcast v42, $0xF;
	v2, _, _ =	vpop (xrf1);
	(xrf0) =	vmax.scan.msk.f32 $0xffff, v40  }
0x198: {  	v49 =	vbroadcast v45, $0xF;
	(xrf0) =	vmax.scan.msk.f32 $0xffff, v2;
	v3, _, _ =	vpop (xrf1)  }
0x199: {  	v51 =	vbroadcast v46, $0xF;
	v1 =	vsel vm0, v1, v47;
	v41, _, _ =	vpop (xrf1)  }
0x19a: {  	v52 =	vbroadcast v48, $0xF;
	v1 =	vsel vm2, v1, v49;
	(xrf0) =	vmax.scan.msk.f32 $0xffff, v3;
	v56, _, _ =	vpop (xrf0)  }
0x19b: {  	v1 =	vsel vm1, v1, v51;
	v3 =	vbroadcast v50, $0xF;
	(xrf0) =	vmax.scan.msk.f32 $0xffff, v41;
	v43, _, _ =	vpop (xrf1)  }
0x19c: {  	v55 =	vbroadcast v53, $0xF;
	v1 =	vsel vm3, v1, v52;
	(xrf0) =	vmax.scan.msk.f32 $0xffff, v43;
	v2, _, _ =	vpop (xrf1)  }
0x19d: {  	v1 =	vsel vm4, v1, v3;
	v3 =	vbroadcast v54, $0xF;
	v57, _, _ =	vpop (xrf0);
	(xrf0) =	vmax.scan.msk.f32 $0xffff, v2  }
0x19e: {  	v1 =	vsel vm5, v1, v55;
	v58 =	vbroadcast v56, $0xF;
	v2, _, _ =	vpop (xrf0)  }
0x19f: {  	v1 =	vsel vm6, v1, v3;
	v3 =	vbroadcast v57, $0xF;
	v59, _, _ =	vpop (xrf1)  }
0x1a0: {  	v1 =	vsel vm8, v1, v58;
	v2 =	vbroadcast v2, $0xF;
	v60, _, _ =	vpop (xrf0)  }
0x1a1: {  	v1 =	vsel vm7, v1, v3;
	v61, _, _ =	vpop (xrf0);
	v3 =	vbroadcast v60, $0xF  }
0x1a2: {  	(xrf0) =	vmax.scan.msk.f32 $0xffff, v59;
	v62, _, _ =	vpop (xrf0);
	v1 =	vsel vm9, v1, v2;
	v2 =	vbroadcast v61, $0xF  }
0x1a3: {  	v1 =	vsel vm10, v1, v3;
	v63, _, _ =	vpop (xrf0)  }
0x1a4: {  	v1 =	vsel vm11, v1, v2;
	v2 =	vbroadcast v63, $0xF  }
0x1a5: {  	v3 =	vbroadcast v62, $0xF  }
.Ltmp6:
0x1a6: {  	_ = 	snop;
	(pc) =	sbr.rel @p0 .LBB2_12-.Ltmp6, $4  }
0x1a7: {  	v1 =	vsel vm12, v1, v3  }
0x1a8: {  	v1 =	vsel vm13, v1, v2;
	v2, _, _ =	vpop (xrf0)  }
0x1a9: {  	v1 =	vsel vm14, v1, v2  }
0x1aa: {  	[tilespmem:s17+$0x8010] =	vst v1  }
.Ltmp7:
0x1ab: {  	(pc) =	sbr.rel .LBB2_2-.Ltmp7, $3  }
0x1ac: {  	_ =	sdelay $0x1  }
0x1ad: {  	s16 =	sadd.s32 s16, s6;
	s15 =	sadd.s32 $0x1, s15  }
0x1ae: {  	[tilespmem:s9], [sflag:$0x2] =	stream.linear.gather [hbm4b:s16+s2], $0x4000, $0x38;
	[tilespmem:$0x8100] =	vst v63  }
.LBB2_13:
0x1af: {  	_ =	sfence.sel $0x180000  }
0x1b0: {  	[bflag:$0x0] =	sbarrier.arrive $0xFFFF  }
0x1b1: {  	p0 =	sne.s32 s0, $0x0;
	_ =	strace $0x9000004A  }
0x1b2: {  	s0 =	sadd.s32 @!p0 $0x100000, s1;
	[bflag:$0x2] =	sbarrier.arrive $0xFFFF  }
0x1b3: {  	[sflag:s0] =	ssyncadd.tile.s32 @!p0 $0x1;
	_ =	shalt  }
.Lfunc_end2:
_tile_overlayer_lowered:
.L_overlay_start_2:
0x1b4: {  	(tag) =	ssettag $0x2  }
0x1b5: {  	s0 =	rddreg [dreg:$0x0];
	s2 =	stileid.u32  }
0x1b6: {  	s1 =	rddreg [dreg:$0x1];
	p0 =	sne.s32 s2, $0x0  }
0x1b7: {  	s3 =	rddreg [dreg:$0x2];
	[bflag:$0x3] =	sbarrier.arrive $0xFFFF;
	s2 =	simm.s32 @!p0 $0x1C03  }
0x1b8: {  	[timem:s3], [sflag:s2] =	dma.local @!p0 [hbm:s0], s1  }
0x1b9: {  	s0 =	simm.s32 @!p0 $0x3  }
0x1ba: {  	_ =	swait.ge @!p0 [sflag:s0], s1  }
0x1bb: {  	s1 =	ssub.s32 @!p0 $0x0, s1;
	[sflag:s0] =	ssyncset.done @!p0 $0x0  }
0x1bc: {  	[sflag:s0] =	ssyncadd.s32 @!p0 s1  }
0x1bd: {  	[bflag:$0x3] =	sbarrier.arrive $0xFFFF  }
0x1be: {  	_ =	shalt  }

// kernel: kernel.7.cloned.1.call-start
scs
__scs_entry_jumppad:
0x0: {  	(pc) =	sbr.rel $0x88, $3  }
0x1: {  	(tag) =	ssettag $0x0;
	lr =	simm.s32 $0x1  }
0x2: {  	[smem:$0x3F93] =	sst lr;
	_ =	strace $0xD0000000  }
0x3: {  	_ = 	snop  }
0x4: {  	_ = 	snop  }
0x5: {  	_ = 	snop  }
0x6: {  	_ = 	snop  }
0x7: {  	_ = 	snop  }
__scs_overlays_trampoline_lowered:
0x8: {  	[smem:$0x3FA2] =	sst s0  }
0x9: {  	[smem:$0x3FA3] =	sst s1  }
0xa: {  	[smem:$0x3FA4] =	sst s2  }
0xb: {  	[smem:$0x3FA5] =	sst s3  }
0xc: {  	[smem:$0x3FA6] =	sst s4  }
0xd: {  	[smem:$0x3FA7] =	sst s5  }
0xe: {  	[smem:$0x3FA8] =	sst s6  }
0xf: {  	[smem:$0x3FA9] =	sst s7  }
0x10: {  	[smem:$0x3FAA] =	sst s8  }
0x11: {  	[smem:$0x3FAB] =	sst s9;
	s0 =	simm.s32 @!p0 $0x0  }
0x12: {  	s1 =	sld [smem:$0x3F91];
	s0 =	simm.s32 @p0 $0x1  }
0x13: {  	[smem:$0x3FAC] =	sst s0;
	s0 =	simm.s32 @!p1 $0x0  }
0x14: {  	s2 =	sld [smem:$0x3F90];
	s0 =	simm.s32 @p1 $0x1  }
0x15: {  	[smem:$0x3FAD] =	sst s0;
	s0 =	simm.s32 @!p2 $0x0  }
0x16: {  	s3 =	sld [smem:$0x3FDB];
	s0 =	simm.s32 @p2 $0x1  }
0x17: {  	s4 =	simm.s32 $0x1BF5;
	[smem:$0x3FAF] =	sst s0  }
0x18: {  	s0 =	sld [smem:$0x3F92];
	_ =	swait.ge [sflag:s4], $0x0  }
0x19: {  	s7 =	sld [smem:$0x3F93]  }
0x1a: {  	s8 =	sadd.s32 $0xFFFFE003, lr  }
0x1b: {  	s9 =	sadd.s32 $0xFFFFFEF7, lr;
	s5 =	simm.s32 $0xFFFFFFFF;
	p2 =	slt.u32 s8, $0xFFFFF086  }
0x1c: {  	p1 =	slt.u32 s9, $0xF7A;
	s5 =	simm.s32 @!p2 $0x0  }
0x1d: {  	s5 =	simm.s32 @p1 $0x1;
	p0 =	seq.s32 s7, s2  }
0x1e: {  	s7 =	smul.u32 @!p0 $0xF7A, s2;
	p2 =	seq.s32 @!p0 s5, $0x0  }
0x1f: {  	s9 =	smul.u32 $0xF7A, s1;
	s8 =	simm.s32 @!p0 $0x1BF5;
	p2 =	por !p2, p0  }
0x20: {  	[sflag:s8] =	ssyncset.s32 @!p0 $0xFFFFF086;
	s6 =	sadd.s32 @!p0 s3, s7;
	s7 =	simm.s32 @!p0 $0x108  }
0x21: {  	s3 =	sadd.s32 s3, s9;
	s6 =	sadd.s32 @!p0 $0x88, s6;
	s7 =	simm.s32 @p2 $0x1082  }
0x22: {  	[simem:s7], [sflag:s8] =	dma.local @!p0 [hbm:s6], $0xF7A  }
0x23: {  	s9 =	sor.u32 $0xD0000000, s2;
	s6 =	simm.s32 $0x108;
	_ =	swait.ge @!p0 [sflag:s8], $0x0  }
0x24: {  	s3 =	sadd.s32 $0x88, s3;
	s6 =	simm.s32 @!p1 $0x1082;
	[sflag:s4] =	ssyncset.s32 $0xFFFFF086  }
0x25: {  	[simem:s6], [sflag:s4] =	dma.local [hbm:s3], $0xF7A  }
0x26: {  	[smem:$0x3F93] =	sst s1;
	(tag) =	ssettag s2;
	_ =	strace s9  }
0x27: {  	s1 =	sld [smem:$0x3FA3]  }
0x28: {  	s2 =	sld [smem:$0x3FA4]  }
0x29: {  	s4 =	sld [smem:$0x3FA6]  }
0x2a: {  	p0 =	seq.s32 s5, $0x0;
	s5 =	sld [smem:$0x3FA7]  }
0x2b: {  	s6 =	sld [smem:$0x3FA8]  }
0x2c: {  	s7 =	sld [smem:$0x3FA9]  }
0x2d: {  	s3 =	simm.s32 $0x108;
	s8 =	sld [smem:$0x3FAA]  }
0x2e: {  	s3 =	simm.s32 @!p0 $0x1082;
	s9 =	sld [smem:$0x3FAB]  }
0x2f: {  	lr =	sadd.s32 s0, s3;
	s0 =	sld [smem:$0x3FA2]  }
0x30: {  	s3 =	sld [smem:$0x3FA5]  }
0x31: {  	[smem:$0x3FAE] =	sst s10  }
0x32: {  	s10 =	sld [smem:$0x3FAC];
	_ =	sdelay $0x3  }
0x33: {  	p0 =	seq.s32 s10, $0x1;
	s10 =	sld [smem:$0x3FAE];
	_ =	sdelay $0x3  }
0x34: {  	[smem:$0x3FAE] =	sst s10  }
0x35: {  	s10 =	sld [smem:$0x3FAD];
	_ =	sdelay $0x3  }
0x36: {  	p1 =	seq.s32 s10, $0x1;
	s10 =	sld [smem:$0x3FAE];
	_ =	sdelay $0x3  }
0x37: {  	[smem:$0x3FAE] =	sst s10  }
0x38: {  	s10 =	sld [smem:$0x3FAF]  }
0x39: {  	_ = 	snop;
	(pc) =	sbr.ind lr, $3  }
0x3a: {  	_ = 	snop  }
0x3b: {  	_ = 	snop  }
0x3c: {  	p2 =	seq.s32 s10, $0x1;
	s10 =	sld [smem:$0x3FAE]  }
0x3d: {  	_ =	shalt  }
0x3e: {  	_ =	shalt  }
0x3f: {  	_ =	shalt  }
0x40: {  	_ =	shalt  }
0x41: {  	_ =	shalt  }
0x42: {  	_ =	shalt  }
0x43: {  	_ =	shalt  }
0x44: {  	_ =	shalt  }
0x45: {  	_ =	shalt  }
0x46: {  	_ =	shalt  }
0x47: {  	_ =	shalt  }
0x48: {  	_ =	shalt  }
0x49: {  	_ =	shalt  }
0x4a: {  	_ =	shalt  }
0x4b: {  	_ =	shalt  }
0x4c: {  	_ =	shalt  }
0x4d: {  	_ =	shalt  }
0x4e: {  	_ =	shalt  }
0x4f: {  	_ =	shalt  }
0x50: {  	_ =	shalt  }
0x51: {  	_ =	shalt  }
0x52: {  	_ =	shalt  }
0x53: {  	_ =	shalt  }
0x54: {  	_ =	shalt  }
0x55: {  	_ =	shalt  }
0x56: {  	_ =	shalt  }
0x57: {  	_ =	shalt  }
0x58: {  	_ =	shalt  }
0x59: {  	_ =	shalt  }
0x5a: {  	_ =	shalt  }
0x5b: {  	_ =	shalt  }
0x5c: {  	_ =	shalt  }
0x5d: {  	_ =	shalt  }
0x5e: {  	_ =	shalt  }
0x5f: {  	_ =	shalt  }
0x60: {  	_ =	shalt  }
0x61: {  	_ =	shalt  }
0x62: {  	_ =	shalt  }
0x63: {  	_ =	shalt  }
0x64: {  	_ =	shalt  }
0x65: {  	_ =	shalt  }
0x66: {  	_ =	shalt  }
0x67: {  	_ =	shalt  }
0x68: {  	_ =	shalt  }
0x69: {  	_ =	shalt  }
0x6a: {  	_ =	shalt  }
0x6b: {  	_ =	shalt  }
0x6c: {  	_ =	shalt  }
0x6d: {  	_ =	shalt  }
0x6e: {  	_ =	shalt  }
0x6f: {  	_ =	shalt  }
0x70: {  	_ =	shalt  }
0x71: {  	_ =	shalt  }
0x72: {  	_ =	shalt  }
0x73: {  	_ =	shalt  }
0x74: {  	_ =	shalt  }
0x75: {  	_ =	shalt  }
0x76: {  	_ =	shalt  }
0x77: {  	_ =	shalt  }
0x78: {  	_ =	shalt  }
0x79: {  	_ =	shalt  }
0x7a: {  	_ =	shalt  }
0x7b: {  	_ =	shalt  }
0x7c: {  	_ =	shalt  }
0x7d: {  	_ =	shalt  }
0x7e: {  	_ =	shalt  }
0x7f: {  	_ =	shalt  }
0x80: {  	_ =	shalt  }
0x81: {  	_ =	shalt  }
0x82: {  	_ =	shalt  }
0x83: {  	_ =	shalt  }
0x84: {  	_ =	shalt  }
0x85: {  	_ =	shalt  }
0x86: {  	_ =	shalt  }
0x87: {  	_ =	shalt  }
.Lfunc_end0:
.L_simem_size_0:
called_computation_lowered:
.L_overlay_start_0:
0x88: {  	s2 =	sld [smem:$0x3FD9]  }
0x89: {  	s3 =	sld [smem:$0x3FFE];
	_ =	sdelay $0x1  }
0x8a: {  	s1 =	srdreg.scid  }
0x8b: {  	s0 =	sand.u32 $0x1, s1  }
0x8c: {  	s16 =	sshll.u32 s0, $0xA;
	s2 =	sadd.s32 s3, s2  }
0x8d: {  	s2 =	sadd.s32 s2, s16  }
0x8e: {  	[smem:$0x3FBA] =	sst s2  }
0x8f: {  	_ = 	snop  }
0x90: {  	(tm) =	ssettm $0x1  }
0x91: {  	s17 =	sld [smem:$0x3FFB];
	_ =	sdelay $0x3  }
0x92: {  	_ =	strace s17  }
0x93: {  	s2 =	sld [smem:$0x3FFC];
	_ =	sdelay $0x3  }
0x94: {  	_ =	strace s2  }
0x95: {  	s2 =	sld [smem:$0x3FFD];
	_ =	sdelay $0x3  }
0x96: {  	_ =	strace s2  }
0x97: {  	_ =	strace $0x8FFFFFFF  }
0x98: {  	s18 =	sld [smem:$0x3FDB];
	_ =	sdelay $0x1  }
0x99: {  	s19 =	simm.s32 $_scs_section_size  }
0x9a: {  	s4 =	simm.s32 $_size__tile_overlayer_lowered;
	s5 =	simm.s32 $_tile_overlayer_lowered  }
0x9b: {  	s22 =	simm.s32 $0x1BFF;
	s21 =	sshll.u32 s5, $0x1;
	s2 =	sadd.s32 s19, s18  }
0x9c: {  	s6 =	simm.s32 $0x0;
	s20 =	sshll.u32 s4, $0x1;
	s4 =	sadd.s32 s21, s2  }
0x9d: {  	[timem:s6], [sflag:s22] =	dma.local [hbm:s4], s20  }
0x9e: {  	_ =	swait.ge [sflag:s22], s20  }
0x9f: {  	s3 =	ssub.s32 $0x0, s20;
	[sflag:s22] =	ssyncset.done $0x0  }
0xa0: {  	[sflag:s22] =	ssyncadd.s32 s3;
	_ =	sdelay $0x1  }
0xa1: {  	s23 =	simm.s32 $0x1B8B  }
0xa2: {  	_ =	swait.ge [sflag:s23], $0x1  }
0xa3: {  	[sflag:s23] =	ssyncset.done $0x0  }
0xa4: {  	s25 =	simm.s32 $0x1B8E;
	s24 =	sld [smem:$0x3FFE];
	[sflag:s23] =	ssyncadd.s32 $0xFFFFFFFF  }
0xa5: {  	s26 =	simm.s32 $execute0_lowered;
	[smem:$0x3FD2] =	sst s25  }
0xa6: {  	s4 =	sshll.u32 s26, $0x1;
	_ =	strace $0x80000046;
	[dreg:$0x1] =	wrdreg $0xFFFFFFFF  }
0xa7: {  	s28 =	simm.s32 $_size_execute0_lowered;
	s2 =	sadd.s32 s2, s4;
	[dreg:$0x0] =	wrdreg $0x0  }
0xa8: {  	s4 =	sshll.u32 s28, $0x1;
	[dreg:$0x2] =	wrdreg s2  }
0xa9: {  	[dreg:$0x3] =	wrdreg s4  }
0xaa: {  	[dreg:$0x4] =	wrdreg $0xC0  }
0xab: {  	_ =	task [dreg:s6], $0x5FFFF  }
0xac: {  	[dreg:$0x1] =	wrdreg $0xFFFFFFFF  }
0xad: {  	[dreg:$0x0] =	wrdreg $0x60  }
0xae: {  	[dreg:$0x2] =	wrdreg s24  }
0xaf: {  	[dreg:$0x3] =	wrdreg $0x9  }
0xb0: {  	_ =	task.clear_ibuf [dreg:s6], $0x4FFFF;
	_ =	strace $0x90000046  }
0xb1: {  	s29 =	simm.s32 $0x9;
	_ =	strace $0x80000048  }
0xb2: {  	_ =	swait.ge [sflag:s29], $0x1  }
0xb3: {  	[sflag:s29] =	ssyncadd.s32 $0xFFFFFFFF  }
0xb4: {  	_ =	strace $0x90000048  }
0xb5: {  	_ =	sfence  }
0xb6: {  	s30 =	sld [smem:$0x0];
	_ =	sdelay $0x2  }
0xb7: {  	s31 =	sshll.u32 s1, $0xD;
	s1 =	sshrl.u32 s1, $0x2  }
0xb8: {  	s3 =	sand.u32 $0x4000, s31;
	s1 =	sadd.s32 s1, s30  }
0xb9: {  	s0 =	sor.u32 s3, s0;
	s1 =	sshll.u32 s1, $0x11  }
0xba: {  	s0 =	sor.u32 s1, s0  }
0xbb: {  	s0 =	sadd.s32 $0x8F2B, s0  }
0xbc: {  	[sflag:s0] =	ssyncadd.remote.s32 $0x1  }
0xbd: {  	_ =	sfence.sel $0xFFFF  }
0xbe: {  	[dreg:$0x0] =	wrdreg $0xFFFFFFFF;
	(pc) =	sbr.abs _section_cstart, $3  }
0xbf: {  	[dreg:$0x1] =	wrdreg $0xFFFFFFFF  }
0xc0: {  	_ =	task.clear_ibuf [dreg:s6], $0x2FFFF;
	_ =	strace $0x9FFFFFFF  }
0xc1: {  	(tm) =	ssettm $0x7FFFFFFF  }
tec
execute0_lowered:
.L_overlay_start_1:
0x0: {  	(tag) =	ssettag $0x1  }
0x1: {  	s3 =	rddreg [dreg:$0x0]  }
0x2: {  	s0 =	rddreg [dreg:$0x1];
	s4 =	srdreg.scid;
	s2 =	simm.s32 $0x0  }
0x3: {  	s1 =	stileid.u32;
	s10 =	simm.s32 $0x1;
	s11 =	simm.s32 $0x2  }
0x4: {  	s12 =	simm.s32 $0x8000;
	s13 =	simm.s32 $0x3;
	s4 =	sand.u32 $0x1, s4  }
0x5: {  	[smem:$0x7FF] =	sst s2;
	s5 =	sshll.u32 s1, $0x9;
	s6 =	sshll.u32 s4, $0x8  }
0x6: {  	v0 =	vlaneseq.u32;
	s14 =	simm.s32 $0x0;
	vm0 =	vmmov $0x1;
	vm2 =	vmmov $0x3;
	_ =	strace $0x80000047;
	s5 =	sor.u32 s6, s5  }
.Ltmp0:
0x7: {  	vm1 =	vmmov $0x7;
	vm3 =	vmmov $0xf;
	vm4 =	vmmov $0x1f;
	s4 =	ssub.s32 $0x2, s4;
	s6 =	sshll.u32 s5, $0x7;
	(pc) =	sbr.rel .LBB2_1-.Ltmp0, $4  }
0x8: {  	vm5 =	vmmov $0x3f;
	vm6 =	vmmov $0x7f;
	vm8 =	vmmov $0xff;
	s7 =	sshrl.u32 s4, $0x1;
	s5 =	sshrl.u32 s5, $0x3;
	s6 =	sadd.s32 s6, s3  }
0x9: {  	vm7 =	vmmov $0x1ff;
	vm9 =	vmmov $0x3ff;
	v0 =	vmul.u32 $0xFFFFFFFF, v0;
	s9 =	ssub.s32 s4, s7;
	s8 =	sadd.s32 s5, s3;
	s3 =	sadd.s32 $0x2400, s6  }
0xa: {  	vm10 =	vmmov $0x7ff;
	vm11 =	vmmov $0xfff;
	vm12 =	vmmov $0x1fff;
	s4 =	sadd.s32 $0x2C00, s6;
	s5 =	sadd.s32 $0x3400, s6;
	s6 =	sadd.s32 $0x3C00, s6  }
0xb: {  	vm13 =	vmmov $0x3fff;
	vm14 =	vmmov $0x7fff;
	v0 =	vadd.s32 $0xF, v0;
	s7 =	sadd.s32 $0x202400, s8;
	s8 =	smax.u32 s9, $0x1;
	s9 =	simm.s32 $0x4000  }
.LBB2_12:
0xc: {  	s14 =	sadd.s32 $0x1, s14  }
0xd: {  	p0 =	sne.s32 s14, s8  }
.Ltmp1:
0xe: {  	_ = 	snop;
	(pc) =	sbr.rel @!p0 .LBB2_13-.Ltmp1, $4  }
0xf: {  	[hbm4b:s7+s2] =	stream.linear.scatter [tilespmem:s12], [sflag:$0x3], $0x100, $0x38;
	[tilespmem:$0x8100] =	vst v63  }
0x10: {  	_ =	swait.ge [sflag:s13], $0x100  }
0x11: {  	[sflag:s13] =	ssyncset.done $0x0  }
0x12: {  	[sflag:s13] =	ssyncadd.s32 $0xFFFFFF00  }
.LBB2_1:
0x13: {  	[tilespmem:s2], [sflag:$0x1] =	stream.linear.gather [hbm4b:s3+s2], $0x4000, $0x38;
	[tilespmem:$0x8100] =	vst v63  }
0x14: {  	s15 =	simm.s32 $0x0  }
0x15: {  	[tilespmem:s9], [sflag:$0x2] =	stream.linear.gather [hbm4b:s4+s2], $0x4000, $0x38;
	[tilespmem:$0x8100] =	vst v63  }
.LBB2_2:
0x16: {  	_ =	swait.ge [sflag:s10], $0x4000;
	s16 =	simm.s32 $0x0  }
0x17: {  	[sflag:s10] =	ssyncset.done $0x0;
	s17 =	sand.u32 $0x70, s16;
	s18 =	sand.u32 $0x1C00, s16  }
0x18: {  	[sflag:s10] =	ssyncadd.s32 $0xFFFFC000;
	s17 =	sor.u32 s17, s18  }
0x19: {  	v1 =	vld [tilespmem:s17+$0x0]  }
0x1a: {  	v2 =	vld [tilespmem:s17+$0x80]  }
0x1b: {  	v3 =	vld [tilespmem:s17+$0x100];
	_ =	sdelay $0x1  }
0x1c: {  	v4 =	vld [tilespmem:s17+$0x180]  }
0x1d: {  	v5 =	vld [tilespmem:s17+$0x200];
	(xrf1) =	vsort.ascd.msk.f32 $0xffff, v1, v1  }
0x1e: {  	s16 =	sor.u32 s16, s16;
	v6 =	vld [tilespmem:s17+$0x280];
	(xrf1) =	vsort.ascd.msk.f32 $0xffff, v2, v2  }
0x1f: {  	s16 =	sor.u32 $0x380, s16;
	v1 =	vld [tilespmem:s17+$0x300];
	(xrf1) =	vsort.ascd.msk.f32 $0xffff, v3, v3  }
0x20: {  	s29 =	simm.s32 $0x10;
	s19 =	simm.s32 $0x80;
	v2 =	vld [tilespmem:s16+$0x0]  }
0x21: {  	s30 =	sand.u32 $0x70, s29;
	s20 =	sand.u32 $0x1C00, s19;
	(xrf1) =	vsort.ascd.msk.f32 $0xffff, v4, v4  }
0x22: {  	s16 =	sor.u32 s30, s20;
	(xrf1) =	vsort.ascd.msk.f32 $0xffff, v5, v5  }
0x23: {  	v3 =	vld [tilespmem:s16+$0x0];
	(xrf1) =	vsort.ascd.msk.f32 $0xffff, v6, v6  }
0x24: {  	(xrf1) =	vsort.ascd.msk.f32 $0xffff, v1, v1;
	v1 =	vld [tilespmem:s16+$0x80]  }
0x25: {  	(xrf1) =	vsort.ascd.msk.f32 $0xffff, v2, v2;
	v2 =	vld [tilespmem:s16+$0x100]  }
0x26: {  	v4 =	vld [tilespmem:s16+$0x180]  }
0x27: {  	v5 =	vld [tilespmem:s16+$0x200]  }
0x28: {  	s18 =	sor.u32 s19, s29;
	v6 =	vld [tilespmem:s16+$0x280];
	(xrf1) =	vsort.ascd.msk.f32 $0xffff, v3, v3  }
0x29: {  	s18 =	sor.u32 $0x380, s18;
	v3 =	vld [tilespmem:s16+$0x300];
	(xrf1) =	vsort.ascd.msk.f32 $0xffff, v1, v1  }
0x2a: {  	v7 =	vld [tilespmem:s18+$0x0];
	(xrf1) =	vsort.ascd.msk.f32 $0xffff, v2, v2  }
0x2b: {  	(xrf1) =	vsort.ascd.msk.f32 $0xffff, v4, v4;
	v1, _, _ =	vpop (xrf1)  }
0x2c: {  	(xrf1) =	vsort.ascd.msk.f32 $0xffff, v5, v5;
	v2, _, _ =	vpop (xrf1);
	v4 =	vperm.xlane v1, v0  }
0x2d: {  	(xrf1) =	vsort.ascd.msk.f32 $0xffff, v6, v6;
	v1 =	vimm.f32 $3.399999950e+38;
	v5, _, _ =	vpop (xrf1);
	v2 =	vperm.xlane v2, v0  }
0x2e: {  	(xrf1) =	vsort.ascd.msk.f32 $0xffff, v3, v3;
	v4 =	vmin.f32 v1, v4;
	v5 =	vperm.xlane v5, v0  }
0x2f: {  	v3, _, _ =	vpop (xrf1);
	(xrf1) =	vsort.ascd.msk.f32 $0xffff, v7, v7;
	v2 =	vmin.f32 v1, v2  }
0x30: {  	s31 =	simm.s32 $0x20;
	s19 =	simm.s32 $0x100;
	v6, _, _ =	vpop (xrf1);
	v3 =	vperm.xlane v3, v0;
	(xrf1) =	vsort.ascd.msk.f32 $0xffff, v4, v4;
	v5 =	vmin.f32 v1, v5  }
0x31: {  	s21 =	sand.u32 $0x1C00, s19;
	s18 =	sand.u32 $0x70, s31;
	v6 =	vperm.xlane v6, v0;
	(xrf1) =	vsort.ascd.msk.f32 $0xffff, v2, v2;
	v4, _, _ =	vpop (xrf1)  }
0x32: {  	s21 =	sor.u32 s18, s21;
	v3 =	vmin.f32 v1, v3;
	(xrf1) =	vsort.ascd.msk.f32 $0xffff, v5, v5;
	v2, _, _ =	vpop (xrf1);
	v4 =	vperm.xlane v4, v0  }
0x33: {  	v7 =	vld [tilespmem:s21+$0x0];
	v6 =	vmin.f32 v1, v6;
	(xrf1) =	vsort.ascd.msk.f32 $0xffff, v3, v3;
	v5, _, _ =	vpop (xrf1);
	v2 =	vperm.xlane v2, v0  }
0x34: {  	v3 =	vld [tilespmem:s21+$0x80];
	(xrf1) =	vsort.ascd.msk.f32 $0xffff, v6, v6;
	v4 =	vmin.f32 v1, v4;
	v5 =	vperm.xlane v5, v0  }
0x35: {  	v8 =	vld [tilespmem:s21+$0x100];
	v2 =	vmin.f32 v1, v2;
	(xrf1) =	vsort.ascd.msk.f32 $0xffff, v4, v4  }
0x36: {  	v9, _, _ =	vpop (xrf1);
	v4 =	vld [tilespmem:s21+$0x180];
	v5 =	vmin.f32 v1, v5;
	(xrf1) =	vsort.ascd.msk.f32 $0xffff, v2, v2  }
0x37: {  	v2 =	vld [tilespmem:s21+$0x200];
	v10, _, _ =	vpop (xrf1);
	(xrf1) =	vsort.ascd.msk.f32 $0xffff, v5, v5  }
0x38: {  	v11 =	vld [tilespmem:s21+$0x280];
	s20 =	sor.u32 s19, s31;
	v6, _, _ =	vpop (xrf1);
	(xrf1) =	vsort.ascd.msk.f32 $0xffff, v7, v7  }
0x39: {  	v12 =	vld [tilespmem:s21+$0x300];
	s20 =	sor.u32 $0x380, s20;
	v7, _, _ =	vpop (xrf1);
	(xrf1) =	vsort.ascd.msk.f32 $0xffff, v3, v3  }
0x3a: {  	v5, _, _ =	vpop (xrf1);
	(xrf1) =	vsort.ascd.msk.f32 $0xffff, v8, v8;
	v8 =	vld [tilespmem:s20+$0x0]  }
0x3b: {  	(xrf1) =	vsort.ascd.msk.f32 $0xffff, v4, v4;
	v4, _, _ =	vpop (xrf1)  }
0x3c: {  	(xrf1) =	vsort.ascd.msk.f32 $0xffff, v2, v2;
	v3, _, _ =	vpop (xrf1)  }
0x3d: {  	v9 =	vperm.xlane v9, v0;
	(xrf1) =	vsort.ascd.msk.f32 $0xffff, v11, v11;
	v2, _, _ =	vpop (xrf1)  }
0x3e: {  	v10 =	vperm.xlane v10, v0;
	s20 =	simm.s32 $0x30;
	(xrf1) =	vsort.ascd.msk.f32 $0xffff, v12, v12;
	v11, _, _ =	vpop (xrf1)  }
.LBB2_3:
0x3f: {  	p0 =	sne.s32 s20, $0x3F0;
	(xrf1) =	vsort.ascd.msk.f32 $0xffff, v8, v8;
	v11 =	vmin.f32 v11, v9;
	v12 =	vperm.xlane v6, v0;
	v9, _, _ =	vpop (xrf1)  }
0x40: {  	s19 =	sadd.s32 $0x80, s19;
	v7 =	vperm.xlane v7, v0;
	v9 =	vmin.f32 v9, v10;
	(xrf1) =	vsort.ascd.msk.f32 $0xffff, v11, v11;
	v8, _, _ =	vpop (xrf1)  }
0x41: {  	s21 =	sand.u32 $0x70, s20;
	s22 =	sand.u32 $0x1C00, s19;
	v11 =	vperm.xlane v5, v0;
	v10 =	vmin.f32 v8, v12;
	(xrf1) =	vsort.ascd.msk.f32 $0xffff, v9, v9;
	v8, _, _ =	vpop (xrf1)  }
0x42: {  	s21 =	sor.u32 s21, s22;
	v12 =	vperm.xlane v4, v0;
	v7 =	vmin.f32 v8, v7;
	(xrf1) =	vsort.ascd.msk.f32 $0xffff, v10, v10;
	v6, _, _ =	vpop (xrf1)  }
0x43: {  	v3 =	vperm.xlane v3, v0;
	v8 =	vld [tilespmem:s21+$0x0];
	v9 =	vmin.f32 v6, v11;
	(xrf1) =	vsort.ascd.msk.f32 $0xffff, v7, v7;
	v6, _, _ =	vpop (xrf1)  }
0x44: {  	v2 =	vperm.xlane v2, v0;
	v7 =	vld [tilespmem:s21+$0x80];
	v6 =	vmin.f32 v6, v12;
	(xrf1) =	vsort.ascd.msk.f32 $0xffff, v9, v9;
	v5, _, _ =	vpop (xrf1)  }
0x45: {  	v9 =	vld [tilespmem:s21+$0x100];
	v3 =	vmin.f32 v5, v3;
	(xrf1) =	vsort.ascd.msk.f32 $0xffff, v6, v6;
	v4, _, _ =	vpop (xrf1)  }
0x46: {  	v10 =	vld [tilespmem:s21+$0x180];
	v11, _, _ =	vpop (xrf1);
	v2 =	vmin.f32 v4, v2;
	(xrf1) =	vsort.ascd.msk.f32 $0xffff, v3, v3  }
0x47: {  	v3 =	vld [tilespmem:s21+$0x200];
	v12, _, _ =	vpop (xrf1);
	(xrf1) =	vsort.ascd.msk.f32 $0xffff, v2, v2  }
0x48: {  	s22 =	sor.u32 s19, s20;
	v2 =	vld [tilespmem:s21+$0x280];
	(xrf1) =	vsort.ascd.msk.f32 $0xffff, v8, v8;
	v6, _, _ =	vpop (xrf1)  }
0x49: {  	v13 =	vld [tilespmem:s21+$0x300];
	s21 =	sor.u32 $0x380, s22;
	(xrf1) =	vsort.ascd.msk.f32 $0xffff, v7, v7;
	v7, _, _ =	vpop (xrf1)  }
.Ltmp2:
0x4a: {  	v8 =	vld [tilespmem:s21+$0x0];
	(xrf1) =	vsort.ascd.msk.f32 $0xffff, v9, v9;
	v5, _, _ =	vpop (xrf1);
	(pc) =	sbr.rel @p0 .LBB2_3-.Ltmp2, $4  }
0x4b: {  	(xrf1) =	vsort.ascd.msk.f32 $0xffff, v10, v10;
	v4, _, _ =	vpop (xrf1)  }
0x4c: {  	(xrf1) =	vsort.ascd.msk.f32 $0xffff, v3, v3;
	v3, _, _ =	vpop (xrf1)  }
0x4d: {  	v9 =	vperm.xlane v11, v0;
	(xrf1) =	vsort.ascd.msk.f32 $0xffff, v2, v2;
	v2, _, _ =	vpop (xrf1)  }
0x4e: {  	s20 =	sadd.s32 $0x10, s20;
	v10 =	vperm.xlane v12, v0;
	(xrf1) =	vsort.ascd.msk.f32 $0xffff, v13, v13;
	v11, _, _ =	vpop (xrf1)  }
0x4f: {  	(xrf1) =	vsort.ascd.msk.f32 $0xffff, v8, v8;
	v8 =	vmin.f32 v11, v9;
	_ =	sdelay $0x1  }
0x50: {  	v6 =	vperm.xlane v6, v0;
	v9, _, _ =	vpop (xrf1)  }
0x51: {  	(xrf1) =	vsort.ascd.msk.f32 $0xffff, v8, v8;
	v8, _, _ =	vpop (xrf1)  }
0x52: {  	v6 =	vmin.f32 v8, v6  }
0x53: {  	v9 =	vmin.f32 v9, v10  }
0x54: {  	v5 =	vperm.xlane v5, v0;
	(xrf1) =	vsort.ascd.msk.f32 $0xffff, v9, v9;
	v8, _, _ =	vpop (xrf1)  }
0x55: {  	v7 =	vperm.xlane v7, v0;
	v4 =	vperm.xlane v4, v0;
	(xrf1) =	vsort.ascd.msk.f32 $0xffff, v6, v6;
	v6, _, _ =	vpop (xrf1)  }
0x56: {  	v5 =	vmin.f32 v6, v5;
	v6, _, _ =	vpop (xrf1)  }
0x57: {  	v7 =	vmin.f32 v8, v7;
	v4 =	vmin.f32 v6, v4  }
0x58: {  	v3 =	vperm.xlane v3, v0;
	(xrf1) =	vsort.ascd.msk.f32 $0xffff, v7, v7  }
0x59: {  	v2 =	vperm.xlane v2, v0;
	(xrf1) =	vsort.ascd.msk.f32 $0xffff, v5, v5;
	v5, _, _ =	vpop (xrf1)  }
0x5a: {  	(xrf1) =	vsort.ascd.msk.f32 $0xffff, v4, v4;
	v3 =	vmin.f32 v5, v3;
	v4, _, _ =	vpop (xrf1)  }
0x5b: {  	v2 =	vmin.f32 v4, v2  }
0x5c: {  	v5, _, _ =	vpop (xrf1)  }
0x5d: {  	(xrf1) =	vsort.ascd.msk.f32 $0xffff, v3, v3;
	v3, _, _ =	vpop (xrf1)  }
0x5e: {  	(xrf1) =	vsort.ascd.msk.f32 $0xffff, v2, v2;
	v2, _, _ =	vpop (xrf1)  }
0x5f: {  	v4, _, _ =	vpop (xrf1)  }
0x60: {  	v6, _, _ =	vpop (xrf1)  }
0x61: {  	v7, _, _ =	vpop (xrf1)  }
0x62: {  	v8, _, _ =	vpop (xrf1)  }
0x63: {  	v5 =	vperm.xlane v5, v0;
	v9, _, _ =	vpop (xrf1)  }
0x64: {  	v3 =	vperm.xlane v3, v0;
	v10, _, _ =	vpop (xrf1)  }
0x65: {  	v5 =	vmin.f32 v10, v5;
	v10, _, _ =	vpop (xrf1)  }
0x66: {  	v3 =	vmin.f32 v10, v3  }
0x67: {  	v2 =	vperm.xlane v2, v0  }
0x68: {  	v4 =	vperm.xlane v4, v0;
	(xrf1) =	vsort.ascd.msk.f32 $0xffff, v5, v5;
	v5, _, _ =	vpop (xrf1)  }
0x69: {  	(xrf1) =	vsort.ascd.msk.f32 $0xffff, v3, v3;
	v2 =	vmin.f32 v5, v2;
	v3, _, _ =	vpop (xrf1)  }
0x6a: {  	v3 =	vmin.f32 v3, v4  }
0x6b: {  	v5 =	vperm.xlane v6, v0  }
0x6c: {  	v4 =	vperm.xlane v7, v0;
	(xrf1) =	vsort.ascd.msk.f32 $0xffff, v2, v2;
	v2, _, _ =	vpop (xrf1)  }
0x6d: {  	(xrf1) =	vsort.ascd.msk.f32 $0xffff, v3, v3;
	v2 =	vmin.f32 v2, v5;
	v3, _, _ =	vpop (xrf1)  }
0x6e: {  	v3 =	vmin.f32 v3, v4  }
0x6f: {  	v6 =	vld [tilespmem:s17+$0x2000];
	v5 =	vperm.xlane v8, v0  }
0x70: {  	v7 =	vld [tilespmem:s17+$0x2080];
	v4 =	vperm.xlane v9, v0;
	(xrf1) =	vsort.ascd.msk.f32 $0xffff, v2, v2;
	v2, _, _ =	vpop (xrf1)  }
0x71: {  	(xrf1) =	vsort.ascd.msk.f32 $0xffff, v3, v3;
	v2 =	vmin.f32 v2, v5;
	v3, _, _ =	vpop (xrf1);
	v5 =	vld [tilespmem:s17+$0x2100]  }
0x72: {  	v3 =	vmin.f32 v3, v4;
	(xrf1) =	vsort.ascd.msk.f32 $0xffff, v2, v2  }
0x73: {  	v2 =	vld [tilespmem:s17+$0x2180];
	(xrf1) =	vsort.ascd.msk.f32 $0xffff, v3, v3  }
0x74: {  	v3 =	vld [tilespmem:s17+$0x2200];
	(xrf1) =	vsort.ascd.msk.f32 $0xffff, v6, v6  }
0x75: {  	v4 =	vld [tilespmem:s17+$0x2280];
	(xrf1) =	vsort.ascd.msk.f32 $0xffff, v7, v7  }
0x76: {  	v8 =	vld [tilespmem:s17+$0x2300];
	(xrf1) =	vsort.ascd.msk.f32 $0xffff, v5, v5  }
0x77: {  	v7 =	vld [tilespmem:s17+$0x2380]  }
0x78: {  	(xrf1) =	vsort.ascd.msk.f32 $0xffff, v2, v2  }
0x79: {  	(xrf1) =	vsort.ascd.msk.f32 $0xffff, v3, v3  }
0x7a: {  	v9 =	vld [tilespmem:s16+$0x2000];
	v6, _, _ =	vpop (xrf1);
	(xrf1) =	vsort.ascd.msk.f32 $0xffff, v4, v4  }
0x7b: {  	v2, _, _ =	vpop (xrf1);
	(xrf1) =	vsort.ascd.msk.f32 $0xffff, v8, v8;
	v8 =	vld [tilespmem:s16+$0x2080]  }
0x7c: {  	v10 =	vld [tilespmem:s16+$0x2100];
	v3, _, _ =	vpop (xrf1);
	(xrf1) =	vsort.ascd.msk.f32 $0xffff, v7, v7  }
0x7d: {  	v11 =	vld [tilespmem:s16+$0x2180];
	v4, _, _ =	vpop (xrf1)  }
0x7e: {  	v12 =	vld [tilespmem:s16+$0x2200];
	v5, _, _ =	vpop (xrf1)  }
0x7f: {  	v13 =	vld [tilespmem:s16+$0x2280];
	(xrf1) =	vsort.ascd.msk.f32 $0xffff, v9, v9;
	v7, _, _ =	vpop (xrf1)  }
0x80: {  	v14 =	vld [tilespmem:s16+$0x2300];
	(xrf1) =	vsort.ascd.msk.f32 $0xffff, v8, v8;
	v8, _, _ =	vpop (xrf1)  }
0x81: {  	v15 =	vld [tilespmem:s16+$0x2380];
	(xrf1) =	vsort.ascd.msk.f32 $0xffff, v10, v10;
	v9, _, _ =	vpop (xrf1)  }
0x82: {  	(xrf1) =	vsort.ascd.msk.f32 $0xffff, v11, v11;
	v10, _, _ =	vpop (xrf1)  }
0x83: {  	(xrf1) =	vsort.ascd.msk.f32 $0xffff, v12, v12;
	v11, _, _ =	vpop (xrf1);
	v10 =	vperm.xlane v10, v0  }
0x84: {  	(xrf1) =	vsort.ascd.msk.f32 $0xffff, v13, v13;
	v12, _, _ =	vpop (xrf1);
	v11 =	vperm.xlane v11, v0  }
0x85: {  	(xrf1) =	vsort.ascd.msk.f32 $0xffff, v14, v14;
	v10 =	vmin.f32 v1, v10;
	v12 =	vperm.xlane v12, v0  }
0x86: {  	v13, _, _ =	vpop (xrf1);
	(xrf1) =	vsort.ascd.msk.f32 $0xffff, v15, v15;
	v11 =	vmin.f32 v1, v11  }
0x87: {  	s16 =	simm.s32 $0x100;
	v14, _, _ =	vpop (xrf1);
	v13 =	vperm.xlane v13, v0;
	(xrf1) =	vsort.ascd.msk.f32 $0xffff, v10, v10;
	v12 =	vmin.f32 v1, v12  }
0x88: {  	s31 =	sand.u32 $0x1C00, s16;
	v14 =	vperm.xlane v14, v0;
	(xrf1) =	vsort.ascd.msk.f32 $0xffff, v11, v11;
	v10, _, _ =	vpop (xrf1)  }
0x89: {  	s17 =	sor.u32 s18, s31;
	v13 =	vmin.f32 v1, v13;
	(xrf1) =	vsort.ascd.msk.f32 $0xffff, v12, v12;
	v11, _, _ =	vpop (xrf1);
	v10 =	vperm.xlane v10, v0  }
0x8a: {  	v15 =	vld [tilespmem:s17+$0x2000];
	v14 =	vmin.f32 v1, v14;
	(xrf1) =	vsort.ascd.msk.f32 $0xffff, v13, v13;
	v12, _, _ =	vpop (xrf1);
	v11 =	vperm.xlane v11, v0  }
0x8b: {  	v13 =	vld [tilespmem:s17+$0x2080];
	(xrf1) =	vsort.ascd.msk.f32 $0xffff, v14, v14;
	v10 =	vmin.f32 v1, v10;
	v12 =	vperm.xlane v12, v0  }
0x8c: {  	v16 =	vld [tilespmem:s17+$0x2100];
	v11 =	vmin.f32 v1, v11;
	(xrf1) =	vsort.ascd.msk.f32 $0xffff, v10, v10  }
0x8d: {  	v17, _, _ =	vpop (xrf1);
	v10 =	vld [tilespmem:s17+$0x2180];
	v1 =	vmin.f32 v1, v12;
	(xrf1) =	vsort.ascd.msk.f32 $0xffff, v11, v11  }
0x8e: {  	v18 =	vld [tilespmem:s17+$0x2200];
	v19, _, _ =	vpop (xrf1);
	(xrf1) =	vsort.ascd.msk.f32 $0xffff, v1, v1  }
0x8f: {  	v1 =	vld [tilespmem:s17+$0x2280];
	v14, _, _ =	vpop (xrf1);
	(xrf1) =	vsort.ascd.msk.f32 $0xffff, v15, v15  }
0x90: {  	v20 =	vld [tilespmem:s17+$0x2300];
	(xrf1) =	vsort.ascd.msk.f32 $0xffff, v13, v13;
	v13, _, _ =	vpop (xrf1)  }
0x91: {  	v15 =	vld [tilespmem:s17+$0x2380];
	(xrf1) =	vsort.ascd.msk.f32 $0xffff, v16, v16;
	v12, _, _ =	vpop (xrf1)  }
0x92: {  	(xrf1) =	vsort.ascd.msk.f32 $0xffff, v10, v10;
	v11, _, _ =	vpop (xrf1)  }
0x93: {  	(xrf1) =	vsort.ascd.msk.f32 $0xffff, v18, v18;
	v10, _, _ =	vpop (xrf1)  }
0x94: {  	v16 =	vperm.xlane v17, v0;
	(xrf1) =	vsort.ascd.msk.f32 $0xffff, v1, v1;
	v1, _, _ =	vpop (xrf1)  }
0x95: {  	s17 =	simm.s32 $0x30;
	v17 =	vperm.xlane v19, v0;
	(xrf1) =	vsort.ascd.msk.f32 $0xffff, v20, v20;
	v18, _, _ =	vpop (xrf1)  }
.LBB2_5:
0x96: {  	p0 =	sne.s32 s17, $0x3F0;
	(xrf1) =	vsort.ascd.msk.f32 $0xffff, v15, v15;
	v18 =	vmin.f32 v18, v16;
	v19 =	vperm.xlane v14, v0;
	v16, _, _ =	vpop (xrf1)  }
0x97: {  	s16 =	sadd.s32 $0x80, s16;
	v20 =	vperm.xlane v13, v0;
	v16 =	vmin.f32 v16, v17;
	(xrf1) =	vsort.ascd.msk.f32 $0xffff, v18, v18;
	v15, _, _ =	vpop (xrf1)  }
0x98: {  	s18 =	sand.u32 $0x70, s17;
	s19 =	sand.u32 $0x1C00, s16;
	v18 =	vperm.xlane v12, v0;
	v17 =	vmin.f32 v15, v19;
	(xrf1) =	vsort.ascd.msk.f32 $0xffff, v16, v16;
	v15, _, _ =	vpop (xrf1)  }
0x99: {  	s18 =	sor.u32 s18, s19;
	v19 =	vperm.xlane v11, v0;
	v16 =	vmin.f32 v15, v20;
	(xrf1) =	vsort.ascd.msk.f32 $0xffff, v17, v17;
	v14, _, _ =	vpop (xrf1)  }
0x9a: {  	v10 =	vperm.xlane v10, v0;
	v15 =	vld [tilespmem:s18+$0x2000];
	v14 =	vmin.f32 v14, v18;
	(xrf1) =	vsort.ascd.msk.f32 $0xffff, v16, v16;
	v13, _, _ =	vpop (xrf1)  }
0x9b: {  	v1 =	vperm.xlane v1, v0;
	v16 =	vld [tilespmem:s18+$0x2080];
	v13 =	vmin.f32 v13, v19;
	(xrf1) =	vsort.ascd.msk.f32 $0xffff, v14, v14;
	v12, _, _ =	vpop (xrf1)  }
0x9c: {  	v17 =	vld [tilespmem:s18+$0x2100];
	v10 =	vmin.f32 v12, v10;
	(xrf1) =	vsort.ascd.msk.f32 $0xffff, v13, v13;
	v11, _, _ =	vpop (xrf1)  }
0x9d: {  	v18 =	vld [tilespmem:s18+$0x2180];
	v19, _, _ =	vpop (xrf1);
	v1 =	vmin.f32 v11, v1;
	(xrf1) =	vsort.ascd.msk.f32 $0xffff, v10, v10  }
0x9e: {  	v10 =	vld [tilespmem:s18+$0x2200];
	v20, _, _ =	vpop (xrf1);
	(xrf1) =	vsort.ascd.msk.f32 $0xffff, v1, v1  }
0x9f: {  	v1 =	vld [tilespmem:s18+$0x2280];
	(xrf1) =	vsort.ascd.msk.f32 $0xffff, v15, v15;
	v14, _, _ =	vpop (xrf1)  }
0xa0: {  	v21 =	vld [tilespmem:s18+$0x2300];
	(xrf1) =	vsort.ascd.msk.f32 $0xffff, v16, v16;
	v13, _, _ =	vpop (xrf1)  }
.Ltmp3:
0xa1: {  	v15 =	vld [tilespmem:s18+$0x2380];
	(xrf1) =	vsort.ascd.msk.f32 $0xffff, v17, v17;
	v12, _, _ =	vpop (xrf1);
	(pc) =	sbr.rel @p0 .LBB2_5-.Ltmp3, $4  }
0xa2: {  	(xrf1) =	vsort.ascd.msk.f32 $0xffff, v18, v18;
	v11, _, _ =	vpop (xrf1)  }
0xa3: {  	(xrf1) =	vsort.ascd.msk.f32 $0xffff, v10, v10;
	v10, _, _ =	vpop (xrf1)  }
0xa4: {  	v16 =	vperm.xlane v19, v0;
	(xrf1) =	vsort.ascd.msk.f32 $0xffff, v1, v1;
	v1, _, _ =	vpop (xrf1)  }
0xa5: {  	s17 =	sadd.s32 $0x10, s17;
	v17 =	vperm.xlane v20, v0;
	(xrf1) =	vsort.ascd.msk.f32 $0xffff, v21, v21;
	v18, _, _ =	vpop (xrf1)  }
0xa6: {  	v45, _, _ =	vpop (xrf1)  }
0xa7: {  	(xrf1) =	vsort.ascd.msk.f32 $0xffff, v15, v15;
	v44 =	vmin.f32 v18, v16;
	v46, _, _ =	vpop (xrf1)  }
0xa8: {  	v14 =	vperm.xlane v14, v0;
	v16 =	vmin.f32 v45, v17;
	(xrf1) =	vsort.ascd.msk.f32 $0xffff, v44, v44;
	v47, _, _ =	vpop (xrf1)  }
0xa9: {  	v13 =	vperm.xlane v13, v0;
	v11 =	vperm.xlane v11, v0;
	(xrf1) =	vsort.ascd.msk.f32 $0xffff, v16, v16;
	v48, _, _ =	vpop (xrf1)  }
0xaa: {  	v12 =	vperm.xlane v12, v0;
	v14 =	vmin.f32 v46, v14;
	v49, _, _ =	vpop (xrf1)  }
0xab: {  	v13 =	vmin.f32 v47, v13;
	(xrf1) =	vsort.ascd.msk.f32 $0xffff, v14, v14;
	v11 =	vmin.f32 v49, v11  }
0xac: {  	v12 =	vmin.f32 v48, v12;
	(xrf1) =	vsort.ascd.msk.f32 $0xffff, v13, v13;
	v50, _, _ =	vpop (xrf1)  }
0xad: {  	(xrf1) =	vsort.ascd.msk.f32 $0xffff, v12, v12;
	v51, _, _ =	vpop (xrf1)  }
0xae: {  	(xrf1) =	vsort.ascd.msk.f32 $0xffff, v11, v11;
	v11, _, _ =	vpop (xrf1)  }
0xaf: {  	v10 =	vperm.xlane v10, v0;
	v52, _, _ =	vpop (xrf1)  }
0xb0: {  	v53, _, _ =	vpop (xrf1)  }
0xb1: {  	v10 =	vmin.f32 v50, v10;
	v54, _, _ =	vpop (xrf1)  }
0xb2: {  	v1 =	vperm.xlane v1, v0;
	v55, _, _ =	vpop (xrf1)  }
0xb3: {  	v56, _, _ =	vpop (xrf1)  }
0xb4: {  	v1 =	vmin.f32 v51, v1;
	(xrf1) =	vsort.ascd.msk.f32 $0xffff, v10, v10;
	v10, _, _ =	vpop (xrf1)  }
0xb5: {  	v11 =	vperm.xlane v11, v0;
	(xrf1) =	vsort.ascd.msk.f32 $0xffff, v1, v1;
	v57, _, _ =	vpop (xrf1)  }
0xb6: {  	v1 =	vperm.xlane v52, v0;
	v58, _, _ =	vpop (xrf1)  }
0xb7: {  	(xrf0) =	vmax.scan.msk.f32 $0xffff, v6;
	v11 =	vmin.f32 v58, v11;
	v60, _, _ =	vpop (xrf1)  }
0xb8: {  	(xrf0) =	vmax.scan.msk.f32 $0xffff, v2;
	v1 =	vmin.f32 v60, v1  }
0xb9: {  	v59 =	vperm.xlane v53, v0;
	(xrf1) =	vsort.ascd.msk.f32 $0xffff, v11, v11  }
0xba: {  	v61 =	vperm.xlane v54, v0;
	(xrf1) =	vsort.ascd.msk.f32 $0xffff, v1, v1;
	v11, _, _ =	vpop (xrf1)  }
0xbb: {  	(xrf0) =	vmax.scan.msk.f32 $0xffff, v3;
	v11 =	vmin.f32 v11, v59;
	v1, _, _ =	vpop (xrf1)  }
0xbc: {  	(xrf0) =	vmax.scan.msk.f32 $0xffff, v4;
	v1 =	vmin.f32 v1, v61  }
0xbd: {  	v62 =	vperm.xlane v55, v0;
	(xrf1) =	vsort.ascd.msk.f32 $0xffff, v11, v11  }
0xbe: {  	(xrf0) =	vmax.scan.msk.f32 $0xffff, v5;
	v12 =	vperm.xlane v56, v0;
	v11, _, _ =	vpop (xrf1)  }
0xbf: {  	(xrf1) =	vsort.ascd.msk.f32 $0xffff, v1, v1;
	v11 =	vmin.f32 v11, v62;
	v1, _, _ =	vpop (xrf1)  }
0xc0: {  	(xrf1) =	vsort.ascd.msk.f32 $0xffff, v11, v11;
	v1 =	vmin.f32 v1, v12  }
0xc1: {  	v5, _, _ =	vpop (xrf0);
	(xrf1) =	vsort.ascd.msk.f32 $0xffff, v1, v1;
	v1 =	vperm.xlane v10, v0  }
0xc2: {  	v11 =	vperm.xlane v57, v0;
	v10, _, _ =	vpop (xrf1)  }
0xc3: {  	(xrf0) =	vmax.scan.msk.f32 $0xffff, v7;
	v1 =	vmin.f32 v10, v1;
	v10, _, _ =	vpop (xrf1)  }
0xc4: {  	(xrf1) =	vsort.ascd.msk.f32 $0xffff, v1, v1;
	v1 =	vmin.f32 v10, v11;
	v10, _, _ =	vpop (xrf0)  }
0xc5: {  	(xrf0) =	vmax.scan.msk.f32 $0xffff, v8;
	v8, _, _ =	vpop (xrf0)  }
0xc6: {  	(xrf0) =	vmax.scan.msk.f32 $0xffff, v9;
	v9, _, _ =	vpop (xrf0)  }
0xc7: {  	(xrf1) =	vsort.ascd.msk.f32 $0xffff, v1, v1;
	v1, _, _ =	vpop (xrf1)  }
0xc8: {  	v6, _, _ =	vpop (xrf1)  }
0xc9: {  	(xrf0) =	vmax.scan.msk.f32 $0xffff, v1;
	v1 =	vbroadcast v5, $0xF;
	v5 =	vbroadcast v10, $0xF;
	v10, _, _ =	vpop (xrf0)  }
0xca: {  	(xrf0) =	vmax.scan.msk.f32 $0xffff, v6;
	v6 =	vbroadcast v8, $0xF;
	v8, _, _ =	vpop (xrf0)  }
0xcb: {  	v2, _, _ =	vpop (xrf1);
	v1 =	vsel vm0, v1, v5;
	v5 =	vbroadcast v9, $0xF  }
0xcc: {  	v9, _, _ =	vpop (xrf0)  }
0xcd: {  	v3, _, _ =	vpop (xrf1);
	v1 =	vsel vm2, v1, v6;
	v6 =	vbroadcast v10, $0xF  }
0xce: {  	(xrf0) =	vmax.scan.msk.f32 $0xffff, v2;
	v4, _, _ =	vpop (xrf1)  }
0xcf: {  	(xrf0) =	vmax.scan.msk.f32 $0xffff, v3;
	v1 =	vsel vm1, v1, v5;
	v3 =	vbroadcast v8, $0xF;
	v5, _, _ =	vpop (xrf0)  }
0xd0: {  	v1 =	vsel vm3, v1, v6;
	v7, _, _ =	vpop (xrf1);
	(xrf0) =	vmax.scan.msk.f32 $0xffff, v4;
	v4 =	vbroadcast v9, $0xF  }
0xd1: {  	v1 =	vsel vm4, v1, v3;
	v6, _, _ =	vpop (xrf0)  }
0xd2: {  	(xrf0) =	vmax.scan.msk.f32 $0xffff, v7;
	v1 =	vsel vm5, v1, v4;
	v4 =	vbroadcast v6, $0xF;
	v2, _, _ =	vpop (xrf1)  }
0xd3: {  	v3 =	vbroadcast v5, $0xF;
	v5, _, _ =	vpop (xrf0);
	(xrf0) =	vmax.scan.msk.f32 $0xffff, v2  }
0xd4: {  	v2, _, _ =	vpop (xrf0)  }
0xd5: {  	v1 =	vsel vm6, v1, v3;
	v3 =	vbroadcast v5, $0xF;
	v6, _, _ =	vpop (xrf1)  }
0xd6: {  	v1 =	vsel vm8, v1, v4;
	v2 =	vbroadcast v2, $0xF;
	v4, _, _ =	vpop (xrf0)  }
0xd7: {  	v1 =	vsel vm7, v1, v3;
	v5, _, _ =	vpop (xrf0);
	v3 =	vbroadcast v4, $0xF  }
0xd8: {  	(xrf0) =	vmax.scan.msk.f32 $0xffff, v6;
	v1 =	vsel vm9, v1, v2;
	v4, _, _ =	vpop (xrf0);
	v2 =	vbroadcast v5, $0xF  }
0xd9: {  	v1 =	vsel vm10, v1, v3;
	v5, _, _ =	vpop (xrf0)  }
0xda: {  	v1 =	vsel vm11, v1, v2;
	v2 =	vbroadcast v5, $0xF  }
0xdb: {  	v3 =	vbroadcast v4, $0xF;
	_ =	sdelay $0x1  }
0xdc: {  	v1 =	vsel vm12, v1, v3  }
0xdd: {  	s17 =	sshll.u32 s15, $0x5;
	v1 =	vsel vm13, v1, v2;
	v2, _, _ =	vpop (xrf0)  }
0xde: {  	s16 =	sshll.u32 s15, $0xC;
	p0 =	seq.s32 s15, $0x7;
	s17 =	sand.u32 $0x3FFFFFE0, s17;
	v1 =	vsel vm14, v1, v2  }
0xdf: {  	s18 =	sadd.s32 @!p0 s16, s5;
	s19 =	simm.s32 @!p0 $0x0;
	[tilespmem:s17+$0x8000] =	vst v1  }
0xe0: {  	[tilespmem:s19], [sflag:$0x1] =	stream.linear.gather @!p0 [hbm4b:s18+s19], $0x4000, $0x38;
	[tilespmem:$0x8100] =	vst v63  }
0xe1: {  	s26 =	simm.s32 $0x0;
	_ =	swait.ge [sflag:s11], $0x4000  }
0xe2: {  	s28 =	sand.u32 $0x70, s26;
	s20 =	sand.u32 $0x1C00, s26;
	[sflag:s11] =	ssyncset.done $0x0  }
0xe3: {  	s19 =	sor.u32 s28, s20;
	[sflag:s11] =	ssyncadd.s32 $0xFFFFC000  }
0xe4: {  	v1 =	vld [tilespmem:s19+$0x4000]  }
0xe5: {  	v2 =	vld [tilespmem:s19+$0x4080]  }
0xe6: {  	v3 =	vld [tilespmem:s19+$0x4100];
	_ =	sdelay $0x1  }
0xe7: {  	v4 =	vld [tilespmem:s19+$0x4180]  }
0xe8: {  	v5 =	vld [tilespmem:s19+$0x4200];
	(xrf1) =	vsort.ascd.msk.f32 $0xffff, v1, v1  }
0xe9: {  	s18 =	sor.u32 s26, s26;
	v6 =	vld [tilespmem:s19+$0x4280];
	(xrf1) =	vsort.ascd.msk.f32 $0xffff, v2, v2  }
0xea: {  	s18 =	sor.u32 $0x380, s18;
	v1 =	vld [tilespmem:s19+$0x4300];
	(xrf1) =	vsort.ascd.msk.f32 $0xffff, v3, v3  }
0xeb: {  	s29 =	simm.s32 $0x10;
	s21 =	simm.s32 $0x80;
	v2 =	vld [tilespmem:s18+$0x4000]  }
0xec: {  	s30 =	sand.u32 $0x70, s29;
	s22 =	sand.u32 $0x1C00, s21;
	(xrf1) =	vsort.ascd.msk.f32 $0xffff, v4, v4  }
0xed: {  	s18 =	sor.u32 s30, s22;
	(xrf1) =	vsort.ascd.msk.f32 $0xffff, v5, v5  }
0xee: {  	v3 =	vld [tilespmem:s18+$0x4000];
	(xrf1) =	vsort.ascd.msk.f32 $0xffff, v6, v6  }
0xef: {  	(xrf1) =	vsort.ascd.msk.f32 $0xffff, v1, v1;
	v1 =	vld [tilespmem:s18+$0x4080]  }
0xf0: {  	(xrf1) =	vsort.ascd.msk.f32 $0xffff, v2, v2;
	v2 =	vld [tilespmem:s18+$0x4100]  }
0xf1: {  	v4 =	vld [tilespmem:s18+$0x4180]  }
0xf2: {  	v5 =	vld [tilespmem:s18+$0x4200]  }
0xf3: {  	s20 =	sor.u32 s21, s29;
	v6 =	vld [tilespmem:s18+$0x4280];
	(xrf1) =	vsort.ascd.msk.f32 $0xffff, v3, v3  }
0xf4: {  	s20 =	sor.u32 $0x380, s20;
	v3 =	vld [tilespmem:s18+$0x4300];
	(xrf1) =	vsort.ascd.msk.f32 $0xffff, v1, v1  }
0xf5: {  	v7 =	vld [tilespmem:s20+$0x4000];
	(xrf1) =	vsort.ascd.msk.f32 $0xffff, v2, v2  }
0xf6: {  	(xrf1) =	vsort.ascd.msk.f32 $0xffff, v4, v4;
	v1, _, _ =	vpop (xrf1)  }
0xf7: {  	(xrf1) =	vsort.ascd.msk.f32 $0xffff, v5, v5;
	v2, _, _ =	vpop (xrf1);
	v4 =	vperm.xlane v1, v0  }
0xf8: {  	(xrf1) =	vsort.ascd.msk.f32 $0xffff, v6, v6;
	v1 =	vimm.f32 $3.399999950e+38;
	v5, _, _ =	vpop (xrf1);
	v2 =	vperm.xlane v2, v0  }
0xf9: {  	(xrf1) =	vsort.ascd.msk.f32 $0xffff, v3, v3;
	v4 =	vmin.f32 v1, v4;
	v5 =	vperm.xlane v5, v0  }
0xfa: {  	v3, _, _ =	vpop (xrf1);
	(xrf1) =	vsort.ascd.msk.f32 $0xffff, v7, v7;
	v2 =	vmin.f32 v1, v2  }
0xfb: {  	s31 =	simm.s32 $0x20;
	s21 =	simm.s32 $0x100;
	v6, _, _ =	vpop (xrf1);
	v3 =	vperm.xlane v3, v0;
	(xrf1) =	vsort.ascd.msk.f32 $0xffff, v4, v4;
	v5 =	vmin.f32 v1, v5  }
0xfc: {  	s23 =	sand.u32 $0x1C00, s21;
	s20 =	sand.u32 $0x70, s31;
	v6 =	vperm.xlane v6, v0;
	(xrf1) =	vsort.ascd.msk.f32 $0xffff, v2, v2;
	v4, _, _ =	vpop (xrf1)  }
0xfd: {  	s23 =	sor.u32 s20, s23;
	v3 =	vmin.f32 v1, v3;
	(xrf1) =	vsort.ascd.msk.f32 $0xffff, v5, v5;
	v2, _, _ =	vpop (xrf1);
	v4 =	vperm.xlane v4, v0  }
0xfe: {  	v7 =	vld [tilespmem:s23+$0x4000];
	v6 =	vmin.f32 v1, v6;
	(xrf1) =	vsort.ascd.msk.f32 $0xffff, v3, v3;
	v5, _, _ =	vpop (xrf1);
	v2 =	vperm.xlane v2, v0  }
0xff: {  	v3 =	vld [tilespmem:s23+$0x4080];
	(xrf1) =	vsort.ascd.msk.f32 $0xffff, v6, v6;
	v4 =	vmin.f32 v1, v4;
	v5 =	vperm.xlane v5, v0  }
0x100: {  	v8 =	vld [tilespmem:s23+$0x4100];
	v2 =	vmin.f32 v1, v2;
	(xrf1) =	vsort.ascd.msk.f32 $0xffff, v4, v4  }
0x101: {  	v9, _, _ =	vpop (xrf1);
	v4 =	vld [tilespmem:s23+$0x4180];
	v5 =	vmin.f32 v1, v5;
	(xrf1) =	vsort.ascd.msk.f32 $0xffff, v2, v2  }
0x102: {  	v2 =	vld [tilespmem:s23+$0x4200];
	v10, _, _ =	vpop (xrf1);
	(xrf1) =	vsort.ascd.msk.f32 $0xffff, v5, v5  }
0x103: {  	v11 =	vld [tilespmem:s23+$0x4280];
	s22 =	sor.u32 s21, s31;
	v6, _, _ =	vpop (xrf1);
	(xrf1) =	vsort.ascd.msk.f32 $0xffff, v7, v7  }
0x104: {  	v63 =	vld [tilespmem:s23+$0x4300];
	s22 =	sor.u32 $0x380, s22;
	v7, _, _ =	vpop (xrf1);
	(xrf1) =	vsort.ascd.msk.f32 $0xffff, v3, v3  }
0x105: {  	v5, _, _ =	vpop (xrf1);
	(xrf1) =	vsort.ascd.msk.f32 $0xffff, v8, v8;
	v8 =	vld [tilespmem:s22+$0x4000]  }
0x106: {  	(xrf1) =	vsort.ascd.msk.f32 $0xffff, v4, v4;
	v4, _, _ =	vpop (xrf1)  }
0x107: {  	(xrf1) =	vsort.ascd.msk.f32 $0xffff, v2, v2;
	v3, _, _ =	vpop (xrf1)  }
0x108: {  	v9 =	vperm.xlane v9, v0;
	(xrf1) =	vsort.ascd.msk.f32 $0xffff, v11, v11;
	v2, _, _ =	vpop (xrf1)  }
0x109: {  	v10 =	vperm.xlane v10, v0;
	s22 =	simm.s32 $0x30;
	(xrf1) =	vsort.ascd.msk.f32 $0xffff, v63, v63;
	v11, _, _ =	vpop (xrf1)  }
.LBB2_7:
0x10a: {  	p1 =	sne.s32 s22, $0x3F0;
	(xrf1) =	vsort.ascd.msk.f32 $0xffff, v8, v8;
	v11 =	vmin.f32 v11, v9;
	v12 =	vperm.xlane v6, v0;
	v9, _, _ =	vpop (xrf1)  }
0x10b: {  	s21 =	sadd.s32 $0x80, s21;
	v7 =	vperm.xlane v7, v0;
	v9 =	vmin.f32 v9, v10;
	(xrf1) =	vsort.ascd.msk.f32 $0xffff, v11, v11;
	v8, _, _ =	vpop (xrf1)  }
0x10c: {  	s23 =	sand.u32 $0x70, s22;
	s24 =	sand.u32 $0x1C00, s21;
	v11 =	vperm.xlane v5, v0;
	v10 =	vmin.f32 v8, v12;
	(xrf1) =	vsort.ascd.msk.f32 $0xffff, v9, v9;
	v8, _, _ =	vpop (xrf1)  }
0x10d: {  	s23 =	sor.u32 s23, s24;
	v12 =	vperm.xlane v4, v0;
	v7 =	vmin.f32 v8, v7;
	(xrf1) =	vsort.ascd.msk.f32 $0xffff, v10, v10;
	v6, _, _ =	vpop (xrf1)  }
0x10e: {  	v3 =	vperm.xlane v3, v0;
	v8 =	vld [tilespmem:s23+$0x4000];
	v9 =	vmin.f32 v6, v11;
	(xrf1) =	vsort.ascd.msk.f32 $0xffff, v7, v7;
	v6, _, _ =	vpop (xrf1)  }
0x10f: {  	v2 =	vperm.xlane v2, v0;
	v7 =	vld [tilespmem:s23+$0x4080];
	v6 =	vmin.f32 v6, v12;
	(xrf1) =	vsort.ascd.msk.f32 $0xffff, v9, v9;
	v5, _, _ =	vpop (xrf1)  }
0x110: {  	v9 =	vld [tilespmem:s23+$0x4100];
	v3 =	vmin.f32 v5, v3;
	(xrf1) =	vsort.ascd.msk.f32 $0xffff, v6, v6;
	v4, _, _ =	vpop (xrf1)  }
0x111: {  	v10 =	vld [tilespmem:s23+$0x4180];
	v11, _, _ =	vpop (xrf1);
	v2 =	vmin.f32 v4, v2;
	(xrf1) =	vsort.ascd.msk.f32 $0xffff, v3, v3  }
0x112: {  	v3 =	vld [tilespmem:s23+$0x4200];
	v12, _, _ =	vpop (xrf1);
	(xrf1) =	vsort.ascd.msk.f32 $0xffff, v2, v2  }
0x113: {  	s24 =	sor.u32 s21, s22;
	v2 =	vld [tilespmem:s23+$0x4280];
	(xrf1) =	vsort.ascd.msk.f32 $0xffff, v8, v8;
	v6, _, _ =	vpop (xrf1)  }
0x114: {  	v13 =	vld [tilespmem:s23+$0x4300];
	s23 =	sor.u32 $0x380, s24;
	(xrf1) =	vsort.ascd.msk.f32 $0xffff, v7, v7;
	v7, _, _ =	vpop (xrf1)  }
.Ltmp4:
0x115: {  	v8 =	vld [tilespmem:s23+$0x4000];
	(xrf1) =	vsort.ascd.msk.f32 $0xffff, v9, v9;
	v5, _, _ =	vpop (xrf1);
	(pc) =	sbr.rel @p1 .LBB2_7-.Ltmp4, $4  }
0x116: {  	(xrf1) =	vsort.ascd.msk.f32 $0xffff, v10, v10;
	v4, _, _ =	vpop (xrf1)  }
0x117: {  	(xrf1) =	vsort.ascd.msk.f32 $0xffff, v3, v3;
	v3, _, _ =	vpop (xrf1)  }
0x118: {  	v9 =	vperm.xlane v11, v0;
	(xrf1) =	vsort.ascd.msk.f32 $0xffff, v2, v2;
	v2, _, _ =	vpop (xrf1)  }
0x119: {  	s22 =	sadd.s32 $0x10, s22;
	v10 =	vperm.xlane v12, v0;
	(xrf1) =	vsort.ascd.msk.f32 $0xffff, v13, v13;
	v11, _, _ =	vpop (xrf1)  }
0x11a: {  	(xrf1) =	vsort.ascd.msk.f32 $0xffff, v8, v8;
	v8 =	vmin.f32 v11, v9;
	_ =	sdelay $0x1  }
0x11b: {  	v6 =	vperm.xlane v6, v0;
	v9, _, _ =	vpop (xrf1)  }
0x11c: {  	(xrf1) =	vsort.ascd.msk.f32 $0xffff, v8, v8;
	v8, _, _ =	vpop (xrf1)  }
0x11d: {  	v6 =	vmin.f32 v8, v6  }
0x11e: {  	v9 =	vmin.f32 v9, v10  }
0x11f: {  	v5 =	vperm.xlane v5, v0;
	(xrf1) =	vsort.ascd.msk.f32 $0xffff, v9, v9;
	v8, _, _ =	vpop (xrf1)  }
0x120: {  	v7 =	vperm.xlane v7, v0;
	v4 =	vperm.xlane v4, v0;
	(xrf1) =	vsort.ascd.msk.f32 $0xffff, v6, v6;
	v6, _, _ =	vpop (xrf1)  }
0x121: {  	v5 =	vmin.f32 v6, v5;
	v6, _, _ =	vpop (xrf1)  }
0x122: {  	v7 =	vmin.f32 v8, v7;
	v4 =	vmin.f32 v6, v4  }
0x123: {  	v3 =	vperm.xlane v3, v0;
	(xrf1) =	vsort.ascd.msk.f32 $0xffff, v7, v7  }
0x124: {  	v2 =	vperm.xlane v2, v0;
	(xrf1) =	vsort.ascd.msk.f32 $0xffff, v5, v5;
	v5, _, _ =	vpop (xrf1)  }
0x125: {  	(xrf1) =	vsort.ascd.msk.f32 $0xffff, v4, v4;
	v3 =	vmin.f32 v5, v3;
	v4, _, _ =	vpop (xrf1)  }
0x126: {  	v2 =	vmin.f32 v4, v2  }
0x127: {  	v5, _, _ =	vpop (xrf1)  }
0x128: {  	(xrf1) =	vsort.ascd.msk.f32 $0xffff, v3, v3;
	v3, _, _ =	vpop (xrf1)  }
0x129: {  	(xrf1) =	vsort.ascd.msk.f32 $0xffff, v2, v2;
	v2, _, _ =	vpop (xrf1)  }
0x12a: {  	v4, _, _ =	vpop (xrf1)  }
0x12b: {  	v6, _, _ =	vpop (xrf1)  }
0x12c: {  	v7, _, _ =	vpop (xrf1)  }
0x12d: {  	v8, _, _ =	vpop (xrf1)  }
0x12e: {  	v5 =	vperm.xlane v5, v0;
	v9, _, _ =	vpop (xrf1)  }
0x12f: {  	v3 =	vperm.xlane v3, v0;
	v10, _, _ =	vpop (xrf1)  }
0x130: {  	v5 =	vmin.f32 v10, v5;
	v10, _, _ =	vpop (xrf1)  }
0x131: {  	v3 =	vmin.f32 v10, v3  }
0x132: {  	v2 =	vperm.xlane v2, v0  }
0x133: {  	v4 =	vperm.xlane v4, v0;
	(xrf1) =	vsort.ascd.msk.f32 $0xffff, v5, v5;
	v5, _, _ =	vpop (xrf1)  }
0x134: {  	(xrf1) =	vsort.ascd.msk.f32 $0xffff, v3, v3;
	v2 =	vmin.f32 v5, v2;
	v3, _, _ =	vpop (xrf1)  }
0x135: {  	v3 =	vmin.f32 v3, v4  }
0x136: {  	v5 =	vperm.xlane v6, v0  }
0x137: {  	v4 =	vperm.xlane v7, v0;
	(xrf1) =	vsort.ascd.msk.f32 $0xffff, v2, v2;
	v2, _, _ =	vpop (xrf1)  }
0x138: {  	(xrf1) =	vsort.ascd.msk.f32 $0xffff, v3, v3;
	v2 =	vmin.f32 v2, v5;
	v3, _, _ =	vpop (xrf1)  }
0x139: {  	v3 =	vmin.f32 v3, v4  }
0x13a: {  	v6 =	vld [tilespmem:s19+$0x6000];
	v5 =	vperm.xlane v8, v0  }
0x13b: {  	v7 =	vld [tilespmem:s19+$0x6080];
	v4 =	vperm.xlane v9, v0;
	(xrf1) =	vsort.ascd.msk.f32 $0xffff, v2, v2;
	v2, _, _ =	vpop (xrf1)  }
0x13c: {  	(xrf1) =	vsort.ascd.msk.f32 $0xffff, v3, v3;
	v2 =	vmin.f32 v2, v5;
	v3, _, _ =	vpop (xrf1);
	v5 =	vld [tilespmem:s19+$0x6100]  }
0x13d: {  	v3 =	vmin.f32 v3, v4;
	(xrf1) =	vsort.ascd.msk.f32 $0xffff, v2, v2  }
0x13e: {  	v2 =	vld [tilespmem:s19+$0x6180];
	(xrf1) =	vsort.ascd.msk.f32 $0xffff, v3, v3  }
0x13f: {  	v3 =	vld [tilespmem:s19+$0x6200];
	(xrf1) =	vsort.ascd.msk.f32 $0xffff, v6, v6  }
0x140: {  	v4 =	vld [tilespmem:s19+$0x6280];
	(xrf1) =	vsort.ascd.msk.f32 $0xffff, v7, v7  }
0x141: {  	v8 =	vld [tilespmem:s19+$0x6300];
	(xrf1) =	vsort.ascd.msk.f32 $0xffff, v5, v5  }
0x142: {  	v7 =	vld [tilespmem:s19+$0x6380]  }
0x143: {  	(xrf1) =	vsort.ascd.msk.f32 $0xffff, v2, v2  }
0x144: {  	(xrf1) =	vsort.ascd.msk.f32 $0xffff, v3, v3  }
0x145: {  	v9 =	vld [tilespmem:s18+$0x6000];
	v6, _, _ =	vpop (xrf1);
	(xrf1) =	vsort.ascd.msk.f32 $0xffff, v4, v4  }
0x146: {  	v2, _, _ =	vpop (xrf1);
	(xrf1) =	vsort.ascd.msk.f32 $0xffff, v8, v8;
	v8 =	vld [tilespmem:s18+$0x6080]  }
0x147: {  	v10 =	vld [tilespmem:s18+$0x6100];
	v3, _, _ =	vpop (xrf1);
	(xrf1) =	vsort.ascd.msk.f32 $0xffff, v7, v7  }
0x148: {  	v11 =	vld [tilespmem:s18+$0x6180];
	v4, _, _ =	vpop (xrf1)  }
0x149: {  	v12 =	vld [tilespmem:s18+$0x6200];
	v5, _, _ =	vpop (xrf1)  }
0x14a: {  	v13 =	vld [tilespmem:s18+$0x6280];
	(xrf1) =	vsort.ascd.msk.f32 $0xffff, v9, v9;
	v7, _, _ =	vpop (xrf1)  }
0x14b: {  	v14 =	vld [tilespmem:s18+$0x6300];
	(xrf1) =	vsort.ascd.msk.f32 $0xffff, v8, v8;
	v8, _, _ =	vpop (xrf1)  }
0x14c: {  	v15 =	vld [tilespmem:s18+$0x6380];
	(xrf1) =	vsort.ascd.msk.f32 $0xffff, v10, v10;
	v9, _, _ =	vpop (xrf1)  }
0x14d: {  	(xrf1) =	vsort.ascd.msk.f32 $0xffff, v11, v11;
	v10, _, _ =	vpop (xrf1)  }
0x14e: {  	(xrf1) =	vsort.ascd.msk.f32 $0xffff, v12, v12;
	v11, _, _ =	vpop (xrf1);
	v10 =	vperm.xlane v10, v0  }
0x14f: {  	(xrf1) =	vsort.ascd.msk.f32 $0xffff, v13, v13;
	v12, _, _ =	vpop (xrf1);
	v11 =	vperm.xlane v11, v0  }
0x150: {  	(xrf1) =	vsort.ascd.msk.f32 $0xffff, v14, v14;
	v10 =	vmin.f32 v1, v10;
	v12 =	vperm.xlane v12, v0  }
0x151: {  	v13, _, _ =	vpop (xrf1);
	(xrf1) =	vsort.ascd.msk.f32 $0xffff, v15, v15;
	v11 =	vmin.f32 v1, v11  }
0x152: {  	s18 =	simm.s32 $0x100;
	v14, _, _ =	vpop (xrf1);
	v13 =	vperm.xlane v13, v0;
	(xrf1) =	vsort.ascd.msk.f32 $0xffff, v10, v10;
	v12 =	vmin.f32 v1, v12  }
0x153: {  	s31 =	sand.u32 $0x1C00, s18;
	v14 =	vperm.xlane v14, v0;
	(xrf1) =	vsort.ascd.msk.f32 $0xffff, v11, v11;
	v10, _, _ =	vpop (xrf1)  }
0x154: {  	s19 =	sor.u32 s20, s31;
	v13 =	vmin.f32 v1, v13;
	(xrf1) =	vsort.ascd.msk.f32 $0xffff, v12, v12;
	v11, _, _ =	vpop (xrf1);
	v10 =	vperm.xlane v10, v0  }
0x155: {  	v15 =	vld [tilespmem:s19+$0x6000];
	v14 =	vmin.f32 v1, v14;
	(xrf1) =	vsort.ascd.msk.f32 $0xffff, v13, v13;
	v12, _, _ =	vpop (xrf1);
	v11 =	vperm.xlane v11, v0  }
0x156: {  	v13 =	vld [tilespmem:s19+$0x6080];
	(xrf1) =	vsort.ascd.msk.f32 $0xffff, v14, v14;
	v10 =	vmin.f32 v1, v10;
	v12 =	vperm.xlane v12, v0  }
0x157: {  	v16 =	vld [tilespmem:s19+$0x6100];
	v11 =	vmin.f32 v1, v11;
	(xrf1) =	vsort.ascd.msk.f32 $0xffff, v10, v10  }
0x158: {  	v17, _, _ =	vpop (xrf1);
	v10 =	vld [tilespmem:s19+$0x6180];
	v1 =	vmin.f32 v1, v12;
	(xrf1) =	vsort.ascd.msk.f32 $0xffff, v11, v11  }
0x159: {  	v18 =	vld [tilespmem:s19+$0x6200];
	v19, _, _ =	vpop (xrf1);
	(xrf1) =	vsort.ascd.msk.f32 $0xffff, v1, v1  }
0x15a: {  	v1 =	vld [tilespmem:s19+$0x6280];
	v14, _, _ =	vpop (xrf1);
	(xrf1) =	vsort.ascd.msk.f32 $0xffff, v15, v15  }
0x15b: {  	v20 =	vld [tilespmem:s19+$0x6300];
	(xrf1) =	vsort.ascd.msk.f32 $0xffff, v13, v13;
	v13, _, _ =	vpop (xrf1)  }
0x15c: {  	v15 =	vld [tilespmem:s19+$0x6380];
	(xrf1) =	vsort.ascd.msk.f32 $0xffff, v16, v16;
	v12, _, _ =	vpop (xrf1)  }
0x15d: {  	(xrf1) =	vsort.ascd.msk.f32 $0xffff, v10, v10;
	v11, _, _ =	vpop (xrf1)  }
0x15e: {  	(xrf1) =	vsort.ascd.msk.f32 $0xffff, v18, v18;
	v10, _, _ =	vpop (xrf1)  }
0x15f: {  	v16 =	vperm.xlane v17, v0;
	(xrf1) =	vsort.ascd.msk.f32 $0xffff, v1, v1;
	v1, _, _ =	vpop (xrf1)  }
0x160: {  	s19 =	simm.s32 $0x30;
	v17 =	vperm.xlane v19, v0;
	(xrf1) =	vsort.ascd.msk.f32 $0xffff, v20, v20;
	v18, _, _ =	vpop (xrf1)  }
.LBB2_9:
0x161: {  	p1 =	sne.s32 s19, $0x3F0;
	(xrf1) =	vsort.ascd.msk.f32 $0xffff, v15, v15;
	v18 =	vmin.f32 v18, v16;
	v19 =	vperm.xlane v14, v0;
	v16, _, _ =	vpop (xrf1)  }
0x162: {  	s18 =	sadd.s32 $0x80, s18;
	v20 =	vperm.xlane v13, v0;
	v16 =	vmin.f32 v16, v17;
	(xrf1) =	vsort.ascd.msk.f32 $0xffff, v18, v18;
	v15, _, _ =	vpop (xrf1)  }
0x163: {  	s20 =	sand.u32 $0x70, s19;
	s21 =	sand.u32 $0x1C00, s18;
	v18 =	vperm.xlane v12, v0;
	v17 =	vmin.f32 v15, v19;
	(xrf1) =	vsort.ascd.msk.f32 $0xffff, v16, v16;
	v15, _, _ =	vpop (xrf1)  }
0x164: {  	s20 =	sor.u32 s20, s21;
	v19 =	vperm.xlane v11, v0;
	v16 =	vmin.f32 v15, v20;
	(xrf1) =	vsort.ascd.msk.f32 $0xffff, v17, v17;
	v14, _, _ =	vpop (xrf1)  }
0x165: {  	v10 =	vperm.xlane v10, v0;
	v15 =	vld [tilespmem:s20+$0x6000];
	v14 =	vmin.f32 v14, v18;
	(xrf1) =	vsort.ascd.msk.f32 $0xffff, v16, v16;
	v13, _, _ =	vpop (xrf1)  }
0x166: {  	v1 =	vperm.xlane v1, v0;
	v16 =	vld [tilespmem:s20+$0x6080];
	v13 =	vmin.f32 v13, v19;
	(xrf1) =	vsort.ascd.msk.f32 $0xffff, v14, v14;
	v12, _, _ =	vpop (xrf1)  }
0x167: {  	v17 =	vld [tilespmem:s20+$0x6100];
	v10 =	vmin.f32 v12, v10;
	(xrf1) =	vsort.ascd.msk.f32 $0xffff, v13, v13;
	v11, _, _ =	vpop (xrf1)  }
0x168: {  	v18 =	vld [tilespmem:s20+$0x6180];
	v19, _, _ =	vpop (xrf1);
	v1 =	vmin.f32 v11, v1;
	(xrf1) =	vsort.ascd.msk.f32 $0xffff, v10, v10  }
0x169: {  	v10 =	vld [tilespmem:s20+$0x6200];
	v20, _, _ =	vpop (xrf1);
	(xrf1) =	vsort.ascd.msk.f32 $0xffff, v1, v1  }
0x16a: {  	v1 =	vld [tilespmem:s20+$0x6280];
	(xrf1) =	vsort.ascd.msk.f32 $0xffff, v15, v15;
	v14, _, _ =	vpop (xrf1)  }
0x16b: {  	v21 =	vld [tilespmem:s20+$0x6300];
	(xrf1) =	vsort.ascd.msk.f32 $0xffff, v16, v16;
	v13, _, _ =	vpop (xrf1)  }
.Ltmp5:
0x16c: {  	v15 =	vld [tilespmem:s20+$0x6380];
	(xrf1) =	vsort.ascd.msk.f32 $0xffff, v17, v17;
	v12, _, _ =	vpop (xrf1);
	(pc) =	sbr.rel @p1 .LBB2_9-.Ltmp5, $4  }
0x16d: {  	(xrf1) =	vsort.ascd.msk.f32 $0xffff, v18, v18;
	v11, _, _ =	vpop (xrf1)  }
0x16e: {  	(xrf1) =	vsort.ascd.msk.f32 $0xffff, v10, v10;
	v10, _, _ =	vpop (xrf1)  }
0x16f: {  	v16 =	vperm.xlane v19, v0;
	(xrf1) =	vsort.ascd.msk.f32 $0xffff, v1, v1;
	v1, _, _ =	vpop (xrf1)  }
0x170: {  	s19 =	sadd.s32 $0x10, s19;
	v17 =	vperm.xlane v20, v0;
	(xrf1) =	vsort.ascd.msk.f32 $0xffff, v21, v21;
	v18, _, _ =	vpop (xrf1)  }
0x171: {  	(xrf1) =	vsort.ascd.msk.f32 $0xffff, v15, v15;
	v60 =	vmin.f32 v18, v16;
	v61, _, _ =	vpop (xrf1)  }
0x172: {  	v16 =	vmin.f32 v61, v17;
	(xrf1) =	vsort.ascd.msk.f32 $0xffff, v60, v60;
	v62, _, _ =	vpop (xrf1)  }
0x173: {  	v14 =	vperm.xlane v14, v0;
	(xrf1) =	vsort.ascd.msk.f32 $0xffff, v16, v16;
	v63, _, _ =	vpop (xrf1)  }
0x174: {  	v13 =	vperm.xlane v13, v0;
	v18, _, _ =	vpop (xrf1)  }
0x175: {  	v14 =	vmin.f32 v62, v14;
	v19, _, _ =	vpop (xrf1)  }
0x176: {  	v13 =	vmin.f32 v63, v13;
	(xrf1) =	vsort.ascd.msk.f32 $0xffff, v14, v14;
	v20, _, _ =	vpop (xrf1)  }
0x177: {  	v12 =	vperm.xlane v12, v0;
	(xrf1) =	vsort.ascd.msk.f32 $0xffff, v13, v13;
	v21, _, _ =	vpop (xrf1)  }
0x178: {  	v11 =	vperm.xlane v11, v0;
	v22, _, _ =	vpop (xrf1)  }
0x179: {  	v12 =	vmin.f32 v18, v12;
	v23, _, _ =	vpop (xrf1)  }
0x17a: {  	(xrf1) =	vsort.ascd.msk.f32 $0xffff, v12, v12;
	v11 =	vmin.f32 v19, v11;
	v24, _, _ =	vpop (xrf1)  }
0x17b: {  	v10 =	vperm.xlane v10, v0;
	(xrf1) =	vsort.ascd.msk.f32 $0xffff, v11, v11;
	v25, _, _ =	vpop (xrf1)  }
0x17c: {  	v26, _, _ =	vpop (xrf1)  }
0x17d: {  	v1 =	vperm.xlane v1, v0;
	v10 =	vmin.f32 v20, v10;
	v27, _, _ =	vpop (xrf1)  }
0x17e: {  	(xrf1) =	vsort.ascd.msk.f32 $0xffff, v10, v10;
	v28, _, _ =	vpop (xrf1)  }
0x17f: {  	v1 =	vmin.f32 v21, v1;
	v29, _, _ =	vpop (xrf1)  }
0x180: {  	(xrf1) =	vsort.ascd.msk.f32 $0xffff, v1, v1;
	v1 =	vperm.xlane v23, v0;
	v30, _, _ =	vpop (xrf1)  }
0x181: {  	(xrf0) =	vmax.scan.msk.f32 $0xffff, v6;
	v11 =	vperm.xlane v22, v0;
	v32, _, _ =	vpop (xrf1)  }
0x182: {  	(xrf0) =	vmax.scan.msk.f32 $0xffff, v2;
	v1 =	vmin.f32 v32, v1  }
0x183: {  	(xrf0) =	vmax.scan.msk.f32 $0xffff, v3;
	v11 =	vmin.f32 v30, v11  }
0x184: {  	v33 =	vperm.xlane v25, v0;
	(xrf1) =	vsort.ascd.msk.f32 $0xffff, v11, v11;
	v34, _, _ =	vpop (xrf1)  }
0x185: {  	v31 =	vperm.xlane v24, v0;
	(xrf1) =	vsort.ascd.msk.f32 $0xffff, v1, v1;
	v1, _, _ =	vpop (xrf1)  }
0x186: {  	(xrf0) =	vmax.scan.msk.f32 $0xffff, v4;
	v1 =	vmin.f32 v1, v33  }
0x187: {  	(xrf0) =	vmax.scan.msk.f32 $0xffff, v5;
	v35 =	vperm.xlane v26, v0;
	v11 =	vmin.f32 v34, v31  }
0x188: {  	v12 =	vperm.xlane v27, v0;
	(xrf1) =	vsort.ascd.msk.f32 $0xffff, v11, v11;
	v36, _, _ =	vpop (xrf1)  }
0x189: {  	v11 =	vmin.f32 v36, v35;
	(xrf1) =	vsort.ascd.msk.f32 $0xffff, v1, v1;
	v1, _, _ =	vpop (xrf1)  }
0x18a: {  	(xrf1) =	vsort.ascd.msk.f32 $0xffff, v11, v11;
	v1 =	vmin.f32 v1, v12  }
0x18b: {  	v42, _, _ =	vpop (xrf0);
	(xrf1) =	vsort.ascd.msk.f32 $0xffff, v1, v1;
	v1 =	vperm.xlane v28, v0  }
0x18c: {  	(xrf0) =	vmax.scan.msk.f32 $0xffff, v7;
	v37, _, _ =	vpop (xrf1)  }
0x18d: {  	v44, _, _ =	vpop (xrf0);
	(xrf0) =	vmax.scan.msk.f32 $0xffff, v8;
	v1 =	vmin.f32 v37, v1  }
0x18e: {  	v45, _, _ =	vpop (xrf0);
	v38 =	vperm.xlane v29, v0;
	(xrf1) =	vsort.ascd.msk.f32 $0xffff, v1, v1  }
0x18f: {  	(xrf0) =	vmax.scan.msk.f32 $0xffff, v9;
	v39, _, _ =	vpop (xrf1)  }
0x190: {  	v46, _, _ =	vpop (xrf0);
	v1 =	vmin.f32 v39, v38  }
0x191: {  	v48, _, _ =	vpop (xrf0);
	(xrf1) =	vsort.ascd.msk.f32 $0xffff, v1, v1  }
0x192: {  	v50, _, _ =	vpop (xrf0)  }
0x193: {  	v1, _, _ =	vpop (xrf1)  }
0x194: {  	v53, _, _ =	vpop (xrf0);
	(xrf0) =	vmax.scan.msk.f32 $0xffff, v1  }
0x195: {  	v54, _, _ =	vpop (xrf0)  }
0x196: {  	v40, _, _ =	vpop (xrf1)  }
0x197: {  	v47 =	vbroadcast v44, $0xF;
	v1 =	vbroadcast v42, $0xF;
	v2, _, _ =	vpop (xrf1);
	(xrf0) =	vmax.scan.msk.f32 $0xffff, v40  }
0x198: {  	v49 =	vbroadcast v45, $0xF;
	(xrf0) =	vmax.scan.msk.f32 $0xffff, v2;
	v3, _, _ =	vpop (xrf1)  }
0x199: {  	v51 =	vbroadcast v46, $0xF;
	v1 =	vsel vm0, v1, v47;
	v41, _, _ =	vpop (xrf1)  }
0x19a: {  	v52 =	vbroadcast v48, $0xF;
	v1 =	vsel vm2, v1, v49;
	(xrf0) =	vmax.scan.msk.f32 $0xffff, v3;
	v56, _, _ =	vpop (xrf0)  }
0x19b: {  	v1 =	vsel vm1, v1, v51;
	v3 =	vbroadcast v50, $0xF;
	(xrf0) =	vmax.scan.msk.f32 $0xffff, v41;
	v43, _, _ =	vpop (xrf1)  }
0x19c: {  	v55 =	vbroadcast v53, $0xF;
	v1 =	vsel vm3, v1, v52;
	(xrf0) =	vmax.scan.msk.f32 $0xffff, v43;
	v2, _, _ =	vpop (xrf1)  }
0x19d: {  	v1 =	vsel vm4, v1, v3;
	v3 =	vbroadcast v54, $0xF;
	v57, _, _ =	vpop (xrf0);
	(xrf0) =	vmax.scan.msk.f32 $0xffff, v2  }
0x19e: {  	v1 =	vsel vm5, v1, v55;
	v58 =	vbroadcast v56, $0xF;
	v2, _, _ =	vpop (xrf0)  }
0x19f: {  	v1 =	vsel vm6, v1, v3;
	v3 =	vbroadcast v57, $0xF;
	v59, _, _ =	vpop (xrf1)  }
0x1a0: {  	v1 =	vsel vm8, v1, v58;
	v2 =	vbroadcast v2, $0xF;
	v60, _, _ =	vpop (xrf0)  }
0x1a1: {  	v1 =	vsel vm7, v1, v3;
	v61, _, _ =	vpop (xrf0);
	v3 =	vbroadcast v60, $0xF  }
0x1a2: {  	(xrf0) =	vmax.scan.msk.f32 $0xffff, v59;
	v62, _, _ =	vpop (xrf0);
	v1 =	vsel vm9, v1, v2;
	v2 =	vbroadcast v61, $0xF  }
0x1a3: {  	v1 =	vsel vm10, v1, v3;
	v63, _, _ =	vpop (xrf0)  }
0x1a4: {  	v1 =	vsel vm11, v1, v2;
	v2 =	vbroadcast v63, $0xF  }
0x1a5: {  	v3 =	vbroadcast v62, $0xF  }
.Ltmp6:
0x1a6: {  	_ = 	snop;
	(pc) =	sbr.rel @p0 .LBB2_12-.Ltmp6, $4  }
0x1a7: {  	v1 =	vsel vm12, v1, v3  }
0x1a8: {  	v1 =	vsel vm13, v1, v2;
	v2, _, _ =	vpop (xrf0)  }
0x1a9: {  	v1 =	vsel vm14, v1, v2  }
0x1aa: {  	[tilespmem:s17+$0x8010] =	vst v1  }
.Ltmp7:
0x1ab: {  	(pc) =	sbr.rel .LBB2_2-.Ltmp7, $3  }
0x1ac: {  	_ =	sdelay $0x1  }
0x1ad: {  	s16 =	sadd.s32 s16, s6;
	s15 =	sadd.s32 $0x1, s15  }
0x1ae: {  	[tilespmem:s9], [sflag:$0x2] =	stream.linear.gather [hbm4b:s16+s2], $0x4000, $0x38;
	[tilespmem:$0x8100] =	vst v63  }
.LBB2_13:
0x1af: {  	_ =	sfence.sel $0x180000  }
0x1b0: {  	[bflag:$0x0] =	sbarrier.arrive $0xFFFF  }
0x1b1: {  	p0 =	sne.s32 s1, $0x0;
	_ =	strace $0x90000047  }
0x1b2: {  	s0 =	sadd.s32 @!p0 $0x100000, s0;
	[bflag:$0x2] =	sbarrier.arrive $0xFFFF  }
0x1b3: {  	[sflag:s0] =	ssyncadd.tile.s32 @!p0 $0x1;
	_ =	shalt  }
.Lfunc_end2:
_tile_overlayer_lowered:
.L_overlay_start_2:
0x1b4: {  	(tag) =	ssettag $0x2  }
0x1b5: {  	s0 =	rddreg [dreg:$0x0];
	s2 =	stileid.u32  }
0x1b6: {  	s1 =	rddreg [dreg:$0x1];
	p0 =	sne.s32 s2, $0x0  }
0x1b7: {  	s3 =	rddreg [dreg:$0x2];
	[bflag:$0x3] =	sbarrier.arrive $0xFFFF;
	s2 =	simm.s32 @!p0 $0x1C03  }
0x1b8: {  	[timem:s3], [sflag:s2] =	dma.local @!p0 [hbm:s0], s1  }
0x1b9: {  	s0 =	simm.s32 @!p0 $0x3  }
0x1ba: {  	_ =	swait.ge @!p0 [sflag:s0], s1  }
0x1bb: {  	s1 =	ssub.s32 @!p0 $0x0, s1;
	[sflag:s0] =	ssyncset.done @!p0 $0x0  }
0x1bc: {  	[sflag:s0] =	ssyncadd.s32 @!p0 s1  }
0x1bd: {  	[bflag:$0x3] =	sbarrier.arrive $0xFFFF  }
0x1be: {  	_ =	shalt  }

</sc_bundles>
